<compile_context>
chip_gen: v7x
topology: tpu7x:2x2x1
jax: 0.10.2.dev20260603
libtpu: 0.0.44.dev20260713+nightly
codegen_flags: <defaults>
</compile_context>

<pallas_src>
import functools

import jax
import jax.numpy as jnp
from jax import lax
from jax.experimental import pallas as pl
from jax.experimental.pallas import tpu as pltpu
from jax.experimental.pallas import tpu_sc as plsc

B = 4
N = 10000
NPAD = 10240
E = 160000
F = 128
U = 64
EMB = 64
CH = 80
EMR = 2048
NCHT = EMR // 16
RPT = NPAD // 16

_SC_PARAMS = pltpu.CompilerParams(use_tc_tiling_on_sc=False)



def _gconv_impl(with_deg, *args):
    if with_deg:
        (x_hbm, srcm_hbm, dstm_hbm, y1_hbm, y2_hbm, inv_hbm,
         srcA, dstA, rows0, rows1, rowS, invR, zb, g0, g1, y_spmem) = args
    else:
        (x_hbm, srcm_hbm, dstm_hbm, inv_hbm, y1_hbm, y2_hbm,
         srcA, dstA, rows0, rows1, rowS, invR, zb, g0, g1, y_spmem) = args

    c = lax.axis_index("c")
    w = lax.axis_index("s")
    r0 = w * RPT

    pltpu.sync_copy(srcm_hbm.at[pl.ds(w * NCHT, NCHT)], srcA)
    pltpu.sync_copy(dstm_hbm.at[pl.ds(w * NCHT, NCHT)], dstA)

    def zfill(r, _):
        for q in range(EMB // 16):
            zb[r, pl.ds(16 * q, 16)] = jnp.zeros((16,), jnp.float32)
        return 0
    lax.fori_loop(0, 128, zfill, 0)

    def zcopy(m, _):
        pltpu.sync_copy(zb, y_spmem.at[pl.ds(r0 + m * 128, 128)])
        return 0
    lax.fori_loop(0, RPT // 128, zcopy, 0)
    plsc.subcore_barrier()

    if with_deg:
        def ofill(r, _):
            for q in range(EMB // 16):
                rows0[r, pl.ds(16 * q, 16)] = jnp.full((16,), 1.0,
                                                       jnp.float32)
            return 0
        lax.fori_loop(0, CH, ofill, 0)

        def fire(k, _):
            pltpu.sync_copy(rows0, y_spmem.at[dstA.at[k]], add=True)
            return 0
        lax.fori_loop(0, NCHT, fire, 0)
        plsc.subcore_barrier()

        def invm(m, _):
            sl = pl.ds(r0 + m * 128, 128)
            pltpu.sync_copy(y_spmem.at[sl], rowS)

            def irow(r, _2):
                for q in range(EMB // 16):
                    qq = pl.ds(16 * q, 16)
                    rowS[r, qq] = 1.0 / jnp.maximum(rowS[r, qq], 1.0)
                return 0
            lax.fori_loop(0, 128, irow, 0)
            pltpu.sync_copy(rowS, inv_hbm.at[sl])
            pltpu.sync_copy(zb, y_spmem.at[sl])
            return 0
        lax.fori_loop(0, RPT // 128, invm, 0)
        plsc.subcore_barrier()

    def shift_src(delta):
        def adj(r, _):
            for q in range(CH // 16):
                sl = pl.ds(16 * q, 16)
                srcA[r, sl] = srcA[r, sl] + delta
            return 0
        lax.fori_loop(0, NCHT, adj, 0)

    def hop(xt_hbm, yt_hbm, gbase):
        pltpu.async_copy(xt_hbm.at[srcA.at[0]], rows0, g0)

        def step(i, _):
            j0 = 2 * i
            pltpu.make_async_copy(xt_hbm.at[srcA.at[j0]], rows0, g0).wait()
            pltpu.async_copy(xt_hbm.at[srcA.at[j0 + 1]], rows1, g1)
            pltpu.sync_copy(rows0, y_spmem.at[dstA.at[j0]], add=True)
            pltpu.make_async_copy(
                xt_hbm.at[srcA.at[j0 + 1]], rows1, g1).wait()

            @pl.when(j0 + 2 < NCHT)
            def _():
                pltpu.async_copy(xt_hbm.at[srcA.at[j0 + 2]], rows0, g0)
            pltpu.sync_copy(rows1, y_spmem.at[dstA.at[j0 + 1]], add=True)
            return 0
        lax.fori_loop(0, NCHT // 2, step, 0)
        plsc.subcore_barrier()

        def wout(m, _):
            sl = pl.ds(r0 + m * 128, 128)
            pltpu.sync_copy(y_spmem.at[sl], rowS)
            pltpu.sync_copy(inv_hbm.at[sl], invR)

            def srow(r, _2):
                for q in range(EMB // 16):
                    qq = pl.ds(16 * q, 16)
                    rowS[r, qq] = rowS[r, qq] * invR[r, qq]
                return 0
            lax.fori_loop(0, 128, srow, 0)

            pltpu.sync_copy(rowS, yt_hbm.at[pl.ds(gbase + r0 + m * 128, 128)])
            pltpu.sync_copy(zb, y_spmem.at[sl])
            return 0
        lax.fori_loop(0, RPT // 128, wout, 0)
        plsc.subcore_barrier()

    shift_src(2 * c * NPAD)
    hop(x_hbm, y1_hbm, 2 * c * NPAD)
    hop(y1_hbm, y2_hbm, 2 * c * NPAD)
    shift_src(NPAD)
    hop(x_hbm, y1_hbm, (2 * c + 1) * NPAD)
    hop(y1_hbm, y2_hbm, (2 * c + 1) * NPAD)


_MESH = plsc.VectorSubcoreMesh(core_axis_name="c", subcore_axis_name="s")

_SC_SCRATCH = [
    pltpu.VMEM((NCHT, CH), jnp.int32),
    pltpu.VMEM((NCHT, CH), jnp.int32),
    pltpu.VMEM((CH, EMB), jnp.float32),
    pltpu.VMEM((CH, EMB), jnp.float32),
    pltpu.VMEM((128, EMB), jnp.float32),
    pltpu.VMEM((128, EMB), jnp.float32),
    pltpu.VMEM((128, EMB), jnp.float32),
    pltpu.SemaphoreType.DMA,
    pltpu.SemaphoreType.DMA,
    pltpu.VMEM_SHARED((NPAD, EMB), jnp.float32),
]

_TBL = jax.ShapeDtypeStruct((B * NPAD, EMB), jnp.float32)
_INV = jax.ShapeDtypeStruct((NPAD, EMB), jnp.float32)

_gconv_deg_call = pl.kernel(
    functools.partial(_gconv_impl, True),
    out_type=[_TBL, _TBL, _INV],
    mesh=_MESH,
    scratch_types=_SC_SCRATCH,
    compiler_params=_SC_PARAMS,
)

_gconv_call = pl.kernel(
    functools.partial(_gconv_impl, False),
    out_type=[_TBL, _TBL],
    mesh=_MESH,
    scratch_types=_SC_SCRATCH,
    compiler_params=_SC_PARAMS,
)



RB = 2048
GRID = B * NPAD // RB


def _row_spec(cols):
    return pl.BlockSpec((RB, cols), lambda i: (i, 0))


def _full_spec(rows, cols):
    return pl.BlockSpec((rows, cols), lambda i: (0, 0))


def _tc1_body(x_ref, hx_ref, we1_ref, we2_ref, h_ref, pin_ref):
    pin = jnp.dot(x_ref[...], we1_ref[...], preferred_element_type=jnp.float32)
    h = pin + jnp.dot(hx_ref[...], we2_ref[...],
                      preferred_element_type=jnp.float32)
    pin_ref[...] = pin
    h_ref[...] = h


def _gate(hh, yy1, yy2, w_ref):
    return (jnp.dot(hh, w_ref[0:EMB, :], preferred_element_type=jnp.float32)
            + jnp.dot(yy1, w_ref[EMB:2 * EMB, :],
                      preferred_element_type=jnp.float32)
            + jnp.dot(yy2, w_ref[2 * EMB:3 * EMB, :],
                      preferred_element_type=jnp.float32))


def _tc2_body(h_ref, y1_ref, y2_ref, hx_ref, pin_ref, wru_ref, bru_ref,
              we2_ref, hc_ref, u_ref):
    z = _gate(h_ref[...], y1_ref[...], y2_ref[...], wru_ref) + bru_ref[0:1, :]
    v = jax.nn.sigmoid(z)
    x2 = v[:, :U] * hx_ref[...]
    hc_ref[...] = pin_ref[...] + jnp.dot(x2, we2_ref[...],
                                         preferred_element_type=jnp.float32)
    u_ref[...] = v[:, U:]


def _tc3_body(hc_ref, y1_ref, y2_ref, hx_ref, u_ref, wc_ref, bc_ref, out_ref):
    z = _gate(hc_ref[...], y1_ref[...], y2_ref[...], wc_ref) + bc_ref[0:1, :]
    cc = jnp.tanh(z)
    u = u_ref[...]
    out_ref[...] = u * hx_ref[...] + (1.0 - u) * cc


_tc1_call = pl.pallas_call(
    _tc1_body,
    grid=(GRID,),
    in_specs=[_row_spec(F), _row_spec(U), _full_spec(F, EMB),
              _full_spec(U, EMB)],
    out_specs=[_row_spec(EMB), _row_spec(EMB)],
    out_shape=[_TBL, _TBL],
)

_tc2_call = pl.pallas_call(
    _tc2_body,
    grid=(GRID,),
    in_specs=[_row_spec(EMB), _row_spec(EMB), _row_spec(EMB), _row_spec(U),
              _row_spec(EMB), _full_spec(3 * EMB, 2 * U), _full_spec(8, 2 * U),
              _full_spec(U, EMB)],
    out_specs=[_row_spec(EMB), _row_spec(U)],
    out_shape=[_TBL, jax.ShapeDtypeStruct((B * NPAD, U), jnp.float32)],
)

_tc3_call = pl.pallas_call(
    _tc3_body,
    grid=(GRID,),
    in_specs=[_row_spec(EMB), _row_spec(EMB), _row_spec(EMB), _row_spec(U),
              _row_spec(U), _full_spec(3 * EMB, U), _full_spec(8, U)],
    out_specs=_row_spec(U),
    out_shape=jax.ShapeDtypeStruct((B * NPAD, U), jnp.float32),
)



def kernel(inputs, hx, edge_index, W_embed, W_ru, b_ru, W_c, b_c):
    xp = jnp.pad(inputs, ((0, 0), (0, NPAD - N), (0, 0))).reshape(B * NPAD, F)
    hxp = jnp.pad(hx, ((0, 0), (0, NPAD - N), (0, 0))).reshape(B * NPAD, U)
    pad_e = EMR * CH - E
    src = jnp.pad(edge_index[0], (0, pad_e),
                  constant_values=N).reshape(EMR, CH)
    dst = jnp.pad(edge_index[1], (0, pad_e),
                  constant_values=N).reshape(EMR, CH)
    We1 = W_embed[:F]
    We2 = W_embed[F:]

    h, pin = _tc1_call(xp, hxp, We1, We2)
    y1, y2, inv = _gconv_deg_call(h, src, dst)
    hc, u = _tc2_call(h, y1, y2, hxp, pin, W_ru,
                      jnp.broadcast_to(b_ru.reshape(1, 2 * U), (8, 2 * U)),
                      We2)
    y1c, y2c = _gconv_call(hc, src, dst, inv)
    out = _tc3_call(hc, y1c, y2c, hxp, u, W_c,
                    jnp.broadcast_to(b_c.reshape(1, U), (8, U)))
    return out.reshape(B, NPAD, U)[:, :N, :]

# --- scband reference (transcript-rebuilt; emitter-appended) ---
"""Pipeline reference for scband-clcrncell-21715354649732 (READ-ONLY COPY).

The authoritative reference and input builder live on the scoring server;
editing this copy changes nothing except your own understanding.
"""

import jax, jax.numpy as jnp
import numpy as np

B = 4
N = 10000
E = 160000
F = 128
U = 64
EMB = 64
K = 3  # max_view


def setup_inputs(seed: int = 0) -> dict:
    key = jax.random.key(seed)
    ks = jax.random.split(key, 8)
    inputs = jax.random.normal(ks[0], (B, N, F), dtype=jnp.float32)
    hx = jax.random.normal(ks[1], (B, N, U), dtype=jnp.float32)
    edge_index = jax.random.randint(ks[2], (2, E), 0, N, dtype=jnp.int32)
    # conv_ker parameters: shared embedding projection used by both gconvs
    W_embed = jax.random.normal(ks[3], (F + U, EMB), dtype=jnp.float32) * (1.0 / np.sqrt(F + U))
    # ru_gconv linear: (EMB * max_view) -> 2 * num_units
    W_ru = jax.random.normal(ks[4], (EMB * K, 2 * U), dtype=jnp.float32) * (1.0 / np.sqrt(EMB * K))
    b_ru = jnp.zeros((2 * U,), dtype=jnp.float32)
    # c_gconv linear: (EMB * max_view) -> num_units
    W_c = jax.random.normal(ks[5], (EMB * K, U), dtype=jnp.float32) * (1.0 / np.sqrt(EMB * K))
    b_c = jnp.zeros((U,), dtype=jnp.float32)
    return {
        "inputs": inputs,
        "hx": hx,
        "edge_index": edge_index,
        "W_embed": W_embed,
        "W_ru": W_ru,
        "b_ru": b_ru,
        "W_c": W_c,
        "b_c": b_c,
    }


def _conv_ker(x, W_embed, edge_index):
    """Conditional-local-conv style kernel: embed then stack K hops of
    degree-normalized neighbor aggregation -> (B, N, EMB * K)."""
    h = x @ W_embed  # (B, N, EMB)
    src = edge_index[0]
    dst = edge_index[1]
    deg = jnp.zeros((h.shape[1],), dtype=h.dtype).at[dst].add(1.0)
    inv_deg = 1.0 / jnp.clip(deg, 1.0, None)
    w_e = inv_deg[dst]  # (E,)
    outs = [h]
    cur = h
    for _ in range(K - 1):
        msgs = cur[:, src, :] * w_e[None, :, None]  # gather over src
        cur = jnp.zeros_like(cur).at[:, dst, :].add(msgs)  # scatter-add over dst
        outs.append(cur)
    return jnp.concatenate(outs, axis=-1)


def reference(inputs, hx, edge_index, W_embed, W_ru, b_ru, W_c, b_c):
    # conv_in_ru = concat(inputs, hx)
    conv_in_ru = jnp.concatenate([inputs, hx], axis=2)
    value = jax.nn.sigmoid(_conv_ker(conv_in_ru, W_embed, edge_index) @ W_ru + b_ru)
    r, u = jnp.split(value, 2, axis=-1)
    r = jnp.reshape(r, (-1, N, U))
    u = jnp.reshape(u, (-1, N, U))
    conv_in_c = jnp.concatenate([inputs, r * hx], axis=2)
    c = jnp.tanh(_conv_ker(conv_in_c, W_embed, edge_index) @ W_c + b_c)
    new_state = u * hx + (1.0 - u) * c
    return new_state

if __name__ == "__main__":
    import jax
    _d = setup_inputs()
    print(jax.jit(kernel)(*tuple(_d.values())))

</pallas_src>

<mosaic_0001>
#map = affine_map<(d0, d1) -> (0, 0)>
module attributes {stable_mosaic.version = 14 : i64} {
  func.func @_gconv_impl(%arg0: i32, %arg1: i32, %arg2: memref<40960x64xf32, #tpu.memory_space<hbm>>, %arg3: memref<2048x80xi32, #tpu.memory_space<hbm>>, %arg4: memref<2048x80xi32, #tpu.memory_space<hbm>>, %arg5: memref<40960x64xf32, #tpu.memory_space<hbm>>, %arg6: memref<40960x64xf32, #tpu.memory_space<hbm>>, %arg7: memref<10240x64xf32, #tpu.memory_space<hbm>>, %arg8: memref<128x80xi32, #tpu.memory_space<vmem>>, %arg9: memref<128x80xi32, #tpu.memory_space<vmem>>, %arg10: memref<80x64xf32, #tpu.memory_space<vmem>>, %arg11: memref<80x64xf32, #tpu.memory_space<vmem>>, %arg12: memref<128x64xf32, #tpu.memory_space<vmem>>, %arg13: memref<128x64xf32, #tpu.memory_space<vmem>>, %arg14: memref<128x64xf32, #tpu.memory_space<vmem>>, %arg15: memref<!tpu.dma_semaphore, #tpu.memory_space<semaphore_mem>>, %arg16: memref<!tpu.dma_semaphore, #tpu.memory_space<semaphore_mem>>, %arg17: memref<10240x64xf32, #tpu.memory_space<vmem_shared>>) attributes {dimension_semantics = [#tpu.dimension_semantics<core_parallel>, #tpu.dimension_semantics<subcore_parallel>], iteration_bounds = array<i64: 2, 16>, scalar_prefetch = 0 : i64, scratch_operands = 10 : i64, tpu.core_type = #tpu.core_type<sc_vector_subcore>, window_params = [{transform_indices = #map}, {transform_indices = #map}, {transform_indices = #map}, {transform_indices = #map}, {transform_indices = #map}, {transform_indices = #map}]} {
    %mul3A = arith.constant 640 : i32
    %mul3A_0 = arith.muli %arg1, %mul3A : i32
    %mul3A_1 = arith.constant 128 : i32
    %mul3A_2 = arith.muli %arg1, %mul3A_1 : i32
    "tpu.region"() ({
      %run_scoped3A = tpu.sem_alloc : memref<!tpu.dma_semaphore, #tpu.memory_space<semaphore_mem>>
      %dma_start3A_169 = arith.constant 0 : i32
      %dma_start3A_170 = tpu.memref_slice %arg3[%mul3A_2, %dma_start3A_169] : memref<2048x80xi32, #tpu.memory_space<hbm>> -> memref<128x80xi32, #tpu.memory_space<hbm>>
      %dma_start3A_171 = arith.constant 0 : i32
      %dma_start3A_172 = tpu.memref_slice %arg3[%mul3A_2, %dma_start3A_171] : memref<2048x80xi32, #tpu.memory_space<hbm>> -> memref<128x80xi32, #tpu.memory_space<hbm>>
      tpu.enqueue_dma source(%dma_start3A_172 : memref<128x80xi32, #tpu.memory_space<hbm>>) target(%arg8 : memref<128x80xi32, #tpu.memory_space<vmem>>) target_semaphore(%run_scoped3A : memref<!tpu.dma_semaphore, #tpu.memory_space<semaphore_mem>>)
      %dma_wait3A = arith.constant 0 : i32
      %dma_wait3A_173 = tpu.memref_slice %arg3[%mul3A_2, %dma_wait3A] : memref<2048x80xi32, #tpu.memory_space<hbm>> -> memref<128x80xi32, #tpu.memory_space<hbm>>
      %dma_wait3A_174 = arith.constant 0 : i32
      %dma_wait3A_175 = tpu.memref_slice %arg3[%mul3A_2, %dma_wait3A_174] : memref<2048x80xi32, #tpu.memory_space<hbm>> -> memref<128x80xi32, #tpu.memory_space<hbm>>
      tpu.wait_dma2 semaphore(%run_scoped3A : memref<!tpu.dma_semaphore, #tpu.memory_space<semaphore_mem>>) src(%dma_wait3A_175 : memref<128x80xi32, #tpu.memory_space<hbm>>) dst(%arg8 : memref<128x80xi32, #tpu.memory_space<vmem>>)
      tpu.yield
    }) : () -> ()
    %mul3A_3 = arith.constant 128 : i32
    %mul3A_4 = arith.muli %arg1, %mul3A_3 : i32
    "tpu.region"() ({
      %run_scoped3A = tpu.sem_alloc : memref<!tpu.dma_semaphore, #tpu.memory_space<semaphore_mem>>
      %dma_start3A_169 = arith.constant 0 : i32
      %dma_start3A_170 = tpu.memref_slice %arg4[%mul3A_4, %dma_start3A_169] : memref<2048x80xi32, #tpu.memory_space<hbm>> -> memref<128x80xi32, #tpu.memory_space<hbm>>
      %dma_start3A_171 = arith.constant 0 : i32
      %dma_start3A_172 = tpu.memref_slice %arg4[%mul3A_4, %dma_start3A_171] : memref<2048x80xi32, #tpu.memory_space<hbm>> -> memref<128x80xi32, #tpu.memory_space<hbm>>
      tpu.enqueue_dma source(%dma_start3A_172 : memref<128x80xi32, #tpu.memory_space<hbm>>) target(%arg9 : memref<128x80xi32, #tpu.memory_space<vmem>>) target_semaphore(%run_scoped3A : memref<!tpu.dma_semaphore, #tpu.memory_space<semaphore_mem>>)
      %dma_wait3A = arith.constant 0 : i32
      %dma_wait3A_173 = tpu.memref_slice %arg4[%mul3A_4, %dma_wait3A] : memref<2048x80xi32, #tpu.memory_space<hbm>> -> memref<128x80xi32, #tpu.memory_space<hbm>>
      %dma_wait3A_174 = arith.constant 0 : i32
      %dma_wait3A_175 = tpu.memref_slice %arg4[%mul3A_4, %dma_wait3A_174] : memref<2048x80xi32, #tpu.memory_space<hbm>> -> memref<128x80xi32, #tpu.memory_space<hbm>>
      tpu.wait_dma2 semaphore(%run_scoped3A : memref<!tpu.dma_semaphore, #tpu.memory_space<semaphore_mem>>) src(%dma_wait3A_175 : memref<128x80xi32, #tpu.memory_space<hbm>>) dst(%arg9 : memref<128x80xi32, #tpu.memory_space<vmem>>)
      tpu.yield
    }) : () -> ()
    %scan3A = arith.constant 0 : i32
    %scan3A_5 = arith.constant 0 : i32
    %scan3A_6 = arith.constant 128 : i32
    %scan3A_7 = arith.addi %scan3A_5, %scan3A_6 : i32
    %scan3A_8 = arith.constant 1 : i32
    %scan3A_9 = scf.for %scan3A_169 = %scan3A_5 to %scan3A_7 step %scan3A_8 iter_args(%scan3A_170 = %scan3A) -> (i32)  : i32 {
      %broadcast_in_dim3A = arith.constant 0.000000e+00 : f32
      %broadcast_in_dim3A_171 = vector.broadcast %broadcast_in_dim3A : f32 to vector<16xf32>
      %swap3A = arith.index_cast %scan3A_169 : i32 to index
      %swap3A_172 = arith.constant 0 : index
      %swap3A_173 = tpu.vector_load %arg14[%swap3A, %swap3A_172] {strides = array<i32>} : memref<128x64xf32, #tpu.memory_space<vmem>>, vector<1x16xf32>,
      %swap3A_174 = vector.shape_cast %swap3A_173 : vector<1x16xf32> to vector<16xf32>
      %swap3A_175 = vector.shape_cast %broadcast_in_dim3A_171 : vector<16xf32> to vector<1x16xf32>
      tpu.vector_store %arg14[%swap3A, %swap3A_172], %swap3A_175 {strides = array<i32>} : memref<128x64xf32, #tpu.memory_space<vmem>>, vector<1x16xf32>,
      %broadcast_in_dim3A_176 = arith.constant 0.000000e+00 : f32
      %broadcast_in_dim3A_177 = vector.broadcast %broadcast_in_dim3A_176 : f32 to vector<16xf32>
      %swap3A_178 = arith.index_cast %scan3A_169 : i32 to index
      %swap3A_179 = arith.constant 16 : index
      %swap3A_180 = tpu.vector_load %arg14[%swap3A_178, %swap3A_179] {strides = array<i32>} : memref<128x64xf32, #tpu.memory_space<vmem>>, vector<1x16xf32>,
      %swap3A_181 = vector.shape_cast %swap3A_180 : vector<1x16xf32> to vector<16xf32>
      %swap3A_182 = vector.shape_cast %broadcast_in_dim3A_177 : vector<16xf32> to vector<1x16xf32>
      tpu.vector_store %arg14[%swap3A_178, %swap3A_179], %swap3A_182 {strides = array<i32>} : memref<128x64xf32, #tpu.memory_space<vmem>>, vector<1x16xf32>,
      %broadcast_in_dim3A_183 = arith.constant 0.000000e+00 : f32
      %broadcast_in_dim3A_184 = vector.broadcast %broadcast_in_dim3A_183 : f32 to vector<16xf32>
      %swap3A_185 = arith.index_cast %scan3A_169 : i32 to index
      %swap3A_186 = arith.constant 32 : index
      %swap3A_187 = tpu.vector_load %arg14[%swap3A_185, %swap3A_186] {strides = array<i32>} : memref<128x64xf32, #tpu.memory_space<vmem>>, vector<1x16xf32>,
      %swap3A_188 = vector.shape_cast %swap3A_187 : vector<1x16xf32> to vector<16xf32>
      %swap3A_189 = vector.shape_cast %broadcast_in_dim3A_184 : vector<16xf32> to vector<1x16xf32>
      tpu.vector_store %arg14[%swap3A_185, %swap3A_186], %swap3A_189 {strides = array<i32>} : memref<128x64xf32, #tpu.memory_space<vmem>>, vector<1x16xf32>,
      %broadcast_in_dim3A_190 = arith.constant 0.000000e+00 : f32
      %broadcast_in_dim3A_191 = vector.broadcast %broadcast_in_dim3A_190 : f32 to vector<16xf32>
      %swap3A_192 = arith.index_cast %scan3A_169 : i32 to index
      %swap3A_193 = arith.constant 48 : index
      %swap3A_194 = tpu.vector_load %arg14[%swap3A_192, %swap3A_193] {strides = array<i32>} : memref<128x64xf32, #tpu.memory_space<vmem>>, vector<1x16xf32>,
      %swap3A_195 = vector.shape_cast %swap3A_194 : vector<1x16xf32> to vector<16xf32>
      %swap3A_196 = vector.shape_cast %broadcast_in_dim3A_191 : vector<16xf32> to vector<1x16xf32>
      tpu.vector_store %arg14[%swap3A_192, %swap3A_193], %swap3A_196 {strides = array<i32>} : memref<128x64xf32, #tpu.memory_space<vmem>>, vector<1x16xf32>,
      %scan3A_197 = arith.constant 0 : i32
      scf.yield %scan3A_197 : i32
    }
    %scan3A_10 = arith.constant 128 : i32
    %scan3A_11 = arith.constant 0 : i32
    %scan3A_12 = arith.constant 0 : i32
    %scan3A_13 = arith.constant 5 : i32
    %scan3A_14 = arith.addi %scan3A_12, %scan3A_13 : i32
    %scan3A_15 = arith.constant 1 : i32
    %scan3A_16 = scf.for %scan3A_169 = %scan3A_12 to %scan3A_14 step %scan3A_15 iter_args(%scan3A_170 = %scan3A_11) -> (i32)  : i32 {
      %mul3A_171 = arith.constant 128 : i32
      %mul3A_172 = arith.muli %scan3A_169, %mul3A_171 : i32
      %add3A_173 = arith.addi %mul3A_0, %mul3A_172 : i32
      "tpu.region"() ({
        %run_scoped3A = tpu.sem_alloc : memref<!tpu.dma_semaphore, #tpu.memory_space<semaphore_mem>>
        %dma_start3A_175 = arith.constant 0 : i32
        %dma_start3A_176 = tpu.memref_slice %arg17[%add3A_173, %dma_start3A_175] : memref<10240x64xf32, #tpu.memory_space<vmem_shared>> -> memref<128x64xf32, #tpu.memory_space<vmem_shared>>
        %dma_start3A_177 = arith.constant 0 : i32
        %dma_start3A_178 = tpu.memref_slice %arg17[%add3A_173, %dma_start3A_177] : memref<10240x64xf32, #tpu.memory_space<vmem_shared>> -> memref<128x64xf32, #tpu.memory_space<vmem_shared>>
        tpu.enqueue_dma source(%arg14 : memref<128x64xf32, #tpu.memory_space<vmem>>) target(%dma_start3A_178 : memref<128x64xf32, #tpu.memory_space<vmem_shared>>) target_semaphore(%run_scoped3A : memref<!tpu.dma_semaphore, #tpu.memory_space<semaphore_mem>>)
        %dma_wait3A = arith.constant 0 : i32
        %dma_wait3A_179 = tpu.memref_slice %arg17[%add3A_173, %dma_wait3A] : memref<10240x64xf32, #tpu.memory_space<vmem_shared>> -> memref<128x64xf32, #tpu.memory_space<vmem_shared>>
        %dma_wait3A_180 = arith.constant 0 : i32
        %dma_wait3A_181 = tpu.memref_slice %arg17[%add3A_173, %dma_wait3A_180] : memref<10240x64xf32, #tpu.memory_space<vmem_shared>> -> memref<128x64xf32, #tpu.memory_space<vmem_shared>>
        tpu.wait_dma2 semaphore(%run_scoped3A : memref<!tpu.dma_semaphore, #tpu.memory_space<semaphore_mem>>) src(%arg14 : memref<128x64xf32, #tpu.memory_space<vmem>>) dst(%dma_wait3A_181 : memref<128x64xf32, #tpu.memory_space<vmem_shared>>)
        tpu.yield
      }) : () -> ()
      %scan3A_174 = arith.constant 0 : i32
      scf.yield %scan3A_174 : i32
    }
    %scan3A_17 = arith.constant 5 : i32
    %barrier3A = arith.constant 0 : index
    tpu.barrier barrier_id(%barrier3A)
    %scan3A_18 = arith.constant 0 : i32
    %scan3A_19 = arith.constant 0 : i32
    %scan3A_20 = arith.constant 80 : i32
    %scan3A_21 = arith.addi %scan3A_19, %scan3A_20 : i32
    %scan3A_22 = arith.constant 1 : i32
    %scan3A_23 = scf.for %scan3A_169 = %scan3A_19 to %scan3A_21 step %scan3A_22 iter_args(%scan3A_170 = %scan3A_18) -> (i32)  : i32 {
      %broadcast_in_dim3A = arith.constant 1.000000e+00 : f32
      %broadcast_in_dim3A_171 = vector.broadcast %broadcast_in_dim3A : f32 to vector<16xf32>
      %swap3A = arith.index_cast %scan3A_169 : i32 to index
      %swap3A_172 = arith.constant 0 : index
      %swap3A_173 = tpu.vector_load %arg10[%swap3A, %swap3A_172] {strides = array<i32>} : memref<80x64xf32, #tpu.memory_space<vmem>>, vector<1x16xf32>,
      %swap3A_174 = vector.shape_cast %swap3A_173 : vector<1x16xf32> to vector<16xf32>
      %swap3A_175 = vector.shape_cast %broadcast_in_dim3A_171 : vector<16xf32> to vector<1x16xf32>
      tpu.vector_store %arg10[%swap3A, %swap3A_172], %swap3A_175 {strides = array<i32>} : memref<80x64xf32, #tpu.memory_space<vmem>>, vector<1x16xf32>,
      %broadcast_in_dim3A_176 = arith.constant 1.000000e+00 : f32
      %broadcast_in_dim3A_177 = vector.broadcast %broadcast_in_dim3A_176 : f32 to vector<16xf32>
      %swap3A_178 = arith.index_cast %scan3A_169 : i32 to index
      %swap3A_179 = arith.constant 16 : index
      %swap3A_180 = tpu.vector_load %arg10[%swap3A_178, %swap3A_179] {strides = array<i32>} : memref<80x64xf32, #tpu.memory_space<vmem>>, vector<1x16xf32>,
      %swap3A_181 = vector.shape_cast %swap3A_180 : vector<1x16xf32> to vector<16xf32>
      %swap3A_182 = vector.shape_cast %broadcast_in_dim3A_177 : vector<16xf32> to vector<1x16xf32>
      tpu.vector_store %arg10[%swap3A_178, %swap3A_179], %swap3A_182 {strides = array<i32>} : memref<80x64xf32, #tpu.memory_space<vmem>>, vector<1x16xf32>,
      %broadcast_in_dim3A_183 = arith.constant 1.000000e+00 : f32
      %broadcast_in_dim3A_184 = vector.broadcast %broadcast_in_dim3A_183 : f32 to vector<16xf32>
      %swap3A_185 = arith.index_cast %scan3A_169 : i32 to index
      %swap3A_186 = arith.constant 32 : index
      %swap3A_187 = tpu.vector_load %arg10[%swap3A_185, %swap3A_186] {strides = array<i32>} : memref<80x64xf32, #tpu.memory_space<vmem>>, vector<1x16xf32>,
      %swap3A_188 = vector.shape_cast %swap3A_187 : vector<1x16xf32> to vector<16xf32>
      %swap3A_189 = vector.shape_cast %broadcast_in_dim3A_184 : vector<16xf32> to vector<1x16xf32>
      tpu.vector_store %arg10[%swap3A_185, %swap3A_186], %swap3A_189 {strides = array<i32>} : memref<80x64xf32, #tpu.memory_space<vmem>>, vector<1x16xf32>,
      %broadcast_in_dim3A_190 = arith.constant 1.000000e+00 : f32
      %broadcast_in_dim3A_191 = vector.broadcast %broadcast_in_dim3A_190 : f32 to vector<16xf32>
      %swap3A_192 = arith.index_cast %scan3A_169 : i32 to index
      %swap3A_193 = arith.constant 48 : index
      %swap3A_194 = tpu.vector_load %arg10[%swap3A_192, %swap3A_193] {strides = array<i32>} : memref<80x64xf32, #tpu.memory_space<vmem>>, vector<1x16xf32>,
      %swap3A_195 = vector.shape_cast %swap3A_194 : vector<1x16xf32> to vector<16xf32>
      %swap3A_196 = vector.shape_cast %broadcast_in_dim3A_191 : vector<16xf32> to vector<1x16xf32>
      tpu.vector_store %arg10[%swap3A_192, %swap3A_193], %swap3A_196 {strides = array<i32>} : memref<80x64xf32, #tpu.memory_space<vmem>>, vector<1x16xf32>,
      %scan3A_197 = arith.constant 0 : i32
      scf.yield %scan3A_197 : i32
    }
    %scan3A_24 = arith.constant 80 : i32
    %scan3A_25 = arith.constant 0 : i32
    %scan3A_26 = arith.constant 0 : i32
    %scan3A_27 = arith.constant 128 : i32
    %scan3A_28 = arith.addi %scan3A_26, %scan3A_27 : i32
    %scan3A_29 = arith.constant 1 : i32
    %scan3A_30 = scf.for %scan3A_169 = %scan3A_26 to %scan3A_28 step %scan3A_29 iter_args(%scan3A_170 = %scan3A_25) -> (i32)  : i32 {
      "tpu.region"() ({
        %run_scoped3A = tpu.sem_alloc : memref<!tpu.dma_semaphore, #tpu.memory_space<semaphore_mem>>
        %dma_start3A_172 = arith.constant 0 : i32
        %dma_start3A_173 = tpu.memref_slice %arg9[%scan3A_169, %dma_start3A_172] : memref<128x80xi32, #tpu.memory_space<vmem>> -> memref<1x80xi32, #tpu.memory_space<vmem>>
        %dma_start3A_174 = tpu.memref_squeeze %dma_start3A_173 : memref<1x80xi32, #tpu.memory_space<vmem>> -> memref<80xi32, #tpu.memory_space<vmem>>
        %dma_start3A_175 = arith.constant 0 : i32
        %dma_start3A_176 = arith.constant 0 : i32
        %dma_start3A_177 = tpu.memref_slice %arg17[%dma_start3A_175, %dma_start3A_176] : memref<10240x64xf32, #tpu.memory_space<vmem_shared>> -> memref<10240x64xf32, #tpu.memory_space<vmem_shared>>
        tpu.enqueue_indirect_dma source(%arg10 : memref<80x64xf32, #tpu.memory_space<vmem>>) target(%dma_start3A_177 : memref<10240x64xf32, #tpu.memory_space<vmem_shared>>) offsets(%dma_start3A_174 : memref<80xi32, #tpu.memory_space<vmem>>) semaphore(%run_scoped3A : memref<!tpu.dma_semaphore, #tpu.memory_space<semaphore_mem>>) {add = true}
        %dma_wait3A = arith.constant 0 : i32
        %dma_wait3A_178 = tpu.memref_slice %arg9[%scan3A_169, %dma_wait3A] : memref<128x80xi32, #tpu.memory_space<vmem>> -> memref<1x80xi32, #tpu.memory_space<vmem>>
        %dma_wait3A_179 = tpu.memref_squeeze %dma_wait3A_178 : memref<1x80xi32, #tpu.memory_space<vmem>> -> memref<80xi32, #tpu.memory_space<vmem>>
        %dma_wait3A_180 = arith.constant 0 : i32
        %dma_wait3A_181 = arith.constant 0 : i32
        %dma_wait3A_182 = tpu.memref_slice %arg17[%dma_wait3A_180, %dma_wait3A_181] : memref<10240x64xf32, #tpu.memory_space<vmem_shared>> -> memref<10240x64xf32, #tpu.memory_space<vmem_shared>>
        tpu.wait_indirect_dma semaphore(%run_scoped3A : memref<!tpu.dma_semaphore, #tpu.memory_space<semaphore_mem>>) src(%arg10 : memref<80x64xf32, #tpu.memory_space<vmem>>) dst(%dma_wait3A_182 : memref<10240x64xf32, #tpu.memory_space<vmem_shared>>)
        tpu.yield
      }) : () -> ()
      %scan3A_171 = arith.constant 0 : i32
      scf.yield %scan3A_171 : i32
    }
    %scan3A_31 = arith.constant 128 : i32
    %barrier3A_32 = arith.constant 0 : index
    tpu.barrier barrier_id(%barrier3A_32)
    %scan3A_33 = arith.constant 0 : i32
    %scan3A_34 = arith.constant 0 : i32
    %scan3A_35 = arith.constant 5 : i32
    %scan3A_36 = arith.addi %scan3A_34, %scan3A_35 : i32
    %scan3A_37 = arith.constant 1 : i32
    %scan3A_38 = scf.for %scan3A_169 = %scan3A_34 to %scan3A_36 step %scan3A_37 iter_args(%scan3A_170 = %scan3A_33) -> (i32)  : i32 {
      %mul3A_171 = arith.constant 128 : i32
      %mul3A_172 = arith.muli %scan3A_169, %mul3A_171 : i32
      %add3A_173 = arith.addi %mul3A_0, %mul3A_172 : i32
      "tpu.region"() ({
        %run_scoped3A = tpu.sem_alloc : memref<!tpu.dma_semaphore, #tpu.memory_space<semaphore_mem>>
        %dma_start3A_182 = arith.constant 0 : i32
        %dma_start3A_183 = tpu.memref_slice %arg17[%add3A_173, %dma_start3A_182] : memref<10240x64xf32, #tpu.memory_space<vmem_shared>> -> memref<128x64xf32, #tpu.memory_space<vmem_shared>>
        %dma_start3A_184 = arith.constant 0 : i32
        %dma_start3A_185 = tpu.memref_slice %arg17[%add3A_173, %dma_start3A_184] : memref<10240x64xf32, #tpu.memory_space<vmem_shared>> -> memref<128x64xf32, #tpu.memory_space<vmem_shared>>
        tpu.enqueue_dma source(%dma_start3A_185 : memref<128x64xf32, #tpu.memory_space<vmem_shared>>) target(%arg12 : memref<128x64xf32, #tpu.memory_space<vmem>>) target_semaphore(%run_scoped3A : memref<!tpu.dma_semaphore, #tpu.memory_space<semaphore_mem>>)
        %dma_wait3A = arith.constant 0 : i32
        %dma_wait3A_186 = tpu.memref_slice %arg17[%add3A_173, %dma_wait3A] : memref<10240x64xf32, #tpu.memory_space<vmem_shared>> -> memref<128x64xf32, #tpu.memory_space<vmem_shared>>
        %dma_wait3A_187 = arith.constant 0 : i32
        %dma_wait3A_188 = tpu.memref_slice %arg17[%add3A_173, %dma_wait3A_187] : memref<10240x64xf32, #tpu.memory_space<vmem_shared>> -> memref<128x64xf32, #tpu.memory_space<vmem_shared>>
        tpu.wait_dma2 semaphore(%run_scoped3A : memref<!tpu.dma_semaphore, #tpu.memory_space<semaphore_mem>>) src(%dma_wait3A_188 : memref<128x64xf32, #tpu.memory_space<vmem_shared>>) dst(%arg12 : memref<128x64xf32, #tpu.memory_space<vmem>>)
        tpu.yield
      }) : () -> ()
      %scan3A_174 = arith.constant 0 : i32
      %scan3A_175 = arith.constant 0 : i32
      %scan3A_176 = arith.constant 128 : i32
      %scan3A_177 = arith.addi %scan3A_175, %scan3A_176 : i32
      %scan3A_178 = arith.constant 1 : i32
      %scan3A_179 = scf.for %scan3A_182 = %scan3A_175 to %scan3A_177 step %scan3A_178 iter_args(%scan3A_183 = %scan3A_174) -> (i32)  : i32 {
        %get3A = arith.index_cast %scan3A_182 : i32 to index
        %get3A_184 = arith.constant 0 : index
        %get3A_185 = tpu.vector_load %arg12[%get3A, %get3A_184] {strides = array<i32>} : memref<128x64xf32, #tpu.memory_space<vmem>>, vector<1x16xf32>,
        %get3A_186 = vector.shape_cast %get3A_185 : vector<1x16xf32> to vector<16xf32>
        %max3A = arith.constant 1.000000e+00 : f32
        %max3A_187 = vector.broadcast %max3A : f32 to vector<16xf32>
        %max3A_188 = arith.maximumf %get3A_186, %max3A_187 : vector<16xf32>
        %div3A = arith.constant 1.000000e+00 : f32
        %div3A_189 = vector.broadcast %div3A : f32 to vector<16xf32>
        %div3A_190 = arith.divf %div3A_189, %max3A_188 : vector<16xf32>
        %swap3A = arith.index_cast %scan3A_182 : i32 to index
        %swap3A_191 = arith.constant 0 : index
        %swap3A_192 = tpu.vector_load %arg12[%swap3A, %swap3A_191] {strides = array<i32>} : memref<128x64xf32, #tpu.memory_space<vmem>>, vector<1x16xf32>,
        %swap3A_193 = vector.shape_cast %swap3A_192 : vector<1x16xf32> to vector<16xf32>
        %swap3A_194 = vector.shape_cast %div3A_190 : vector<16xf32> to vector<1x16xf32>
        tpu.vector_store %arg12[%swap3A, %swap3A_191], %swap3A_194 {strides = array<i32>} : memref<128x64xf32, #tpu.memory_space<vmem>>, vector<1x16xf32>,
        %get3A_195 = arith.index_cast %scan3A_182 : i32 to index
        %get3A_196 = arith.constant 16 : index
        %get3A_197 = tpu.vector_load %arg12[%get3A_195, %get3A_196] {strides = array<i32>} : memref<128x64xf32, #tpu.memory_space<vmem>>, vector<1x16xf32>,
        %get3A_198 = vector.shape_cast %get3A_197 : vector<1x16xf32> to vector<16xf32>
        %max3A_199 = arith.constant 1.000000e+00 : f32
        %max3A_200 = vector.broadcast %max3A_199 : f32 to vector<16xf32>
        %max3A_201 = arith.maximumf %get3A_198, %max3A_200 : vector<16xf32>
        %div3A_202 = arith.constant 1.000000e+00 : f32
        %div3A_203 = vector.broadcast %div3A_202 : f32 to vector<16xf32>
        %div3A_204 = arith.divf %div3A_203, %max3A_201 : vector<16xf32>
        %swap3A_205 = arith.index_cast %scan3A_182 : i32 to index
        %swap3A_206 = arith.constant 16 : index
        %swap3A_207 = tpu.vector_load %arg12[%swap3A_205, %swap3A_206] {strides = array<i32>} : memref<128x64xf32, #tpu.memory_space<vmem>>, vector<1x16xf32>,
        %swap3A_208 = vector.shape_cast %swap3A_207 : vector<1x16xf32> to vector<16xf32>
        %swap3A_209 = vector.shape_cast %div3A_204 : vector<16xf32> to vector<1x16xf32>
        tpu.vector_store %arg12[%swap3A_205, %swap3A_206], %swap3A_209 {strides = array<i32>} : memref<128x64xf32, #tpu.memory_space<vmem>>, vector<1x16xf32>,
        %get3A_210 = arith.index_cast %scan3A_182 : i32 to index
        %get3A_211 = arith.constant 32 : index
        %get3A_212 = tpu.vector_load %arg12[%get3A_210, %get3A_211] {strides = array<i32>} : memref<128x64xf32, #tpu.memory_space<vmem>>, vector<1x16xf32>,
        %get3A_213 = vector.shape_cast %get3A_212 : vector<1x16xf32> to vector<16xf32>
        %max3A_214 = arith.constant 1.000000e+00 : f32
        %max3A_215 = vector.broadcast %max3A_214 : f32 to vector<16xf32>
        %max3A_216 = arith.maximumf %get3A_213, %max3A_215 : vector<16xf32>
        %div3A_217 = arith.constant 1.000000e+00 : f32
        %div3A_218 = vector.broadcast %div3A_217 : f32 to vector<16xf32>
        %div3A_219 = arith.divf %div3A_218, %max3A_216 : vector<16xf32>
        %swap3A_220 = arith.index_cast %scan3A_182 : i32 to index
        %swap3A_221 = arith.constant 32 : index
        %swap3A_222 = tpu.vector_load %arg12[%swap3A_220, %swap3A_221] {strides = array<i32>} : memref<128x64xf32, #tpu.memory_space<vmem>>, vector<1x16xf32>,
        %swap3A_223 = vector.shape_cast %swap3A_222 : vector<1x16xf32> to vector<16xf32>
        %swap3A_224 = vector.shape_cast %div3A_219 : vector<16xf32> to vector<1x16xf32>
        tpu.vector_store %arg12[%swap3A_220, %swap3A_221], %swap3A_224 {strides = array<i32>} : memref<128x64xf32, #tpu.memory_space<vmem>>, vector<1x16xf32>,
        %get3A_225 = arith.index_cast %scan3A_182 : i32 to index
        %get3A_226 = arith.constant 48 : index
        %get3A_227 = tpu.vector_load %arg12[%get3A_225, %get3A_226] {strides = array<i32>} : memref<128x64xf32, #tpu.memory_space<vmem>>, vector<1x16xf32>,
        %get3A_228 = vector.shape_cast %get3A_227 : vector<1x16xf32> to vector<16xf32>
        %max3A_229 = arith.constant 1.000000e+00 : f32
        %max3A_230 = vector.broadcast %max3A_229 : f32 to vector<16xf32>
        %max3A_231 = arith.maximumf %get3A_228, %max3A_230 : vector<16xf32>
        %div3A_232 = arith.constant 1.000000e+00 : f32
        %div3A_233 = vector.broadcast %div3A_232 : f32 to vector<16xf32>
        %div3A_234 = arith.divf %div3A_233, %max3A_231 : vector<16xf32>
        %swap3A_235 = arith.index_cast %scan3A_182 : i32 to index
        %swap3A_236 = arith.constant 48 : index
        %swap3A_237 = tpu.vector_load %arg12[%swap3A_235, %swap3A_236] {strides = array<i32>} : memref<128x64xf32, #tpu.memory_space<vmem>>, vector<1x16xf32>,
        %swap3A_238 = vector.shape_cast %swap3A_237 : vector<1x16xf32> to vector<16xf32>
        %swap3A_239 = vector.shape_cast %div3A_234 : vector<16xf32> to vector<1x16xf32>
        tpu.vector_store %arg12[%swap3A_235, %swap3A_236], %swap3A_239 {strides = array<i32>} : memref<128x64xf32, #tpu.memory_space<vmem>>, vector<1x16xf32>,
        %scan3A_240 = arith.constant 0 : i32
        scf.yield %scan3A_240 : i32
      }
      %scan3A_180 = arith.constant 128 : i32
      "tpu.region"() ({
        %run_scoped3A = tpu.sem_alloc : memref<!tpu.dma_semaphore, #tpu.memory_space<semaphore_mem>>
        %dma_start3A_182 = arith.constant 0 : i32
        %dma_start3A_183 = tpu.memref_slice %arg7[%add3A_173, %dma_start3A_182] : memref<10240x64xf32, #tpu.memory_space<hbm>> -> memref<128x64xf32, #tpu.memory_space<hbm>>
        %dma_start3A_184 = arith.constant 0 : i32
        %dma_start3A_185 = tpu.memref_slice %arg7[%add3A_173, %dma_start3A_184] : memref<10240x64xf32, #tpu.memory_space<hbm>> -> memref<128x64xf32, #tpu.memory_space<hbm>>
        tpu.enqueue_dma source(%arg12 : memref<128x64xf32, #tpu.memory_space<vmem>>) target(%dma_start3A_185 : memref<128x64xf32, #tpu.memory_space<hbm>>) target_semaphore(%run_scoped3A : memref<!tpu.dma_semaphore, #tpu.memory_space<semaphore_mem>>)
        %dma_wait3A = arith.constant 0 : i32
        %dma_wait3A_186 = tpu.memref_slice %arg7[%add3A_173, %dma_wait3A] : memref<10240x64xf32, #tpu.memory_space<hbm>> -> memref<128x64xf32, #tpu.memory_space<hbm>>
        %dma_wait3A_187 = arith.constant 0 : i32
        %dma_wait3A_188 = tpu.memref_slice %arg7[%add3A_173, %dma_wait3A_187] : memref<10240x64xf32, #tpu.memory_space<hbm>> -> memref<128x64xf32, #tpu.memory_space<hbm>>
        tpu.wait_dma2 semaphore(%run_scoped3A : memref<!tpu.dma_semaphore, #tpu.memory_space<semaphore_mem>>) src(%arg12 : memref<128x64xf32, #tpu.memory_space<vmem>>) dst(%dma_wait3A_188 : memref<128x64xf32, #tpu.memory_space<hbm>>)
        tpu.yield
      }) : () -> ()
      "tpu.region"() ({
        %run_scoped3A = tpu.sem_alloc : memref<!tpu.dma_semaphore, #tpu.memory_space<semaphore_mem>>
        %dma_start3A_182 = arith.constant 0 : i32
        %dma_start3A_183 = tpu.memref_slice %arg17[%add3A_173, %dma_start3A_182] : memref<10240x64xf32, #tpu.memory_space<vmem_shared>> -> memref<128x64xf32, #tpu.memory_space<vmem_shared>>
        %dma_start3A_184 = arith.constant 0 : i32
        %dma_start3A_185 = tpu.memref_slice %arg17[%add3A_173, %dma_start3A_184] : memref<10240x64xf32, #tpu.memory_space<vmem_shared>> -> memref<128x64xf32, #tpu.memory_space<vmem_shared>>
        tpu.enqueue_dma source(%arg14 : memref<128x64xf32, #tpu.memory_space<vmem>>) target(%dma_start3A_185 : memref<128x64xf32, #tpu.memory_space<vmem_shared>>) target_semaphore(%run_scoped3A : memref<!tpu.dma_semaphore, #tpu.memory_space<semaphore_mem>>)
        %dma_wait3A = arith.constant 0 : i32
        %dma_wait3A_186 = tpu.memref_slice %arg17[%add3A_173, %dma_wait3A] : memref<10240x64xf32, #tpu.memory_space<vmem_shared>> -> memref<128x64xf32, #tpu.memory_space<vmem_shared>>
        %dma_wait3A_187 = arith.constant 0 : i32
        %dma_wait3A_188 = tpu.memref_slice %arg17[%add3A_173, %dma_wait3A_187] : memref<10240x64xf32, #tpu.memory_space<vmem_shared>> -> memref<128x64xf32, #tpu.memory_space<vmem_shared>>
        tpu.wait_dma2 semaphore(%run_scoped3A : memref<!tpu.dma_semaphore, #tpu.memory_space<semaphore_mem>>) src(%arg14 : memref<128x64xf32, #tpu.memory_space<vmem>>) dst(%dma_wait3A_188 : memref<128x64xf32, #tpu.memory_space<vmem_shared>>)
        tpu.yield
      }) : () -> ()
      %scan3A_181 = arith.constant 0 : i32
      scf.yield %scan3A_181 : i32
    }
    %scan3A_39 = arith.constant 5 : i32
    %barrier3A_40 = arith.constant 0 : index
    tpu.barrier barrier_id(%barrier3A_40)
    %mul3A_41 = arith.constant 2 : i32
    %mul3A_42 = arith.muli %mul3A_41, %arg0 : i32
    %mul3A_43 = arith.constant 10240 : i32
    %mul3A_44 = arith.muli %mul3A_42, %mul3A_43 : i32
    %scan3A_45 = arith.constant 0 : i32
    %scan3A_46 = arith.constant 0 : i32
    %scan3A_47 = arith.constant 128 : i32
    %scan3A_48 = arith.addi %scan3A_46, %scan3A_47 : i32
    %scan3A_49 = arith.constant 1 : i32
    %scan3A_50 = scf.for %scan3A_169 = %scan3A_46 to %scan3A_48 step %scan3A_49 iter_args(%scan3A_170 = %scan3A_45) -> (i32)  : i32 {
      %get3A = arith.index_cast %scan3A_169 : i32 to index
      %get3A_171 = arith.constant 0 : index
      %get3A_172 = tpu.vector_load %arg8[%get3A, %get3A_171] {strides = array<i32>} : memref<128x80xi32, #tpu.memory_space<vmem>>, vector<1x16xi32>,
      %get3A_173 = vector.shape_cast %get3A_172 : vector<1x16xi32> to vector<16xi32>
      %add3A_174 = vector.broadcast %mul3A_44 : i32 to vector<16xi32>
      %add3A_175 = arith.addi %get3A_173, %add3A_174 : vector<16xi32>
      %swap3A = arith.index_cast %scan3A_169 : i32 to index
      %swap3A_176 = arith.constant 0 : index
      %swap3A_177 = tpu.vector_load %arg8[%swap3A, %swap3A_176] {strides = array<i32>} : memref<128x80xi32, #tpu.memory_space<vmem>>, vector<1x16xi32>,
      %swap3A_178 = vector.shape_cast %swap3A_177 : vector<1x16xi32> to vector<16xi32>
      %swap3A_179 = vector.shape_cast %add3A_175 : vector<16xi32> to vector<1x16xi32>
      tpu.vector_store %arg8[%swap3A, %swap3A_176], %swap3A_179 {strides = array<i32>} : memref<128x80xi32, #tpu.memory_space<vmem>>, vector<1x16xi32>,
      %get3A_180 = arith.index_cast %scan3A_169 : i32 to index
      %get3A_181 = arith.constant 16 : index
      %get3A_182 = tpu.vector_load %arg8[%get3A_180, %get3A_181] {strides = array<i32>} : memref<128x80xi32, #tpu.memory_space<vmem>>, vector<1x16xi32>,
      %get3A_183 = vector.shape_cast %get3A_182 : vector<1x16xi32> to vector<16xi32>
      %add3A_184 = vector.broadcast %mul3A_44 : i32 to vector<16xi32>
      %add3A_185 = arith.addi %get3A_183, %add3A_184 : vector<16xi32>
      %swap3A_186 = arith.index_cast %scan3A_169 : i32 to index
      %swap3A_187 = arith.constant 16 : index
      %swap3A_188 = tpu.vector_load %arg8[%swap3A_186, %swap3A_187] {strides = array<i32>} : memref<128x80xi32, #tpu.memory_space<vmem>>, vector<1x16xi32>,
      %swap3A_189 = vector.shape_cast %swap3A_188 : vector<1x16xi32> to vector<16xi32>
      %swap3A_190 = vector.shape_cast %add3A_185 : vector<16xi32> to vector<1x16xi32>
      tpu.vector_store %arg8[%swap3A_186, %swap3A_187], %swap3A_190 {strides = array<i32>} : memref<128x80xi32, #tpu.memory_space<vmem>>, vector<1x16xi32>,
      %get3A_191 = arith.index_cast %scan3A_169 : i32 to index
      %get3A_192 = arith.constant 32 : index
      %get3A_193 = tpu.vector_load %arg8[%get3A_191, %get3A_192] {strides = array<i32>} : memref<128x80xi32, #tpu.memory_space<vmem>>, vector<1x16xi32>,
      %get3A_194 = vector.shape_cast %get3A_193 : vector<1x16xi32> to vector<16xi32>
      %add3A_195 = vector.broadcast %mul3A_44 : i32 to vector<16xi32>
      %add3A_196 = arith.addi %get3A_194, %add3A_195 : vector<16xi32>
      %swap3A_197 = arith.index_cast %scan3A_169 : i32 to index
      %swap3A_198 = arith.constant 32 : index
      %swap3A_199 = tpu.vector_load %arg8[%swap3A_197, %swap3A_198] {strides = array<i32>} : memref<128x80xi32, #tpu.memory_space<vmem>>, vector<1x16xi32>,
      %swap3A_200 = vector.shape_cast %swap3A_199 : vector<1x16xi32> to vector<16xi32>
      %swap3A_201 = vector.shape_cast %add3A_196 : vector<16xi32> to vector<1x16xi32>
      tpu.vector_store %arg8[%swap3A_197, %swap3A_198], %swap3A_201 {strides = array<i32>} : memref<128x80xi32, #tpu.memory_space<vmem>>, vector<1x16xi32>,
      %get3A_202 = arith.index_cast %scan3A_169 : i32 to index
      %get3A_203 = arith.constant 48 : index
      %get3A_204 = tpu.vector_load %arg8[%get3A_202, %get3A_203] {strides = array<i32>} : memref<128x80xi32, #tpu.memory_space<vmem>>, vector<1x16xi32>,
      %get3A_205 = vector.shape_cast %get3A_204 : vector<1x16xi32> to vector<16xi32>
      %add3A_206 = vector.broadcast %mul3A_44 : i32 to vector<16xi32>
      %add3A_207 = arith.addi %get3A_205, %add3A_206 : vector<16xi32>
      %swap3A_208 = arith.index_cast %scan3A_169 : i32 to index
      %swap3A_209 = arith.constant 48 : index
      %swap3A_210 = tpu.vector_load %arg8[%swap3A_208, %swap3A_209] {strides = array<i32>} : memref<128x80xi32, #tpu.memory_space<vmem>>, vector<1x16xi32>,
      %swap3A_211 = vector.shape_cast %swap3A_210 : vector<1x16xi32> to vector<16xi32>
      %swap3A_212 = vector.shape_cast %add3A_207 : vector<16xi32> to vector<1x16xi32>
      tpu.vector_store %arg8[%swap3A_208, %swap3A_209], %swap3A_212 {strides = array<i32>} : memref<128x80xi32, #tpu.memory_space<vmem>>, vector<1x16xi32>,
      %get3A_213 = arith.index_cast %scan3A_169 : i32 to index
      %get3A_214 = arith.constant 64 : index
      %get3A_215 = tpu.vector_load %arg8[%get3A_213, %get3A_214] {strides = array<i32>} : memref<128x80xi32, #tpu.memory_space<vmem>>, vector<1x16xi32>,
      %get3A_216 = vector.shape_cast %get3A_215 : vector<1x16xi32> to vector<16xi32>
      %add3A_217 = vector.broadcast %mul3A_44 : i32 to vector<16xi32>
      %add3A_218 = arith.addi %get3A_216, %add3A_217 : vector<16xi32>
      %swap3A_219 = arith.index_cast %scan3A_169 : i32 to index
      %swap3A_220 = arith.constant 64 : index
      %swap3A_221 = tpu.vector_load %arg8[%swap3A_219, %swap3A_220] {strides = array<i32>} : memref<128x80xi32, #tpu.memory_space<vmem>>, vector<1x16xi32>,
      %swap3A_222 = vector.shape_cast %swap3A_221 : vector<1x16xi32> to vector<16xi32>
      %swap3A_223 = vector.shape_cast %add3A_218 : vector<16xi32> to vector<1x16xi32>
      tpu.vector_store %arg8[%swap3A_219, %swap3A_220], %swap3A_223 {strides = array<i32>} : memref<128x80xi32, #tpu.memory_space<vmem>>, vector<1x16xi32>,
      %scan3A_224 = arith.constant 0 : i32
      scf.yield %scan3A_224 : i32
    }
    %scan3A_51 = arith.constant 128 : i32
    %mul3A_52 = arith.constant 2 : i32
    %mul3A_53 = arith.muli %mul3A_52, %arg0 : i32
    %mul3A_54 = arith.constant 10240 : i32
    %mul3A_55 = arith.muli %mul3A_53, %mul3A_54 : i32
    %dma_start3A = arith.constant 0 : i32
    %dma_start3A_56 = arith.constant 0 : i32
    %dma_start3A_57 = tpu.memref_slice %arg8[%dma_start3A, %dma_start3A_56] : memref<128x80xi32, #tpu.memory_space<vmem>> -> memref<1x80xi32, #tpu.memory_space<vmem>>
    %dma_start3A_58 = tpu.memref_squeeze %dma_start3A_57 : memref<1x80xi32, #tpu.memory_space<vmem>> -> memref<80xi32, #tpu.memory_space<vmem>>
    %dma_start3A_59 = arith.constant 0 : i32
    %dma_start3A_60 = arith.constant 0 : i32
    %dma_start3A_61 = tpu.memref_slice %arg2[%dma_start3A_59, %dma_start3A_60] : memref<40960x64xf32, #tpu.memory_space<hbm>> -> memref<40960x64xf32, #tpu.memory_space<hbm>>
    tpu.enqueue_indirect_dma source(%dma_start3A_61 : memref<40960x64xf32, #tpu.memory_space<hbm>>) target(%arg10 : memref<80x64xf32, #tpu.memory_space<vmem>>) offsets(%dma_start3A_58 : memref<80xi32, #tpu.memory_space<vmem>>) semaphore(%arg15 : memref<!tpu.dma_semaphore, #tpu.memory_space<semaphore_mem>>)
    %scan3A_62 = arith.constant 0 : i32
    %scan3A_63 = arith.constant 0 : i32
    %scan3A_64 = arith.constant 64 : i32
    %scan3A_65 = arith.addi %scan3A_63, %scan3A_64 : i32
    %scan3A_66 = arith.constant 1 : i32
    %scan3A_67 = scf.for %scan3A_169 = %scan3A_63 to %scan3A_65 step %scan3A_66 iter_args(%scan3A_170 = %scan3A_62) -> (i32)  : i32 {
      %mul3A_171 = arith.constant 2 : i32
      %mul3A_172 = arith.muli %mul3A_171, %scan3A_169 : i32
      %dma_wait3A = arith.constant 0 : i32
      %dma_wait3A_173 = tpu.memref_slice %arg8[%mul3A_172, %dma_wait3A] : memref<128x80xi32, #tpu.memory_space<vmem>> -> memref<1x80xi32, #tpu.memory_space<vmem>>
      %dma_wait3A_174 = tpu.memref_squeeze %dma_wait3A_173 : memref<1x80xi32, #tpu.memory_space<vmem>> -> memref<80xi32, #tpu.memory_space<vmem>>
      %dma_wait3A_175 = arith.constant 0 : i32
      %dma_wait3A_176 = arith.constant 0 : i32
      %dma_wait3A_177 = tpu.memref_slice %arg2[%dma_wait3A_175, %dma_wait3A_176] : memref<40960x64xf32, #tpu.memory_space<hbm>> -> memref<40960x64xf32, #tpu.memory_space<hbm>>
      tpu.wait_indirect_dma semaphore(%arg15 : memref<!tpu.dma_semaphore, #tpu.memory_space<semaphore_mem>>) src(%dma_wait3A_177 : memref<40960x64xf32, #tpu.memory_space<hbm>>) dst(%arg10 : memref<80x64xf32, #tpu.memory_space<vmem>>)
      %add3A_178 = arith.constant 1 : i32
      %add3A_179 = arith.addi %mul3A_172, %add3A_178 : i32
      %dma_start3A_180 = arith.constant 0 : i32
      %dma_start3A_181 = tpu.memref_slice %arg8[%add3A_179, %dma_start3A_180] : memref<128x80xi32, #tpu.memory_space<vmem>> -> memref<1x80xi32, #tpu.memory_space<vmem>>
      %dma_start3A_182 = tpu.memref_squeeze %dma_start3A_181 : memref<1x80xi32, #tpu.memory_space<vmem>> -> memref<80xi32, #tpu.memory_space<vmem>>
      %dma_start3A_183 = arith.constant 0 : i32
      %dma_start3A_184 = arith.constant 0 : i32
      %dma_start3A_185 = tpu.memref_slice %arg2[%dma_start3A_183, %dma_start3A_184] : memref<40960x64xf32, #tpu.memory_space<hbm>> -> memref<40960x64xf32, #tpu.memory_space<hbm>>
      tpu.enqueue_indirect_dma source(%dma_start3A_185 : memref<40960x64xf32, #tpu.memory_space<hbm>>) target(%arg11 : memref<80x64xf32, #tpu.memory_space<vmem>>) offsets(%dma_start3A_182 : memref<80xi32, #tpu.memory_space<vmem>>) semaphore(%arg16 : memref<!tpu.dma_semaphore, #tpu.memory_space<semaphore_mem>>)
      "tpu.region"() ({
        %run_scoped3A = tpu.sem_alloc : memref<!tpu.dma_semaphore, #tpu.memory_space<semaphore_mem>>
        %dma_start3A_201 = arith.constant 0 : i32
        %dma_start3A_202 = tpu.memref_slice %arg9[%mul3A_172, %dma_start3A_201] : memref<128x80xi32, #tpu.memory_space<vmem>> -> memref<1x80xi32, #tpu.memory_space<vmem>>
        %dma_start3A_203 = tpu.memref_squeeze %dma_start3A_202 : memref<1x80xi32, #tpu.memory_space<vmem>> -> memref<80xi32, #tpu.memory_space<vmem>>
        %dma_start3A_204 = arith.constant 0 : i32
        %dma_start3A_205 = arith.constant 0 : i32
        %dma_start3A_206 = tpu.memref_slice %arg17[%dma_start3A_204, %dma_start3A_205] : memref<10240x64xf32, #tpu.memory_space<vmem_shared>> -> memref<10240x64xf32, #tpu.memory_space<vmem_shared>>
        tpu.enqueue_indirect_dma source(%arg10 : memref<80x64xf32, #tpu.memory_space<vmem>>) target(%dma_start3A_206 : memref<10240x64xf32, #tpu.memory_space<vmem_shared>>) offsets(%dma_start3A_203 : memref<80xi32, #tpu.memory_space<vmem>>) semaphore(%run_scoped3A : memref<!tpu.dma_semaphore, #tpu.memory_space<semaphore_mem>>) {add = true}
        %dma_wait3A_207 = arith.constant 0 : i32
        %dma_wait3A_208 = tpu.memref_slice %arg9[%mul3A_172, %dma_wait3A_207] : memref<128x80xi32, #tpu.memory_space<vmem>> -> memref<1x80xi32, #tpu.memory_space<vmem>>
        %dma_wait3A_209 = tpu.memref_squeeze %dma_wait3A_208 : memref<1x80xi32, #tpu.memory_space<vmem>> -> memref<80xi32, #tpu.memory_space<vmem>>
        %dma_wait3A_210 = arith.constant 0 : i32
        %dma_wait3A_211 = arith.constant 0 : i32
        %dma_wait3A_212 = tpu.memref_slice %arg17[%dma_wait3A_210, %dma_wait3A_211] : memref<10240x64xf32, #tpu.memory_space<vmem_shared>> -> memref<10240x64xf32, #tpu.memory_space<vmem_shared>>
        tpu.wait_indirect_dma semaphore(%run_scoped3A : memref<!tpu.dma_semaphore, #tpu.memory_space<semaphore_mem>>) src(%arg10 : memref<80x64xf32, #tpu.memory_space<vmem>>) dst(%dma_wait3A_212 : memref<10240x64xf32, #tpu.memory_space<vmem_shared>>)
        tpu.yield
      }) : () -> ()
      %add3A_186 = arith.constant 1 : i32
      %add3A_187 = arith.addi %mul3A_172, %add3A_186 : i32
      %dma_wait3A_188 = arith.constant 0 : i32
      %dma_wait3A_189 = tpu.memref_slice %arg8[%add3A_187, %dma_wait3A_188] : memref<128x80xi32, #tpu.memory_space<vmem>> -> memref<1x80xi32, #tpu.memory_space<vmem>>
      %dma_wait3A_190 = tpu.memref_squeeze %dma_wait3A_189 : memref<1x80xi32, #tpu.memory_space<vmem>> -> memref<80xi32, #tpu.memory_space<vmem>>
      %dma_wait3A_191 = arith.constant 0 : i32
      %dma_wait3A_192 = arith.constant 0 : i32
      %dma_wait3A_193 = tpu.memref_slice %arg2[%dma_wait3A_191, %dma_wait3A_192] : memref<40960x64xf32, #tpu.memory_space<hbm>> -> memref<40960x64xf32, #tpu.memory_space<hbm>>
      tpu.wait_indirect_dma semaphore(%arg16 : memref<!tpu.dma_semaphore, #tpu.memory_space<semaphore_mem>>) src(%dma_wait3A_193 : memref<40960x64xf32, #tpu.memory_space<hbm>>) dst(%arg11 : memref<80x64xf32, #tpu.memory_space<vmem>>)
      %add3A_194 = arith.constant 2 : i32
      %add3A_195 = arith.addi %mul3A_172, %add3A_194 : i32
      %lt3A = arith.constant 128 : i32
      %lt3A_196 = arith.cmpi slt, %add3A_195, %lt3A : i32
      %convert_element_type3A = arith.extui %lt3A_196 : i1 to i32
      %cond3A = arith.constant 0 : i32
      %cond3A_197 = arith.cmpi ne, %convert_element_type3A, %cond3A : i32
      scf.if %cond3A_197 {
        %add3A_201 = arith.constant 2 : i32
        %add3A_202 = arith.addi %mul3A_172, %add3A_201 : i32
        %dma_start3A_203 = arith.constant 0 : i32
        %dma_start3A_204 = tpu.memref_slice %arg8[%add3A_202, %dma_start3A_203] : memref<128x80xi32, #tpu.memory_space<vmem>> -> memref<1x80xi32, #tpu.memory_space<vmem>>
        %dma_start3A_205 = tpu.memref_squeeze %dma_start3A_204 : memref<1x80xi32, #tpu.memory_space<vmem>> -> memref<80xi32, #tpu.memory_space<vmem>>
        %dma_start3A_206 = arith.constant 0 : i32
        %dma_start3A_207 = arith.constant 0 : i32
        %dma_start3A_208 = tpu.memref_slice %arg2[%dma_start3A_206, %dma_start3A_207] : memref<40960x64xf32, #tpu.memory_space<hbm>> -> memref<40960x64xf32, #tpu.memory_space<hbm>>
        tpu.enqueue_indirect_dma source(%dma_start3A_208 : memref<40960x64xf32, #tpu.memory_space<hbm>>) target(%arg10 : memref<80x64xf32, #tpu.memory_space<vmem>>) offsets(%dma_start3A_205 : memref<80xi32, #tpu.memory_space<vmem>>) semaphore(%arg15 : memref<!tpu.dma_semaphore, #tpu.memory_space<semaphore_mem>>)
      } else {
      }
      %add3A_198 = arith.constant 1 : i32
      %add3A_199 = arith.addi %mul3A_172, %add3A_198 : i32
      "tpu.region"() ({
        %run_scoped3A = tpu.sem_alloc : memref<!tpu.dma_semaphore, #tpu.memory_space<semaphore_mem>>
        %dma_start3A_201 = arith.constant 0 : i32
        %dma_start3A_202 = tpu.memref_slice %arg9[%add3A_199, %dma_start3A_201] : memref<128x80xi32, #tpu.memory_space<vmem>> -> memref<1x80xi32, #tpu.memory_space<vmem>>
        %dma_start3A_203 = tpu.memref_squeeze %dma_start3A_202 : memref<1x80xi32, #tpu.memory_space<vmem>> -> memref<80xi32, #tpu.memory_space<vmem>>
        %dma_start3A_204 = arith.constant 0 : i32
        %dma_start3A_205 = arith.constant 0 : i32
        %dma_start3A_206 = tpu.memref_slice %arg17[%dma_start3A_204, %dma_start3A_205] : memref<10240x64xf32, #tpu.memory_space<vmem_shared>> -> memref<10240x64xf32, #tpu.memory_space<vmem_shared>>
        tpu.enqueue_indirect_dma source(%arg11 : memref<80x64xf32, #tpu.memory_space<vmem>>) target(%dma_start3A_206 : memref<10240x64xf32, #tpu.memory_space<vmem_shared>>) offsets(%dma_start3A_203 : memref<80xi32, #tpu.memory_space<vmem>>) semaphore(%run_scoped3A : memref<!tpu.dma_semaphore, #tpu.memory_space<semaphore_mem>>) {add = true}
        %dma_wait3A_207 = arith.constant 0 : i32
        %dma_wait3A_208 = tpu.memref_slice %arg9[%add3A_199, %dma_wait3A_207] : memref<128x80xi32, #tpu.memory_space<vmem>> -> memref<1x80xi32, #tpu.memory_space<vmem>>
        %dma_wait3A_209 = tpu.memref_squeeze %dma_wait3A_208 : memref<1x80xi32, #tpu.memory_space<vmem>> -> memref<80xi32, #tpu.memory_space<vmem>>
        %dma_wait3A_210 = arith.constant 0 : i32
        %dma_wait3A_211 = arith.constant 0 : i32
        %dma_wait3A_212 = tpu.memref_slice %arg17[%dma_wait3A_210, %dma_wait3A_211] : memref<10240x64xf32, #tpu.memory_space<vmem_shared>> -> memref<10240x64xf32, #tpu.memory_space<vmem_shared>>
        tpu.wait_indirect_dma semaphore(%run_scoped3A : memref<!tpu.dma_semaphore, #tpu.memory_space<semaphore_mem>>) src(%arg11 : memref<80x64xf32, #tpu.memory_space<vmem>>) dst(%dma_wait3A_212 : memref<10240x64xf32, #tpu.memory_space<vmem_shared>>)
        tpu.yield
      }) : () -> ()
      %scan3A_200 = arith.constant 0 : i32
      scf.yield %scan3A_200 : i32
    }
    %scan3A_68 = arith.constant 64 : i32
    %barrier3A_69 = arith.constant 0 : index
    tpu.barrier barrier_id(%barrier3A_69)
    %scan3A_70 = arith.constant 0 : i32
    %scan3A_71 = arith.constant 0 : i32
    %scan3A_72 = arith.constant 5 : i32
    %scan3A_73 = arith.addi %scan3A_71, %scan3A_72 : i32
    %scan3A_74 = arith.constant 1 : i32
    %scan3A_75 = scf.for %scan3A_169 = %scan3A_71 to %scan3A_73 step %scan3A_74 iter_args(%scan3A_170 = %scan3A_70) -> (i32)  : i32 {
      %mul3A_171 = arith.constant 128 : i32
      %mul3A_172 = arith.muli %scan3A_169, %mul3A_171 : i32
      %add3A_173 = arith.addi %mul3A_0, %mul3A_172 : i32
      "tpu.region"() ({
        %run_scoped3A = tpu.sem_alloc : memref<!tpu.dma_semaphore, #tpu.memory_space<semaphore_mem>>
        %dma_start3A_186 = arith.constant 0 : i32
        %dma_start3A_187 = tpu.memref_slice %arg17[%add3A_173, %dma_start3A_186] : memref<10240x64xf32, #tpu.memory_space<vmem_shared>> -> memref<128x64xf32, #tpu.memory_space<vmem_shared>>
        %dma_start3A_188 = arith.constant 0 : i32
        %dma_start3A_189 = tpu.memref_slice %arg17[%add3A_173, %dma_start3A_188] : memref<10240x64xf32, #tpu.memory_space<vmem_shared>> -> memref<128x64xf32, #tpu.memory_space<vmem_shared>>
        tpu.enqueue_dma source(%dma_start3A_189 : memref<128x64xf32, #tpu.memory_space<vmem_shared>>) target(%arg12 : memref<128x64xf32, #tpu.memory_space<vmem>>) target_semaphore(%run_scoped3A : memref<!tpu.dma_semaphore, #tpu.memory_space<semaphore_mem>>)
        %dma_wait3A = arith.constant 0 : i32
        %dma_wait3A_190 = tpu.memref_slice %arg17[%add3A_173, %dma_wait3A] : memref<10240x64xf32, #tpu.memory_space<vmem_shared>> -> memref<128x64xf32, #tpu.memory_space<vmem_shared>>
        %dma_wait3A_191 = arith.constant 0 : i32
        %dma_wait3A_192 = tpu.memref_slice %arg17[%add3A_173, %dma_wait3A_191] : memref<10240x64xf32, #tpu.memory_space<vmem_shared>> -> memref<128x64xf32, #tpu.memory_space<vmem_shared>>
        tpu.wait_dma2 semaphore(%run_scoped3A : memref<!tpu.dma_semaphore, #tpu.memory_space<semaphore_mem>>) src(%dma_wait3A_192 : memref<128x64xf32, #tpu.memory_space<vmem_shared>>) dst(%arg12 : memref<128x64xf32, #tpu.memory_space<vmem>>)
        tpu.yield
      }) : () -> ()
      "tpu.region"() ({
        %run_scoped3A = tpu.sem_alloc : memref<!tpu.dma_semaphore, #tpu.memory_space<semaphore_mem>>
        %dma_start3A_186 = arith.constant 0 : i32
        %dma_start3A_187 = tpu.memref_slice %arg7[%add3A_173, %dma_start3A_186] : memref<10240x64xf32, #tpu.memory_space<hbm>> -> memref<128x64xf32, #tpu.memory_space<hbm>>
        %dma_start3A_188 = arith.constant 0 : i32
        %dma_start3A_189 = tpu.memref_slice %arg7[%add3A_173, %dma_start3A_188] : memref<10240x64xf32, #tpu.memory_space<hbm>> -> memref<128x64xf32, #tpu.memory_space<hbm>>
        tpu.enqueue_dma source(%dma_start3A_189 : memref<128x64xf32, #tpu.memory_space<hbm>>) target(%arg13 : memref<128x64xf32, #tpu.memory_space<vmem>>) target_semaphore(%run_scoped3A : memref<!tpu.dma_semaphore, #tpu.memory_space<semaphore_mem>>)
        %dma_wait3A = arith.constant 0 : i32
        %dma_wait3A_190 = tpu.memref_slice %arg7[%add3A_173, %dma_wait3A] : memref<10240x64xf32, #tpu.memory_space<hbm>> -> memref<128x64xf32, #tpu.memory_space<hbm>>
        %dma_wait3A_191 = arith.constant 0 : i32
        %dma_wait3A_192 = tpu.memref_slice %arg7[%add3A_173, %dma_wait3A_191] : memref<10240x64xf32, #tpu.memory_space<hbm>> -> memref<128x64xf32, #tpu.memory_space<hbm>>
        tpu.wait_dma2 semaphore(%run_scoped3A : memref<!tpu.dma_semaphore, #tpu.memory_space<semaphore_mem>>) src(%dma_wait3A_192 : memref<128x64xf32, #tpu.memory_space<hbm>>) dst(%arg13 : memref<128x64xf32, #tpu.memory_space<vmem>>)
        tpu.yield
      }) : () -> ()
      %scan3A_174 = arith.constant 0 : i32
      %scan3A_175 = arith.constant 0 : i32
      %scan3A_176 = arith.constant 128 : i32
      %scan3A_177 = arith.addi %scan3A_175, %scan3A_176 : i32
      %scan3A_178 = arith.constant 1 : i32
      %scan3A_179 = scf.for %scan3A_186 = %scan3A_175 to %scan3A_177 step %scan3A_178 iter_args(%scan3A_187 = %scan3A_174) -> (i32)  : i32 {
        %get3A = arith.index_cast %scan3A_186 : i32 to index
        %get3A_188 = arith.constant 0 : index
        %get3A_189 = tpu.vector_load %arg12[%get3A, %get3A_188] {strides = array<i32>} : memref<128x64xf32, #tpu.memory_space<vmem>>, vector<1x16xf32>,
        %get3A_190 = vector.shape_cast %get3A_189 : vector<1x16xf32> to vector<16xf32>
        %get3A_191 = arith.index_cast %scan3A_186 : i32 to index
        %get3A_192 = arith.constant 0 : index
        %get3A_193 = tpu.vector_load %arg13[%get3A_191, %get3A_192] {strides = array<i32>} : memref<128x64xf32, #tpu.memory_space<vmem>>, vector<1x16xf32>,
        %get3A_194 = vector.shape_cast %get3A_193 : vector<1x16xf32> to vector<16xf32>
        %mul3A_195 = arith.mulf %get3A_190, %get3A_194 : vector<16xf32>
        %swap3A = arith.index_cast %scan3A_186 : i32 to index
        %swap3A_196 = arith.constant 0 : index
        %swap3A_197 = tpu.vector_load %arg12[%swap3A, %swap3A_196] {strides = array<i32>} : memref<128x64xf32, #tpu.memory_space<vmem>>, vector<1x16xf32>,
        %swap3A_198 = vector.shape_cast %swap3A_197 : vector<1x16xf32> to vector<16xf32>
        %swap3A_199 = vector.shape_cast %mul3A_195 : vector<16xf32> to vector<1x16xf32>
        tpu.vector_store %arg12[%swap3A, %swap3A_196], %swap3A_199 {strides = array<i32>} : memref<128x64xf32, #tpu.memory_space<vmem>>, vector<1x16xf32>,
        %get3A_200 = arith.index_cast %scan3A_186 : i32 to index
        %get3A_201 = arith.constant 16 : index
        %get3A_202 = tpu.vector_load %arg12[%get3A_200, %get3A_201] {strides = array<i32>} : memref<128x64xf32, #tpu.memory_space<vmem>>, vector<1x16xf32>,
        %get3A_203 = vector.shape_cast %get3A_202 : vector<1x16xf32> to vector<16xf32>
        %get3A_204 = arith.index_cast %scan3A_186 : i32 to index
        %get3A_205 = arith.constant 16 : index
        %get3A_206 = tpu.vector_load %arg13[%get3A_204, %get3A_205] {strides = array<i32>} : memref<128x64xf32, #tpu.memory_space<vmem>>, vector<1x16xf32>,
        %get3A_207 = vector.shape_cast %get3A_206 : vector<1x16xf32> to vector<16xf32>
        %mul3A_208 = arith.mulf %get3A_203, %get3A_207 : vector<16xf32>
        %swap3A_209 = arith.index_cast %scan3A_186 : i32 to index
        %swap3A_210 = arith.constant 16 : index
        %swap3A_211 = tpu.vector_load %arg12[%swap3A_209, %swap3A_210] {strides = array<i32>} : memref<128x64xf32, #tpu.memory_space<vmem>>, vector<1x16xf32>,
        %swap3A_212 = vector.shape_cast %swap3A_211 : vector<1x16xf32> to vector<16xf32>
        %swap3A_213 = vector.shape_cast %mul3A_208 : vector<16xf32> to vector<1x16xf32>
        tpu.vector_store %arg12[%swap3A_209, %swap3A_210], %swap3A_213 {strides = array<i32>} : memref<128x64xf32, #tpu.memory_space<vmem>>, vector<1x16xf32>,
        %get3A_214 = arith.index_cast %scan3A_186 : i32 to index
        %get3A_215 = arith.constant 32 : index
        %get3A_216 = tpu.vector_load %arg12[%get3A_214, %get3A_215] {strides = array<i32>} : memref<128x64xf32, #tpu.memory_space<vmem>>, vector<1x16xf32>,
        %get3A_217 = vector.shape_cast %get3A_216 : vector<1x16xf32> to vector<16xf32>
        %get3A_218 = arith.index_cast %scan3A_186 : i32 to index
        %get3A_219 = arith.constant 32 : index
        %get3A_220 = tpu.vector_load %arg13[%get3A_218, %get3A_219] {strides = array<i32>} : memref<128x64xf32, #tpu.memory_space<vmem>>, vector<1x16xf32>,
        %get3A_221 = vector.shape_cast %get3A_220 : vector<1x16xf32> to vector<16xf32>
        %mul3A_222 = arith.mulf %get3A_217, %get3A_221 : vector<16xf32>
        %swap3A_223 = arith.index_cast %scan3A_186 : i32 to index
        %swap3A_224 = arith.constant 32 : index
        %swap3A_225 = tpu.vector_load %arg12[%swap3A_223, %swap3A_224] {strides = array<i32>} : memref<128x64xf32, #tpu.memory_space<vmem>>, vector<1x16xf32>,
        %swap3A_226 = vector.shape_cast %swap3A_225 : vector<1x16xf32> to vector<16xf32>
        %swap3A_227 = vector.shape_cast %mul3A_222 : vector<16xf32> to vector<1x16xf32>
        tpu.vector_store %arg12[%swap3A_223, %swap3A_224], %swap3A_227 {strides = array<i32>} : memref<128x64xf32, #tpu.memory_space<vmem>>, vector<1x16xf32>,
        %get3A_228 = arith.index_cast %scan3A_186 : i32 to index
        %get3A_229 = arith.constant 48 : index
        %get3A_230 = tpu.vector_load %arg12[%get3A_228, %get3A_229] {strides = array<i32>} : memref<128x64xf32, #tpu.memory_space<vmem>>, vector<1x16xf32>,
        %get3A_231 = vector.shape_cast %get3A_230 : vector<1x16xf32> to vector<16xf32>
        %get3A_232 = arith.index_cast %scan3A_186 : i32 to index
        %get3A_233 = arith.constant 48 : index
        %get3A_234 = tpu.vector_load %arg13[%get3A_232, %get3A_233] {strides = array<i32>} : memref<128x64xf32, #tpu.memory_space<vmem>>, vector<1x16xf32>,
        %get3A_235 = vector.shape_cast %get3A_234 : vector<1x16xf32> to vector<16xf32>
        %mul3A_236 = arith.mulf %get3A_231, %get3A_235 : vector<16xf32>
        %swap3A_237 = arith.index_cast %scan3A_186 : i32 to index
        %swap3A_238 = arith.constant 48 : index
        %swap3A_239 = tpu.vector_load %arg12[%swap3A_237, %swap3A_238] {strides = array<i32>} : memref<128x64xf32, #tpu.memory_space<vmem>>, vector<1x16xf32>,
        %swap3A_240 = vector.shape_cast %swap3A_239 : vector<1x16xf32> to vector<16xf32>
        %swap3A_241 = vector.shape_cast %mul3A_236 : vector<16xf32> to vector<1x16xf32>
        tpu.vector_store %arg12[%swap3A_237, %swap3A_238], %swap3A_241 {strides = array<i32>} : memref<128x64xf32, #tpu.memory_space<vmem>>, vector<1x16xf32>,
        %scan3A_242 = arith.constant 0 : i32
        scf.yield %scan3A_242 : i32
      }
      %scan3A_180 = arith.constant 128 : i32
      %add3A_181 = arith.addi %mul3A_55, %mul3A_0 : i32
      %mul3A_182 = arith.constant 128 : i32
      %mul3A_183 = arith.muli %scan3A_169, %mul3A_182 : i32
      %add3A_184 = arith.addi %add3A_181, %mul3A_183 : i32
      "tpu.region"() ({
        %run_scoped3A = tpu.sem_alloc : memref<!tpu.dma_semaphore, #tpu.memory_space<semaphore_mem>>
        %dma_start3A_186 = arith.constant 0 : i32
        %dma_start3A_187 = tpu.memref_slice %arg5[%add3A_184, %dma_start3A_186] : memref<40960x64xf32, #tpu.memory_space<hbm>> -> memref<128x64xf32, #tpu.memory_space<hbm>>
        %dma_start3A_188 = arith.constant 0 : i32
        %dma_start3A_189 = tpu.memref_slice %arg5[%add3A_184, %dma_start3A_188] : memref<40960x64xf32, #tpu.memory_space<hbm>> -> memref<128x64xf32, #tpu.memory_space<hbm>>
        tpu.enqueue_dma source(%arg12 : memref<128x64xf32, #tpu.memory_space<vmem>>) target(%dma_start3A_189 : memref<128x64xf32, #tpu.memory_space<hbm>>) target_semaphore(%run_scoped3A : memref<!tpu.dma_semaphore, #tpu.memory_space<semaphore_mem>>)
        %dma_wait3A = arith.constant 0 : i32
        %dma_wait3A_190 = tpu.memref_slice %arg5[%add3A_184, %dma_wait3A] : memref<40960x64xf32, #tpu.memory_space<hbm>> -> memref<128x64xf32, #tpu.memory_space<hbm>>
        %dma_wait3A_191 = arith.constant 0 : i32
        %dma_wait3A_192 = tpu.memref_slice %arg5[%add3A_184, %dma_wait3A_191] : memref<40960x64xf32, #tpu.memory_space<hbm>> -> memref<128x64xf32, #tpu.memory_space<hbm>>
        tpu.wait_dma2 semaphore(%run_scoped3A : memref<!tpu.dma_semaphore, #tpu.memory_space<semaphore_mem>>) src(%arg12 : memref<128x64xf32, #tpu.memory_space<vmem>>) dst(%dma_wait3A_192 : memref<128x64xf32, #tpu.memory_space<hbm>>)
        tpu.yield
      }) : () -> ()
      "tpu.region"() ({
        %run_scoped3A = tpu.sem_alloc : memref<!tpu.dma_semaphore, #tpu.memory_space<semaphore_mem>>
        %dma_start3A_186 = arith.constant 0 : i32
        %dma_start3A_187 = tpu.memref_slice %arg17[%add3A_173, %dma_start3A_186] : memref<10240x64xf32, #tpu.memory_space<vmem_shared>> -> memref<128x64xf32, #tpu.memory_space<vmem_shared>>
        %dma_start3A_188 = arith.constant 0 : i32
        %dma_start3A_189 = tpu.memref_slice %arg17[%add3A_173, %dma_start3A_188] : memref<10240x64xf32, #tpu.memory_space<vmem_shared>> -> memref<128x64xf32, #tpu.memory_space<vmem_shared>>
        tpu.enqueue_dma source(%arg14 : memref<128x64xf32, #tpu.memory_space<vmem>>) target(%dma_start3A_189 : memref<128x64xf32, #tpu.memory_space<vmem_shared>>) target_semaphore(%run_scoped3A : memref<!tpu.dma_semaphore, #tpu.memory_space<semaphore_mem>>)
        %dma_wait3A = arith.constant 0 : i32
        %dma_wait3A_190 = tpu.memref_slice %arg17[%add3A_173, %dma_wait3A] : memref<10240x64xf32, #tpu.memory_space<vmem_shared>> -> memref<128x64xf32, #tpu.memory_space<vmem_shared>>
        %dma_wait3A_191 = arith.constant 0 : i32
        %dma_wait3A_192 = tpu.memref_slice %arg17[%add3A_173, %dma_wait3A_191] : memref<10240x64xf32, #tpu.memory_space<vmem_shared>> -> memref<128x64xf32, #tpu.memory_space<vmem_shared>>
        tpu.wait_dma2 semaphore(%run_scoped3A : memref<!tpu.dma_semaphore, #tpu.memory_space<semaphore_mem>>) src(%arg14 : memref<128x64xf32, #tpu.memory_space<vmem>>) dst(%dma_wait3A_192 : memref<128x64xf32, #tpu.memory_space<vmem_shared>>)
        tpu.yield
      }) : () -> ()
      %scan3A_185 = arith.constant 0 : i32
      scf.yield %scan3A_185 : i32
    }
    %scan3A_76 = arith.constant 5 : i32
    %barrier3A_77 = arith.constant 0 : index
    tpu.barrier barrier_id(%barrier3A_77)
    %mul3A_78 = arith.constant 2 : i32
    %mul3A_79 = arith.muli %mul3A_78, %arg0 : i32
    %mul3A_80 = arith.constant 10240 : i32
    %mul3A_81 = arith.muli %mul3A_79, %mul3A_80 : i32
    %dma_start3A_82 = arith.constant 0 : i32
    %dma_start3A_83 = arith.constant 0 : i32
    %dma_start3A_84 = tpu.memref_slice %arg8[%dma_start3A_82, %dma_start3A_83] : memref<128x80xi32, #tpu.memory_space<vmem>> -> memref<1x80xi32, #tpu.memory_space<vmem>>
    %dma_start3A_85 = tpu.memref_squeeze %dma_start3A_84 : memref<1x80xi32, #tpu.memory_space<vmem>> -> memref<80xi32, #tpu.memory_space<vmem>>
    %dma_start3A_86 = arith.constant 0 : i32
    %dma_start3A_87 = arith.constant 0 : i32
    %dma_start3A_88 = tpu.memref_slice %arg5[%dma_start3A_86, %dma_start3A_87] : memref<40960x64xf32, #tpu.memory_space<hbm>> -> memref<40960x64xf32, #tpu.memory_space<hbm>>
    tpu.enqueue_indirect_dma source(%dma_start3A_88 : memref<40960x64xf32, #tpu.memory_space<hbm>>) target(%arg10 : memref<80x64xf32, #tpu.memory_space<vmem>>) offsets(%dma_start3A_85 : memref<80xi32, #tpu.memory_space<vmem>>) semaphore(%arg15 : memref<!tpu.dma_semaphore, #tpu.memory_space<semaphore_mem>>)
    %scan3A_89 = arith.constant 0 : i32
    %scan3A_90 = arith.constant 0 : i32
    %scan3A_91 = arith.constant 64 : i32
    %scan3A_92 = arith.addi %scan3A_90, %scan3A_91 : i32
    %scan3A_93 = arith.constant 1 : i32
    %scan3A_94 = scf.for %scan3A_169 = %scan3A_90 to %scan3A_92 step %scan3A_93 iter_args(%scan3A_170 = %scan3A_89) -> (i32)  : i32 {
      %mul3A_171 = arith.constant 2 : i32
      %mul3A_172 = arith.muli %mul3A_171, %scan3A_169 : i32
      %dma_wait3A = arith.constant 0 : i32
      %dma_wait3A_173 = tpu.memref_slice %arg8[%mul3A_172, %dma_wait3A] : memref<128x80xi32, #tpu.memory_space<vmem>> -> memref<1x80xi32, #tpu.memory_space<vmem>>
      %dma_wait3A_174 = tpu.memref_squeeze %dma_wait3A_173 : memref<1x80xi32, #tpu.memory_space<vmem>> -> memref<80xi32, #tpu.memory_space<vmem>>
      %dma_wait3A_175 = arith.constant 0 : i32
      %dma_wait3A_176 = arith.constant 0 : i32
      %dma_wait3A_177 = tpu.memref_slice %arg5[%dma_wait3A_175, %dma_wait3A_176] : memref<40960x64xf32, #tpu.memory_space<hbm>> -> memref<40960x64xf32, #tpu.memory_space<hbm>>
      tpu.wait_indirect_dma semaphore(%arg15 : memref<!tpu.dma_semaphore, #tpu.memory_space<semaphore_mem>>) src(%dma_wait3A_177 : memref<40960x64xf32, #tpu.memory_space<hbm>>) dst(%arg10 : memref<80x64xf32, #tpu.memory_space<vmem>>)
      %add3A_178 = arith.constant 1 : i32
      %add3A_179 = arith.addi %mul3A_172, %add3A_178 : i32
      %dma_start3A_180 = arith.constant 0 : i32
      %dma_start3A_181 = tpu.memref_slice %arg8[%add3A_179, %dma_start3A_180] : memref<128x80xi32, #tpu.memory_space<vmem>> -> memref<1x80xi32, #tpu.memory_space<vmem>>
      %dma_start3A_182 = tpu.memref_squeeze %dma_start3A_181 : memref<1x80xi32, #tpu.memory_space<vmem>> -> memref<80xi32, #tpu.memory_space<vmem>>
      %dma_start3A_183 = arith.constant 0 : i32
      %dma_start3A_184 = arith.constant 0 : i32
      %dma_start3A_185 = tpu.memref_slice %arg5[%dma_start3A_183, %dma_start3A_184] : memref<40960x64xf32, #tpu.memory_space<hbm>> -> memref<40960x64xf32, #tpu.memory_space<hbm>>
      tpu.enqueue_indirect_dma source(%dma_start3A_185 : memref<40960x64xf32, #tpu.memory_space<hbm>>) target(%arg11 : memref<80x64xf32, #tpu.memory_space<vmem>>) offsets(%dma_start3A_182 : memref<80xi32, #tpu.memory_space<vmem>>) semaphore(%arg16 : memref<!tpu.dma_semaphore, #tpu.memory_space<semaphore_mem>>)
      "tpu.region"() ({
        %run_scoped3A = tpu.sem_alloc : memref<!tpu.dma_semaphore, #tpu.memory_space<semaphore_mem>>
        %dma_start3A_201 = arith.constant 0 : i32
        %dma_start3A_202 = tpu.memref_slice %arg9[%mul3A_172, %dma_start3A_201] : memref<128x80xi32, #tpu.memory_space<vmem>> -> memref<1x80xi32, #tpu.memory_space<vmem>>
        %dma_start3A_203 = tpu.memref_squeeze %dma_start3A_202 : memref<1x80xi32, #tpu.memory_space<vmem>> -> memref<80xi32, #tpu.memory_space<vmem>>
        %dma_start3A_204 = arith.constant 0 : i32
        %dma_start3A_205 = arith.constant 0 : i32
        %dma_start3A_206 = tpu.memref_slice %arg17[%dma_start3A_204, %dma_start3A_205] : memref<10240x64xf32, #tpu.memory_space<vmem_shared>> -> memref<10240x64xf32, #tpu.memory_space<vmem_shared>>
        tpu.enqueue_indirect_dma source(%arg10 : memref<80x64xf32, #tpu.memory_space<vmem>>) target(%dma_start3A_206 : memref<10240x64xf32, #tpu.memory_space<vmem_shared>>) offsets(%dma_start3A_203 : memref<80xi32, #tpu.memory_space<vmem>>) semaphore(%run_scoped3A : memref<!tpu.dma_semaphore, #tpu.memory_space<semaphore_mem>>) {add = true}
        %dma_wait3A_207 = arith.constant 0 : i32
        %dma_wait3A_208 = tpu.memref_slice %arg9[%mul3A_172, %dma_wait3A_207] : memref<128x80xi32, #tpu.memory_space<vmem>> -> memref<1x80xi32, #tpu.memory_space<vmem>>
        %dma_wait3A_209 = tpu.memref_squeeze %dma_wait3A_208 : memref<1x80xi32, #tpu.memory_space<vmem>> -> memref<80xi32, #tpu.memory_space<vmem>>
        %dma_wait3A_210 = arith.constant 0 : i32
        %dma_wait3A_211 = arith.constant 0 : i32
        %dma_wait3A_212 = tpu.memref_slice %arg17[%dma_wait3A_210, %dma_wait3A_211] : memref<10240x64xf32, #tpu.memory_space<vmem_shared>> -> memref<10240x64xf32, #tpu.memory_space<vmem_shared>>
        tpu.wait_indirect_dma semaphore(%run_scoped3A : memref<!tpu.dma_semaphore, #tpu.memory_space<semaphore_mem>>) src(%arg10 : memref<80x64xf32, #tpu.memory_space<vmem>>) dst(%dma_wait3A_212 : memref<10240x64xf32, #tpu.memory_space<vmem_shared>>)
        tpu.yield
      }) : () -> ()
      %add3A_186 = arith.constant 1 : i32
      %add3A_187 = arith.addi %mul3A_172, %add3A_186 : i32
      %dma_wait3A_188 = arith.constant 0 : i32
      %dma_wait3A_189 = tpu.memref_slice %arg8[%add3A_187, %dma_wait3A_188] : memref<128x80xi32, #tpu.memory_space<vmem>> -> memref<1x80xi32, #tpu.memory_space<vmem>>
      %dma_wait3A_190 = tpu.memref_squeeze %dma_wait3A_189 : memref<1x80xi32, #tpu.memory_space<vmem>> -> memref<80xi32, #tpu.memory_space<vmem>>
      %dma_wait3A_191 = arith.constant 0 : i32
      %dma_wait3A_192 = arith.constant 0 : i32
      %dma_wait3A_193 = tpu.memref_slice %arg5[%dma_wait3A_191, %dma_wait3A_192] : memref<40960x64xf32, #tpu.memory_space<hbm>> -> memref<40960x64xf32, #tpu.memory_space<hbm>>
      tpu.wait_indirect_dma semaphore(%arg16 : memref<!tpu.dma_semaphore, #tpu.memory_space<semaphore_mem>>) src(%dma_wait3A_193 : memref<40960x64xf32, #tpu.memory_space<hbm>>) dst(%arg11 : memref<80x64xf32, #tpu.memory_space<vmem>>)
      %add3A_194 = arith.constant 2 : i32
      %add3A_195 = arith.addi %mul3A_172, %add3A_194 : i32
      %lt3A = arith.constant 128 : i32
      %lt3A_196 = arith.cmpi slt, %add3A_195, %lt3A : i32
      %convert_element_type3A = arith.extui %lt3A_196 : i1 to i32
      %cond3A = arith.constant 0 : i32
      %cond3A_197 = arith.cmpi ne, %convert_element_type3A, %cond3A : i32
      scf.if %cond3A_197 {
        %add3A_201 = arith.constant 2 : i32
        %add3A_202 = arith.addi %mul3A_172, %add3A_201 : i32
        %dma_start3A_203 = arith.constant 0 : i32
        %dma_start3A_204 = tpu.memref_slice %arg8[%add3A_202, %dma_start3A_203] : memref<128x80xi32, #tpu.memory_space<vmem>> -> memref<1x80xi32, #tpu.memory_space<vmem>>
        %dma_start3A_205 = tpu.memref_squeeze %dma_start3A_204 : memref<1x80xi32, #tpu.memory_space<vmem>> -> memref<80xi32, #tpu.memory_space<vmem>>
        %dma_start3A_206 = arith.constant 0 : i32
        %dma_start3A_207 = arith.constant 0 : i32
        %dma_start3A_208 = tpu.memref_slice %arg5[%dma_start3A_206, %dma_start3A_207] : memref<40960x64xf32, #tpu.memory_space<hbm>> -> memref<40960x64xf32, #tpu.memory_space<hbm>>
        tpu.enqueue_indirect_dma source(%dma_start3A_208 : memref<40960x64xf32, #tpu.memory_space<hbm>>) target(%arg10 : memref<80x64xf32, #tpu.memory_space<vmem>>) offsets(%dma_start3A_205 : memref<80xi32, #tpu.memory_space<vmem>>) semaphore(%arg15 : memref<!tpu.dma_semaphore, #tpu.memory_space<semaphore_mem>>)
      } else {
      }
      %add3A_198 = arith.constant 1 : i32
      %add3A_199 = arith.addi %mul3A_172, %add3A_198 : i32
      "tpu.region"() ({
        %run_scoped3A = tpu.sem_alloc : memref<!tpu.dma_semaphore, #tpu.memory_space<semaphore_mem>>
        %dma_start3A_201 = arith.constant 0 : i32
        %dma_start3A_202 = tpu.memref_slice %arg9[%add3A_199, %dma_start3A_201] : memref<128x80xi32, #tpu.memory_space<vmem>> -> memref<1x80xi32, #tpu.memory_space<vmem>>
        %dma_start3A_203 = tpu.memref_squeeze %dma_start3A_202 : memref<1x80xi32, #tpu.memory_space<vmem>> -> memref<80xi32, #tpu.memory_space<vmem>>
        %dma_start3A_204 = arith.constant 0 : i32
        %dma_start3A_205 = arith.constant 0 : i32
        %dma_start3A_206 = tpu.memref_slice %arg17[%dma_start3A_204, %dma_start3A_205] : memref<10240x64xf32, #tpu.memory_space<vmem_shared>> -> memref<10240x64xf32, #tpu.memory_space<vmem_shared>>
        tpu.enqueue_indirect_dma source(%arg11 : memref<80x64xf32, #tpu.memory_space<vmem>>) target(%dma_start3A_206 : memref<10240x64xf32, #tpu.memory_space<vmem_shared>>) offsets(%dma_start3A_203 : memref<80xi32, #tpu.memory_space<vmem>>) semaphore(%run_scoped3A : memref<!tpu.dma_semaphore, #tpu.memory_space<semaphore_mem>>) {add = true}
        %dma_wait3A_207 = arith.constant 0 : i32
        %dma_wait3A_208 = tpu.memref_slice %arg9[%add3A_199, %dma_wait3A_207] : memref<128x80xi32, #tpu.memory_space<vmem>> -> memref<1x80xi32, #tpu.memory_space<vmem>>
        %dma_wait3A_209 = tpu.memref_squeeze %dma_wait3A_208 : memref<1x80xi32, #tpu.memory_space<vmem>> -> memref<80xi32, #tpu.memory_space<vmem>>
        %dma_wait3A_210 = arith.constant 0 : i32
        %dma_wait3A_211 = arith.constant 0 : i32
        %dma_wait3A_212 = tpu.memref_slice %arg17[%dma_wait3A_210, %dma_wait3A_211] : memref<10240x64xf32, #tpu.memory_space<vmem_shared>> -> memref<10240x64xf32, #tpu.memory_space<vmem_shared>>
        tpu.wait_indirect_dma semaphore(%run_scoped3A : memref<!tpu.dma_semaphore, #tpu.memory_space<semaphore_mem>>) src(%arg11 : memref<80x64xf32, #tpu.memory_space<vmem>>) dst(%dma_wait3A_212 : memref<10240x64xf32, #tpu.memory_space<vmem_shared>>)
        tpu.yield
      }) : () -> ()
      %scan3A_200 = arith.constant 0 : i32
      scf.yield %scan3A_200 : i32
    }
    %scan3A_95 = arith.constant 64 : i32
    %barrier3A_96 = arith.constant 0 : index
    tpu.barrier barrier_id(%barrier3A_96)
    %scan3A_97 = arith.constant 0 : i32
    %scan3A_98 = arith.constant 0 : i32
    %scan3A_99 = arith.constant 5 : i32
    %scan3A_100 = arith.addi %scan3A_98, %scan3A_99 : i32
    %scan3A_101 = arith.constant 1 : i32
    %scan3A_102 = scf.for %scan3A_169 = %scan3A_98 to %scan3A_100 step %scan3A_101 iter_args(%scan3A_170 = %scan3A_97) -> (i32)  : i32 {
      %mul3A_171 = arith.constant 128 : i32
      %mul3A_172 = arith.muli %scan3A_169, %mul3A_171 : i32
      %add3A_173 = arith.addi %mul3A_0, %mul3A_172 : i32
      "tpu.region"() ({
        %run_scoped3A = tpu.sem_alloc : memref<!tpu.dma_semaphore, #tpu.memory_space<semaphore_mem>>
        %dma_start3A_186 = arith.constant 0 : i32
        %dma_start3A_187 = tpu.memref_slice %arg17[%add3A_173, %dma_start3A_186] : memref<10240x64xf32, #tpu.memory_space<vmem_shared>> -> memref<128x64xf32, #tpu.memory_space<vmem_shared>>
        %dma_start3A_188 = arith.constant 0 : i32
        %dma_start3A_189 = tpu.memref_slice %arg17[%add3A_173, %dma_start3A_188] : memref<10240x64xf32, #tpu.memory_space<vmem_shared>> -> memref<128x64xf32, #tpu.memory_space<vmem_shared>>
        tpu.enqueue_dma source(%dma_start3A_189 : memref<128x64xf32, #tpu.memory_space<vmem_shared>>) target(%arg12 : memref<128x64xf32, #tpu.memory_space<vmem>>) target_semaphore(%run_scoped3A : memref<!tpu.dma_semaphore, #tpu.memory_space<semaphore_mem>>)
        %dma_wait3A = arith.constant 0 : i32
        %dma_wait3A_190 = tpu.memref_slice %arg17[%add3A_173, %dma_wait3A] : memref<10240x64xf32, #tpu.memory_space<vmem_shared>> -> memref<128x64xf32, #tpu.memory_space<vmem_shared>>
        %dma_wait3A_191 = arith.constant 0 : i32
        %dma_wait3A_192 = tpu.memref_slice %arg17[%add3A_173, %dma_wait3A_191] : memref<10240x64xf32, #tpu.memory_space<vmem_shared>> -> memref<128x64xf32, #tpu.memory_space<vmem_shared>>
        tpu.wait_dma2 semaphore(%run_scoped3A : memref<!tpu.dma_semaphore, #tpu.memory_space<semaphore_mem>>) src(%dma_wait3A_192 : memref<128x64xf32, #tpu.memory_space<vmem_shared>>) dst(%arg12 : memref<128x64xf32, #tpu.memory_space<vmem>>)
        tpu.yield
      }) : () -> ()
      "tpu.region"() ({
        %run_scoped3A = tpu.sem_alloc : memref<!tpu.dma_semaphore, #tpu.memory_space<semaphore_mem>>
        %dma_start3A_186 = arith.constant 0 : i32
        %dma_start3A_187 = tpu.memref_slice %arg7[%add3A_173, %dma_start3A_186] : memref<10240x64xf32, #tpu.memory_space<hbm>> -> memref<128x64xf32, #tpu.memory_space<hbm>>
        %dma_start3A_188 = arith.constant 0 : i32
        %dma_start3A_189 = tpu.memref_slice %arg7[%add3A_173, %dma_start3A_188] : memref<10240x64xf32, #tpu.memory_space<hbm>> -> memref<128x64xf32, #tpu.memory_space<hbm>>
        tpu.enqueue_dma source(%dma_start3A_189 : memref<128x64xf32, #tpu.memory_space<hbm>>) target(%arg13 : memref<128x64xf32, #tpu.memory_space<vmem>>) target_semaphore(%run_scoped3A : memref<!tpu.dma_semaphore, #tpu.memory_space<semaphore_mem>>)
        %dma_wait3A = arith.constant 0 : i32
        %dma_wait3A_190 = tpu.memref_slice %arg7[%add3A_173, %dma_wait3A] : memref<10240x64xf32, #tpu.memory_space<hbm>> -> memref<128x64xf32, #tpu.memory_space<hbm>>
        %dma_wait3A_191 = arith.constant 0 : i32
        %dma_wait3A_192 = tpu.memref_slice %arg7[%add3A_173, %dma_wait3A_191] : memref<10240x64xf32, #tpu.memory_space<hbm>> -> memref<128x64xf32, #tpu.memory_space<hbm>>
        tpu.wait_dma2 semaphore(%run_scoped3A : memref<!tpu.dma_semaphore, #tpu.memory_space<semaphore_mem>>) src(%dma_wait3A_192 : memref<128x64xf32, #tpu.memory_space<hbm>>) dst(%arg13 : memref<128x64xf32, #tpu.memory_space<vmem>>)
        tpu.yield
      }) : () -> ()
      %scan3A_174 = arith.constant 0 : i32
      %scan3A_175 = arith.constant 0 : i32
      %scan3A_176 = arith.constant 128 : i32
      %scan3A_177 = arith.addi %scan3A_175, %scan3A_176 : i32
      %scan3A_178 = arith.constant 1 : i32
      %scan3A_179 = scf.for %scan3A_186 = %scan3A_175 to %scan3A_177 step %scan3A_178 iter_args(%scan3A_187 = %scan3A_174) -> (i32)  : i32 {
        %get3A = arith.index_cast %scan3A_186 : i32 to index
        %get3A_188 = arith.constant 0 : index
        %get3A_189 = tpu.vector_load %arg12[%get3A, %get3A_188] {strides = array<i32>} : memref<128x64xf32, #tpu.memory_space<vmem>>, vector<1x16xf32>,
        %get3A_190 = vector.shape_cast %get3A_189 : vector<1x16xf32> to vector<16xf32>
        %get3A_191 = arith.index_cast %scan3A_186 : i32 to index
        %get3A_192 = arith.constant 0 : index
        %get3A_193 = tpu.vector_load %arg13[%get3A_191, %get3A_192] {strides = array<i32>} : memref<128x64xf32, #tpu.memory_space<vmem>>, vector<1x16xf32>,
        %get3A_194 = vector.shape_cast %get3A_193 : vector<1x16xf32> to vector<16xf32>
        %mul3A_195 = arith.mulf %get3A_190, %get3A_194 : vector<16xf32>
        %swap3A = arith.index_cast %scan3A_186 : i32 to index
        %swap3A_196 = arith.constant 0 : index
        %swap3A_197 = tpu.vector_load %arg12[%swap3A, %swap3A_196] {strides = array<i32>} : memref<128x64xf32, #tpu.memory_space<vmem>>, vector<1x16xf32>,
        %swap3A_198 = vector.shape_cast %swap3A_197 : vector<1x16xf32> to vector<16xf32>
        %swap3A_199 = vector.shape_cast %mul3A_195 : vector<16xf32> to vector<1x16xf32>
        tpu.vector_store %arg12[%swap3A, %swap3A_196], %swap3A_199 {strides = array<i32>} : memref<128x64xf32, #tpu.memory_space<vmem>>, vector<1x16xf32>,
        %get3A_200 = arith.index_cast %scan3A_186 : i32 to index
        %get3A_201 = arith.constant 16 : index
        %get3A_202 = tpu.vector_load %arg12[%get3A_200, %get3A_201] {strides = array<i32>} : memref<128x64xf32, #tpu.memory_space<vmem>>, vector<1x16xf32>,
        %get3A_203 = vector.shape_cast %get3A_202 : vector<1x16xf32> to vector<16xf32>
        %get3A_204 = arith.index_cast %scan3A_186 : i32 to index
        %get3A_205 = arith.constant 16 : index
        %get3A_206 = tpu.vector_load %arg13[%get3A_204, %get3A_205] {strides = array<i32>} : memref<128x64xf32, #tpu.memory_space<vmem>>, vector<1x16xf32>,
        %get3A_207 = vector.shape_cast %get3A_206 : vector<1x16xf32> to vector<16xf32>
        %mul3A_208 = arith.mulf %get3A_203, %get3A_207 : vector<16xf32>
        %swap3A_209 = arith.index_cast %scan3A_186 : i32 to index
        %swap3A_210 = arith.constant 16 : index
        %swap3A_211 = tpu.vector_load %arg12[%swap3A_209, %swap3A_210] {strides = array<i32>} : memref<128x64xf32, #tpu.memory_space<vmem>>, vector<1x16xf32>,
        %swap3A_212 = vector.shape_cast %swap3A_211 : vector<1x16xf32> to vector<16xf32>
        %swap3A_213 = vector.shape_cast %mul3A_208 : vector<16xf32> to vector<1x16xf32>
        tpu.vector_store %arg12[%swap3A_209, %swap3A_210], %swap3A_213 {strides = array<i32>} : memref<128x64xf32, #tpu.memory_space<vmem>>, vector<1x16xf32>,
        %get3A_214 = arith.index_cast %scan3A_186 : i32 to index
        %get3A_215 = arith.constant 32 : index
        %get3A_216 = tpu.vector_load %arg12[%get3A_214, %get3A_215] {strides = array<i32>} : memref<128x64xf32, #tpu.memory_space<vmem>>, vector<1x16xf32>,
        %get3A_217 = vector.shape_cast %get3A_216 : vector<1x16xf32> to vector<16xf32>
        %get3A_218 = arith.index_cast %scan3A_186 : i32 to index
        %get3A_219 = arith.constant 32 : index
        %get3A_220 = tpu.vector_load %arg13[%get3A_218, %get3A_219] {strides = array<i32>} : memref<128x64xf32, #tpu.memory_space<vmem>>, vector<1x16xf32>,
        %get3A_221 = vector.shape_cast %get3A_220 : vector<1x16xf32> to vector<16xf32>
        %mul3A_222 = arith.mulf %get3A_217, %get3A_221 : vector<16xf32>
        %swap3A_223 = arith.index_cast %scan3A_186 : i32 to index
        %swap3A_224 = arith.constant 32 : index
        %swap3A_225 = tpu.vector_load %arg12[%swap3A_223, %swap3A_224] {strides = array<i32>} : memref<128x64xf32, #tpu.memory_space<vmem>>, vector<1x16xf32>,
        %swap3A_226 = vector.shape_cast %swap3A_225 : vector<1x16xf32> to vector<16xf32>
        %swap3A_227 = vector.shape_cast %mul3A_222 : vector<16xf32> to vector<1x16xf32>
        tpu.vector_store %arg12[%swap3A_223, %swap3A_224], %swap3A_227 {strides = array<i32>} : memref<128x64xf32, #tpu.memory_space<vmem>>, vector<1x16xf32>,
        %get3A_228 = arith.index_cast %scan3A_186 : i32 to index
        %get3A_229 = arith.constant 48 : index
        %get3A_230 = tpu.vector_load %arg12[%get3A_228, %get3A_229] {strides = array<i32>} : memref<128x64xf32, #tpu.memory_space<vmem>>, vector<1x16xf32>,
        %get3A_231 = vector.shape_cast %get3A_230 : vector<1x16xf32> to vector<16xf32>
        %get3A_232 = arith.index_cast %scan3A_186 : i32 to index
        %get3A_233 = arith.constant 48 : index
        %get3A_234 = tpu.vector_load %arg13[%get3A_232, %get3A_233] {strides = array<i32>} : memref<128x64xf32, #tpu.memory_space<vmem>>, vector<1x16xf32>,
        %get3A_235 = vector.shape_cast %get3A_234 : vector<1x16xf32> to vector<16xf32>
        %mul3A_236 = arith.mulf %get3A_231, %get3A_235 : vector<16xf32>
        %swap3A_237 = arith.index_cast %scan3A_186 : i32 to index
        %swap3A_238 = arith.constant 48 : index
        %swap3A_239 = tpu.vector_load %arg12[%swap3A_237, %swap3A_238] {strides = array<i32>} : memref<128x64xf32, #tpu.memory_space<vmem>>, vector<1x16xf32>,
        %swap3A_240 = vector.shape_cast %swap3A_239 : vector<1x16xf32> to vector<16xf32>
        %swap3A_241 = vector.shape_cast %mul3A_236 : vector<16xf32> to vector<1x16xf32>
        tpu.vector_store %arg12[%swap3A_237, %swap3A_238], %swap3A_241 {strides = array<i32>} : memref<128x64xf32, #tpu.memory_space<vmem>>, vector<1x16xf32>,
        %scan3A_242 = arith.constant 0 : i32
        scf.yield %scan3A_242 : i32
      }
      %scan3A_180 = arith.constant 128 : i32
      %add3A_181 = arith.addi %mul3A_81, %mul3A_0 : i32
      %mul3A_182 = arith.constant 128 : i32
      %mul3A_183 = arith.muli %scan3A_169, %mul3A_182 : i32
      %add3A_184 = arith.addi %add3A_181, %mul3A_183 : i32
      "tpu.region"() ({
        %run_scoped3A = tpu.sem_alloc : memref<!tpu.dma_semaphore, #tpu.memory_space<semaphore_mem>>
        %dma_start3A_186 = arith.constant 0 : i32
        %dma_start3A_187 = tpu.memref_slice %arg6[%add3A_184, %dma_start3A_186] : memref<40960x64xf32, #tpu.memory_space<hbm>> -> memref<128x64xf32, #tpu.memory_space<hbm>>
        %dma_start3A_188 = arith.constant 0 : i32
        %dma_start3A_189 = tpu.memref_slice %arg6[%add3A_184, %dma_start3A_188] : memref<40960x64xf32, #tpu.memory_space<hbm>> -> memref<128x64xf32, #tpu.memory_space<hbm>>
        tpu.enqueue_dma source(%arg12 : memref<128x64xf32, #tpu.memory_space<vmem>>) target(%dma_start3A_189 : memref<128x64xf32, #tpu.memory_space<hbm>>) target_semaphore(%run_scoped3A : memref<!tpu.dma_semaphore, #tpu.memory_space<semaphore_mem>>)
        %dma_wait3A = arith.constant 0 : i32
        %dma_wait3A_190 = tpu.memref_slice %arg6[%add3A_184, %dma_wait3A] : memref<40960x64xf32, #tpu.memory_space<hbm>> -> memref<128x64xf32, #tpu.memory_space<hbm>>
        %dma_wait3A_191 = arith.constant 0 : i32
        %dma_wait3A_192 = tpu.memref_slice %arg6[%add3A_184, %dma_wait3A_191] : memref<40960x64xf32, #tpu.memory_space<hbm>> -> memref<128x64xf32, #tpu.memory_space<hbm>>
        tpu.wait_dma2 semaphore(%run_scoped3A : memref<!tpu.dma_semaphore, #tpu.memory_space<semaphore_mem>>) src(%arg12 : memref<128x64xf32, #tpu.memory_space<vmem>>) dst(%dma_wait3A_192 : memref<128x64xf32, #tpu.memory_space<hbm>>)
        tpu.yield
      }) : () -> ()
      "tpu.region"() ({
        %run_scoped3A = tpu.sem_alloc : memref<!tpu.dma_semaphore, #tpu.memory_space<semaphore_mem>>
        %dma_start3A_186 = arith.constant 0 : i32
        %dma_start3A_187 = tpu.memref_slice %arg17[%add3A_173, %dma_start3A_186] : memref<10240x64xf32, #tpu.memory_space<vmem_shared>> -> memref<128x64xf32, #tpu.memory_space<vmem_shared>>
        %dma_start3A_188 = arith.constant 0 : i32
        %dma_start3A_189 = tpu.memref_slice %arg17[%add3A_173, %dma_start3A_188] : memref<10240x64xf32, #tpu.memory_space<vmem_shared>> -> memref<128x64xf32, #tpu.memory_space<vmem_shared>>
        tpu.enqueue_dma source(%arg14 : memref<128x64xf32, #tpu.memory_space<vmem>>) target(%dma_start3A_189 : memref<128x64xf32, #tpu.memory_space<vmem_shared>>) target_semaphore(%run_scoped3A : memref<!tpu.dma_semaphore, #tpu.memory_space<semaphore_mem>>)
        %dma_wait3A = arith.constant 0 : i32
        %dma_wait3A_190 = tpu.memref_slice %arg17[%add3A_173, %dma_wait3A] : memref<10240x64xf32, #tpu.memory_space<vmem_shared>> -> memref<128x64xf32, #tpu.memory_space<vmem_shared>>
        %dma_wait3A_191 = arith.constant 0 : i32
        %dma_wait3A_192 = tpu.memref_slice %arg17[%add3A_173, %dma_wait3A_191] : memref<10240x64xf32, #tpu.memory_space<vmem_shared>> -> memref<128x64xf32, #tpu.memory_space<vmem_shared>>
        tpu.wait_dma2 semaphore(%run_scoped3A : memref<!tpu.dma_semaphore, #tpu.memory_space<semaphore_mem>>) src(%arg14 : memref<128x64xf32, #tpu.memory_space<vmem>>) dst(%dma_wait3A_192 : memref<128x64xf32, #tpu.memory_space<vmem_shared>>)
        tpu.yield
      }) : () -> ()
      %scan3A_185 = arith.constant 0 : i32
      scf.yield %scan3A_185 : i32
    }
    %scan3A_103 = arith.constant 5 : i32
    %barrier3A_104 = arith.constant 0 : index
    tpu.barrier barrier_id(%barrier3A_104)
    %scan3A_105 = arith.constant 0 : i32
    %scan3A_106 = arith.constant 0 : i32
    %scan3A_107 = arith.constant 128 : i32
    %scan3A_108 = arith.addi %scan3A_106, %scan3A_107 : i32
    %scan3A_109 = arith.constant 1 : i32
    %scan3A_110 = scf.for %scan3A_169 = %scan3A_106 to %scan3A_108 step %scan3A_109 iter_args(%scan3A_170 = %scan3A_105) -> (i32)  : i32 {
      %get3A = arith.index_cast %scan3A_169 : i32 to index
      %get3A_171 = arith.constant 0 : index
      %get3A_172 = tpu.vector_load %arg8[%get3A, %get3A_171] {strides = array<i32>} : memref<128x80xi32, #tpu.memory_space<vmem>>, vector<1x16xi32>,
      %get3A_173 = vector.shape_cast %get3A_172 : vector<1x16xi32> to vector<16xi32>
      %add3A_174 = arith.constant 10240 : i32
      %add3A_175 = vector.broadcast %add3A_174 : i32 to vector<16xi32>
      %add3A_176 = arith.addi %get3A_173, %add3A_175 : vector<16xi32>
      %swap3A = arith.index_cast %scan3A_169 : i32 to index
      %swap3A_177 = arith.constant 0 : index
      %swap3A_178 = tpu.vector_load %arg8[%swap3A, %swap3A_177] {strides = array<i32>} : memref<128x80xi32, #tpu.memory_space<vmem>>, vector<1x16xi32>,
      %swap3A_179 = vector.shape_cast %swap3A_178 : vector<1x16xi32> to vector<16xi32>
      %swap3A_180 = vector.shape_cast %add3A_176 : vector<16xi32> to vector<1x16xi32>
      tpu.vector_store %arg8[%swap3A, %swap3A_177], %swap3A_180 {strides = array<i32>} : memref<128x80xi32, #tpu.memory_space<vmem>>, vector<1x16xi32>,
      %get3A_181 = arith.index_cast %scan3A_169 : i32 to index
      %get3A_182 = arith.constant 16 : index
      %get3A_183 = tpu.vector_load %arg8[%get3A_181, %get3A_182] {strides = array<i32>} : memref<128x80xi32, #tpu.memory_space<vmem>>, vector<1x16xi32>,
      %get3A_184 = vector.shape_cast %get3A_183 : vector<1x16xi32> to vector<16xi32>
      %add3A_185 = arith.constant 10240 : i32
      %add3A_186 = vector.broadcast %add3A_185 : i32 to vector<16xi32>
      %add3A_187 = arith.addi %get3A_184, %add3A_186 : vector<16xi32>
      %swap3A_188 = arith.index_cast %scan3A_169 : i32 to index
      %swap3A_189 = arith.constant 16 : index
      %swap3A_190 = tpu.vector_load %arg8[%swap3A_188, %swap3A_189] {strides = array<i32>} : memref<128x80xi32, #tpu.memory_space<vmem>>, vector<1x16xi32>,
      %swap3A_191 = vector.shape_cast %swap3A_190 : vector<1x16xi32> to vector<16xi32>
      %swap3A_192 = vector.shape_cast %add3A_187 : vector<16xi32> to vector<1x16xi32>
      tpu.vector_store %arg8[%swap3A_188, %swap3A_189], %swap3A_192 {strides = array<i32>} : memref<128x80xi32, #tpu.memory_space<vmem>>, vector<1x16xi32>,
      %get3A_193 = arith.index_cast %scan3A_169 : i32 to index
      %get3A_194 = arith.constant 32 : index
      %get3A_195 = tpu.vector_load %arg8[%get3A_193, %get3A_194] {strides = array<i32>} : memref<128x80xi32, #tpu.memory_space<vmem>>, vector<1x16xi32>,
      %get3A_196 = vector.shape_cast %get3A_195 : vector<1x16xi32> to vector<16xi32>
      %add3A_197 = arith.constant 10240 : i32
      %add3A_198 = vector.broadcast %add3A_197 : i32 to vector<16xi32>
      %add3A_199 = arith.addi %get3A_196, %add3A_198 : vector<16xi32>
      %swap3A_200 = arith.index_cast %scan3A_169 : i32 to index
      %swap3A_201 = arith.constant 32 : index
      %swap3A_202 = tpu.vector_load %arg8[%swap3A_200, %swap3A_201] {strides = array<i32>} : memref<128x80xi32, #tpu.memory_space<vmem>>, vector<1x16xi32>,
      %swap3A_203 = vector.shape_cast %swap3A_202 : vector<1x16xi32> to vector<16xi32>
      %swap3A_204 = vector.shape_cast %add3A_199 : vector<16xi32> to vector<1x16xi32>
      tpu.vector_store %arg8[%swap3A_200, %swap3A_201], %swap3A_204 {strides = array<i32>} : memref<128x80xi32, #tpu.memory_space<vmem>>, vector<1x16xi32>,
      %get3A_205 = arith.index_cast %scan3A_169 : i32 to index
      %get3A_206 = arith.constant 48 : index
      %get3A_207 = tpu.vector_load %arg8[%get3A_205, %get3A_206] {strides = array<i32>} : memref<128x80xi32, #tpu.memory_space<vmem>>, vector<1x16xi32>,
      %get3A_208 = vector.shape_cast %get3A_207 : vector<1x16xi32> to vector<16xi32>
      %add3A_209 = arith.constant 10240 : i32
      %add3A_210 = vector.broadcast %add3A_209 : i32 to vector<16xi32>
      %add3A_211 = arith.addi %get3A_208, %add3A_210 : vector<16xi32>
      %swap3A_212 = arith.index_cast %scan3A_169 : i32 to index
      %swap3A_213 = arith.constant 48 : index
      %swap3A_214 = tpu.vector_load %arg8[%swap3A_212, %swap3A_213] {strides = array<i32>} : memref<128x80xi32, #tpu.memory_space<vmem>>, vector<1x16xi32>,
      %swap3A_215 = vector.shape_cast %swap3A_214 : vector<1x16xi32> to vector<16xi32>
      %swap3A_216 = vector.shape_cast %add3A_211 : vector<16xi32> to vector<1x16xi32>
      tpu.vector_store %arg8[%swap3A_212, %swap3A_213], %swap3A_216 {strides = array<i32>} : memref<128x80xi32, #tpu.memory_space<vmem>>, vector<1x16xi32>,
      %get3A_217 = arith.index_cast %scan3A_169 : i32 to index
      %get3A_218 = arith.constant 64 : index
      %get3A_219 = tpu.vector_load %arg8[%get3A_217, %get3A_218] {strides = array<i32>} : memref<128x80xi32, #tpu.memory_space<vmem>>, vector<1x16xi32>,
      %get3A_220 = vector.shape_cast %get3A_219 : vector<1x16xi32> to vector<16xi32>
      %add3A_221 = arith.constant 10240 : i32
      %add3A_222 = vector.broadcast %add3A_221 : i32 to vector<16xi32>
      %add3A_223 = arith.addi %get3A_220, %add3A_222 : vector<16xi32>
      %swap3A_224 = arith.index_cast %scan3A_169 : i32 to index
      %swap3A_225 = arith.constant 64 : index
      %swap3A_226 = tpu.vector_load %arg8[%swap3A_224, %swap3A_225] {strides = array<i32>} : memref<128x80xi32, #tpu.memory_space<vmem>>, vector<1x16xi32>,
      %swap3A_227 = vector.shape_cast %swap3A_226 : vector<1x16xi32> to vector<16xi32>
      %swap3A_228 = vector.shape_cast %add3A_223 : vector<16xi32> to vector<1x16xi32>
      tpu.vector_store %arg8[%swap3A_224, %swap3A_225], %swap3A_228 {strides = array<i32>} : memref<128x80xi32, #tpu.memory_space<vmem>>, vector<1x16xi32>,
      %scan3A_229 = arith.constant 0 : i32
      scf.yield %scan3A_229 : i32
    }
    %scan3A_111 = arith.constant 128 : i32
    %mul3A_112 = arith.constant 2 : i32
    %mul3A_113 = arith.muli %mul3A_112, %arg0 : i32
    %add3A = arith.constant 1 : i32
    %add3A_114 = arith.addi %mul3A_113, %add3A : i32
    %mul3A_115 = arith.constant 10240 : i32
    %mul3A_116 = arith.muli %add3A_114, %mul3A_115 : i32
    %dma_start3A_117 = arith.constant 0 : i32
    %dma_start3A_118 = arith.constant 0 : i32
    %dma_start3A_119 = tpu.memref_slice %arg8[%dma_start3A_117, %dma_start3A_118] : memref<128x80xi32, #tpu.memory_space<vmem>> -> memref<1x80xi32, #tpu.memory_space<vmem>>
    %dma_start3A_120 = tpu.memref_squeeze %dma_start3A_119 : memref<1x80xi32, #tpu.memory_space<vmem>> -> memref<80xi32, #tpu.memory_space<vmem>>
    %dma_start3A_121 = arith.constant 0 : i32
    %dma_start3A_122 = arith.constant 0 : i32
    %dma_start3A_123 = tpu.memref_slice %arg2[%dma_start3A_121, %dma_start3A_122] : memref<40960x64xf32, #tpu.memory_space<hbm>> -> memref<40960x64xf32, #tpu.memory_space<hbm>>
    tpu.enqueue_indirect_dma source(%dma_start3A_123 : memref<40960x64xf32, #tpu.memory_space<hbm>>) target(%arg10 : memref<80x64xf32, #tpu.memory_space<vmem>>) offsets(%dma_start3A_120 : memref<80xi32, #tpu.memory_space<vmem>>) semaphore(%arg15 : memref<!tpu.dma_semaphore, #tpu.memory_space<semaphore_mem>>)
    %scan3A_124 = arith.constant 0 : i32
    %scan3A_125 = arith.constant 0 : i32
    %scan3A_126 = arith.constant 64 : i32
    %scan3A_127 = arith.addi %scan3A_125, %scan3A_126 : i32
    %scan3A_128 = arith.constant 1 : i32
    %scan3A_129 = scf.for %scan3A_169 = %scan3A_125 to %scan3A_127 step %scan3A_128 iter_args(%scan3A_170 = %scan3A_124) -> (i32)  : i32 {
      %mul3A_171 = arith.constant 2 : i32
      %mul3A_172 = arith.muli %mul3A_171, %scan3A_169 : i32
      %dma_wait3A = arith.constant 0 : i32
      %dma_wait3A_173 = tpu.memref_slice %arg8[%mul3A_172, %dma_wait3A] : memref<128x80xi32, #tpu.memory_space<vmem>> -> memref<1x80xi32, #tpu.memory_space<vmem>>
      %dma_wait3A_174 = tpu.memref_squeeze %dma_wait3A_173 : memref<1x80xi32, #tpu.memory_space<vmem>> -> memref<80xi32, #tpu.memory_space<vmem>>
      %dma_wait3A_175 = arith.constant 0 : i32
      %dma_wait3A_176 = arith.constant 0 : i32
      %dma_wait3A_177 = tpu.memref_slice %arg2[%dma_wait3A_175, %dma_wait3A_176] : memref<40960x64xf32, #tpu.memory_space<hbm>> -> memref<40960x64xf32, #tpu.memory_space<hbm>>
      tpu.wait_indirect_dma semaphore(%arg15 : memref<!tpu.dma_semaphore, #tpu.memory_space<semaphore_mem>>) src(%dma_wait3A_177 : memref<40960x64xf32, #tpu.memory_space<hbm>>) dst(%arg10 : memref<80x64xf32, #tpu.memory_space<vmem>>)
      %add3A_178 = arith.constant 1 : i32
      %add3A_179 = arith.addi %mul3A_172, %add3A_178 : i32
      %dma_start3A_180 = arith.constant 0 : i32
      %dma_start3A_181 = tpu.memref_slice %arg8[%add3A_179, %dma_start3A_180] : memref<128x80xi32, #tpu.memory_space<vmem>> -> memref<1x80xi32, #tpu.memory_space<vmem>>
      %dma_start3A_182 = tpu.memref_squeeze %dma_start3A_181 : memref<1x80xi32, #tpu.memory_space<vmem>> -> memref<80xi32, #tpu.memory_space<vmem>>
      %dma_start3A_183 = arith.constant 0 : i32
      %dma_start3A_184 = arith.constant 0 : i32
      %dma_start3A_185 = tpu.memref_slice %arg2[%dma_start3A_183, %dma_start3A_184] : memref<40960x64xf32, #tpu.memory_space<hbm>> -> memref<40960x64xf32, #tpu.memory_space<hbm>>
      tpu.enqueue_indirect_dma source(%dma_start3A_185 : memref<40960x64xf32, #tpu.memory_space<hbm>>) target(%arg11 : memref<80x64xf32, #tpu.memory_space<vmem>>) offsets(%dma_start3A_182 : memref<80xi32, #tpu.memory_space<vmem>>) semaphore(%arg16 : memref<!tpu.dma_semaphore, #tpu.memory_space<semaphore_mem>>)
      "tpu.region"() ({
        %run_scoped3A = tpu.sem_alloc : memref<!tpu.dma_semaphore, #tpu.memory_space<semaphore_mem>>
        %dma_start3A_201 = arith.constant 0 : i32
        %dma_start3A_202 = tpu.memref_slice %arg9[%mul3A_172, %dma_start3A_201] : memref<128x80xi32, #tpu.memory_space<vmem>> -> memref<1x80xi32, #tpu.memory_space<vmem>>
        %dma_start3A_203 = tpu.memref_squeeze %dma_start3A_202 : memref<1x80xi32, #tpu.memory_space<vmem>> -> memref<80xi32, #tpu.memory_space<vmem>>
        %dma_start3A_204 = arith.constant 0 : i32
        %dma_start3A_205 = arith.constant 0 : i32
        %dma_start3A_206 = tpu.memref_slice %arg17[%dma_start3A_204, %dma_start3A_205] : memref<10240x64xf32, #tpu.memory_space<vmem_shared>> -> memref<10240x64xf32, #tpu.memory_space<vmem_shared>>
        tpu.enqueue_indirect_dma source(%arg10 : memref<80x64xf32, #tpu.memory_space<vmem>>) target(%dma_start3A_206 : memref<10240x64xf32, #tpu.memory_space<vmem_shared>>) offsets(%dma_start3A_203 : memref<80xi32, #tpu.memory_space<vmem>>) semaphore(%run_scoped3A : memref<!tpu.dma_semaphore, #tpu.memory_space<semaphore_mem>>) {add = true}
        %dma_wait3A_207 = arith.constant 0 : i32
        %dma_wait3A_208 = tpu.memref_slice %arg9[%mul3A_172, %dma_wait3A_207] : memref<128x80xi32, #tpu.memory_space<vmem>> -> memref<1x80xi32, #tpu.memory_space<vmem>>
        %dma_wait3A_209 = tpu.memref_squeeze %dma_wait3A_208 : memref<1x80xi32, #tpu.memory_space<vmem>> -> memref<80xi32, #tpu.memory_space<vmem>>
        %dma_wait3A_210 = arith.constant 0 : i32
        %dma_wait3A_211 = arith.constant 0 : i32
        %dma_wait3A_212 = tpu.memref_slice %arg17[%dma_wait3A_210, %dma_wait3A_211] : memref<10240x64xf32, #tpu.memory_space<vmem_shared>> -> memref<10240x64xf32, #tpu.memory_space<vmem_shared>>
        tpu.wait_indirect_dma semaphore(%run_scoped3A : memref<!tpu.dma_semaphore, #tpu.memory_space<semaphore_mem>>) src(%arg10 : memref<80x64xf32, #tpu.memory_space<vmem>>) dst(%dma_wait3A_212 : memref<10240x64xf32, #tpu.memory_space<vmem_shared>>)
        tpu.yield
      }) : () -> ()
      %add3A_186 = arith.constant 1 : i32
      %add3A_187 = arith.addi %mul3A_172, %add3A_186 : i32
      %dma_wait3A_188 = arith.constant 0 : i32
      %dma_wait3A_189 = tpu.memref_slice %arg8[%add3A_187, %dma_wait3A_188] : memref<128x80xi32, #tpu.memory_space<vmem>> -> memref<1x80xi32, #tpu.memory_space<vmem>>
      %dma_wait3A_190 = tpu.memref_squeeze %dma_wait3A_189 : memref<1x80xi32, #tpu.memory_space<vmem>> -> memref<80xi32, #tpu.memory_space<vmem>>
      %dma_wait3A_191 = arith.constant 0 : i32
      %dma_wait3A_192 = arith.constant 0 : i32
      %dma_wait3A_193 = tpu.memref_slice %arg2[%dma_wait3A_191, %dma_wait3A_192] : memref<40960x64xf32, #tpu.memory_space<hbm>> -> memref<40960x64xf32, #tpu.memory_space<hbm>>
      tpu.wait_indirect_dma semaphore(%arg16 : memref<!tpu.dma_semaphore, #tpu.memory_space<semaphore_mem>>) src(%dma_wait3A_193 : memref<40960x64xf32, #tpu.memory_space<hbm>>) dst(%arg11 : memref<80x64xf32, #tpu.memory_space<vmem>>)
      %add3A_194 = arith.constant 2 : i32
      %add3A_195 = arith.addi %mul3A_172, %add3A_194 : i32
      %lt3A = arith.constant 128 : i32
      %lt3A_196 = arith.cmpi slt, %add3A_195, %lt3A : i32
      %convert_element_type3A = arith.extui %lt3A_196 : i1 to i32
      %cond3A = arith.constant 0 : i32
      %cond3A_197 = arith.cmpi ne, %convert_element_type3A, %cond3A : i32
      scf.if %cond3A_197 {
        %add3A_201 = arith.constant 2 : i32
        %add3A_202 = arith.addi %mul3A_172, %add3A_201 : i32
        %dma_start3A_203 = arith.constant 0 : i32
        %dma_start3A_204 = tpu.memref_slice %arg8[%add3A_202, %dma_start3A_203] : memref<128x80xi32, #tpu.memory_space<vmem>> -> memref<1x80xi32, #tpu.memory_space<vmem>>
        %dma_start3A_205 = tpu.memref_squeeze %dma_start3A_204 : memref<1x80xi32, #tpu.memory_space<vmem>> -> memref<80xi32, #tpu.memory_space<vmem>>
        %dma_start3A_206 = arith.constant 0 : i32
        %dma_start3A_207 = arith.constant 0 : i32
        %dma_start3A_208 = tpu.memref_slice %arg2[%dma_start3A_206, %dma_start3A_207] : memref<40960x64xf32, #tpu.memory_space<hbm>> -> memref<40960x64xf32, #tpu.memory_space<hbm>>
        tpu.enqueue_indirect_dma source(%dma_start3A_208 : memref<40960x64xf32, #tpu.memory_space<hbm>>) target(%arg10 : memref<80x64xf32, #tpu.memory_space<vmem>>) offsets(%dma_start3A_205 : memref<80xi32, #tpu.memory_space<vmem>>) semaphore(%arg15 : memref<!tpu.dma_semaphore, #tpu.memory_space<semaphore_mem>>)
      } else {
      }
      %add3A_198 = arith.constant 1 : i32
      %add3A_199 = arith.addi %mul3A_172, %add3A_198 : i32
      "tpu.region"() ({
        %run_scoped3A = tpu.sem_alloc : memref<!tpu.dma_semaphore, #tpu.memory_space<semaphore_mem>>
        %dma_start3A_201 = arith.constant 0 : i32
        %dma_start3A_202 = tpu.memref_slice %arg9[%add3A_199, %dma_start3A_201] : memref<128x80xi32, #tpu.memory_space<vmem>> -> memref<1x80xi32, #tpu.memory_space<vmem>>
        %dma_start3A_203 = tpu.memref_squeeze %dma_start3A_202 : memref<1x80xi32, #tpu.memory_space<vmem>> -> memref<80xi32, #tpu.memory_space<vmem>>
        %dma_start3A_204 = arith.constant 0 : i32
        %dma_start3A_205 = arith.constant 0 : i32
        %dma_start3A_206 = tpu.memref_slice %arg17[%dma_start3A_204, %dma_start3A_205] : memref<10240x64xf32, #tpu.memory_space<vmem_shared>> -> memref<10240x64xf32, #tpu.memory_space<vmem_shared>>
        tpu.enqueue_indirect_dma source(%arg11 : memref<80x64xf32, #tpu.memory_space<vmem>>) target(%dma_start3A_206 : memref<10240x64xf32, #tpu.memory_space<vmem_shared>>) offsets(%dma_start3A_203 : memref<80xi32, #tpu.memory_space<vmem>>) semaphore(%run_scoped3A : memref<!tpu.dma_semaphore, #tpu.memory_space<semaphore_mem>>) {add = true}
        %dma_wait3A_207 = arith.constant 0 : i32
        %dma_wait3A_208 = tpu.memref_slice %arg9[%add3A_199, %dma_wait3A_207] : memref<128x80xi32, #tpu.memory_space<vmem>> -> memref<1x80xi32, #tpu.memory_space<vmem>>
        %dma_wait3A_209 = tpu.memref_squeeze %dma_wait3A_208 : memref<1x80xi32, #tpu.memory_space<vmem>> -> memref<80xi32, #tpu.memory_space<vmem>>
        %dma_wait3A_210 = arith.constant 0 : i32
        %dma_wait3A_211 = arith.constant 0 : i32
        %dma_wait3A_212 = tpu.memref_slice %arg17[%dma_wait3A_210, %dma_wait3A_211] : memref<10240x64xf32, #tpu.memory_space<vmem_shared>> -> memref<10240x64xf32, #tpu.memory_space<vmem_shared>>
        tpu.wait_indirect_dma semaphore(%run_scoped3A : memref<!tpu.dma_semaphore, #tpu.memory_space<semaphore_mem>>) src(%arg11 : memref<80x64xf32, #tpu.memory_space<vmem>>) dst(%dma_wait3A_212 : memref<10240x64xf32, #tpu.memory_space<vmem_shared>>)
        tpu.yield
      }) : () -> ()
      %scan3A_200 = arith.constant 0 : i32
      scf.yield %scan3A_200 : i32
    }
    %scan3A_130 = arith.constant 64 : i32
    %barrier3A_131 = arith.constant 0 : index
    tpu.barrier barrier_id(%barrier3A_131)
    %scan3A_132 = arith.constant 0 : i32
    %scan3A_133 = arith.constant 0 : i32
    %scan3A_134 = arith.constant 5 : i32
    %scan3A_135 = arith.addi %scan3A_133, %scan3A_134 : i32
    %scan3A_136 = arith.constant 1 : i32
    %scan3A_137 = scf.for %scan3A_169 = %scan3A_133 to %scan3A_135 step %scan3A_136 iter_args(%scan3A_170 = %scan3A_132) -> (i32)  : i32 {
      %mul3A_171 = arith.constant 128 : i32
      %mul3A_172 = arith.muli %scan3A_169, %mul3A_171 : i32
      %add3A_173 = arith.addi %mul3A_0, %mul3A_172 : i32
      "tpu.region"() ({
        %run_scoped3A = tpu.sem_alloc : memref<!tpu.dma_semaphore, #tpu.memory_space<semaphore_mem>>
        %dma_start3A_186 = arith.constant 0 : i32
        %dma_start3A_187 = tpu.memref_slice %arg17[%add3A_173, %dma_start3A_186] : memref<10240x64xf32, #tpu.memory_space<vmem_shared>> -> memref<128x64xf32, #tpu.memory_space<vmem_shared>>
        %dma_start3A_188 = arith.constant 0 : i32
        %dma_start3A_189 = tpu.memref_slice %arg17[%add3A_173, %dma_start3A_188] : memref<10240x64xf32, #tpu.memory_space<vmem_shared>> -> memref<128x64xf32, #tpu.memory_space<vmem_shared>>
        tpu.enqueue_dma source(%dma_start3A_189 : memref<128x64xf32, #tpu.memory_space<vmem_shared>>) target(%arg12 : memref<128x64xf32, #tpu.memory_space<vmem>>) target_semaphore(%run_scoped3A : memref<!tpu.dma_semaphore, #tpu.memory_space<semaphore_mem>>)
        %dma_wait3A = arith.constant 0 : i32
        %dma_wait3A_190 = tpu.memref_slice %arg17[%add3A_173, %dma_wait3A] : memref<10240x64xf32, #tpu.memory_space<vmem_shared>> -> memref<128x64xf32, #tpu.memory_space<vmem_shared>>
        %dma_wait3A_191 = arith.constant 0 : i32
        %dma_wait3A_192 = tpu.memref_slice %arg17[%add3A_173, %dma_wait3A_191] : memref<10240x64xf32, #tpu.memory_space<vmem_shared>> -> memref<128x64xf32, #tpu.memory_space<vmem_shared>>
        tpu.wait_dma2 semaphore(%run_scoped3A : memref<!tpu.dma_semaphore, #tpu.memory_space<semaphore_mem>>) src(%dma_wait3A_192 : memref<128x64xf32, #tpu.memory_space<vmem_shared>>) dst(%arg12 : memref<128x64xf32, #tpu.memory_space<vmem>>)
        tpu.yield
      }) : () -> ()
      "tpu.region"() ({
        %run_scoped3A = tpu.sem_alloc : memref<!tpu.dma_semaphore, #tpu.memory_space<semaphore_mem>>
        %dma_start3A_186 = arith.constant 0 : i32
        %dma_start3A_187 = tpu.memref_slice %arg7[%add3A_173, %dma_start3A_186] : memref<10240x64xf32, #tpu.memory_space<hbm>> -> memref<128x64xf32, #tpu.memory_space<hbm>>
        %dma_start3A_188 = arith.constant 0 : i32
        %dma_start3A_189 = tpu.memref_slice %arg7[%add3A_173, %dma_start3A_188] : memref<10240x64xf32, #tpu.memory_space<hbm>> -> memref<128x64xf32, #tpu.memory_space<hbm>>
        tpu.enqueue_dma source(%dma_start3A_189 : memref<128x64xf32, #tpu.memory_space<hbm>>) target(%arg13 : memref<128x64xf32, #tpu.memory_space<vmem>>) target_semaphore(%run_scoped3A : memref<!tpu.dma_semaphore, #tpu.memory_space<semaphore_mem>>)
        %dma_wait3A = arith.constant 0 : i32
        %dma_wait3A_190 = tpu.memref_slice %arg7[%add3A_173, %dma_wait3A] : memref<10240x64xf32, #tpu.memory_space<hbm>> -> memref<128x64xf32, #tpu.memory_space<hbm>>
        %dma_wait3A_191 = arith.constant 0 : i32
        %dma_wait3A_192 = tpu.memref_slice %arg7[%add3A_173, %dma_wait3A_191] : memref<10240x64xf32, #tpu.memory_space<hbm>> -> memref<128x64xf32, #tpu.memory_space<hbm>>
        tpu.wait_dma2 semaphore(%run_scoped3A : memref<!tpu.dma_semaphore, #tpu.memory_space<semaphore_mem>>) src(%dma_wait3A_192 : memref<128x64xf32, #tpu.memory_space<hbm>>) dst(%arg13 : memref<128x64xf32, #tpu.memory_space<vmem>>)
        tpu.yield
      }) : () -> ()
      %scan3A_174 = arith.constant 0 : i32
      %scan3A_175 = arith.constant 0 : i32
      %scan3A_176 = arith.constant 128 : i32
      %scan3A_177 = arith.addi %scan3A_175, %scan3A_176 : i32
      %scan3A_178 = arith.constant 1 : i32
      %scan3A_179 = scf.for %scan3A_186 = %scan3A_175 to %scan3A_177 step %scan3A_178 iter_args(%scan3A_187 = %scan3A_174) -> (i32)  : i32 {
        %get3A = arith.index_cast %scan3A_186 : i32 to index
        %get3A_188 = arith.constant 0 : index
        %get3A_189 = tpu.vector_load %arg12[%get3A, %get3A_188] {strides = array<i32>} : memref<128x64xf32, #tpu.memory_space<vmem>>, vector<1x16xf32>,
        %get3A_190 = vector.shape_cast %get3A_189 : vector<1x16xf32> to vector<16xf32>
        %get3A_191 = arith.index_cast %scan3A_186 : i32 to index
        %get3A_192 = arith.constant 0 : index
        %get3A_193 = tpu.vector_load %arg13[%get3A_191, %get3A_192] {strides = array<i32>} : memref<128x64xf32, #tpu.memory_space<vmem>>, vector<1x16xf32>,
        %get3A_194 = vector.shape_cast %get3A_193 : vector<1x16xf32> to vector<16xf32>
        %mul3A_195 = arith.mulf %get3A_190, %get3A_194 : vector<16xf32>
        %swap3A = arith.index_cast %scan3A_186 : i32 to index
        %swap3A_196 = arith.constant 0 : index
        %swap3A_197 = tpu.vector_load %arg12[%swap3A, %swap3A_196] {strides = array<i32>} : memref<128x64xf32, #tpu.memory_space<vmem>>, vector<1x16xf32>,
        %swap3A_198 = vector.shape_cast %swap3A_197 : vector<1x16xf32> to vector<16xf32>
        %swap3A_199 = vector.shape_cast %mul3A_195 : vector<16xf32> to vector<1x16xf32>
        tpu.vector_store %arg12[%swap3A, %swap3A_196], %swap3A_199 {strides = array<i32>} : memref<128x64xf32, #tpu.memory_space<vmem>>, vector<1x16xf32>,
        %get3A_200 = arith.index_cast %scan3A_186 : i32 to index
        %get3A_201 = arith.constant 16 : index
        %get3A_202 = tpu.vector_load %arg12[%get3A_200, %get3A_201] {strides = array<i32>} : memref<128x64xf32, #tpu.memory_space<vmem>>, vector<1x16xf32>,
        %get3A_203 = vector.shape_cast %get3A_202 : vector<1x16xf32> to vector<16xf32>
        %get3A_204 = arith.index_cast %scan3A_186 : i32 to index
        %get3A_205 = arith.constant 16 : index
        %get3A_206 = tpu.vector_load %arg13[%get3A_204, %get3A_205] {strides = array<i32>} : memref<128x64xf32, #tpu.memory_space<vmem>>, vector<1x16xf32>,
        %get3A_207 = vector.shape_cast %get3A_206 : vector<1x16xf32> to vector<16xf32>
        %mul3A_208 = arith.mulf %get3A_203, %get3A_207 : vector<16xf32>
        %swap3A_209 = arith.index_cast %scan3A_186 : i32 to index
        %swap3A_210 = arith.constant 16 : index
        %swap3A_211 = tpu.vector_load %arg12[%swap3A_209, %swap3A_210] {strides = array<i32>} : memref<128x64xf32, #tpu.memory_space<vmem>>, vector<1x16xf32>,
        %swap3A_212 = vector.shape_cast %swap3A_211 : vector<1x16xf32> to vector<16xf32>
        %swap3A_213 = vector.shape_cast %mul3A_208 : vector<16xf32> to vector<1x16xf32>
        tpu.vector_store %arg12[%swap3A_209, %swap3A_210], %swap3A_213 {strides = array<i32>} : memref<128x64xf32, #tpu.memory_space<vmem>>, vector<1x16xf32>,
        %get3A_214 = arith.index_cast %scan3A_186 : i32 to index
        %get3A_215 = arith.constant 32 : index
        %get3A_216 = tpu.vector_load %arg12[%get3A_214, %get3A_215] {strides = array<i32>} : memref<128x64xf32, #tpu.memory_space<vmem>>, vector<1x16xf32>,
        %get3A_217 = vector.shape_cast %get3A_216 : vector<1x16xf32> to vector<16xf32>
        %get3A_218 = arith.index_cast %scan3A_186 : i32 to index
        %get3A_219 = arith.constant 32 : index
        %get3A_220 = tpu.vector_load %arg13[%get3A_218, %get3A_219] {strides = array<i32>} : memref<128x64xf32, #tpu.memory_space<vmem>>, vector<1x16xf32>,
        %get3A_221 = vector.shape_cast %get3A_220 : vector<1x16xf32> to vector<16xf32>
        %mul3A_222 = arith.mulf %get3A_217, %get3A_221 : vector<16xf32>
        %swap3A_223 = arith.index_cast %scan3A_186 : i32 to index
        %swap3A_224 = arith.constant 32 : index
        %swap3A_225 = tpu.vector_load %arg12[%swap3A_223, %swap3A_224] {strides = array<i32>} : memref<128x64xf32, #tpu.memory_space<vmem>>, vector<1x16xf32>,
        %swap3A_226 = vector.shape_cast %swap3A_225 : vector<1x16xf32> to vector<16xf32>
        %swap3A_227 = vector.shape_cast %mul3A_222 : vector<16xf32> to vector<1x16xf32>
        tpu.vector_store %arg12[%swap3A_223, %swap3A_224], %swap3A_227 {strides = array<i32>} : memref<128x64xf32, #tpu.memory_space<vmem>>, vector<1x16xf32>,
        %get3A_228 = arith.index_cast %scan3A_186 : i32 to index
        %get3A_229 = arith.constant 48 : index
        %get3A_230 = tpu.vector_load %arg12[%get3A_228, %get3A_229] {strides = array<i32>} : memref<128x64xf32, #tpu.memory_space<vmem>>, vector<1x16xf32>,
        %get3A_231 = vector.shape_cast %get3A_230 : vector<1x16xf32> to vector<16xf32>
        %get3A_232 = arith.index_cast %scan3A_186 : i32 to index
        %get3A_233 = arith.constant 48 : index
        %get3A_234 = tpu.vector_load %arg13[%get3A_232, %get3A_233] {strides = array<i32>} : memref<128x64xf32, #tpu.memory_space<vmem>>, vector<1x16xf32>,
        %get3A_235 = vector.shape_cast %get3A_234 : vector<1x16xf32> to vector<16xf32>
        %mul3A_236 = arith.mulf %get3A_231, %get3A_235 : vector<16xf32>
        %swap3A_237 = arith.index_cast %scan3A_186 : i32 to index
        %swap3A_238 = arith.constant 48 : index
        %swap3A_239 = tpu.vector_load %arg12[%swap3A_237, %swap3A_238] {strides = array<i32>} : memref<128x64xf32, #tpu.memory_space<vmem>>, vector<1x16xf32>,
        %swap3A_240 = vector.shape_cast %swap3A_239 : vector<1x16xf32> to vector<16xf32>
        %swap3A_241 = vector.shape_cast %mul3A_236 : vector<16xf32> to vector<1x16xf32>
        tpu.vector_store %arg12[%swap3A_237, %swap3A_238], %swap3A_241 {strides = array<i32>} : memref<128x64xf32, #tpu.memory_space<vmem>>, vector<1x16xf32>,
        %scan3A_242 = arith.constant 0 : i32
        scf.yield %scan3A_242 : i32
      }
      %scan3A_180 = arith.constant 128 : i32
      %add3A_181 = arith.addi %mul3A_116, %mul3A_0 : i32
      %mul3A_182 = arith.constant 128 : i32
      %mul3A_183 = arith.muli %scan3A_169, %mul3A_182 : i32
      %add3A_184 = arith.addi %add3A_181, %mul3A_183 : i32
      "tpu.region"() ({
        %run_scoped3A = tpu.sem_alloc : memref<!tpu.dma_semaphore, #tpu.memory_space<semaphore_mem>>
        %dma_start3A_186 = arith.constant 0 : i32
        %dma_start3A_187 = tpu.memref_slice %arg5[%add3A_184, %dma_start3A_186] : memref<40960x64xf32, #tpu.memory_space<hbm>> -> memref<128x64xf32, #tpu.memory_space<hbm>>
        %dma_start3A_188 = arith.constant 0 : i32
        %dma_start3A_189 = tpu.memref_slice %arg5[%add3A_184, %dma_start3A_188] : memref<40960x64xf32, #tpu.memory_space<hbm>> -> memref<128x64xf32, #tpu.memory_space<hbm>>
        tpu.enqueue_dma source(%arg12 : memref<128x64xf32, #tpu.memory_space<vmem>>) target(%dma_start3A_189 : memref<128x64xf32, #tpu.memory_space<hbm>>) target_semaphore(%run_scoped3A : memref<!tpu.dma_semaphore, #tpu.memory_space<semaphore_mem>>)
        %dma_wait3A = arith.constant 0 : i32
        %dma_wait3A_190 = tpu.memref_slice %arg5[%add3A_184, %dma_wait3A] : memref<40960x64xf32, #tpu.memory_space<hbm>> -> memref<128x64xf32, #tpu.memory_space<hbm>>
        %dma_wait3A_191 = arith.constant 0 : i32
        %dma_wait3A_192 = tpu.memref_slice %arg5[%add3A_184, %dma_wait3A_191] : memref<40960x64xf32, #tpu.memory_space<hbm>> -> memref<128x64xf32, #tpu.memory_space<hbm>>
        tpu.wait_dma2 semaphore(%run_scoped3A : memref<!tpu.dma_semaphore, #tpu.memory_space<semaphore_mem>>) src(%arg12 : memref<128x64xf32, #tpu.memory_space<vmem>>) dst(%dma_wait3A_192 : memref<128x64xf32, #tpu.memory_space<hbm>>)
        tpu.yield
      }) : () -> ()
      "tpu.region"() ({
        %run_scoped3A = tpu.sem_alloc : memref<!tpu.dma_semaphore, #tpu.memory_space<semaphore_mem>>
        %dma_start3A_186 = arith.constant 0 : i32
        %dma_start3A_187 = tpu.memref_slice %arg17[%add3A_173, %dma_start3A_186] : memref<10240x64xf32, #tpu.memory_space<vmem_shared>> -> memref<128x64xf32, #tpu.memory_space<vmem_shared>>
        %dma_start3A_188 = arith.constant 0 : i32
        %dma_start3A_189 = tpu.memref_slice %arg17[%add3A_173, %dma_start3A_188] : memref<10240x64xf32, #tpu.memory_space<vmem_shared>> -> memref<128x64xf32, #tpu.memory_space<vmem_shared>>
        tpu.enqueue_dma source(%arg14 : memref<128x64xf32, #tpu.memory_space<vmem>>) target(%dma_start3A_189 : memref<128x64xf32, #tpu.memory_space<vmem_shared>>) target_semaphore(%run_scoped3A : memref<!tpu.dma_semaphore, #tpu.memory_space<semaphore_mem>>)
        %dma_wait3A = arith.constant 0 : i32
        %dma_wait3A_190 = tpu.memref_slice %arg17[%add3A_173, %dma_wait3A] : memref<10240x64xf32, #tpu.memory_space<vmem_shared>> -> memref<128x64xf32, #tpu.memory_space<vmem_shared>>
        %dma_wait3A_191 = arith.constant 0 : i32
        %dma_wait3A_192 = tpu.memref_slice %arg17[%add3A_173, %dma_wait3A_191] : memref<10240x64xf32, #tpu.memory_space<vmem_shared>> -> memref<128x64xf32, #tpu.memory_space<vmem_shared>>
        tpu.wait_dma2 semaphore(%run_scoped3A : memref<!tpu.dma_semaphore, #tpu.memory_space<semaphore_mem>>) src(%arg14 : memref<128x64xf32, #tpu.memory_space<vmem>>) dst(%dma_wait3A_192 : memref<128x64xf32, #tpu.memory_space<vmem_shared>>)
        tpu.yield
      }) : () -> ()
      %scan3A_185 = arith.constant 0 : i32
      scf.yield %scan3A_185 : i32
    }
    %scan3A_138 = arith.constant 5 : i32
    %barrier3A_139 = arith.constant 0 : index
    tpu.barrier barrier_id(%barrier3A_139)
    %mul3A_140 = arith.constant 2 : i32
    %mul3A_141 = arith.muli %mul3A_140, %arg0 : i32
    %add3A_142 = arith.constant 1 : i32
    %add3A_143 = arith.addi %mul3A_141, %add3A_142 : i32
    %mul3A_144 = arith.constant 10240 : i32
    %mul3A_145 = arith.muli %add3A_143, %mul3A_144 : i32
    %dma_start3A_146 = arith.constant 0 : i32
    %dma_start3A_147 = arith.constant 0 : i32
    %dma_start3A_148 = tpu.memref_slice %arg8[%dma_start3A_146, %dma_start3A_147] : memref<128x80xi32, #tpu.memory_space<vmem>> -> memref<1x80xi32, #tpu.memory_space<vmem>>
    %dma_start3A_149 = tpu.memref_squeeze %dma_start3A_148 : memref<1x80xi32, #tpu.memory_space<vmem>> -> memref<80xi32, #tpu.memory_space<vmem>>
    %dma_start3A_150 = arith.constant 0 : i32
    %dma_start3A_151 = arith.constant 0 : i32
    %dma_start3A_152 = tpu.memref_slice %arg5[%dma_start3A_150, %dma_start3A_151] : memref<40960x64xf32, #tpu.memory_space<hbm>> -> memref<40960x64xf32, #tpu.memory_space<hbm>>
    tpu.enqueue_indirect_dma source(%dma_start3A_152 : memref<40960x64xf32, #tpu.memory_space<hbm>>) target(%arg10 : memref<80x64xf32, #tpu.memory_space<vmem>>) offsets(%dma_start3A_149 : memref<80xi32, #tpu.memory_space<vmem>>) semaphore(%arg15 : memref<!tpu.dma_semaphore, #tpu.memory_space<semaphore_mem>>)
    %scan3A_153 = arith.constant 0 : i32
    %scan3A_154 = arith.constant 0 : i32
    %scan3A_155 = arith.constant 64 : i32
    %scan3A_156 = arith.addi %scan3A_154, %scan3A_155 : i32
    %scan3A_157 = arith.constant 1 : i32
    %scan3A_158 = scf.for %scan3A_169 = %scan3A_154 to %scan3A_156 step %scan3A_157 iter_args(%scan3A_170 = %scan3A_153) -> (i32)  : i32 {
      %mul3A_171 = arith.constant 2 : i32
      %mul3A_172 = arith.muli %mul3A_171, %scan3A_169 : i32
      %dma_wait3A = arith.constant 0 : i32
      %dma_wait3A_173 = tpu.memref_slice %arg8[%mul3A_172, %dma_wait3A] : memref<128x80xi32, #tpu.memory_space<vmem>> -> memref<1x80xi32, #tpu.memory_space<vmem>>
      %dma_wait3A_174 = tpu.memref_squeeze %dma_wait3A_173 : memref<1x80xi32, #tpu.memory_space<vmem>> -> memref<80xi32, #tpu.memory_space<vmem>>
      %dma_wait3A_175 = arith.constant 0 : i32
      %dma_wait3A_176 = arith.constant 0 : i32
      %dma_wait3A_177 = tpu.memref_slice %arg5[%dma_wait3A_175, %dma_wait3A_176] : memref<40960x64xf32, #tpu.memory_space<hbm>> -> memref<40960x64xf32, #tpu.memory_space<hbm>>
      tpu.wait_indirect_dma semaphore(%arg15 : memref<!tpu.dma_semaphore, #tpu.memory_space<semaphore_mem>>) src(%dma_wait3A_177 : memref<40960x64xf32, #tpu.memory_space<hbm>>) dst(%arg10 : memref<80x64xf32, #tpu.memory_space<vmem>>)
      %add3A_178 = arith.constant 1 : i32
      %add3A_179 = arith.addi %mul3A_172, %add3A_178 : i32
      %dma_start3A_180 = arith.constant 0 : i32
      %dma_start3A_181 = tpu.memref_slice %arg8[%add3A_179, %dma_start3A_180] : memref<128x80xi32, #tpu.memory_space<vmem>> -> memref<1x80xi32, #tpu.memory_space<vmem>>
      %dma_start3A_182 = tpu.memref_squeeze %dma_start3A_181 : memref<1x80xi32, #tpu.memory_space<vmem>> -> memref<80xi32, #tpu.memory_space<vmem>>
      %dma_start3A_183 = arith.constant 0 : i32
      %dma_start3A_184 = arith.constant 0 : i32
      %dma_start3A_185 = tpu.memref_slice %arg5[%dma_start3A_183, %dma_start3A_184] : memref<40960x64xf32, #tpu.memory_space<hbm>> -> memref<40960x64xf32, #tpu.memory_space<hbm>>
      tpu.enqueue_indirect_dma source(%dma_start3A_185 : memref<40960x64xf32, #tpu.memory_space<hbm>>) target(%arg11 : memref<80x64xf32, #tpu.memory_space<vmem>>) offsets(%dma_start3A_182 : memref<80xi32, #tpu.memory_space<vmem>>) semaphore(%arg16 : memref<!tpu.dma_semaphore, #tpu.memory_space<semaphore_mem>>)
      "tpu.region"() ({
        %run_scoped3A = tpu.sem_alloc : memref<!tpu.dma_semaphore, #tpu.memory_space<semaphore_mem>>
        %dma_start3A_201 = arith.constant 0 : i32
        %dma_start3A_202 = tpu.memref_slice %arg9[%mul3A_172, %dma_start3A_201] : memref<128x80xi32, #tpu.memory_space<vmem>> -> memref<1x80xi32, #tpu.memory_space<vmem>>
        %dma_start3A_203 = tpu.memref_squeeze %dma_start3A_202 : memref<1x80xi32, #tpu.memory_space<vmem>> -> memref<80xi32, #tpu.memory_space<vmem>>
        %dma_start3A_204 = arith.constant 0 : i32
        %dma_start3A_205 = arith.constant 0 : i32
        %dma_start3A_206 = tpu.memref_slice %arg17[%dma_start3A_204, %dma_start3A_205] : memref<10240x64xf32, #tpu.memory_space<vmem_shared>> -> memref<10240x64xf32, #tpu.memory_space<vmem_shared>>
        tpu.enqueue_indirect_dma source(%arg10 : memref<80x64xf32, #tpu.memory_space<vmem>>) target(%dma_start3A_206 : memref<10240x64xf32, #tpu.memory_space<vmem_shared>>) offsets(%dma_start3A_203 : memref<80xi32, #tpu.memory_space<vmem>>) semaphore(%run_scoped3A : memref<!tpu.dma_semaphore, #tpu.memory_space<semaphore_mem>>) {add = true}
        %dma_wait3A_207 = arith.constant 0 : i32
        %dma_wait3A_208 = tpu.memref_slice %arg9[%mul3A_172, %dma_wait3A_207] : memref<128x80xi32, #tpu.memory_space<vmem>> -> memref<1x80xi32, #tpu.memory_space<vmem>>
        %dma_wait3A_209 = tpu.memref_squeeze %dma_wait3A_208 : memref<1x80xi32, #tpu.memory_space<vmem>> -> memref<80xi32, #tpu.memory_space<vmem>>
        %dma_wait3A_210 = arith.constant 0 : i32
        %dma_wait3A_211 = arith.constant 0 : i32
        %dma_wait3A_212 = tpu.memref_slice %arg17[%dma_wait3A_210, %dma_wait3A_211] : memref<10240x64xf32, #tpu.memory_space<vmem_shared>> -> memref<10240x64xf32, #tpu.memory_space<vmem_shared>>
        tpu.wait_indirect_dma semaphore(%run_scoped3A : memref<!tpu.dma_semaphore, #tpu.memory_space<semaphore_mem>>) src(%arg10 : memref<80x64xf32, #tpu.memory_space<vmem>>) dst(%dma_wait3A_212 : memref<10240x64xf32, #tpu.memory_space<vmem_shared>>)
        tpu.yield
      }) : () -> ()
      %add3A_186 = arith.constant 1 : i32
      %add3A_187 = arith.addi %mul3A_172, %add3A_186 : i32
      %dma_wait3A_188 = arith.constant 0 : i32
      %dma_wait3A_189 = tpu.memref_slice %arg8[%add3A_187, %dma_wait3A_188] : memref<128x80xi32, #tpu.memory_space<vmem>> -> memref<1x80xi32, #tpu.memory_space<vmem>>
      %dma_wait3A_190 = tpu.memref_squeeze %dma_wait3A_189 : memref<1x80xi32, #tpu.memory_space<vmem>> -> memref<80xi32, #tpu.memory_space<vmem>>
      %dma_wait3A_191 = arith.constant 0 : i32
      %dma_wait3A_192 = arith.constant 0 : i32
      %dma_wait3A_193 = tpu.memref_slice %arg5[%dma_wait3A_191, %dma_wait3A_192] : memref<40960x64xf32, #tpu.memory_space<hbm>> -> memref<40960x64xf32, #tpu.memory_space<hbm>>
      tpu.wait_indirect_dma semaphore(%arg16 : memref<!tpu.dma_semaphore, #tpu.memory_space<semaphore_mem>>) src(%dma_wait3A_193 : memref<40960x64xf32, #tpu.memory_space<hbm>>) dst(%arg11 : memref<80x64xf32, #tpu.memory_space<vmem>>)
      %add3A_194 = arith.constant 2 : i32
      %add3A_195 = arith.addi %mul3A_172, %add3A_194 : i32
      %lt3A = arith.constant 128 : i32
      %lt3A_196 = arith.cmpi slt, %add3A_195, %lt3A : i32
      %convert_element_type3A = arith.extui %lt3A_196 : i1 to i32
      %cond3A = arith.constant 0 : i32
      %cond3A_197 = arith.cmpi ne, %convert_element_type3A, %cond3A : i32
      scf.if %cond3A_197 {
        %add3A_201 = arith.constant 2 : i32
        %add3A_202 = arith.addi %mul3A_172, %add3A_201 : i32
        %dma_start3A_203 = arith.constant 0 : i32
        %dma_start3A_204 = tpu.memref_slice %arg8[%add3A_202, %dma_start3A_203] : memref<128x80xi32, #tpu.memory_space<vmem>> -> memref<1x80xi32, #tpu.memory_space<vmem>>
        %dma_start3A_205 = tpu.memref_squeeze %dma_start3A_204 : memref<1x80xi32, #tpu.memory_space<vmem>> -> memref<80xi32, #tpu.memory_space<vmem>>
        %dma_start3A_206 = arith.constant 0 : i32
        %dma_start3A_207 = arith.constant 0 : i32
        %dma_start3A_208 = tpu.memref_slice %arg5[%dma_start3A_206, %dma_start3A_207] : memref<40960x64xf32, #tpu.memory_space<hbm>> -> memref<40960x64xf32, #tpu.memory_space<hbm>>
        tpu.enqueue_indirect_dma source(%dma_start3A_208 : memref<40960x64xf32, #tpu.memory_space<hbm>>) target(%arg10 : memref<80x64xf32, #tpu.memory_space<vmem>>) offsets(%dma_start3A_205 : memref<80xi32, #tpu.memory_space<vmem>>) semaphore(%arg15 : memref<!tpu.dma_semaphore, #tpu.memory_space<semaphore_mem>>)
      } else {
      }
      %add3A_198 = arith.constant 1 : i32
      %add3A_199 = arith.addi %mul3A_172, %add3A_198 : i32
      "tpu.region"() ({
        %run_scoped3A = tpu.sem_alloc : memref<!tpu.dma_semaphore, #tpu.memory_space<semaphore_mem>>
        %dma_start3A_201 = arith.constant 0 : i32
        %dma_start3A_202 = tpu.memref_slice %arg9[%add3A_199, %dma_start3A_201] : memref<128x80xi32, #tpu.memory_space<vmem>> -> memref<1x80xi32, #tpu.memory_space<vmem>>
        %dma_start3A_203 = tpu.memref_squeeze %dma_start3A_202 : memref<1x80xi32, #tpu.memory_space<vmem>> -> memref<80xi32, #tpu.memory_space<vmem>>
        %dma_start3A_204 = arith.constant 0 : i32
        %dma_start3A_205 = arith.constant 0 : i32
        %dma_start3A_206 = tpu.memref_slice %arg17[%dma_start3A_204, %dma_start3A_205] : memref<10240x64xf32, #tpu.memory_space<vmem_shared>> -> memref<10240x64xf32, #tpu.memory_space<vmem_shared>>
        tpu.enqueue_indirect_dma source(%arg11 : memref<80x64xf32, #tpu.memory_space<vmem>>) target(%dma_start3A_206 : memref<10240x64xf32, #tpu.memory_space<vmem_shared>>) offsets(%dma_start3A_203 : memref<80xi32, #tpu.memory_space<vmem>>) semaphore(%run_scoped3A : memref<!tpu.dma_semaphore, #tpu.memory_space<semaphore_mem>>) {add = true}
        %dma_wait3A_207 = arith.constant 0 : i32
        %dma_wait3A_208 = tpu.memref_slice %arg9[%add3A_199, %dma_wait3A_207] : memref<128x80xi32, #tpu.memory_space<vmem>> -> memref<1x80xi32, #tpu.memory_space<vmem>>
        %dma_wait3A_209 = tpu.memref_squeeze %dma_wait3A_208 : memref<1x80xi32, #tpu.memory_space<vmem>> -> memref<80xi32, #tpu.memory_space<vmem>>
        %dma_wait3A_210 = arith.constant 0 : i32
        %dma_wait3A_211 = arith.constant 0 : i32
        %dma_wait3A_212 = tpu.memref_slice %arg17[%dma_wait3A_210, %dma_wait3A_211] : memref<10240x64xf32, #tpu.memory_space<vmem_shared>> -> memref<10240x64xf32, #tpu.memory_space<vmem_shared>>
        tpu.wait_indirect_dma semaphore(%run_scoped3A : memref<!tpu.dma_semaphore, #tpu.memory_space<semaphore_mem>>) src(%arg11 : memref<80x64xf32, #tpu.memory_space<vmem>>) dst(%dma_wait3A_212 : memref<10240x64xf32, #tpu.memory_space<vmem_shared>>)
        tpu.yield
      }) : () -> ()
      %scan3A_200 = arith.constant 0 : i32
      scf.yield %scan3A_200 : i32
    }
    %scan3A_159 = arith.constant 64 : i32
    %barrier3A_160 = arith.constant 0 : index
    tpu.barrier barrier_id(%barrier3A_160)
    %scan3A_161 = arith.constant 0 : i32
    %scan3A_162 = arith.constant 0 : i32
    %scan3A_163 = arith.constant 5 : i32
    %scan3A_164 = arith.addi %scan3A_162, %scan3A_163 : i32
    %scan3A_165 = arith.constant 1 : i32
    %scan3A_166 = scf.for %scan3A_169 = %scan3A_162 to %scan3A_164 step %scan3A_165 iter_args(%scan3A_170 = %scan3A_161) -> (i32)  : i32 {
      %mul3A_171 = arith.constant 128 : i32
      %mul3A_172 = arith.muli %scan3A_169, %mul3A_171 : i32
      %add3A_173 = arith.addi %mul3A_0, %mul3A_172 : i32
      "tpu.region"() ({
        %run_scoped3A = tpu.sem_alloc : memref<!tpu.dma_semaphore, #tpu.memory_space<semaphore_mem>>
        %dma_start3A_186 = arith.constant 0 : i32
        %dma_start3A_187 = tpu.memref_slice %arg17[%add3A_173, %dma_start3A_186] : memref<10240x64xf32, #tpu.memory_space<vmem_shared>> -> memref<128x64xf32, #tpu.memory_space<vmem_shared>>
        %dma_start3A_188 = arith.constant 0 : i32
        %dma_start3A_189 = tpu.memref_slice %arg17[%add3A_173, %dma_start3A_188] : memref<10240x64xf32, #tpu.memory_space<vmem_shared>> -> memref<128x64xf32, #tpu.memory_space<vmem_shared>>
        tpu.enqueue_dma source(%dma_start3A_189 : memref<128x64xf32, #tpu.memory_space<vmem_shared>>) target(%arg12 : memref<128x64xf32, #tpu.memory_space<vmem>>) target_semaphore(%run_scoped3A : memref<!tpu.dma_semaphore, #tpu.memory_space<semaphore_mem>>)
        %dma_wait3A = arith.constant 0 : i32
        %dma_wait3A_190 = tpu.memref_slice %arg17[%add3A_173, %dma_wait3A] : memref<10240x64xf32, #tpu.memory_space<vmem_shared>> -> memref<128x64xf32, #tpu.memory_space<vmem_shared>>
        %dma_wait3A_191 = arith.constant 0 : i32
        %dma_wait3A_192 = tpu.memref_slice %arg17[%add3A_173, %dma_wait3A_191] : memref<10240x64xf32, #tpu.memory_space<vmem_shared>> -> memref<128x64xf32, #tpu.memory_space<vmem_shared>>
        tpu.wait_dma2 semaphore(%run_scoped3A : memref<!tpu.dma_semaphore, #tpu.memory_space<semaphore_mem>>) src(%dma_wait3A_192 : memref<128x64xf32, #tpu.memory_space<vmem_shared>>) dst(%arg12 : memref<128x64xf32, #tpu.memory_space<vmem>>)
        tpu.yield
      }) : () -> ()
      "tpu.region"() ({
        %run_scoped3A = tpu.sem_alloc : memref<!tpu.dma_semaphore, #tpu.memory_space<semaphore_mem>>
        %dma_start3A_186 = arith.constant 0 : i32
        %dma_start3A_187 = tpu.memref_slice %arg7[%add3A_173, %dma_start3A_186] : memref<10240x64xf32, #tpu.memory_space<hbm>> -> memref<128x64xf32, #tpu.memory_space<hbm>>
        %dma_start3A_188 = arith.constant 0 : i32
        %dma_start3A_189 = tpu.memref_slice %arg7[%add3A_173, %dma_start3A_188] : memref<10240x64xf32, #tpu.memory_space<hbm>> -> memref<128x64xf32, #tpu.memory_space<hbm>>
        tpu.enqueue_dma source(%dma_start3A_189 : memref<128x64xf32, #tpu.memory_space<hbm>>) target(%arg13 : memref<128x64xf32, #tpu.memory_space<vmem>>) target_semaphore(%run_scoped3A : memref<!tpu.dma_semaphore, #tpu.memory_space<semaphore_mem>>)
        %dma_wait3A = arith.constant 0 : i32
        %dma_wait3A_190 = tpu.memref_slice %arg7[%add3A_173, %dma_wait3A] : memref<10240x64xf32, #tpu.memory_space<hbm>> -> memref<128x64xf32, #tpu.memory_space<hbm>>
        %dma_wait3A_191 = arith.constant 0 : i32
        %dma_wait3A_192 = tpu.memref_slice %arg7[%add3A_173, %dma_wait3A_191] : memref<10240x64xf32, #tpu.memory_space<hbm>> -> memref<128x64xf32, #tpu.memory_space<hbm>>
        tpu.wait_dma2 semaphore(%run_scoped3A : memref<!tpu.dma_semaphore, #tpu.memory_space<semaphore_mem>>) src(%dma_wait3A_192 : memref<128x64xf32, #tpu.memory_space<hbm>>) dst(%arg13 : memref<128x64xf32, #tpu.memory_space<vmem>>)
        tpu.yield
      }) : () -> ()
      %scan3A_174 = arith.constant 0 : i32
      %scan3A_175 = arith.constant 0 : i32
      %scan3A_176 = arith.constant 128 : i32
      %scan3A_177 = arith.addi %scan3A_175, %scan3A_176 : i32
      %scan3A_178 = arith.constant 1 : i32
      %scan3A_179 = scf.for %scan3A_186 = %scan3A_175 to %scan3A_177 step %scan3A_178 iter_args(%scan3A_187 = %scan3A_174) -> (i32)  : i32 {
        %get3A = arith.index_cast %scan3A_186 : i32 to index
        %get3A_188 = arith.constant 0 : index
        %get3A_189 = tpu.vector_load %arg12[%get3A, %get3A_188] {strides = array<i32>} : memref<128x64xf32, #tpu.memory_space<vmem>>, vector<1x16xf32>,
        %get3A_190 = vector.shape_cast %get3A_189 : vector<1x16xf32> to vector<16xf32>
        %get3A_191 = arith.index_cast %scan3A_186 : i32 to index
        %get3A_192 = arith.constant 0 : index
        %get3A_193 = tpu.vector_load %arg13[%get3A_191, %get3A_192] {strides = array<i32>} : memref<128x64xf32, #tpu.memory_space<vmem>>, vector<1x16xf32>,
        %get3A_194 = vector.shape_cast %get3A_193 : vector<1x16xf32> to vector<16xf32>
        %mul3A_195 = arith.mulf %get3A_190, %get3A_194 : vector<16xf32>
        %swap3A = arith.index_cast %scan3A_186 : i32 to index
        %swap3A_196 = arith.constant 0 : index
        %swap3A_197 = tpu.vector_load %arg12[%swap3A, %swap3A_196] {strides = array<i32>} : memref<128x64xf32, #tpu.memory_space<vmem>>, vector<1x16xf32>,
        %swap3A_198 = vector.shape_cast %swap3A_197 : vector<1x16xf32> to vector<16xf32>
        %swap3A_199 = vector.shape_cast %mul3A_195 : vector<16xf32> to vector<1x16xf32>
        tpu.vector_store %arg12[%swap3A, %swap3A_196], %swap3A_199 {strides = array<i32>} : memref<128x64xf32, #tpu.memory_space<vmem>>, vector<1x16xf32>,
        %get3A_200 = arith.index_cast %scan3A_186 : i32 to index
        %get3A_201 = arith.constant 16 : index
        %get3A_202 = tpu.vector_load %arg12[%get3A_200, %get3A_201] {strides = array<i32>} : memref<128x64xf32, #tpu.memory_space<vmem>>, vector<1x16xf32>,
        %get3A_203 = vector.shape_cast %get3A_202 : vector<1x16xf32> to vector<16xf32>
        %get3A_204 = arith.index_cast %scan3A_186 : i32 to index
        %get3A_205 = arith.constant 16 : index
        %get3A_206 = tpu.vector_load %arg13[%get3A_204, %get3A_205] {strides = array<i32>} : memref<128x64xf32, #tpu.memory_space<vmem>>, vector<1x16xf32>,
        %get3A_207 = vector.shape_cast %get3A_206 : vector<1x16xf32> to vector<16xf32>
        %mul3A_208 = arith.mulf %get3A_203, %get3A_207 : vector<16xf32>
        %swap3A_209 = arith.index_cast %scan3A_186 : i32 to index
        %swap3A_210 = arith.constant 16 : index
        %swap3A_211 = tpu.vector_load %arg12[%swap3A_209, %swap3A_210] {strides = array<i32>} : memref<128x64xf32, #tpu.memory_space<vmem>>, vector<1x16xf32>,
        %swap3A_212 = vector.shape_cast %swap3A_211 : vector<1x16xf32> to vector<16xf32>
        %swap3A_213 = vector.shape_cast %mul3A_208 : vector<16xf32> to vector<1x16xf32>
        tpu.vector_store %arg12[%swap3A_209, %swap3A_210], %swap3A_213 {strides = array<i32>} : memref<128x64xf32, #tpu.memory_space<vmem>>, vector<1x16xf32>,
        %get3A_214 = arith.index_cast %scan3A_186 : i32 to index
        %get3A_215 = arith.constant 32 : index
        %get3A_216 = tpu.vector_load %arg12[%get3A_214, %get3A_215] {strides = array<i32>} : memref<128x64xf32, #tpu.memory_space<vmem>>, vector<1x16xf32>,
        %get3A_217 = vector.shape_cast %get3A_216 : vector<1x16xf32> to vector<16xf32>
        %get3A_218 = arith.index_cast %scan3A_186 : i32 to index
        %get3A_219 = arith.constant 32 : index
        %get3A_220 = tpu.vector_load %arg13[%get3A_218, %get3A_219] {strides = array<i32>} : memref<128x64xf32, #tpu.memory_space<vmem>>, vector<1x16xf32>,
        %get3A_221 = vector.shape_cast %get3A_220 : vector<1x16xf32> to vector<16xf32>
        %mul3A_222 = arith.mulf %get3A_217, %get3A_221 : vector<16xf32>
        %swap3A_223 = arith.index_cast %scan3A_186 : i32 to index
        %swap3A_224 = arith.constant 32 : index
        %swap3A_225 = tpu.vector_load %arg12[%swap3A_223, %swap3A_224] {strides = array<i32>} : memref<128x64xf32, #tpu.memory_space<vmem>>, vector<1x16xf32>,
        %swap3A_226 = vector.shape_cast %swap3A_225 : vector<1x16xf32> to vector<16xf32>
        %swap3A_227 = vector.shape_cast %mul3A_222 : vector<16xf32> to vector<1x16xf32>
        tpu.vector_store %arg12[%swap3A_223, %swap3A_224], %swap3A_227 {strides = array<i32>} : memref<128x64xf32, #tpu.memory_space<vmem>>, vector<1x16xf32>,
        %get3A_228 = arith.index_cast %scan3A_186 : i32 to index
        %get3A_229 = arith.constant 48 : index
        %get3A_230 = tpu.vector_load %arg12[%get3A_228, %get3A_229] {strides = array<i32>} : memref<128x64xf32, #tpu.memory_space<vmem>>, vector<1x16xf32>,
        %get3A_231 = vector.shape_cast %get3A_230 : vector<1x16xf32> to vector<16xf32>
        %get3A_232 = arith.index_cast %scan3A_186 : i32 to index
        %get3A_233 = arith.constant 48 : index
        %get3A_234 = tpu.vector_load %arg13[%get3A_232, %get3A_233] {strides = array<i32>} : memref<128x64xf32, #tpu.memory_space<vmem>>, vector<1x16xf32>,
        %get3A_235 = vector.shape_cast %get3A_234 : vector<1x16xf32> to vector<16xf32>
        %mul3A_236 = arith.mulf %get3A_231, %get3A_235 : vector<16xf32>
        %swap3A_237 = arith.index_cast %scan3A_186 : i32 to index
        %swap3A_238 = arith.constant 48 : index
        %swap3A_239 = tpu.vector_load %arg12[%swap3A_237, %swap3A_238] {strides = array<i32>} : memref<128x64xf32, #tpu.memory_space<vmem>>, vector<1x16xf32>,
        %swap3A_240 = vector.shape_cast %swap3A_239 : vector<1x16xf32> to vector<16xf32>
        %swap3A_241 = vector.shape_cast %mul3A_236 : vector<16xf32> to vector<1x16xf32>
        tpu.vector_store %arg12[%swap3A_237, %swap3A_238], %swap3A_241 {strides = array<i32>} : memref<128x64xf32, #tpu.memory_space<vmem>>, vector<1x16xf32>,
        %scan3A_242 = arith.constant 0 : i32
        scf.yield %scan3A_242 : i32
      }
      %scan3A_180 = arith.constant 128 : i32
      %add3A_181 = arith.addi %mul3A_145, %mul3A_0 : i32
      %mul3A_182 = arith.constant 128 : i32
      %mul3A_183 = arith.muli %scan3A_169, %mul3A_182 : i32
      %add3A_184 = arith.addi %add3A_181, %mul3A_183 : i32
      "tpu.region"() ({
        %run_scoped3A = tpu.sem_alloc : memref<!tpu.dma_semaphore, #tpu.memory_space<semaphore_mem>>
        %dma_start3A_186 = arith.constant 0 : i32
        %dma_start3A_187 = tpu.memref_slice %arg6[%add3A_184, %dma_start3A_186] : memref<40960x64xf32, #tpu.memory_space<hbm>> -> memref<128x64xf32, #tpu.memory_space<hbm>>
        %dma_start3A_188 = arith.constant 0 : i32
        %dma_start3A_189 = tpu.memref_slice %arg6[%add3A_184, %dma_start3A_188] : memref<40960x64xf32, #tpu.memory_space<hbm>> -> memref<128x64xf32, #tpu.memory_space<hbm>>
        tpu.enqueue_dma source(%arg12 : memref<128x64xf32, #tpu.memory_space<vmem>>) target(%dma_start3A_189 : memref<128x64xf32, #tpu.memory_space<hbm>>) target_semaphore(%run_scoped3A : memref<!tpu.dma_semaphore, #tpu.memory_space<semaphore_mem>>)
        %dma_wait3A = arith.constant 0 : i32
        %dma_wait3A_190 = tpu.memref_slice %arg6[%add3A_184, %dma_wait3A] : memref<40960x64xf32, #tpu.memory_space<hbm>> -> memref<128x64xf32, #tpu.memory_space<hbm>>
        %dma_wait3A_191 = arith.constant 0 : i32
        %dma_wait3A_192 = tpu.memref_slice %arg6[%add3A_184, %dma_wait3A_191] : memref<40960x64xf32, #tpu.memory_space<hbm>> -> memref<128x64xf32, #tpu.memory_space<hbm>>
        tpu.wait_dma2 semaphore(%run_scoped3A : memref<!tpu.dma_semaphore, #tpu.memory_space<semaphore_mem>>) src(%arg12 : memref<128x64xf32, #tpu.memory_space<vmem>>) dst(%dma_wait3A_192 : memref<128x64xf32, #tpu.memory_space<hbm>>)
        tpu.yield
      }) : () -> ()
      "tpu.region"() ({
        %run_scoped3A = tpu.sem_alloc : memref<!tpu.dma_semaphore, #tpu.memory_space<semaphore_mem>>
        %dma_start3A_186 = arith.constant 0 : i32
        %dma_start3A_187 = tpu.memref_slice %arg17[%add3A_173, %dma_start3A_186] : memref<10240x64xf32, #tpu.memory_space<vmem_shared>> -> memref<128x64xf32, #tpu.memory_space<vmem_shared>>
        %dma_start3A_188 = arith.constant 0 : i32
        %dma_start3A_189 = tpu.memref_slice %arg17[%add3A_173, %dma_start3A_188] : memref<10240x64xf32, #tpu.memory_space<vmem_shared>> -> memref<128x64xf32, #tpu.memory_space<vmem_shared>>
        tpu.enqueue_dma source(%arg14 : memref<128x64xf32, #tpu.memory_space<vmem>>) target(%dma_start3A_189 : memref<128x64xf32, #tpu.memory_space<vmem_shared>>) target_semaphore(%run_scoped3A : memref<!tpu.dma_semaphore, #tpu.memory_space<semaphore_mem>>)
        %dma_wait3A = arith.constant 0 : i32
        %dma_wait3A_190 = tpu.memref_slice %arg17[%add3A_173, %dma_wait3A] : memref<10240x64xf32, #tpu.memory_space<vmem_shared>> -> memref<128x64xf32, #tpu.memory_space<vmem_shared>>
        %dma_wait3A_191 = arith.constant 0 : i32
        %dma_wait3A_192 = tpu.memref_slice %arg17[%add3A_173, %dma_wait3A_191] : memref<10240x64xf32, #tpu.memory_space<vmem_shared>> -> memref<128x64xf32, #tpu.memory_space<vmem_shared>>
        tpu.wait_dma2 semaphore(%run_scoped3A : memref<!tpu.dma_semaphore, #tpu.memory_space<semaphore_mem>>) src(%arg14 : memref<128x64xf32, #tpu.memory_space<vmem>>) dst(%dma_wait3A_192 : memref<128x64xf32, #tpu.memory_space<vmem_shared>>)
        tpu.yield
      }) : () -> ()
      %scan3A_185 = arith.constant 0 : i32
      scf.yield %scan3A_185 : i32
    }
    %scan3A_167 = arith.constant 5 : i32
    %barrier3A_168 = arith.constant 0 : index
    tpu.barrier barrier_id(%barrier3A_168)
    return
  }
}

#map = affine_map<(d0, d1) -> (0, 0)>
module attributes {stable_mosaic.version = 14 : i64} {
  func.func @_gconv_impl(%arg0: i32, %arg1: i32, %arg2: memref<40960x64xf32, #tpu.memory_space<hbm>>, %arg3: memref<2048x80xi32, #tpu.memory_space<hbm>>, %arg4: memref<2048x80xi32, #tpu.memory_space<hbm>>, %arg5: memref<10240x64xf32, #tpu.memory_space<hbm>>, %arg6: memref<40960x64xf32, #tpu.memory_space<hbm>>, %arg7: memref<40960x64xf32, #tpu.memory_space<hbm>>, %arg8: memref<128x80xi32, #tpu.memory_space<vmem>>, %arg9: memref<128x80xi32, #tpu.memory_space<vmem>>, %arg10: memref<80x64xf32, #tpu.memory_space<vmem>>, %arg11: memref<80x64xf32, #tpu.memory_space<vmem>>, %arg12: memref<128x64xf32, #tpu.memory_space<vmem>>, %arg13: memref<128x64xf32, #tpu.memory_space<vmem>>, %arg14: memref<128x64xf32, #tpu.memory_space<vmem>>, %arg15: memref<!tpu.dma_semaphore, #tpu.memory_space<semaphore_mem>>, %arg16: memref<!tpu.dma_semaphore, #tpu.memory_space<semaphore_mem>>, %arg17: memref<10240x64xf32, #tpu.memory_space<vmem_shared>>) attributes {dimension_semantics = [#tpu.dimension_semantics<core_parallel>, #tpu.dimension_semantics<subcore_parallel>], iteration_bounds = array<i64: 2, 16>, scalar_prefetch = 0 : i64, scratch_operands = 10 : i64, tpu.core_type = #tpu.core_type<sc_vector_subcore>, window_params = [{transform_indices = #map}, {transform_indices = #map}, {transform_indices = #map}, {transform_indices = #map}, {transform_indices = #map}, {transform_indices = #map}]} {
    %mul3A = arith.constant 640 : i32
    %mul3A_0 = arith.muli %arg1, %mul3A : i32
    %mul3A_1 = arith.constant 128 : i32
    %mul3A_2 = arith.muli %arg1, %mul3A_1 : i32
    "tpu.region"() ({
      %run_scoped3A = tpu.sem_alloc : memref<!tpu.dma_semaphore, #tpu.memory_space<semaphore_mem>>
      %dma_start3A_146 = arith.constant 0 : i32
      %dma_start3A_147 = tpu.memref_slice %arg3[%mul3A_2, %dma_start3A_146] : memref<2048x80xi32, #tpu.memory_space<hbm>> -> memref<128x80xi32, #tpu.memory_space<hbm>>
      %dma_start3A_148 = arith.constant 0 : i32
      %dma_start3A_149 = tpu.memref_slice %arg3[%mul3A_2, %dma_start3A_148] : memref<2048x80xi32, #tpu.memory_space<hbm>> -> memref<128x80xi32, #tpu.memory_space<hbm>>
      tpu.enqueue_dma source(%dma_start3A_149 : memref<128x80xi32, #tpu.memory_space<hbm>>) target(%arg8 : memref<128x80xi32, #tpu.memory_space<vmem>>) target_semaphore(%run_scoped3A : memref<!tpu.dma_semaphore, #tpu.memory_space<semaphore_mem>>)
      %dma_wait3A = arith.constant 0 : i32
      %dma_wait3A_150 = tpu.memref_slice %arg3[%mul3A_2, %dma_wait3A] : memref<2048x80xi32, #tpu.memory_space<hbm>> -> memref<128x80xi32, #tpu.memory_space<hbm>>
      %dma_wait3A_151 = arith.constant 0 : i32
      %dma_wait3A_152 = tpu.memref_slice %arg3[%mul3A_2, %dma_wait3A_151] : memref<2048x80xi32, #tpu.memory_space<hbm>> -> memref<128x80xi32, #tpu.memory_space<hbm>>
      tpu.wait_dma2 semaphore(%run_scoped3A : memref<!tpu.dma_semaphore, #tpu.memory_space<semaphore_mem>>) src(%dma_wait3A_152 : memref<128x80xi32, #tpu.memory_space<hbm>>) dst(%arg8 : memref<128x80xi32, #tpu.memory_space<vmem>>)
      tpu.yield
    }) : () -> ()
    %mul3A_3 = arith.constant 128 : i32
    %mul3A_4 = arith.muli %arg1, %mul3A_3 : i32
    "tpu.region"() ({
      %run_scoped3A = tpu.sem_alloc : memref<!tpu.dma_semaphore, #tpu.memory_space<semaphore_mem>>
      %dma_start3A_146 = arith.constant 0 : i32
      %dma_start3A_147 = tpu.memref_slice %arg4[%mul3A_4, %dma_start3A_146] : memref<2048x80xi32, #tpu.memory_space<hbm>> -> memref<128x80xi32, #tpu.memory_space<hbm>>
      %dma_start3A_148 = arith.constant 0 : i32
      %dma_start3A_149 = tpu.memref_slice %arg4[%mul3A_4, %dma_start3A_148] : memref<2048x80xi32, #tpu.memory_space<hbm>> -> memref<128x80xi32, #tpu.memory_space<hbm>>
      tpu.enqueue_dma source(%dma_start3A_149 : memref<128x80xi32, #tpu.memory_space<hbm>>) target(%arg9 : memref<128x80xi32, #tpu.memory_space<vmem>>) target_semaphore(%run_scoped3A : memref<!tpu.dma_semaphore, #tpu.memory_space<semaphore_mem>>)
      %dma_wait3A = arith.constant 0 : i32
      %dma_wait3A_150 = tpu.memref_slice %arg4[%mul3A_4, %dma_wait3A] : memref<2048x80xi32, #tpu.memory_space<hbm>> -> memref<128x80xi32, #tpu.memory_space<hbm>>
      %dma_wait3A_151 = arith.constant 0 : i32
      %dma_wait3A_152 = tpu.memref_slice %arg4[%mul3A_4, %dma_wait3A_151] : memref<2048x80xi32, #tpu.memory_space<hbm>> -> memref<128x80xi32, #tpu.memory_space<hbm>>
      tpu.wait_dma2 semaphore(%run_scoped3A : memref<!tpu.dma_semaphore, #tpu.memory_space<semaphore_mem>>) src(%dma_wait3A_152 : memref<128x80xi32, #tpu.memory_space<hbm>>) dst(%arg9 : memref<128x80xi32, #tpu.memory_space<vmem>>)
      tpu.yield
    }) : () -> ()
    %scan3A = arith.constant 0 : i32
    %scan3A_5 = arith.constant 0 : i32
    %scan3A_6 = arith.constant 128 : i32
    %scan3A_7 = arith.addi %scan3A_5, %scan3A_6 : i32
    %scan3A_8 = arith.constant 1 : i32
    %scan3A_9 = scf.for %scan3A_146 = %scan3A_5 to %scan3A_7 step %scan3A_8 iter_args(%scan3A_147 = %scan3A) -> (i32)  : i32 {
      %broadcast_in_dim3A = arith.constant 0.000000e+00 : f32
      %broadcast_in_dim3A_148 = vector.broadcast %broadcast_in_dim3A : f32 to vector<16xf32>
      %swap3A = arith.index_cast %scan3A_146 : i32 to index
      %swap3A_149 = arith.constant 0 : index
      %swap3A_150 = tpu.vector_load %arg14[%swap3A, %swap3A_149] {strides = array<i32>} : memref<128x64xf32, #tpu.memory_space<vmem>>, vector<1x16xf32>,
      %swap3A_151 = vector.shape_cast %swap3A_150 : vector<1x16xf32> to vector<16xf32>
      %swap3A_152 = vector.shape_cast %broadcast_in_dim3A_148 : vector<16xf32> to vector<1x16xf32>
      tpu.vector_store %arg14[%swap3A, %swap3A_149], %swap3A_152 {strides = array<i32>} : memref<128x64xf32, #tpu.memory_space<vmem>>, vector<1x16xf32>,
      %broadcast_in_dim3A_153 = arith.constant 0.000000e+00 : f32
      %broadcast_in_dim3A_154 = vector.broadcast %broadcast_in_dim3A_153 : f32 to vector<16xf32>
      %swap3A_155 = arith.index_cast %scan3A_146 : i32 to index
      %swap3A_156 = arith.constant 16 : index
      %swap3A_157 = tpu.vector_load %arg14[%swap3A_155, %swap3A_156] {strides = array<i32>} : memref<128x64xf32, #tpu.memory_space<vmem>>, vector<1x16xf32>,
      %swap3A_158 = vector.shape_cast %swap3A_157 : vector<1x16xf32> to vector<16xf32>
      %swap3A_159 = vector.shape_cast %broadcast_in_dim3A_154 : vector<16xf32> to vector<1x16xf32>
      tpu.vector_store %arg14[%swap3A_155, %swap3A_156], %swap3A_159 {strides = array<i32>} : memref<128x64xf32, #tpu.memory_space<vmem>>, vector<1x16xf32>,
      %broadcast_in_dim3A_160 = arith.constant 0.000000e+00 : f32
      %broadcast_in_dim3A_161 = vector.broadcast %broadcast_in_dim3A_160 : f32 to vector<16xf32>
      %swap3A_162 = arith.index_cast %scan3A_146 : i32 to index
      %swap3A_163 = arith.constant 32 : index
      %swap3A_164 = tpu.vector_load %arg14[%swap3A_162, %swap3A_163] {strides = array<i32>} : memref<128x64xf32, #tpu.memory_space<vmem>>, vector<1x16xf32>,
      %swap3A_165 = vector.shape_cast %swap3A_164 : vector<1x16xf32> to vector<16xf32>
      %swap3A_166 = vector.shape_cast %broadcast_in_dim3A_161 : vector<16xf32> to vector<1x16xf32>
      tpu.vector_store %arg14[%swap3A_162, %swap3A_163], %swap3A_166 {strides = array<i32>} : memref<128x64xf32, #tpu.memory_space<vmem>>, vector<1x16xf32>,
      %broadcast_in_dim3A_167 = arith.constant 0.000000e+00 : f32
      %broadcast_in_dim3A_168 = vector.broadcast %broadcast_in_dim3A_167 : f32 to vector<16xf32>
      %swap3A_169 = arith.index_cast %scan3A_146 : i32 to index
      %swap3A_170 = arith.constant 48 : index
      %swap3A_171 = tpu.vector_load %arg14[%swap3A_169, %swap3A_170] {strides = array<i32>} : memref<128x64xf32, #tpu.memory_space<vmem>>, vector<1x16xf32>,
      %swap3A_172 = vector.shape_cast %swap3A_171 : vector<1x16xf32> to vector<16xf32>
      %swap3A_173 = vector.shape_cast %broadcast_in_dim3A_168 : vector<16xf32> to vector<1x16xf32>
      tpu.vector_store %arg14[%swap3A_169, %swap3A_170], %swap3A_173 {strides = array<i32>} : memref<128x64xf32, #tpu.memory_space<vmem>>, vector<1x16xf32>,
      %scan3A_174 = arith.constant 0 : i32
      scf.yield %scan3A_174 : i32
    }
    %scan3A_10 = arith.constant 128 : i32
    %scan3A_11 = arith.constant 0 : i32
    %scan3A_12 = arith.constant 0 : i32
    %scan3A_13 = arith.constant 5 : i32
    %scan3A_14 = arith.addi %scan3A_12, %scan3A_13 : i32
    %scan3A_15 = arith.constant 1 : i32
    %scan3A_16 = scf.for %scan3A_146 = %scan3A_12 to %scan3A_14 step %scan3A_15 iter_args(%scan3A_147 = %scan3A_11) -> (i32)  : i32 {
      %mul3A_148 = arith.constant 128 : i32
      %mul3A_149 = arith.muli %scan3A_146, %mul3A_148 : i32
      %add3A_150 = arith.addi %mul3A_0, %mul3A_149 : i32
      "tpu.region"() ({
        %run_scoped3A = tpu.sem_alloc : memref<!tpu.dma_semaphore, #tpu.memory_space<semaphore_mem>>
        %dma_start3A_152 = arith.constant 0 : i32
        %dma_start3A_153 = tpu.memref_slice %arg17[%add3A_150, %dma_start3A_152] : memref<10240x64xf32, #tpu.memory_space<vmem_shared>> -> memref<128x64xf32, #tpu.memory_space<vmem_shared>>
        %dma_start3A_154 = arith.constant 0 : i32
        %dma_start3A_155 = tpu.memref_slice %arg17[%add3A_150, %dma_start3A_154] : memref<10240x64xf32, #tpu.memory_space<vmem_shared>> -> memref<128x64xf32, #tpu.memory_space<vmem_shared>>
        tpu.enqueue_dma source(%arg14 : memref<128x64xf32, #tpu.memory_space<vmem>>) target(%dma_start3A_155 : memref<128x64xf32, #tpu.memory_space<vmem_shared>>) target_semaphore(%run_scoped3A : memref<!tpu.dma_semaphore, #tpu.memory_space<semaphore_mem>>)
        %dma_wait3A = arith.constant 0 : i32
        %dma_wait3A_156 = tpu.memref_slice %arg17[%add3A_150, %dma_wait3A] : memref<10240x64xf32, #tpu.memory_space<vmem_shared>> -> memref<128x64xf32, #tpu.memory_space<vmem_shared>>
        %dma_wait3A_157 = arith.constant 0 : i32
        %dma_wait3A_158 = tpu.memref_slice %arg17[%add3A_150, %dma_wait3A_157] : memref<10240x64xf32, #tpu.memory_space<vmem_shared>> -> memref<128x64xf32, #tpu.memory_space<vmem_shared>>
        tpu.wait_dma2 semaphore(%run_scoped3A : memref<!tpu.dma_semaphore, #tpu.memory_space<semaphore_mem>>) src(%arg14 : memref<128x64xf32, #tpu.memory_space<vmem>>) dst(%dma_wait3A_158 : memref<128x64xf32, #tpu.memory_space<vmem_shared>>)
        tpu.yield
      }) : () -> ()
      %scan3A_151 = arith.constant 0 : i32
      scf.yield %scan3A_151 : i32
    }
    %scan3A_17 = arith.constant 5 : i32
    %barrier3A = arith.constant 0 : index
    tpu.barrier barrier_id(%barrier3A)
    %mul3A_18 = arith.constant 2 : i32
    %mul3A_19 = arith.muli %mul3A_18, %arg0 : i32
    %mul3A_20 = arith.constant 10240 : i32
    %mul3A_21 = arith.muli %mul3A_19, %mul3A_20 : i32
    %scan3A_22 = arith.constant 0 : i32
    %scan3A_23 = arith.constant 0 : i32
    %scan3A_24 = arith.constant 128 : i32
    %scan3A_25 = arith.addi %scan3A_23, %scan3A_24 : i32
    %scan3A_26 = arith.constant 1 : i32
    %scan3A_27 = scf.for %scan3A_146 = %scan3A_23 to %scan3A_25 step %scan3A_26 iter_args(%scan3A_147 = %scan3A_22) -> (i32)  : i32 {
      %get3A = arith.index_cast %scan3A_146 : i32 to index
      %get3A_148 = arith.constant 0 : index
      %get3A_149 = tpu.vector_load %arg8[%get3A, %get3A_148] {strides = array<i32>} : memref<128x80xi32, #tpu.memory_space<vmem>>, vector<1x16xi32>,
      %get3A_150 = vector.shape_cast %get3A_149 : vector<1x16xi32> to vector<16xi32>
      %add3A_151 = vector.broadcast %mul3A_21 : i32 to vector<16xi32>
      %add3A_152 = arith.addi %get3A_150, %add3A_151 : vector<16xi32>
      %swap3A = arith.index_cast %scan3A_146 : i32 to index
      %swap3A_153 = arith.constant 0 : index
      %swap3A_154 = tpu.vector_load %arg8[%swap3A, %swap3A_153] {strides = array<i32>} : memref<128x80xi32, #tpu.memory_space<vmem>>, vector<1x16xi32>,
      %swap3A_155 = vector.shape_cast %swap3A_154 : vector<1x16xi32> to vector<16xi32>
      %swap3A_156 = vector.shape_cast %add3A_152 : vector<16xi32> to vector<1x16xi32>
      tpu.vector_store %arg8[%swap3A, %swap3A_153], %swap3A_156 {strides = array<i32>} : memref<128x80xi32, #tpu.memory_space<vmem>>, vector<1x16xi32>,
      %get3A_157 = arith.index_cast %scan3A_146 : i32 to index
      %get3A_158 = arith.constant 16 : index
      %get3A_159 = tpu.vector_load %arg8[%get3A_157, %get3A_158] {strides = array<i32>} : memref<128x80xi32, #tpu.memory_space<vmem>>, vector<1x16xi32>,
      %get3A_160 = vector.shape_cast %get3A_159 : vector<1x16xi32> to vector<16xi32>
      %add3A_161 = vector.broadcast %mul3A_21 : i32 to vector<16xi32>
      %add3A_162 = arith.addi %get3A_160, %add3A_161 : vector<16xi32>
      %swap3A_163 = arith.index_cast %scan3A_146 : i32 to index
      %swap3A_164 = arith.constant 16 : index
      %swap3A_165 = tpu.vector_load %arg8[%swap3A_163, %swap3A_164] {strides = array<i32>} : memref<128x80xi32, #tpu.memory_space<vmem>>, vector<1x16xi32>,
      %swap3A_166 = vector.shape_cast %swap3A_165 : vector<1x16xi32> to vector<16xi32>
      %swap3A_167 = vector.shape_cast %add3A_162 : vector<16xi32> to vector<1x16xi32>
      tpu.vector_store %arg8[%swap3A_163, %swap3A_164], %swap3A_167 {strides = array<i32>} : memref<128x80xi32, #tpu.memory_space<vmem>>, vector<1x16xi32>,
      %get3A_168 = arith.index_cast %scan3A_146 : i32 to index
      %get3A_169 = arith.constant 32 : index
      %get3A_170 = tpu.vector_load %arg8[%get3A_168, %get3A_169] {strides = array<i32>} : memref<128x80xi32, #tpu.memory_space<vmem>>, vector<1x16xi32>,
      %get3A_171 = vector.shape_cast %get3A_170 : vector<1x16xi32> to vector<16xi32>
      %add3A_172 = vector.broadcast %mul3A_21 : i32 to vector<16xi32>
      %add3A_173 = arith.addi %get3A_171, %add3A_172 : vector<16xi32>
      %swap3A_174 = arith.index_cast %scan3A_146 : i32 to index
      %swap3A_175 = arith.constant 32 : index
      %swap3A_176 = tpu.vector_load %arg8[%swap3A_174, %swap3A_175] {strides = array<i32>} : memref<128x80xi32, #tpu.memory_space<vmem>>, vector<1x16xi32>,
      %swap3A_177 = vector.shape_cast %swap3A_176 : vector<1x16xi32> to vector<16xi32>
      %swap3A_178 = vector.shape_cast %add3A_173 : vector<16xi32> to vector<1x16xi32>
      tpu.vector_store %arg8[%swap3A_174, %swap3A_175], %swap3A_178 {strides = array<i32>} : memref<128x80xi32, #tpu.memory_space<vmem>>, vector<1x16xi32>,
      %get3A_179 = arith.index_cast %scan3A_146 : i32 to index
      %get3A_180 = arith.constant 48 : index
      %get3A_181 = tpu.vector_load %arg8[%get3A_179, %get3A_180] {strides = array<i32>} : memref<128x80xi32, #tpu.memory_space<vmem>>, vector<1x16xi32>,
      %get3A_182 = vector.shape_cast %get3A_181 : vector<1x16xi32> to vector<16xi32>
      %add3A_183 = vector.broadcast %mul3A_21 : i32 to vector<16xi32>
      %add3A_184 = arith.addi %get3A_182, %add3A_183 : vector<16xi32>
      %swap3A_185 = arith.index_cast %scan3A_146 : i32 to index
      %swap3A_186 = arith.constant 48 : index
      %swap3A_187 = tpu.vector_load %arg8[%swap3A_185, %swap3A_186] {strides = array<i32>} : memref<128x80xi32, #tpu.memory_space<vmem>>, vector<1x16xi32>,
      %swap3A_188 = vector.shape_cast %swap3A_187 : vector<1x16xi32> to vector<16xi32>
      %swap3A_189 = vector.shape_cast %add3A_184 : vector<16xi32> to vector<1x16xi32>
      tpu.vector_store %arg8[%swap3A_185, %swap3A_186], %swap3A_189 {strides = array<i32>} : memref<128x80xi32, #tpu.memory_space<vmem>>, vector<1x16xi32>,
      %get3A_190 = arith.index_cast %scan3A_146 : i32 to index
      %get3A_191 = arith.constant 64 : index
      %get3A_192 = tpu.vector_load %arg8[%get3A_190, %get3A_191] {strides = array<i32>} : memref<128x80xi32, #tpu.memory_space<vmem>>, vector<1x16xi32>,
      %get3A_193 = vector.shape_cast %get3A_192 : vector<1x16xi32> to vector<16xi32>
      %add3A_194 = vector.broadcast %mul3A_21 : i32 to vector<16xi32>
      %add3A_195 = arith.addi %get3A_193, %add3A_194 : vector<16xi32>
      %swap3A_196 = arith.index_cast %scan3A_146 : i32 to index
      %swap3A_197 = arith.constant 64 : index
      %swap3A_198 = tpu.vector_load %arg8[%swap3A_196, %swap3A_197] {strides = array<i32>} : memref<128x80xi32, #tpu.memory_space<vmem>>, vector<1x16xi32>,
      %swap3A_199 = vector.shape_cast %swap3A_198 : vector<1x16xi32> to vector<16xi32>
      %swap3A_200 = vector.shape_cast %add3A_195 : vector<16xi32> to vector<1x16xi32>
      tpu.vector_store %arg8[%swap3A_196, %swap3A_197], %swap3A_200 {strides = array<i32>} : memref<128x80xi32, #tpu.memory_space<vmem>>, vector<1x16xi32>,
      %scan3A_201 = arith.constant 0 : i32
      scf.yield %scan3A_201 : i32
    }
    %scan3A_28 = arith.constant 128 : i32
    %mul3A_29 = arith.constant 2 : i32
    %mul3A_30 = arith.muli %mul3A_29, %arg0 : i32
    %mul3A_31 = arith.constant 10240 : i32
    %mul3A_32 = arith.muli %mul3A_30, %mul3A_31 : i32
    %dma_start3A = arith.constant 0 : i32
    %dma_start3A_33 = arith.constant 0 : i32
    %dma_start3A_34 = tpu.memref_slice %arg8[%dma_start3A, %dma_start3A_33] : memref<128x80xi32, #tpu.memory_space<vmem>> -> memref<1x80xi32, #tpu.memory_space<vmem>>
    %dma_start3A_35 = tpu.memref_squeeze %dma_start3A_34 : memref<1x80xi32, #tpu.memory_space<vmem>> -> memref<80xi32, #tpu.memory_space<vmem>>
    %dma_start3A_36 = arith.constant 0 : i32
    %dma_start3A_37 = arith.constant 0 : i32
    %dma_start3A_38 = tpu.memref_slice %arg2[%dma_start3A_36, %dma_start3A_37] : memref<40960x64xf32, #tpu.memory_space<hbm>> -> memref<40960x64xf32, #tpu.memory_space<hbm>>
    tpu.enqueue_indirect_dma source(%dma_start3A_38 : memref<40960x64xf32, #tpu.memory_space<hbm>>) target(%arg10 : memref<80x64xf32, #tpu.memory_space<vmem>>) offsets(%dma_start3A_35 : memref<80xi32, #tpu.memory_space<vmem>>) semaphore(%arg15 : memref<!tpu.dma_semaphore, #tpu.memory_space<semaphore_mem>>)
    %scan3A_39 = arith.constant 0 : i32
    %scan3A_40 = arith.constant 0 : i32
    %scan3A_41 = arith.constant 64 : i32
    %scan3A_42 = arith.addi %scan3A_40, %scan3A_41 : i32
    %scan3A_43 = arith.constant 1 : i32
    %scan3A_44 = scf.for %scan3A_146 = %scan3A_40 to %scan3A_42 step %scan3A_43 iter_args(%scan3A_147 = %scan3A_39) -> (i32)  : i32 {
      %mul3A_148 = arith.constant 2 : i32
      %mul3A_149 = arith.muli %mul3A_148, %scan3A_146 : i32
      %dma_wait3A = arith.constant 0 : i32
      %dma_wait3A_150 = tpu.memref_slice %arg8[%mul3A_149, %dma_wait3A] : memref<128x80xi32, #tpu.memory_space<vmem>> -> memref<1x80xi32, #tpu.memory_space<vmem>>
      %dma_wait3A_151 = tpu.memref_squeeze %dma_wait3A_150 : memref<1x80xi32, #tpu.memory_space<vmem>> -> memref<80xi32, #tpu.memory_space<vmem>>
      %dma_wait3A_152 = arith.constant 0 : i32
      %dma_wait3A_153 = arith.constant 0 : i32
      %dma_wait3A_154 = tpu.memref_slice %arg2[%dma_wait3A_152, %dma_wait3A_153] : memref<40960x64xf32, #tpu.memory_space<hbm>> -> memref<40960x64xf32, #tpu.memory_space<hbm>>
      tpu.wait_indirect_dma semaphore(%arg15 : memref<!tpu.dma_semaphore, #tpu.memory_space<semaphore_mem>>) src(%dma_wait3A_154 : memref<40960x64xf32, #tpu.memory_space<hbm>>) dst(%arg10 : memref<80x64xf32, #tpu.memory_space<vmem>>)
      %add3A_155 = arith.constant 1 : i32
      %add3A_156 = arith.addi %mul3A_149, %add3A_155 : i32
      %dma_start3A_157 = arith.constant 0 : i32
      %dma_start3A_158 = tpu.memref_slice %arg8[%add3A_156, %dma_start3A_157] : memref<128x80xi32, #tpu.memory_space<vmem>> -> memref<1x80xi32, #tpu.memory_space<vmem>>
      %dma_start3A_159 = tpu.memref_squeeze %dma_start3A_158 : memref<1x80xi32, #tpu.memory_space<vmem>> -> memref<80xi32, #tpu.memory_space<vmem>>
      %dma_start3A_160 = arith.constant 0 : i32
      %dma_start3A_161 = arith.constant 0 : i32
      %dma_start3A_162 = tpu.memref_slice %arg2[%dma_start3A_160, %dma_start3A_161] : memref<40960x64xf32, #tpu.memory_space<hbm>> -> memref<40960x64xf32, #tpu.memory_space<hbm>>
      tpu.enqueue_indirect_dma source(%dma_start3A_162 : memref<40960x64xf32, #tpu.memory_space<hbm>>) target(%arg11 : memref<80x64xf32, #tpu.memory_space<vmem>>) offsets(%dma_start3A_159 : memref<80xi32, #tpu.memory_space<vmem>>) semaphore(%arg16 : memref<!tpu.dma_semaphore, #tpu.memory_space<semaphore_mem>>)
      "tpu.region"() ({
        %run_scoped3A = tpu.sem_alloc : memref<!tpu.dma_semaphore, #tpu.memory_space<semaphore_mem>>
        %dma_start3A_178 = arith.constant 0 : i32
        %dma_start3A_179 = tpu.memref_slice %arg9[%mul3A_149, %dma_start3A_178] : memref<128x80xi32, #tpu.memory_space<vmem>> -> memref<1x80xi32, #tpu.memory_space<vmem>>
        %dma_start3A_180 = tpu.memref_squeeze %dma_start3A_179 : memref<1x80xi32, #tpu.memory_space<vmem>> -> memref<80xi32, #tpu.memory_space<vmem>>
        %dma_start3A_181 = arith.constant 0 : i32
        %dma_start3A_182 = arith.constant 0 : i32
        %dma_start3A_183 = tpu.memref_slice %arg17[%dma_start3A_181, %dma_start3A_182] : memref<10240x64xf32, #tpu.memory_space<vmem_shared>> -> memref<10240x64xf32, #tpu.memory_space<vmem_shared>>
        tpu.enqueue_indirect_dma source(%arg10 : memref<80x64xf32, #tpu.memory_space<vmem>>) target(%dma_start3A_183 : memref<10240x64xf32, #tpu.memory_space<vmem_shared>>) offsets(%dma_start3A_180 : memref<80xi32, #tpu.memory_space<vmem>>) semaphore(%run_scoped3A : memref<!tpu.dma_semaphore, #tpu.memory_space<semaphore_mem>>) {add = true}
        %dma_wait3A_184 = arith.constant 0 : i32
        %dma_wait3A_185 = tpu.memref_slice %arg9[%mul3A_149, %dma_wait3A_184] : memref<128x80xi32, #tpu.memory_space<vmem>> -> memref<1x80xi32, #tpu.memory_space<vmem>>
        %dma_wait3A_186 = tpu.memref_squeeze %dma_wait3A_185 : memref<1x80xi32, #tpu.memory_space<vmem>> -> memref<80xi32, #tpu.memory_space<vmem>>
        %dma_wait3A_187 = arith.constant 0 : i32
        %dma_wait3A_188 = arith.constant 0 : i32
        %dma_wait3A_189 = tpu.memref_slice %arg17[%dma_wait3A_187, %dma_wait3A_188] : memref<10240x64xf32, #tpu.memory_space<vmem_shared>> -> memref<10240x64xf32, #tpu.memory_space<vmem_shared>>
        tpu.wait_indirect_dma semaphore(%run_scoped3A : memref<!tpu.dma_semaphore, #tpu.memory_space<semaphore_mem>>) src(%arg10 : memref<80x64xf32, #tpu.memory_space<vmem>>) dst(%dma_wait3A_189 : memref<10240x64xf32, #tpu.memory_space<vmem_shared>>)
        tpu.yield
      }) : () -> ()
      %add3A_163 = arith.constant 1 : i32
      %add3A_164 = arith.addi %mul3A_149, %add3A_163 : i32
      %dma_wait3A_165 = arith.constant 0 : i32
      %dma_wait3A_166 = tpu.memref_slice %arg8[%add3A_164, %dma_wait3A_165] : memref<128x80xi32, #tpu.memory_space<vmem>> -> memref<1x80xi32, #tpu.memory_space<vmem>>
      %dma_wait3A_167 = tpu.memref_squeeze %dma_wait3A_166 : memref<1x80xi32, #tpu.memory_space<vmem>> -> memref<80xi32, #tpu.memory_space<vmem>>
      %dma_wait3A_168 = arith.constant 0 : i32
      %dma_wait3A_169 = arith.constant 0 : i32
      %dma_wait3A_170 = tpu.memref_slice %arg2[%dma_wait3A_168, %dma_wait3A_169] : memref<40960x64xf32, #tpu.memory_space<hbm>> -> memref<40960x64xf32, #tpu.memory_space<hbm>>
      tpu.wait_indirect_dma semaphore(%arg16 : memref<!tpu.dma_semaphore, #tpu.memory_space<semaphore_mem>>) src(%dma_wait3A_170 : memref<40960x64xf32, #tpu.memory_space<hbm>>) dst(%arg11 : memref<80x64xf32, #tpu.memory_space<vmem>>)
      %add3A_171 = arith.constant 2 : i32
      %add3A_172 = arith.addi %mul3A_149, %add3A_171 : i32
      %lt3A = arith.constant 128 : i32
      %lt3A_173 = arith.cmpi slt, %add3A_172, %lt3A : i32
      %convert_element_type3A = arith.extui %lt3A_173 : i1 to i32
      %cond3A = arith.constant 0 : i32
      %cond3A_174 = arith.cmpi ne, %convert_element_type3A, %cond3A : i32
      scf.if %cond3A_174 {
        %add3A_178 = arith.constant 2 : i32
        %add3A_179 = arith.addi %mul3A_149, %add3A_178 : i32
        %dma_start3A_180 = arith.constant 0 : i32
        %dma_start3A_181 = tpu.memref_slice %arg8[%add3A_179, %dma_start3A_180] : memref<128x80xi32, #tpu.memory_space<vmem>> -> memref<1x80xi32, #tpu.memory_space<vmem>>
        %dma_start3A_182 = tpu.memref_squeeze %dma_start3A_181 : memref<1x80xi32, #tpu.memory_space<vmem>> -> memref<80xi32, #tpu.memory_space<vmem>>
        %dma_start3A_183 = arith.constant 0 : i32
        %dma_start3A_184 = arith.constant 0 : i32
        %dma_start3A_185 = tpu.memref_slice %arg2[%dma_start3A_183, %dma_start3A_184] : memref<40960x64xf32, #tpu.memory_space<hbm>> -> memref<40960x64xf32, #tpu.memory_space<hbm>>
        tpu.enqueue_indirect_dma source(%dma_start3A_185 : memref<40960x64xf32, #tpu.memory_space<hbm>>) target(%arg10 : memref<80x64xf32, #tpu.memory_space<vmem>>) offsets(%dma_start3A_182 : memref<80xi32, #tpu.memory_space<vmem>>) semaphore(%arg15 : memref<!tpu.dma_semaphore, #tpu.memory_space<semaphore_mem>>)
      } else {
      }
      %add3A_175 = arith.constant 1 : i32
      %add3A_176 = arith.addi %mul3A_149, %add3A_175 : i32
      "tpu.region"() ({
        %run_scoped3A = tpu.sem_alloc : memref<!tpu.dma_semaphore, #tpu.memory_space<semaphore_mem>>
        %dma_start3A_178 = arith.constant 0 : i32
        %dma_start3A_179 = tpu.memref_slice %arg9[%add3A_176, %dma_start3A_178] : memref<128x80xi32, #tpu.memory_space<vmem>> -> memref<1x80xi32, #tpu.memory_space<vmem>>
        %dma_start3A_180 = tpu.memref_squeeze %dma_start3A_179 : memref<1x80xi32, #tpu.memory_space<vmem>> -> memref<80xi32, #tpu.memory_space<vmem>>
        %dma_start3A_181 = arith.constant 0 : i32
        %dma_start3A_182 = arith.constant 0 : i32
        %dma_start3A_183 = tpu.memref_slice %arg17[%dma_start3A_181, %dma_start3A_182] : memref<10240x64xf32, #tpu.memory_space<vmem_shared>> -> memref<10240x64xf32, #tpu.memory_space<vmem_shared>>
        tpu.enqueue_indirect_dma source(%arg11 : memref<80x64xf32, #tpu.memory_space<vmem>>) target(%dma_start3A_183 : memref<10240x64xf32, #tpu.memory_space<vmem_shared>>) offsets(%dma_start3A_180 : memref<80xi32, #tpu.memory_space<vmem>>) semaphore(%run_scoped3A : memref<!tpu.dma_semaphore, #tpu.memory_space<semaphore_mem>>) {add = true}
        %dma_wait3A_184 = arith.constant 0 : i32
        %dma_wait3A_185 = tpu.memref_slice %arg9[%add3A_176, %dma_wait3A_184] : memref<128x80xi32, #tpu.memory_space<vmem>> -> memref<1x80xi32, #tpu.memory_space<vmem>>
        %dma_wait3A_186 = tpu.memref_squeeze %dma_wait3A_185 : memref<1x80xi32, #tpu.memory_space<vmem>> -> memref<80xi32, #tpu.memory_space<vmem>>
        %dma_wait3A_187 = arith.constant 0 : i32
        %dma_wait3A_188 = arith.constant 0 : i32
        %dma_wait3A_189 = tpu.memref_slice %arg17[%dma_wait3A_187, %dma_wait3A_188] : memref<10240x64xf32, #tpu.memory_space<vmem_shared>> -> memref<10240x64xf32, #tpu.memory_space<vmem_shared>>
        tpu.wait_indirect_dma semaphore(%run_scoped3A : memref<!tpu.dma_semaphore, #tpu.memory_space<semaphore_mem>>) src(%arg11 : memref<80x64xf32, #tpu.memory_space<vmem>>) dst(%dma_wait3A_189 : memref<10240x64xf32, #tpu.memory_space<vmem_shared>>)
        tpu.yield
      }) : () -> ()
      %scan3A_177 = arith.constant 0 : i32
      scf.yield %scan3A_177 : i32
    }
    %scan3A_45 = arith.constant 64 : i32
    %barrier3A_46 = arith.constant 0 : index
    tpu.barrier barrier_id(%barrier3A_46)
    %scan3A_47 = arith.constant 0 : i32
    %scan3A_48 = arith.constant 0 : i32
    %scan3A_49 = arith.constant 5 : i32
    %scan3A_50 = arith.addi %scan3A_48, %scan3A_49 : i32
    %scan3A_51 = arith.constant 1 : i32
    %scan3A_52 = scf.for %scan3A_146 = %scan3A_48 to %scan3A_50 step %scan3A_51 iter_args(%scan3A_147 = %scan3A_47) -> (i32)  : i32 {
      %mul3A_148 = arith.constant 128 : i32
      %mul3A_149 = arith.muli %scan3A_146, %mul3A_148 : i32
      %add3A_150 = arith.addi %mul3A_0, %mul3A_149 : i32
      "tpu.region"() ({
        %run_scoped3A = tpu.sem_alloc : memref<!tpu.dma_semaphore, #tpu.memory_space<semaphore_mem>>
        %dma_start3A_163 = arith.constant 0 : i32
        %dma_start3A_164 = tpu.memref_slice %arg17[%add3A_150, %dma_start3A_163] : memref<10240x64xf32, #tpu.memory_space<vmem_shared>> -> memref<128x64xf32, #tpu.memory_space<vmem_shared>>
        %dma_start3A_165 = arith.constant 0 : i32
        %dma_start3A_166 = tpu.memref_slice %arg17[%add3A_150, %dma_start3A_165] : memref<10240x64xf32, #tpu.memory_space<vmem_shared>> -> memref<128x64xf32, #tpu.memory_space<vmem_shared>>
        tpu.enqueue_dma source(%dma_start3A_166 : memref<128x64xf32, #tpu.memory_space<vmem_shared>>) target(%arg12 : memref<128x64xf32, #tpu.memory_space<vmem>>) target_semaphore(%run_scoped3A : memref<!tpu.dma_semaphore, #tpu.memory_space<semaphore_mem>>)
        %dma_wait3A = arith.constant 0 : i32
        %dma_wait3A_167 = tpu.memref_slice %arg17[%add3A_150, %dma_wait3A] : memref<10240x64xf32, #tpu.memory_space<vmem_shared>> -> memref<128x64xf32, #tpu.memory_space<vmem_shared>>
        %dma_wait3A_168 = arith.constant 0 : i32
        %dma_wait3A_169 = tpu.memref_slice %arg17[%add3A_150, %dma_wait3A_168] : memref<10240x64xf32, #tpu.memory_space<vmem_shared>> -> memref<128x64xf32, #tpu.memory_space<vmem_shared>>
        tpu.wait_dma2 semaphore(%run_scoped3A : memref<!tpu.dma_semaphore, #tpu.memory_space<semaphore_mem>>) src(%dma_wait3A_169 : memref<128x64xf32, #tpu.memory_space<vmem_shared>>) dst(%arg12 : memref<128x64xf32, #tpu.memory_space<vmem>>)
        tpu.yield
      }) : () -> ()
      "tpu.region"() ({
        %run_scoped3A = tpu.sem_alloc : memref<!tpu.dma_semaphore, #tpu.memory_space<semaphore_mem>>
        %dma_start3A_163 = arith.constant 0 : i32
        %dma_start3A_164 = tpu.memref_slice %arg5[%add3A_150, %dma_start3A_163] : memref<10240x64xf32, #tpu.memory_space<hbm>> -> memref<128x64xf32, #tpu.memory_space<hbm>>
        %dma_start3A_165 = arith.constant 0 : i32
        %dma_start3A_166 = tpu.memref_slice %arg5[%add3A_150, %dma_start3A_165] : memref<10240x64xf32, #tpu.memory_space<hbm>> -> memref<128x64xf32, #tpu.memory_space<hbm>>
        tpu.enqueue_dma source(%dma_start3A_166 : memref<128x64xf32, #tpu.memory_space<hbm>>) target(%arg13 : memref<128x64xf32, #tpu.memory_space<vmem>>) target_semaphore(%run_scoped3A : memref<!tpu.dma_semaphore, #tpu.memory_space<semaphore_mem>>)
        %dma_wait3A = arith.constant 0 : i32
        %dma_wait3A_167 = tpu.memref_slice %arg5[%add3A_150, %dma_wait3A] : memref<10240x64xf32, #tpu.memory_space<hbm>> -> memref<128x64xf32, #tpu.memory_space<hbm>>
        %dma_wait3A_168 = arith.constant 0 : i32
        %dma_wait3A_169 = tpu.memref_slice %arg5[%add3A_150, %dma_wait3A_168] : memref<10240x64xf32, #tpu.memory_space<hbm>> -> memref<128x64xf32, #tpu.memory_space<hbm>>
        tpu.wait_dma2 semaphore(%run_scoped3A : memref<!tpu.dma_semaphore, #tpu.memory_space<semaphore_mem>>) src(%dma_wait3A_169 : memref<128x64xf32, #tpu.memory_space<hbm>>) dst(%arg13 : memref<128x64xf32, #tpu.memory_space<vmem>>)
        tpu.yield
      }) : () -> ()
      %scan3A_151 = arith.constant 0 : i32
      %scan3A_152 = arith.constant 0 : i32
      %scan3A_153 = arith.constant 128 : i32
      %scan3A_154 = arith.addi %scan3A_152, %scan3A_153 : i32
      %scan3A_155 = arith.constant 1 : i32
      %scan3A_156 = scf.for %scan3A_163 = %scan3A_152 to %scan3A_154 step %scan3A_155 iter_args(%scan3A_164 = %scan3A_151) -> (i32)  : i32 {
        %get3A = arith.index_cast %scan3A_163 : i32 to index
        %get3A_165 = arith.constant 0 : index
        %get3A_166 = tpu.vector_load %arg12[%get3A, %get3A_165] {strides = array<i32>} : memref<128x64xf32, #tpu.memory_space<vmem>>, vector<1x16xf32>,
        %get3A_167 = vector.shape_cast %get3A_166 : vector<1x16xf32> to vector<16xf32>
        %get3A_168 = arith.index_cast %scan3A_163 : i32 to index
        %get3A_169 = arith.constant 0 : index
        %get3A_170 = tpu.vector_load %arg13[%get3A_168, %get3A_169] {strides = array<i32>} : memref<128x64xf32, #tpu.memory_space<vmem>>, vector<1x16xf32>,
        %get3A_171 = vector.shape_cast %get3A_170 : vector<1x16xf32> to vector<16xf32>
        %mul3A_172 = arith.mulf %get3A_167, %get3A_171 : vector<16xf32>
        %swap3A = arith.index_cast %scan3A_163 : i32 to index
        %swap3A_173 = arith.constant 0 : index
        %swap3A_174 = tpu.vector_load %arg12[%swap3A, %swap3A_173] {strides = array<i32>} : memref<128x64xf32, #tpu.memory_space<vmem>>, vector<1x16xf32>,
        %swap3A_175 = vector.shape_cast %swap3A_174 : vector<1x16xf32> to vector<16xf32>
        %swap3A_176 = vector.shape_cast %mul3A_172 : vector<16xf32> to vector<1x16xf32>
        tpu.vector_store %arg12[%swap3A, %swap3A_173], %swap3A_176 {strides = array<i32>} : memref<128x64xf32, #tpu.memory_space<vmem>>, vector<1x16xf32>,
        %get3A_177 = arith.index_cast %scan3A_163 : i32 to index
        %get3A_178 = arith.constant 16 : index
        %get3A_179 = tpu.vector_load %arg12[%get3A_177, %get3A_178] {strides = array<i32>} : memref<128x64xf32, #tpu.memory_space<vmem>>, vector<1x16xf32>,
        %get3A_180 = vector.shape_cast %get3A_179 : vector<1x16xf32> to vector<16xf32>
        %get3A_181 = arith.index_cast %scan3A_163 : i32 to index
        %get3A_182 = arith.constant 16 : index
        %get3A_183 = tpu.vector_load %arg13[%get3A_181, %get3A_182] {strides = array<i32>} : memref<128x64xf32, #tpu.memory_space<vmem>>, vector<1x16xf32>,
        %get3A_184 = vector.shape_cast %get3A_183 : vector<1x16xf32> to vector<16xf32>
        %mul3A_185 = arith.mulf %get3A_180, %get3A_184 : vector<16xf32>
        %swap3A_186 = arith.index_cast %scan3A_163 : i32 to index
        %swap3A_187 = arith.constant 16 : index
        %swap3A_188 = tpu.vector_load %arg12[%swap3A_186, %swap3A_187] {strides = array<i32>} : memref<128x64xf32, #tpu.memory_space<vmem>>, vector<1x16xf32>,
        %swap3A_189 = vector.shape_cast %swap3A_188 : vector<1x16xf32> to vector<16xf32>
        %swap3A_190 = vector.shape_cast %mul3A_185 : vector<16xf32> to vector<1x16xf32>
        tpu.vector_store %arg12[%swap3A_186, %swap3A_187], %swap3A_190 {strides = array<i32>} : memref<128x64xf32, #tpu.memory_space<vmem>>, vector<1x16xf32>,
        %get3A_191 = arith.index_cast %scan3A_163 : i32 to index
        %get3A_192 = arith.constant 32 : index
        %get3A_193 = tpu.vector_load %arg12[%get3A_191, %get3A_192] {strides = array<i32>} : memref<128x64xf32, #tpu.memory_space<vmem>>, vector<1x16xf32>,
        %get3A_194 = vector.shape_cast %get3A_193 : vector<1x16xf32> to vector<16xf32>
        %get3A_195 = arith.index_cast %scan3A_163 : i32 to index
        %get3A_196 = arith.constant 32 : index
        %get3A_197 = tpu.vector_load %arg13[%get3A_195, %get3A_196] {strides = array<i32>} : memref<128x64xf32, #tpu.memory_space<vmem>>, vector<1x16xf32>,
        %get3A_198 = vector.shape_cast %get3A_197 : vector<1x16xf32> to vector<16xf32>
        %mul3A_199 = arith.mulf %get3A_194, %get3A_198 : vector<16xf32>
        %swap3A_200 = arith.index_cast %scan3A_163 : i32 to index
        %swap3A_201 = arith.constant 32 : index
        %swap3A_202 = tpu.vector_load %arg12[%swap3A_200, %swap3A_201] {strides = array<i32>} : memref<128x64xf32, #tpu.memory_space<vmem>>, vector<1x16xf32>,
        %swap3A_203 = vector.shape_cast %swap3A_202 : vector<1x16xf32> to vector<16xf32>
        %swap3A_204 = vector.shape_cast %mul3A_199 : vector<16xf32> to vector<1x16xf32>
        tpu.vector_store %arg12[%swap3A_200, %swap3A_201], %swap3A_204 {strides = array<i32>} : memref<128x64xf32, #tpu.memory_space<vmem>>, vector<1x16xf32>,
        %get3A_205 = arith.index_cast %scan3A_163 : i32 to index
        %get3A_206 = arith.constant 48 : index
        %get3A_207 = tpu.vector_load %arg12[%get3A_205, %get3A_206] {strides = array<i32>} : memref<128x64xf32, #tpu.memory_space<vmem>>, vector<1x16xf32>,
        %get3A_208 = vector.shape_cast %get3A_207 : vector<1x16xf32> to vector<16xf32>
        %get3A_209 = arith.index_cast %scan3A_163 : i32 to index
        %get3A_210 = arith.constant 48 : index
        %get3A_211 = tpu.vector_load %arg13[%get3A_209, %get3A_210] {strides = array<i32>} : memref<128x64xf32, #tpu.memory_space<vmem>>, vector<1x16xf32>,
        %get3A_212 = vector.shape_cast %get3A_211 : vector<1x16xf32> to vector<16xf32>
        %mul3A_213 = arith.mulf %get3A_208, %get3A_212 : vector<16xf32>
        %swap3A_214 = arith.index_cast %scan3A_163 : i32 to index
        %swap3A_215 = arith.constant 48 : index
        %swap3A_216 = tpu.vector_load %arg12[%swap3A_214, %swap3A_215] {strides = array<i32>} : memref<128x64xf32, #tpu.memory_space<vmem>>, vector<1x16xf32>,
        %swap3A_217 = vector.shape_cast %swap3A_216 : vector<1x16xf32> to vector<16xf32>
        %swap3A_218 = vector.shape_cast %mul3A_213 : vector<16xf32> to vector<1x16xf32>
        tpu.vector_store %arg12[%swap3A_214, %swap3A_215], %swap3A_218 {strides = array<i32>} : memref<128x64xf32, #tpu.memory_space<vmem>>, vector<1x16xf32>,
        %scan3A_219 = arith.constant 0 : i32
        scf.yield %scan3A_219 : i32
      }
      %scan3A_157 = arith.constant 128 : i32
      %add3A_158 = arith.addi %mul3A_32, %mul3A_0 : i32
      %mul3A_159 = arith.constant 128 : i32
      %mul3A_160 = arith.muli %scan3A_146, %mul3A_159 : i32
      %add3A_161 = arith.addi %add3A_158, %mul3A_160 : i32
      "tpu.region"() ({
        %run_scoped3A = tpu.sem_alloc : memref<!tpu.dma_semaphore, #tpu.memory_space<semaphore_mem>>
        %dma_start3A_163 = arith.constant 0 : i32
        %dma_start3A_164 = tpu.memref_slice %arg6[%add3A_161, %dma_start3A_163] : memref<40960x64xf32, #tpu.memory_space<hbm>> -> memref<128x64xf32, #tpu.memory_space<hbm>>
        %dma_start3A_165 = arith.constant 0 : i32
        %dma_start3A_166 = tpu.memref_slice %arg6[%add3A_161, %dma_start3A_165] : memref<40960x64xf32, #tpu.memory_space<hbm>> -> memref<128x64xf32, #tpu.memory_space<hbm>>
        tpu.enqueue_dma source(%arg12 : memref<128x64xf32, #tpu.memory_space<vmem>>) target(%dma_start3A_166 : memref<128x64xf32, #tpu.memory_space<hbm>>) target_semaphore(%run_scoped3A : memref<!tpu.dma_semaphore, #tpu.memory_space<semaphore_mem>>)
        %dma_wait3A = arith.constant 0 : i32
        %dma_wait3A_167 = tpu.memref_slice %arg6[%add3A_161, %dma_wait3A] : memref<40960x64xf32, #tpu.memory_space<hbm>> -> memref<128x64xf32, #tpu.memory_space<hbm>>
        %dma_wait3A_168 = arith.constant 0 : i32
        %dma_wait3A_169 = tpu.memref_slice %arg6[%add3A_161, %dma_wait3A_168] : memref<40960x64xf32, #tpu.memory_space<hbm>> -> memref<128x64xf32, #tpu.memory_space<hbm>>
        tpu.wait_dma2 semaphore(%run_scoped3A : memref<!tpu.dma_semaphore, #tpu.memory_space<semaphore_mem>>) src(%arg12 : memref<128x64xf32, #tpu.memory_space<vmem>>) dst(%dma_wait3A_169 : memref<128x64xf32, #tpu.memory_space<hbm>>)
        tpu.yield
      }) : () -> ()
      "tpu.region"() ({
        %run_scoped3A = tpu.sem_alloc : memref<!tpu.dma_semaphore, #tpu.memory_space<semaphore_mem>>
        %dma_start3A_163 = arith.constant 0 : i32
        %dma_start3A_164 = tpu.memref_slice %arg17[%add3A_150, %dma_start3A_163] : memref<10240x64xf32, #tpu.memory_space<vmem_shared>> -> memref<128x64xf32, #tpu.memory_space<vmem_shared>>
        %dma_start3A_165 = arith.constant 0 : i32
        %dma_start3A_166 = tpu.memref_slice %arg17[%add3A_150, %dma_start3A_165] : memref<10240x64xf32, #tpu.memory_space<vmem_shared>> -> memref<128x64xf32, #tpu.memory_space<vmem_shared>>
        tpu.enqueue_dma source(%arg14 : memref<128x64xf32, #tpu.memory_space<vmem>>) target(%dma_start3A_166 : memref<128x64xf32, #tpu.memory_space<vmem_shared>>) target_semaphore(%run_scoped3A : memref<!tpu.dma_semaphore, #tpu.memory_space<semaphore_mem>>)
        %dma_wait3A = arith.constant 0 : i32
        %dma_wait3A_167 = tpu.memref_slice %arg17[%add3A_150, %dma_wait3A] : memref<10240x64xf32, #tpu.memory_space<vmem_shared>> -> memref<128x64xf32, #tpu.memory_space<vmem_shared>>
        %dma_wait3A_168 = arith.constant 0 : i32
        %dma_wait3A_169 = tpu.memref_slice %arg17[%add3A_150, %dma_wait3A_168] : memref<10240x64xf32, #tpu.memory_space<vmem_shared>> -> memref<128x64xf32, #tpu.memory_space<vmem_shared>>
        tpu.wait_dma2 semaphore(%run_scoped3A : memref<!tpu.dma_semaphore, #tpu.memory_space<semaphore_mem>>) src(%arg14 : memref<128x64xf32, #tpu.memory_space<vmem>>) dst(%dma_wait3A_169 : memref<128x64xf32, #tpu.memory_space<vmem_shared>>)
        tpu.yield
      }) : () -> ()
      %scan3A_162 = arith.constant 0 : i32
      scf.yield %scan3A_162 : i32
    }
    %scan3A_53 = arith.constant 5 : i32
    %barrier3A_54 = arith.constant 0 : index
    tpu.barrier barrier_id(%barrier3A_54)
    %mul3A_55 = arith.constant 2 : i32
    %mul3A_56 = arith.muli %mul3A_55, %arg0 : i32
    %mul3A_57 = arith.constant 10240 : i32
    %mul3A_58 = arith.muli %mul3A_56, %mul3A_57 : i32
    %dma_start3A_59 = arith.constant 0 : i32
    %dma_start3A_60 = arith.constant 0 : i32
    %dma_start3A_61 = tpu.memref_slice %arg8[%dma_start3A_59, %dma_start3A_60] : memref<128x80xi32, #tpu.memory_space<vmem>> -> memref<1x80xi32, #tpu.memory_space<vmem>>
    %dma_start3A_62 = tpu.memref_squeeze %dma_start3A_61 : memref<1x80xi32, #tpu.memory_space<vmem>> -> memref<80xi32, #tpu.memory_space<vmem>>
    %dma_start3A_63 = arith.constant 0 : i32
    %dma_start3A_64 = arith.constant 0 : i32
    %dma_start3A_65 = tpu.memref_slice %arg6[%dma_start3A_63, %dma_start3A_64] : memref<40960x64xf32, #tpu.memory_space<hbm>> -> memref<40960x64xf32, #tpu.memory_space<hbm>>
    tpu.enqueue_indirect_dma source(%dma_start3A_65 : memref<40960x64xf32, #tpu.memory_space<hbm>>) target(%arg10 : memref<80x64xf32, #tpu.memory_space<vmem>>) offsets(%dma_start3A_62 : memref<80xi32, #tpu.memory_space<vmem>>) semaphore(%arg15 : memref<!tpu.dma_semaphore, #tpu.memory_space<semaphore_mem>>)
    %scan3A_66 = arith.constant 0 : i32
    %scan3A_67 = arith.constant 0 : i32
    %scan3A_68 = arith.constant 64 : i32
    %scan3A_69 = arith.addi %scan3A_67, %scan3A_68 : i32
    %scan3A_70 = arith.constant 1 : i32
    %scan3A_71 = scf.for %scan3A_146 = %scan3A_67 to %scan3A_69 step %scan3A_70 iter_args(%scan3A_147 = %scan3A_66) -> (i32)  : i32 {
      %mul3A_148 = arith.constant 2 : i32
      %mul3A_149 = arith.muli %mul3A_148, %scan3A_146 : i32
      %dma_wait3A = arith.constant 0 : i32
      %dma_wait3A_150 = tpu.memref_slice %arg8[%mul3A_149, %dma_wait3A] : memref<128x80xi32, #tpu.memory_space<vmem>> -> memref<1x80xi32, #tpu.memory_space<vmem>>
      %dma_wait3A_151 = tpu.memref_squeeze %dma_wait3A_150 : memref<1x80xi32, #tpu.memory_space<vmem>> -> memref<80xi32, #tpu.memory_space<vmem>>
      %dma_wait3A_152 = arith.constant 0 : i32
      %dma_wait3A_153 = arith.constant 0 : i32
      %dma_wait3A_154 = tpu.memref_slice %arg6[%dma_wait3A_152, %dma_wait3A_153] : memref<40960x64xf32, #tpu.memory_space<hbm>> -> memref<40960x64xf32, #tpu.memory_space<hbm>>
      tpu.wait_indirect_dma semaphore(%arg15 : memref<!tpu.dma_semaphore, #tpu.memory_space<semaphore_mem>>) src(%dma_wait3A_154 : memref<40960x64xf32, #tpu.memory_space<hbm>>) dst(%arg10 : memref<80x64xf32, #tpu.memory_space<vmem>>)
      %add3A_155 = arith.constant 1 : i32
      %add3A_156 = arith.addi %mul3A_149, %add3A_155 : i32
      %dma_start3A_157 = arith.constant 0 : i32
      %dma_start3A_158 = tpu.memref_slice %arg8[%add3A_156, %dma_start3A_157] : memref<128x80xi32, #tpu.memory_space<vmem>> -> memref<1x80xi32, #tpu.memory_space<vmem>>
      %dma_start3A_159 = tpu.memref_squeeze %dma_start3A_158 : memref<1x80xi32, #tpu.memory_space<vmem>> -> memref<80xi32, #tpu.memory_space<vmem>>
      %dma_start3A_160 = arith.constant 0 : i32
      %dma_start3A_161 = arith.constant 0 : i32
      %dma_start3A_162 = tpu.memref_slice %arg6[%dma_start3A_160, %dma_start3A_161] : memref<40960x64xf32, #tpu.memory_space<hbm>> -> memref<40960x64xf32, #tpu.memory_space<hbm>>
      tpu.enqueue_indirect_dma source(%dma_start3A_162 : memref<40960x64xf32, #tpu.memory_space<hbm>>) target(%arg11 : memref<80x64xf32, #tpu.memory_space<vmem>>) offsets(%dma_start3A_159 : memref<80xi32, #tpu.memory_space<vmem>>) semaphore(%arg16 : memref<!tpu.dma_semaphore, #tpu.memory_space<semaphore_mem>>)
      "tpu.region"() ({
        %run_scoped3A = tpu.sem_alloc : memref<!tpu.dma_semaphore, #tpu.memory_space<semaphore_mem>>
        %dma_start3A_178 = arith.constant 0 : i32
        %dma_start3A_179 = tpu.memref_slice %arg9[%mul3A_149, %dma_start3A_178] : memref<128x80xi32, #tpu.memory_space<vmem>> -> memref<1x80xi32, #tpu.memory_space<vmem>>
        %dma_start3A_180 = tpu.memref_squeeze %dma_start3A_179 : memref<1x80xi32, #tpu.memory_space<vmem>> -> memref<80xi32, #tpu.memory_space<vmem>>
        %dma_start3A_181 = arith.constant 0 : i32
        %dma_start3A_182 = arith.constant 0 : i32
        %dma_start3A_183 = tpu.memref_slice %arg17[%dma_start3A_181, %dma_start3A_182] : memref<10240x64xf32, #tpu.memory_space<vmem_shared>> -> memref<10240x64xf32, #tpu.memory_space<vmem_shared>>
        tpu.enqueue_indirect_dma source(%arg10 : memref<80x64xf32, #tpu.memory_space<vmem>>) target(%dma_start3A_183 : memref<10240x64xf32, #tpu.memory_space<vmem_shared>>) offsets(%dma_start3A_180 : memref<80xi32, #tpu.memory_space<vmem>>) semaphore(%run_scoped3A : memref<!tpu.dma_semaphore, #tpu.memory_space<semaphore_mem>>) {add = true}
        %dma_wait3A_184 = arith.constant 0 : i32
        %dma_wait3A_185 = tpu.memref_slice %arg9[%mul3A_149, %dma_wait3A_184] : memref<128x80xi32, #tpu.memory_space<vmem>> -> memref<1x80xi32, #tpu.memory_space<vmem>>
        %dma_wait3A_186 = tpu.memref_squeeze %dma_wait3A_185 : memref<1x80xi32, #tpu.memory_space<vmem>> -> memref<80xi32, #tpu.memory_space<vmem>>
        %dma_wait3A_187 = arith.constant 0 : i32
        %dma_wait3A_188 = arith.constant 0 : i32
        %dma_wait3A_189 = tpu.memref_slice %arg17[%dma_wait3A_187, %dma_wait3A_188] : memref<10240x64xf32, #tpu.memory_space<vmem_shared>> -> memref<10240x64xf32, #tpu.memory_space<vmem_shared>>
        tpu.wait_indirect_dma semaphore(%run_scoped3A : memref<!tpu.dma_semaphore, #tpu.memory_space<semaphore_mem>>) src(%arg10 : memref<80x64xf32, #tpu.memory_space<vmem>>) dst(%dma_wait3A_189 : memref<10240x64xf32, #tpu.memory_space<vmem_shared>>)
        tpu.yield
      }) : () -> ()
      %add3A_163 = arith.constant 1 : i32
      %add3A_164 = arith.addi %mul3A_149, %add3A_163 : i32
      %dma_wait3A_165 = arith.constant 0 : i32
      %dma_wait3A_166 = tpu.memref_slice %arg8[%add3A_164, %dma_wait3A_165] : memref<128x80xi32, #tpu.memory_space<vmem>> -> memref<1x80xi32, #tpu.memory_space<vmem>>
      %dma_wait3A_167 = tpu.memref_squeeze %dma_wait3A_166 : memref<1x80xi32, #tpu.memory_space<vmem>> -> memref<80xi32, #tpu.memory_space<vmem>>
      %dma_wait3A_168 = arith.constant 0 : i32
      %dma_wait3A_169 = arith.constant 0 : i32
      %dma_wait3A_170 = tpu.memref_slice %arg6[%dma_wait3A_168, %dma_wait3A_169] : memref<40960x64xf32, #tpu.memory_space<hbm>> -> memref<40960x64xf32, #tpu.memory_space<hbm>>
      tpu.wait_indirect_dma semaphore(%arg16 : memref<!tpu.dma_semaphore, #tpu.memory_space<semaphore_mem>>) src(%dma_wait3A_170 : memref<40960x64xf32, #tpu.memory_space<hbm>>) dst(%arg11 : memref<80x64xf32, #tpu.memory_space<vmem>>)
      %add3A_171 = arith.constant 2 : i32
      %add3A_172 = arith.addi %mul3A_149, %add3A_171 : i32
      %lt3A = arith.constant 128 : i32
      %lt3A_173 = arith.cmpi slt, %add3A_172, %lt3A : i32
      %convert_element_type3A = arith.extui %lt3A_173 : i1 to i32
      %cond3A = arith.constant 0 : i32
      %cond3A_174 = arith.cmpi ne, %convert_element_type3A, %cond3A : i32
      scf.if %cond3A_174 {
        %add3A_178 = arith.constant 2 : i32
        %add3A_179 = arith.addi %mul3A_149, %add3A_178 : i32
        %dma_start3A_180 = arith.constant 0 : i32
        %dma_start3A_181 = tpu.memref_slice %arg8[%add3A_179, %dma_start3A_180] : memref<128x80xi32, #tpu.memory_space<vmem>> -> memref<1x80xi32, #tpu.memory_space<vmem>>
        %dma_start3A_182 = tpu.memref_squeeze %dma_start3A_181 : memref<1x80xi32, #tpu.memory_space<vmem>> -> memref<80xi32, #tpu.memory_space<vmem>>
        %dma_start3A_183 = arith.constant 0 : i32
        %dma_start3A_184 = arith.constant 0 : i32
        %dma_start3A_185 = tpu.memref_slice %arg6[%dma_start3A_183, %dma_start3A_184] : memref<40960x64xf32, #tpu.memory_space<hbm>> -> memref<40960x64xf32, #tpu.memory_space<hbm>>
        tpu.enqueue_indirect_dma source(%dma_start3A_185 : memref<40960x64xf32, #tpu.memory_space<hbm>>) target(%arg10 : memref<80x64xf32, #tpu.memory_space<vmem>>) offsets(%dma_start3A_182 : memref<80xi32, #tpu.memory_space<vmem>>) semaphore(%arg15 : memref<!tpu.dma_semaphore, #tpu.memory_space<semaphore_mem>>)
      } else {
      }
      %add3A_175 = arith.constant 1 : i32
      %add3A_176 = arith.addi %mul3A_149, %add3A_175 : i32
      "tpu.region"() ({
        %run_scoped3A = tpu.sem_alloc : memref<!tpu.dma_semaphore, #tpu.memory_space<semaphore_mem>>
        %dma_start3A_178 = arith.constant 0 : i32
        %dma_start3A_179 = tpu.memref_slice %arg9[%add3A_176, %dma_start3A_178] : memref<128x80xi32, #tpu.memory_space<vmem>> -> memref<1x80xi32, #tpu.memory_space<vmem>>
        %dma_start3A_180 = tpu.memref_squeeze %dma_start3A_179 : memref<1x80xi32, #tpu.memory_space<vmem>> -> memref<80xi32, #tpu.memory_space<vmem>>
        %dma_start3A_181 = arith.constant 0 : i32
        %dma_start3A_182 = arith.constant 0 : i32
        %dma_start3A_183 = tpu.memref_slice %arg17[%dma_start3A_181, %dma_start3A_182] : memref<10240x64xf32, #tpu.memory_space<vmem_shared>> -> memref<10240x64xf32, #tpu.memory_space<vmem_shared>>
        tpu.enqueue_indirect_dma source(%arg11 : memref<80x64xf32, #tpu.memory_space<vmem>>) target(%dma_start3A_183 : memref<10240x64xf32, #tpu.memory_space<vmem_shared>>) offsets(%dma_start3A_180 : memref<80xi32, #tpu.memory_space<vmem>>) semaphore(%run_scoped3A : memref<!tpu.dma_semaphore, #tpu.memory_space<semaphore_mem>>) {add = true}
        %dma_wait3A_184 = arith.constant 0 : i32
        %dma_wait3A_185 = tpu.memref_slice %arg9[%add3A_176, %dma_wait3A_184] : memref<128x80xi32, #tpu.memory_space<vmem>> -> memref<1x80xi32, #tpu.memory_space<vmem>>
        %dma_wait3A_186 = tpu.memref_squeeze %dma_wait3A_185 : memref<1x80xi32, #tpu.memory_space<vmem>> -> memref<80xi32, #tpu.memory_space<vmem>>
        %dma_wait3A_187 = arith.constant 0 : i32
        %dma_wait3A_188 = arith.constant 0 : i32
        %dma_wait3A_189 = tpu.memref_slice %arg17[%dma_wait3A_187, %dma_wait3A_188] : memref<10240x64xf32, #tpu.memory_space<vmem_shared>> -> memref<10240x64xf32, #tpu.memory_space<vmem_shared>>
        tpu.wait_indirect_dma semaphore(%run_scoped3A : memref<!tpu.dma_semaphore, #tpu.memory_space<semaphore_mem>>) src(%arg11 : memref<80x64xf32, #tpu.memory_space<vmem>>) dst(%dma_wait3A_189 : memref<10240x64xf32, #tpu.memory_space<vmem_shared>>)
        tpu.yield
      }) : () -> ()
      %scan3A_177 = arith.constant 0 : i32
      scf.yield %scan3A_177 : i32
    }
    %scan3A_72 = arith.constant 64 : i32
    %barrier3A_73 = arith.constant 0 : index
    tpu.barrier barrier_id(%barrier3A_73)
    %scan3A_74 = arith.constant 0 : i32
    %scan3A_75 = arith.constant 0 : i32
    %scan3A_76 = arith.constant 5 : i32
    %scan3A_77 = arith.addi %scan3A_75, %scan3A_76 : i32
    %scan3A_78 = arith.constant 1 : i32
    %scan3A_79 = scf.for %scan3A_146 = %scan3A_75 to %scan3A_77 step %scan3A_78 iter_args(%scan3A_147 = %scan3A_74) -> (i32)  : i32 {
      %mul3A_148 = arith.constant 128 : i32
      %mul3A_149 = arith.muli %scan3A_146, %mul3A_148 : i32
      %add3A_150 = arith.addi %mul3A_0, %mul3A_149 : i32
      "tpu.region"() ({
        %run_scoped3A = tpu.sem_alloc : memref<!tpu.dma_semaphore, #tpu.memory_space<semaphore_mem>>
        %dma_start3A_163 = arith.constant 0 : i32
        %dma_start3A_164 = tpu.memref_slice %arg17[%add3A_150, %dma_start3A_163] : memref<10240x64xf32, #tpu.memory_space<vmem_shared>> -> memref<128x64xf32, #tpu.memory_space<vmem_shared>>
        %dma_start3A_165 = arith.constant 0 : i32
        %dma_start3A_166 = tpu.memref_slice %arg17[%add3A_150, %dma_start3A_165] : memref<10240x64xf32, #tpu.memory_space<vmem_shared>> -> memref<128x64xf32, #tpu.memory_space<vmem_shared>>
        tpu.enqueue_dma source(%dma_start3A_166 : memref<128x64xf32, #tpu.memory_space<vmem_shared>>) target(%arg12 : memref<128x64xf32, #tpu.memory_space<vmem>>) target_semaphore(%run_scoped3A : memref<!tpu.dma_semaphore, #tpu.memory_space<semaphore_mem>>)
        %dma_wait3A = arith.constant 0 : i32
        %dma_wait3A_167 = tpu.memref_slice %arg17[%add3A_150, %dma_wait3A] : memref<10240x64xf32, #tpu.memory_space<vmem_shared>> -> memref<128x64xf32, #tpu.memory_space<vmem_shared>>
        %dma_wait3A_168 = arith.constant 0 : i32
        %dma_wait3A_169 = tpu.memref_slice %arg17[%add3A_150, %dma_wait3A_168] : memref<10240x64xf32, #tpu.memory_space<vmem_shared>> -> memref<128x64xf32, #tpu.memory_space<vmem_shared>>
        tpu.wait_dma2 semaphore(%run_scoped3A : memref<!tpu.dma_semaphore, #tpu.memory_space<semaphore_mem>>) src(%dma_wait3A_169 : memref<128x64xf32, #tpu.memory_space<vmem_shared>>) dst(%arg12 : memref<128x64xf32, #tpu.memory_space<vmem>>)
        tpu.yield
      }) : () -> ()
      "tpu.region"() ({
        %run_scoped3A = tpu.sem_alloc : memref<!tpu.dma_semaphore, #tpu.memory_space<semaphore_mem>>
        %dma_start3A_163 = arith.constant 0 : i32
        %dma_start3A_164 = tpu.memref_slice %arg5[%add3A_150, %dma_start3A_163] : memref<10240x64xf32, #tpu.memory_space<hbm>> -> memref<128x64xf32, #tpu.memory_space<hbm>>
        %dma_start3A_165 = arith.constant 0 : i32
        %dma_start3A_166 = tpu.memref_slice %arg5[%add3A_150, %dma_start3A_165] : memref<10240x64xf32, #tpu.memory_space<hbm>> -> memref<128x64xf32, #tpu.memory_space<hbm>>
        tpu.enqueue_dma source(%dma_start3A_166 : memref<128x64xf32, #tpu.memory_space<hbm>>) target(%arg13 : memref<128x64xf32, #tpu.memory_space<vmem>>) target_semaphore(%run_scoped3A : memref<!tpu.dma_semaphore, #tpu.memory_space<semaphore_mem>>)
        %dma_wait3A = arith.constant 0 : i32
        %dma_wait3A_167 = tpu.memref_slice %arg5[%add3A_150, %dma_wait3A] : memref<10240x64xf32, #tpu.memory_space<hbm>> -> memref<128x64xf32, #tpu.memory_space<hbm>>
        %dma_wait3A_168 = arith.constant 0 : i32
        %dma_wait3A_169 = tpu.memref_slice %arg5[%add3A_150, %dma_wait3A_168] : memref<10240x64xf32, #tpu.memory_space<hbm>> -> memref<128x64xf32, #tpu.memory_space<hbm>>
        tpu.wait_dma2 semaphore(%run_scoped3A : memref<!tpu.dma_semaphore, #tpu.memory_space<semaphore_mem>>) src(%dma_wait3A_169 : memref<128x64xf32, #tpu.memory_space<hbm>>) dst(%arg13 : memref<128x64xf32, #tpu.memory_space<vmem>>)
        tpu.yield
      }) : () -> ()
      %scan3A_151 = arith.constant 0 : i32
      %scan3A_152 = arith.constant 0 : i32
      %scan3A_153 = arith.constant 128 : i32
      %scan3A_154 = arith.addi %scan3A_152, %scan3A_153 : i32
      %scan3A_155 = arith.constant 1 : i32
      %scan3A_156 = scf.for %scan3A_163 = %scan3A_152 to %scan3A_154 step %scan3A_155 iter_args(%scan3A_164 = %scan3A_151) -> (i32)  : i32 {
        %get3A = arith.index_cast %scan3A_163 : i32 to index
        %get3A_165 = arith.constant 0 : index
        %get3A_166 = tpu.vector_load %arg12[%get3A, %get3A_165] {strides = array<i32>} : memref<128x64xf32, #tpu.memory_space<vmem>>, vector<1x16xf32>,
        %get3A_167 = vector.shape_cast %get3A_166 : vector<1x16xf32> to vector<16xf32>
        %get3A_168 = arith.index_cast %scan3A_163 : i32 to index
        %get3A_169 = arith.constant 0 : index
        %get3A_170 = tpu.vector_load %arg13[%get3A_168, %get3A_169] {strides = array<i32>} : memref<128x64xf32, #tpu.memory_space<vmem>>, vector<1x16xf32>,
        %get3A_171 = vector.shape_cast %get3A_170 : vector<1x16xf32> to vector<16xf32>
        %mul3A_172 = arith.mulf %get3A_167, %get3A_171 : vector<16xf32>
        %swap3A = arith.index_cast %scan3A_163 : i32 to index
        %swap3A_173 = arith.constant 0 : index
        %swap3A_174 = tpu.vector_load %arg12[%swap3A, %swap3A_173] {strides = array<i32>} : memref<128x64xf32, #tpu.memory_space<vmem>>, vector<1x16xf32>,
        %swap3A_175 = vector.shape_cast %swap3A_174 : vector<1x16xf32> to vector<16xf32>
        %swap3A_176 = vector.shape_cast %mul3A_172 : vector<16xf32> to vector<1x16xf32>
        tpu.vector_store %arg12[%swap3A, %swap3A_173], %swap3A_176 {strides = array<i32>} : memref<128x64xf32, #tpu.memory_space<vmem>>, vector<1x16xf32>,
        %get3A_177 = arith.index_cast %scan3A_163 : i32 to index
        %get3A_178 = arith.constant 16 : index
        %get3A_179 = tpu.vector_load %arg12[%get3A_177, %get3A_178] {strides = array<i32>} : memref<128x64xf32, #tpu.memory_space<vmem>>, vector<1x16xf32>,
        %get3A_180 = vector.shape_cast %get3A_179 : vector<1x16xf32> to vector<16xf32>
        %get3A_181 = arith.index_cast %scan3A_163 : i32 to index
        %get3A_182 = arith.constant 16 : index
        %get3A_183 = tpu.vector_load %arg13[%get3A_181, %get3A_182] {strides = array<i32>} : memref<128x64xf32, #tpu.memory_space<vmem>>, vector<1x16xf32>,
        %get3A_184 = vector.shape_cast %get3A_183 : vector<1x16xf32> to vector<16xf32>
        %mul3A_185 = arith.mulf %get3A_180, %get3A_184 : vector<16xf32>
        %swap3A_186 = arith.index_cast %scan3A_163 : i32 to index
        %swap3A_187 = arith.constant 16 : index
        %swap3A_188 = tpu.vector_load %arg12[%swap3A_186, %swap3A_187] {strides = array<i32>} : memref<128x64xf32, #tpu.memory_space<vmem>>, vector<1x16xf32>,
        %swap3A_189 = vector.shape_cast %swap3A_188 : vector<1x16xf32> to vector<16xf32>
        %swap3A_190 = vector.shape_cast %mul3A_185 : vector<16xf32> to vector<1x16xf32>
        tpu.vector_store %arg12[%swap3A_186, %swap3A_187], %swap3A_190 {strides = array<i32>} : memref<128x64xf32, #tpu.memory_space<vmem>>, vector<1x16xf32>,
        %get3A_191 = arith.index_cast %scan3A_163 : i32 to index
        %get3A_192 = arith.constant 32 : index
        %get3A_193 = tpu.vector_load %arg12[%get3A_191, %get3A_192] {strides = array<i32>} : memref<128x64xf32, #tpu.memory_space<vmem>>, vector<1x16xf32>,
        %get3A_194 = vector.shape_cast %get3A_193 : vector<1x16xf32> to vector<16xf32>
        %get3A_195 = arith.index_cast %scan3A_163 : i32 to index
        %get3A_196 = arith.constant 32 : index
        %get3A_197 = tpu.vector_load %arg13[%get3A_195, %get3A_196] {strides = array<i32>} : memref<128x64xf32, #tpu.memory_space<vmem>>, vector<1x16xf32>,
        %get3A_198 = vector.shape_cast %get3A_197 : vector<1x16xf32> to vector<16xf32>
        %mul3A_199 = arith.mulf %get3A_194, %get3A_198 : vector<16xf32>
        %swap3A_200 = arith.index_cast %scan3A_163 : i32 to index
        %swap3A_201 = arith.constant 32 : index
        %swap3A_202 = tpu.vector_load %arg12[%swap3A_200, %swap3A_201] {strides = array<i32>} : memref<128x64xf32, #tpu.memory_space<vmem>>, vector<1x16xf32>,
        %swap3A_203 = vector.shape_cast %swap3A_202 : vector<1x16xf32> to vector<16xf32>
        %swap3A_204 = vector.shape_cast %mul3A_199 : vector<16xf32> to vector<1x16xf32>
        tpu.vector_store %arg12[%swap3A_200, %swap3A_201], %swap3A_204 {strides = array<i32>} : memref<128x64xf32, #tpu.memory_space<vmem>>, vector<1x16xf32>,
        %get3A_205 = arith.index_cast %scan3A_163 : i32 to index
        %get3A_206 = arith.constant 48 : index
        %get3A_207 = tpu.vector_load %arg12[%get3A_205, %get3A_206] {strides = array<i32>} : memref<128x64xf32, #tpu.memory_space<vmem>>, vector<1x16xf32>,
        %get3A_208 = vector.shape_cast %get3A_207 : vector<1x16xf32> to vector<16xf32>
        %get3A_209 = arith.index_cast %scan3A_163 : i32 to index
        %get3A_210 = arith.constant 48 : index
        %get3A_211 = tpu.vector_load %arg13[%get3A_209, %get3A_210] {strides = array<i32>} : memref<128x64xf32, #tpu.memory_space<vmem>>, vector<1x16xf32>,
        %get3A_212 = vector.shape_cast %get3A_211 : vector<1x16xf32> to vector<16xf32>
        %mul3A_213 = arith.mulf %get3A_208, %get3A_212 : vector<16xf32>
        %swap3A_214 = arith.index_cast %scan3A_163 : i32 to index
        %swap3A_215 = arith.constant 48 : index
        %swap3A_216 = tpu.vector_load %arg12[%swap3A_214, %swap3A_215] {strides = array<i32>} : memref<128x64xf32, #tpu.memory_space<vmem>>, vector<1x16xf32>,
        %swap3A_217 = vector.shape_cast %swap3A_216 : vector<1x16xf32> to vector<16xf32>
        %swap3A_218 = vector.shape_cast %mul3A_213 : vector<16xf32> to vector<1x16xf32>
        tpu.vector_store %arg12[%swap3A_214, %swap3A_215], %swap3A_218 {strides = array<i32>} : memref<128x64xf32, #tpu.memory_space<vmem>>, vector<1x16xf32>,
        %scan3A_219 = arith.constant 0 : i32
        scf.yield %scan3A_219 : i32
      }
      %scan3A_157 = arith.constant 128 : i32
      %add3A_158 = arith.addi %mul3A_58, %mul3A_0 : i32
      %mul3A_159 = arith.constant 128 : i32
      %mul3A_160 = arith.muli %scan3A_146, %mul3A_159 : i32
      %add3A_161 = arith.addi %add3A_158, %mul3A_160 : i32
      "tpu.region"() ({
        %run_scoped3A = tpu.sem_alloc : memref<!tpu.dma_semaphore, #tpu.memory_space<semaphore_mem>>
        %dma_start3A_163 = arith.constant 0 : i32
        %dma_start3A_164 = tpu.memref_slice %arg7[%add3A_161, %dma_start3A_163] : memref<40960x64xf32, #tpu.memory_space<hbm>> -> memref<128x64xf32, #tpu.memory_space<hbm>>
        %dma_start3A_165 = arith.constant 0 : i32
        %dma_start3A_166 = tpu.memref_slice %arg7[%add3A_161, %dma_start3A_165] : memref<40960x64xf32, #tpu.memory_space<hbm>> -> memref<128x64xf32, #tpu.memory_space<hbm>>
        tpu.enqueue_dma source(%arg12 : memref<128x64xf32, #tpu.memory_space<vmem>>) target(%dma_start3A_166 : memref<128x64xf32, #tpu.memory_space<hbm>>) target_semaphore(%run_scoped3A : memref<!tpu.dma_semaphore, #tpu.memory_space<semaphore_mem>>)
        %dma_wait3A = arith.constant 0 : i32
        %dma_wait3A_167 = tpu.memref_slice %arg7[%add3A_161, %dma_wait3A] : memref<40960x64xf32, #tpu.memory_space<hbm>> -> memref<128x64xf32, #tpu.memory_space<hbm>>
        %dma_wait3A_168 = arith.constant 0 : i32
        %dma_wait3A_169 = tpu.memref_slice %arg7[%add3A_161, %dma_wait3A_168] : memref<40960x64xf32, #tpu.memory_space<hbm>> -> memref<128x64xf32, #tpu.memory_space<hbm>>
        tpu.wait_dma2 semaphore(%run_scoped3A : memref<!tpu.dma_semaphore, #tpu.memory_space<semaphore_mem>>) src(%arg12 : memref<128x64xf32, #tpu.memory_space<vmem>>) dst(%dma_wait3A_169 : memref<128x64xf32, #tpu.memory_space<hbm>>)
        tpu.yield
      }) : () -> ()
      "tpu.region"() ({
        %run_scoped3A = tpu.sem_alloc : memref<!tpu.dma_semaphore, #tpu.memory_space<semaphore_mem>>
        %dma_start3A_163 = arith.constant 0 : i32
        %dma_start3A_164 = tpu.memref_slice %arg17[%add3A_150, %dma_start3A_163] : memref<10240x64xf32, #tpu.memory_space<vmem_shared>> -> memref<128x64xf32, #tpu.memory_space<vmem_shared>>
        %dma_start3A_165 = arith.constant 0 : i32
        %dma_start3A_166 = tpu.memref_slice %arg17[%add3A_150, %dma_start3A_165] : memref<10240x64xf32, #tpu.memory_space<vmem_shared>> -> memref<128x64xf32, #tpu.memory_space<vmem_shared>>
        tpu.enqueue_dma source(%arg14 : memref<128x64xf32, #tpu.memory_space<vmem>>) target(%dma_start3A_166 : memref<128x64xf32, #tpu.memory_space<vmem_shared>>) target_semaphore(%run_scoped3A : memref<!tpu.dma_semaphore, #tpu.memory_space<semaphore_mem>>)
        %dma_wait3A = arith.constant 0 : i32
        %dma_wait3A_167 = tpu.memref_slice %arg17[%add3A_150, %dma_wait3A] : memref<10240x64xf32, #tpu.memory_space<vmem_shared>> -> memref<128x64xf32, #tpu.memory_space<vmem_shared>>
        %dma_wait3A_168 = arith.constant 0 : i32
        %dma_wait3A_169 = tpu.memref_slice %arg17[%add3A_150, %dma_wait3A_168] : memref<10240x64xf32, #tpu.memory_space<vmem_shared>> -> memref<128x64xf32, #tpu.memory_space<vmem_shared>>
        tpu.wait_dma2 semaphore(%run_scoped3A : memref<!tpu.dma_semaphore, #tpu.memory_space<semaphore_mem>>) src(%arg14 : memref<128x64xf32, #tpu.memory_space<vmem>>) dst(%dma_wait3A_169 : memref<128x64xf32, #tpu.memory_space<vmem_shared>>)
        tpu.yield
      }) : () -> ()
      %scan3A_162 = arith.constant 0 : i32
      scf.yield %scan3A_162 : i32
    }
    %scan3A_80 = arith.constant 5 : i32
    %barrier3A_81 = arith.constant 0 : index
    tpu.barrier barrier_id(%barrier3A_81)
    %scan3A_82 = arith.constant 0 : i32
    %scan3A_83 = arith.constant 0 : i32
    %scan3A_84 = arith.constant 128 : i32
    %scan3A_85 = arith.addi %scan3A_83, %scan3A_84 : i32
    %scan3A_86 = arith.constant 1 : i32
    %scan3A_87 = scf.for %scan3A_146 = %scan3A_83 to %scan3A_85 step %scan3A_86 iter_args(%scan3A_147 = %scan3A_82) -> (i32)  : i32 {
      %get3A = arith.index_cast %scan3A_146 : i32 to index
      %get3A_148 = arith.constant 0 : index
      %get3A_149 = tpu.vector_load %arg8[%get3A, %get3A_148] {strides = array<i32>} : memref<128x80xi32, #tpu.memory_space<vmem>>, vector<1x16xi32>,
      %get3A_150 = vector.shape_cast %get3A_149 : vector<1x16xi32> to vector<16xi32>
      %add3A_151 = arith.constant 10240 : i32
      %add3A_152 = vector.broadcast %add3A_151 : i32 to vector<16xi32>
      %add3A_153 = arith.addi %get3A_150, %add3A_152 : vector<16xi32>
      %swap3A = arith.index_cast %scan3A_146 : i32 to index
      %swap3A_154 = arith.constant 0 : index
      %swap3A_155 = tpu.vector_load %arg8[%swap3A, %swap3A_154] {strides = array<i32>} : memref<128x80xi32, #tpu.memory_space<vmem>>, vector<1x16xi32>,
      %swap3A_156 = vector.shape_cast %swap3A_155 : vector<1x16xi32> to vector<16xi32>
      %swap3A_157 = vector.shape_cast %add3A_153 : vector<16xi32> to vector<1x16xi32>
      tpu.vector_store %arg8[%swap3A, %swap3A_154], %swap3A_157 {strides = array<i32>} : memref<128x80xi32, #tpu.memory_space<vmem>>, vector<1x16xi32>,
      %get3A_158 = arith.index_cast %scan3A_146 : i32 to index
      %get3A_159 = arith.constant 16 : index
      %get3A_160 = tpu.vector_load %arg8[%get3A_158, %get3A_159] {strides = array<i32>} : memref<128x80xi32, #tpu.memory_space<vmem>>, vector<1x16xi32>,
      %get3A_161 = vector.shape_cast %get3A_160 : vector<1x16xi32> to vector<16xi32>
      %add3A_162 = arith.constant 10240 : i32
      %add3A_163 = vector.broadcast %add3A_162 : i32 to vector<16xi32>
      %add3A_164 = arith.addi %get3A_161, %add3A_163 : vector<16xi32>
      %swap3A_165 = arith.index_cast %scan3A_146 : i32 to index
      %swap3A_166 = arith.constant 16 : index
      %swap3A_167 = tpu.vector_load %arg8[%swap3A_165, %swap3A_166] {strides = array<i32>} : memref<128x80xi32, #tpu.memory_space<vmem>>, vector<1x16xi32>,
      %swap3A_168 = vector.shape_cast %swap3A_167 : vector<1x16xi32> to vector<16xi32>
      %swap3A_169 = vector.shape_cast %add3A_164 : vector<16xi32> to vector<1x16xi32>
      tpu.vector_store %arg8[%swap3A_165, %swap3A_166], %swap3A_169 {strides = array<i32>} : memref<128x80xi32, #tpu.memory_space<vmem>>, vector<1x16xi32>,
      %get3A_170 = arith.index_cast %scan3A_146 : i32 to index
      %get3A_171 = arith.constant 32 : index
      %get3A_172 = tpu.vector_load %arg8[%get3A_170, %get3A_171] {strides = array<i32>} : memref<128x80xi32, #tpu.memory_space<vmem>>, vector<1x16xi32>,
      %get3A_173 = vector.shape_cast %get3A_172 : vector<1x16xi32> to vector<16xi32>
      %add3A_174 = arith.constant 10240 : i32
      %add3A_175 = vector.broadcast %add3A_174 : i32 to vector<16xi32>
      %add3A_176 = arith.addi %get3A_173, %add3A_175 : vector<16xi32>
      %swap3A_177 = arith.index_cast %scan3A_146 : i32 to index
      %swap3A_178 = arith.constant 32 : index
      %swap3A_179 = tpu.vector_load %arg8[%swap3A_177, %swap3A_178] {strides = array<i32>} : memref<128x80xi32, #tpu.memory_space<vmem>>, vector<1x16xi32>,
      %swap3A_180 = vector.shape_cast %swap3A_179 : vector<1x16xi32> to vector<16xi32>
      %swap3A_181 = vector.shape_cast %add3A_176 : vector<16xi32> to vector<1x16xi32>
      tpu.vector_store %arg8[%swap3A_177, %swap3A_178], %swap3A_181 {strides = array<i32>} : memref<128x80xi32, #tpu.memory_space<vmem>>, vector<1x16xi32>,
      %get3A_182 = arith.index_cast %scan3A_146 : i32 to index
      %get3A_183 = arith.constant 48 : index
      %get3A_184 = tpu.vector_load %arg8[%get3A_182, %get3A_183] {strides = array<i32>} : memref<128x80xi32, #tpu.memory_space<vmem>>, vector<1x16xi32>,
      %get3A_185 = vector.shape_cast %get3A_184 : vector<1x16xi32> to vector<16xi32>
      %add3A_186 = arith.constant 10240 : i32
      %add3A_187 = vector.broadcast %add3A_186 : i32 to vector<16xi32>
      %add3A_188 = arith.addi %get3A_185, %add3A_187 : vector<16xi32>
      %swap3A_189 = arith.index_cast %scan3A_146 : i32 to index
      %swap3A_190 = arith.constant 48 : index
      %swap3A_191 = tpu.vector_load %arg8[%swap3A_189, %swap3A_190] {strides = array<i32>} : memref<128x80xi32, #tpu.memory_space<vmem>>, vector<1x16xi32>,
      %swap3A_192 = vector.shape_cast %swap3A_191 : vector<1x16xi32> to vector<16xi32>
      %swap3A_193 = vector.shape_cast %add3A_188 : vector<16xi32> to vector<1x16xi32>
      tpu.vector_store %arg8[%swap3A_189, %swap3A_190], %swap3A_193 {strides = array<i32>} : memref<128x80xi32, #tpu.memory_space<vmem>>, vector<1x16xi32>,
      %get3A_194 = arith.index_cast %scan3A_146 : i32 to index
      %get3A_195 = arith.constant 64 : index
      %get3A_196 = tpu.vector_load %arg8[%get3A_194, %get3A_195] {strides = array<i32>} : memref<128x80xi32, #tpu.memory_space<vmem>>, vector<1x16xi32>,
      %get3A_197 = vector.shape_cast %get3A_196 : vector<1x16xi32> to vector<16xi32>
      %add3A_198 = arith.constant 10240 : i32
      %add3A_199 = vector.broadcast %add3A_198 : i32 to vector<16xi32>
      %add3A_200 = arith.addi %get3A_197, %add3A_199 : vector<16xi32>
      %swap3A_201 = arith.index_cast %scan3A_146 : i32 to index
      %swap3A_202 = arith.constant 64 : index
      %swap3A_203 = tpu.vector_load %arg8[%swap3A_201, %swap3A_202] {strides = array<i32>} : memref<128x80xi32, #tpu.memory_space<vmem>>, vector<1x16xi32>,
      %swap3A_204 = vector.shape_cast %swap3A_203 : vector<1x16xi32> to vector<16xi32>
      %swap3A_205 = vector.shape_cast %add3A_200 : vector<16xi32> to vector<1x16xi32>
      tpu.vector_store %arg8[%swap3A_201, %swap3A_202], %swap3A_205 {strides = array<i32>} : memref<128x80xi32, #tpu.memory_space<vmem>>, vector<1x16xi32>,
      %scan3A_206 = arith.constant 0 : i32
      scf.yield %scan3A_206 : i32
    }
    %scan3A_88 = arith.constant 128 : i32
    %mul3A_89 = arith.constant 2 : i32
    %mul3A_90 = arith.muli %mul3A_89, %arg0 : i32
    %add3A = arith.constant 1 : i32
    %add3A_91 = arith.addi %mul3A_90, %add3A : i32
    %mul3A_92 = arith.constant 10240 : i32
    %mul3A_93 = arith.muli %add3A_91, %mul3A_92 : i32
    %dma_start3A_94 = arith.constant 0 : i32
    %dma_start3A_95 = arith.constant 0 : i32
    %dma_start3A_96 = tpu.memref_slice %arg8[%dma_start3A_94, %dma_start3A_95] : memref<128x80xi32, #tpu.memory_space<vmem>> -> memref<1x80xi32, #tpu.memory_space<vmem>>
    %dma_start3A_97 = tpu.memref_squeeze %dma_start3A_96 : memref<1x80xi32, #tpu.memory_space<vmem>> -> memref<80xi32, #tpu.memory_space<vmem>>
    %dma_start3A_98 = arith.constant 0 : i32
    %dma_start3A_99 = arith.constant 0 : i32
    %dma_start3A_100 = tpu.memref_slice %arg2[%dma_start3A_98, %dma_start3A_99] : memref<40960x64xf32, #tpu.memory_space<hbm>> -> memref<40960x64xf32, #tpu.memory_space<hbm>>
    tpu.enqueue_indirect_dma source(%dma_start3A_100 : memref<40960x64xf32, #tpu.memory_space<hbm>>) target(%arg10 : memref<80x64xf32, #tpu.memory_space<vmem>>) offsets(%dma_start3A_97 : memref<80xi32, #tpu.memory_space<vmem>>) semaphore(%arg15 : memref<!tpu.dma_semaphore, #tpu.memory_space<semaphore_mem>>)
    %scan3A_101 = arith.constant 0 : i32
    %scan3A_102 = arith.constant 0 : i32
    %scan3A_103 = arith.constant 64 : i32
    %scan3A_104 = arith.addi %scan3A_102, %scan3A_103 : i32
    %scan3A_105 = arith.constant 1 : i32
    %scan3A_106 = scf.for %scan3A_146 = %scan3A_102 to %scan3A_104 step %scan3A_105 iter_args(%scan3A_147 = %scan3A_101) -> (i32)  : i32 {
      %mul3A_148 = arith.constant 2 : i32
      %mul3A_149 = arith.muli %mul3A_148, %scan3A_146 : i32
      %dma_wait3A = arith.constant 0 : i32
      %dma_wait3A_150 = tpu.memref_slice %arg8[%mul3A_149, %dma_wait3A] : memref<128x80xi32, #tpu.memory_space<vmem>> -> memref<1x80xi32, #tpu.memory_space<vmem>>
      %dma_wait3A_151 = tpu.memref_squeeze %dma_wait3A_150 : memref<1x80xi32, #tpu.memory_space<vmem>> -> memref<80xi32, #tpu.memory_space<vmem>>
      %dma_wait3A_152 = arith.constant 0 : i32
      %dma_wait3A_153 = arith.constant 0 : i32
      %dma_wait3A_154 = tpu.memref_slice %arg2[%dma_wait3A_152, %dma_wait3A_153] : memref<40960x64xf32, #tpu.memory_space<hbm>> -> memref<40960x64xf32, #tpu.memory_space<hbm>>
      tpu.wait_indirect_dma semaphore(%arg15 : memref<!tpu.dma_semaphore, #tpu.memory_space<semaphore_mem>>) src(%dma_wait3A_154 : memref<40960x64xf32, #tpu.memory_space<hbm>>) dst(%arg10 : memref<80x64xf32, #tpu.memory_space<vmem>>)
      %add3A_155 = arith.constant 1 : i32
      %add3A_156 = arith.addi %mul3A_149, %add3A_155 : i32
      %dma_start3A_157 = arith.constant 0 : i32
      %dma_start3A_158 = tpu.memref_slice %arg8[%add3A_156, %dma_start3A_157] : memref<128x80xi32, #tpu.memory_space<vmem>> -> memref<1x80xi32, #tpu.memory_space<vmem>>
      %dma_start3A_159 = tpu.memref_squeeze %dma_start3A_158 : memref<1x80xi32, #tpu.memory_space<vmem>> -> memref<80xi32, #tpu.memory_space<vmem>>
      %dma_start3A_160 = arith.constant 0 : i32
      %dma_start3A_161 = arith.constant 0 : i32
      %dma_start3A_162 = tpu.memref_slice %arg2[%dma_start3A_160, %dma_start3A_161] : memref<40960x64xf32, #tpu.memory_space<hbm>> -> memref<40960x64xf32, #tpu.memory_space<hbm>>
      tpu.enqueue_indirect_dma source(%dma_start3A_162 : memref<40960x64xf32, #tpu.memory_space<hbm>>) target(%arg11 : memref<80x64xf32, #tpu.memory_space<vmem>>) offsets(%dma_start3A_159 : memref<80xi32, #tpu.memory_space<vmem>>) semaphore(%arg16 : memref<!tpu.dma_semaphore, #tpu.memory_space<semaphore_mem>>)
      "tpu.region"() ({
        %run_scoped3A = tpu.sem_alloc : memref<!tpu.dma_semaphore, #tpu.memory_space<semaphore_mem>>
        %dma_start3A_178 = arith.constant 0 : i32
        %dma_start3A_179 = tpu.memref_slice %arg9[%mul3A_149, %dma_start3A_178] : memref<128x80xi32, #tpu.memory_space<vmem>> -> memref<1x80xi32, #tpu.memory_space<vmem>>
        %dma_start3A_180 = tpu.memref_squeeze %dma_start3A_179 : memref<1x80xi32, #tpu.memory_space<vmem>> -> memref<80xi32, #tpu.memory_space<vmem>>
        %dma_start3A_181 = arith.constant 0 : i32
        %dma_start3A_182 = arith.constant 0 : i32
        %dma_start3A_183 = tpu.memref_slice %arg17[%dma_start3A_181, %dma_start3A_182] : memref<10240x64xf32, #tpu.memory_space<vmem_shared>> -> memref<10240x64xf32, #tpu.memory_space<vmem_shared>>
        tpu.enqueue_indirect_dma source(%arg10 : memref<80x64xf32, #tpu.memory_space<vmem>>) target(%dma_start3A_183 : memref<10240x64xf32, #tpu.memory_space<vmem_shared>>) offsets(%dma_start3A_180 : memref<80xi32, #tpu.memory_space<vmem>>) semaphore(%run_scoped3A : memref<!tpu.dma_semaphore, #tpu.memory_space<semaphore_mem>>) {add = true}
        %dma_wait3A_184 = arith.constant 0 : i32
        %dma_wait3A_185 = tpu.memref_slice %arg9[%mul3A_149, %dma_wait3A_184] : memref<128x80xi32, #tpu.memory_space<vmem>> -> memref<1x80xi32, #tpu.memory_space<vmem>>
        %dma_wait3A_186 = tpu.memref_squeeze %dma_wait3A_185 : memref<1x80xi32, #tpu.memory_space<vmem>> -> memref<80xi32, #tpu.memory_space<vmem>>
        %dma_wait3A_187 = arith.constant 0 : i32
        %dma_wait3A_188 = arith.constant 0 : i32
        %dma_wait3A_189 = tpu.memref_slice %arg17[%dma_wait3A_187, %dma_wait3A_188] : memref<10240x64xf32, #tpu.memory_space<vmem_shared>> -> memref<10240x64xf32, #tpu.memory_space<vmem_shared>>
        tpu.wait_indirect_dma semaphore(%run_scoped3A : memref<!tpu.dma_semaphore, #tpu.memory_space<semaphore_mem>>) src(%arg10 : memref<80x64xf32, #tpu.memory_space<vmem>>) dst(%dma_wait3A_189 : memref<10240x64xf32, #tpu.memory_space<vmem_shared>>)
        tpu.yield
      }) : () -> ()
      %add3A_163 = arith.constant 1 : i32
      %add3A_164 = arith.addi %mul3A_149, %add3A_163 : i32
      %dma_wait3A_165 = arith.constant 0 : i32
      %dma_wait3A_166 = tpu.memref_slice %arg8[%add3A_164, %dma_wait3A_165] : memref<128x80xi32, #tpu.memory_space<vmem>> -> memref<1x80xi32, #tpu.memory_space<vmem>>
      %dma_wait3A_167 = tpu.memref_squeeze %dma_wait3A_166 : memref<1x80xi32, #tpu.memory_space<vmem>> -> memref<80xi32, #tpu.memory_space<vmem>>
      %dma_wait3A_168 = arith.constant 0 : i32
      %dma_wait3A_169 = arith.constant 0 : i32
      %dma_wait3A_170 = tpu.memref_slice %arg2[%dma_wait3A_168, %dma_wait3A_169] : memref<40960x64xf32, #tpu.memory_space<hbm>> -> memref<40960x64xf32, #tpu.memory_space<hbm>>
      tpu.wait_indirect_dma semaphore(%arg16 : memref<!tpu.dma_semaphore, #tpu.memory_space<semaphore_mem>>) src(%dma_wait3A_170 : memref<40960x64xf32, #tpu.memory_space<hbm>>) dst(%arg11 : memref<80x64xf32, #tpu.memory_space<vmem>>)
      %add3A_171 = arith.constant 2 : i32
      %add3A_172 = arith.addi %mul3A_149, %add3A_171 : i32
      %lt3A = arith.constant 128 : i32
      %lt3A_173 = arith.cmpi slt, %add3A_172, %lt3A : i32
      %convert_element_type3A = arith.extui %lt3A_173 : i1 to i32
      %cond3A = arith.constant 0 : i32
      %cond3A_174 = arith.cmpi ne, %convert_element_type3A, %cond3A : i32
      scf.if %cond3A_174 {
        %add3A_178 = arith.constant 2 : i32
        %add3A_179 = arith.addi %mul3A_149, %add3A_178 : i32
        %dma_start3A_180 = arith.constant 0 : i32
        %dma_start3A_181 = tpu.memref_slice %arg8[%add3A_179, %dma_start3A_180] : memref<128x80xi32, #tpu.memory_space<vmem>> -> memref<1x80xi32, #tpu.memory_space<vmem>>
        %dma_start3A_182 = tpu.memref_squeeze %dma_start3A_181 : memref<1x80xi32, #tpu.memory_space<vmem>> -> memref<80xi32, #tpu.memory_space<vmem>>
        %dma_start3A_183 = arith.constant 0 : i32
        %dma_start3A_184 = arith.constant 0 : i32
        %dma_start3A_185 = tpu.memref_slice %arg2[%dma_start3A_183, %dma_start3A_184] : memref<40960x64xf32, #tpu.memory_space<hbm>> -> memref<40960x64xf32, #tpu.memory_space<hbm>>
        tpu.enqueue_indirect_dma source(%dma_start3A_185 : memref<40960x64xf32, #tpu.memory_space<hbm>>) target(%arg10 : memref<80x64xf32, #tpu.memory_space<vmem>>) offsets(%dma_start3A_182 : memref<80xi32, #tpu.memory_space<vmem>>) semaphore(%arg15 : memref<!tpu.dma_semaphore, #tpu.memory_space<semaphore_mem>>)
      } else {
      }
      %add3A_175 = arith.constant 1 : i32
      %add3A_176 = arith.addi %mul3A_149, %add3A_175 : i32
      "tpu.region"() ({
        %run_scoped3A = tpu.sem_alloc : memref<!tpu.dma_semaphore, #tpu.memory_space<semaphore_mem>>
        %dma_start3A_178 = arith.constant 0 : i32
        %dma_start3A_179 = tpu.memref_slice %arg9[%add3A_176, %dma_start3A_178] : memref<128x80xi32, #tpu.memory_space<vmem>> -> memref<1x80xi32, #tpu.memory_space<vmem>>
        %dma_start3A_180 = tpu.memref_squeeze %dma_start3A_179 : memref<1x80xi32, #tpu.memory_space<vmem>> -> memref<80xi32, #tpu.memory_space<vmem>>
        %dma_start3A_181 = arith.constant 0 : i32
        %dma_start3A_182 = arith.constant 0 : i32
        %dma_start3A_183 = tpu.memref_slice %arg17[%dma_start3A_181, %dma_start3A_182] : memref<10240x64xf32, #tpu.memory_space<vmem_shared>> -> memref<10240x64xf32, #tpu.memory_space<vmem_shared>>
        tpu.enqueue_indirect_dma source(%arg11 : memref<80x64xf32, #tpu.memory_space<vmem>>) target(%dma_start3A_183 : memref<10240x64xf32, #tpu.memory_space<vmem_shared>>) offsets(%dma_start3A_180 : memref<80xi32, #tpu.memory_space<vmem>>) semaphore(%run_scoped3A : memref<!tpu.dma_semaphore, #tpu.memory_space<semaphore_mem>>) {add = true}
        %dma_wait3A_184 = arith.constant 0 : i32
        %dma_wait3A_185 = tpu.memref_slice %arg9[%add3A_176, %dma_wait3A_184] : memref<128x80xi32, #tpu.memory_space<vmem>> -> memref<1x80xi32, #tpu.memory_space<vmem>>
        %dma_wait3A_186 = tpu.memref_squeeze %dma_wait3A_185 : memref<1x80xi32, #tpu.memory_space<vmem>> -> memref<80xi32, #tpu.memory_space<vmem>>
        %dma_wait3A_187 = arith.constant 0 : i32
        %dma_wait3A_188 = arith.constant 0 : i32
        %dma_wait3A_189 = tpu.memref_slice %arg17[%dma_wait3A_187, %dma_wait3A_188] : memref<10240x64xf32, #tpu.memory_space<vmem_shared>> -> memref<10240x64xf32, #tpu.memory_space<vmem_shared>>
        tpu.wait_indirect_dma semaphore(%run_scoped3A : memref<!tpu.dma_semaphore, #tpu.memory_space<semaphore_mem>>) src(%arg11 : memref<80x64xf32, #tpu.memory_space<vmem>>) dst(%dma_wait3A_189 : memref<10240x64xf32, #tpu.memory_space<vmem_shared>>)
        tpu.yield
      }) : () -> ()
      %scan3A_177 = arith.constant 0 : i32
      scf.yield %scan3A_177 : i32
    }
    %scan3A_107 = arith.constant 64 : i32
    %barrier3A_108 = arith.constant 0 : index
    tpu.barrier barrier_id(%barrier3A_108)
    %scan3A_109 = arith.constant 0 : i32
    %scan3A_110 = arith.constant 0 : i32
    %scan3A_111 = arith.constant 5 : i32
    %scan3A_112 = arith.addi %scan3A_110, %scan3A_111 : i32
    %scan3A_113 = arith.constant 1 : i32
    %scan3A_114 = scf.for %scan3A_146 = %scan3A_110 to %scan3A_112 step %scan3A_113 iter_args(%scan3A_147 = %scan3A_109) -> (i32)  : i32 {
      %mul3A_148 = arith.constant 128 : i32
      %mul3A_149 = arith.muli %scan3A_146, %mul3A_148 : i32
      %add3A_150 = arith.addi %mul3A_0, %mul3A_149 : i32
      "tpu.region"() ({
        %run_scoped3A = tpu.sem_alloc : memref<!tpu.dma_semaphore, #tpu.memory_space<semaphore_mem>>
        %dma_start3A_163 = arith.constant 0 : i32
        %dma_start3A_164 = tpu.memref_slice %arg17[%add3A_150, %dma_start3A_163] : memref<10240x64xf32, #tpu.memory_space<vmem_shared>> -> memref<128x64xf32, #tpu.memory_space<vmem_shared>>
        %dma_start3A_165 = arith.constant 0 : i32
        %dma_start3A_166 = tpu.memref_slice %arg17[%add3A_150, %dma_start3A_165] : memref<10240x64xf32, #tpu.memory_space<vmem_shared>> -> memref<128x64xf32, #tpu.memory_space<vmem_shared>>
        tpu.enqueue_dma source(%dma_start3A_166 : memref<128x64xf32, #tpu.memory_space<vmem_shared>>) target(%arg12 : memref<128x64xf32, #tpu.memory_space<vmem>>) target_semaphore(%run_scoped3A : memref<!tpu.dma_semaphore, #tpu.memory_space<semaphore_mem>>)
        %dma_wait3A = arith.constant 0 : i32
        %dma_wait3A_167 = tpu.memref_slice %arg17[%add3A_150, %dma_wait3A] : memref<10240x64xf32, #tpu.memory_space<vmem_shared>> -> memref<128x64xf32, #tpu.memory_space<vmem_shared>>
        %dma_wait3A_168 = arith.constant 0 : i32
        %dma_wait3A_169 = tpu.memref_slice %arg17[%add3A_150, %dma_wait3A_168] : memref<10240x64xf32, #tpu.memory_space<vmem_shared>> -> memref<128x64xf32, #tpu.memory_space<vmem_shared>>
        tpu.wait_dma2 semaphore(%run_scoped3A : memref<!tpu.dma_semaphore, #tpu.memory_space<semaphore_mem>>) src(%dma_wait3A_169 : memref<128x64xf32, #tpu.memory_space<vmem_shared>>) dst(%arg12 : memref<128x64xf32, #tpu.memory_space<vmem>>)
        tpu.yield
      }) : () -> ()
      "tpu.region"() ({
        %run_scoped3A = tpu.sem_alloc : memref<!tpu.dma_semaphore, #tpu.memory_space<semaphore_mem>>
        %dma_start3A_163 = arith.constant 0 : i32
        %dma_start3A_164 = tpu.memref_slice %arg5[%add3A_150, %dma_start3A_163] : memref<10240x64xf32, #tpu.memory_space<hbm>> -> memref<128x64xf32, #tpu.memory_space<hbm>>
        %dma_start3A_165 = arith.constant 0 : i32
        %dma_start3A_166 = tpu.memref_slice %arg5[%add3A_150, %dma_start3A_165] : memref<10240x64xf32, #tpu.memory_space<hbm>> -> memref<128x64xf32, #tpu.memory_space<hbm>>
        tpu.enqueue_dma source(%dma_start3A_166 : memref<128x64xf32, #tpu.memory_space<hbm>>) target(%arg13 : memref<128x64xf32, #tpu.memory_space<vmem>>) target_semaphore(%run_scoped3A : memref<!tpu.dma_semaphore, #tpu.memory_space<semaphore_mem>>)
        %dma_wait3A = arith.constant 0 : i32
        %dma_wait3A_167 = tpu.memref_slice %arg5[%add3A_150, %dma_wait3A] : memref<10240x64xf32, #tpu.memory_space<hbm>> -> memref<128x64xf32, #tpu.memory_space<hbm>>
        %dma_wait3A_168 = arith.constant 0 : i32
        %dma_wait3A_169 = tpu.memref_slice %arg5[%add3A_150, %dma_wait3A_168] : memref<10240x64xf32, #tpu.memory_space<hbm>> -> memref<128x64xf32, #tpu.memory_space<hbm>>
        tpu.wait_dma2 semaphore(%run_scoped3A : memref<!tpu.dma_semaphore, #tpu.memory_space<semaphore_mem>>) src(%dma_wait3A_169 : memref<128x64xf32, #tpu.memory_space<hbm>>) dst(%arg13 : memref<128x64xf32, #tpu.memory_space<vmem>>)
        tpu.yield
      }) : () -> ()
      %scan3A_151 = arith.constant 0 : i32
      %scan3A_152 = arith.constant 0 : i32
      %scan3A_153 = arith.constant 128 : i32
      %scan3A_154 = arith.addi %scan3A_152, %scan3A_153 : i32
      %scan3A_155 = arith.constant 1 : i32
      %scan3A_156 = scf.for %scan3A_163 = %scan3A_152 to %scan3A_154 step %scan3A_155 iter_args(%scan3A_164 = %scan3A_151) -> (i32)  : i32 {
        %get3A = arith.index_cast %scan3A_163 : i32 to index
        %get3A_165 = arith.constant 0 : index
        %get3A_166 = tpu.vector_load %arg12[%get3A, %get3A_165] {strides = array<i32>} : memref<128x64xf32, #tpu.memory_space<vmem>>, vector<1x16xf32>,
        %get3A_167 = vector.shape_cast %get3A_166 : vector<1x16xf32> to vector<16xf32>
        %get3A_168 = arith.index_cast %scan3A_163 : i32 to index
        %get3A_169 = arith.constant 0 : index
        %get3A_170 = tpu.vector_load %arg13[%get3A_168, %get3A_169] {strides = array<i32>} : memref<128x64xf32, #tpu.memory_space<vmem>>, vector<1x16xf32>,
        %get3A_171 = vector.shape_cast %get3A_170 : vector<1x16xf32> to vector<16xf32>
        %mul3A_172 = arith.mulf %get3A_167, %get3A_171 : vector<16xf32>
        %swap3A = arith.index_cast %scan3A_163 : i32 to index
        %swap3A_173 = arith.constant 0 : index
        %swap3A_174 = tpu.vector_load %arg12[%swap3A, %swap3A_173] {strides = array<i32>} : memref<128x64xf32, #tpu.memory_space<vmem>>, vector<1x16xf32>,
        %swap3A_175 = vector.shape_cast %swap3A_174 : vector<1x16xf32> to vector<16xf32>
        %swap3A_176 = vector.shape_cast %mul3A_172 : vector<16xf32> to vector<1x16xf32>
        tpu.vector_store %arg12[%swap3A, %swap3A_173], %swap3A_176 {strides = array<i32>} : memref<128x64xf32, #tpu.memory_space<vmem>>, vector<1x16xf32>,
        %get3A_177 = arith.index_cast %scan3A_163 : i32 to index
        %get3A_178 = arith.constant 16 : index
        %get3A_179 = tpu.vector_load %arg12[%get3A_177, %get3A_178] {strides = array<i32>} : memref<128x64xf32, #tpu.memory_space<vmem>>, vector<1x16xf32>,
        %get3A_180 = vector.shape_cast %get3A_179 : vector<1x16xf32> to vector<16xf32>
        %get3A_181 = arith.index_cast %scan3A_163 : i32 to index
        %get3A_182 = arith.constant 16 : index
        %get3A_183 = tpu.vector_load %arg13[%get3A_181, %get3A_182] {strides = array<i32>} : memref<128x64xf32, #tpu.memory_space<vmem>>, vector<1x16xf32>,
        %get3A_184 = vector.shape_cast %get3A_183 : vector<1x16xf32> to vector<16xf32>
        %mul3A_185 = arith.mulf %get3A_180, %get3A_184 : vector<16xf32>
        %swap3A_186 = arith.index_cast %scan3A_163 : i32 to index
        %swap3A_187 = arith.constant 16 : index
        %swap3A_188 = tpu.vector_load %arg12[%swap3A_186, %swap3A_187] {strides = array<i32>} : memref<128x64xf32, #tpu.memory_space<vmem>>, vector<1x16xf32>,
        %swap3A_189 = vector.shape_cast %swap3A_188 : vector<1x16xf32> to vector<16xf32>
        %swap3A_190 = vector.shape_cast %mul3A_185 : vector<16xf32> to vector<1x16xf32>
        tpu.vector_store %arg12[%swap3A_186, %swap3A_187], %swap3A_190 {strides = array<i32>} : memref<128x64xf32, #tpu.memory_space<vmem>>, vector<1x16xf32>,
        %get3A_191 = arith.index_cast %scan3A_163 : i32 to index
        %get3A_192 = arith.constant 32 : index
        %get3A_193 = tpu.vector_load %arg12[%get3A_191, %get3A_192] {strides = array<i32>} : memref<128x64xf32, #tpu.memory_space<vmem>>, vector<1x16xf32>,
        %get3A_194 = vector.shape_cast %get3A_193 : vector<1x16xf32> to vector<16xf32>
        %get3A_195 = arith.index_cast %scan3A_163 : i32 to index
        %get3A_196 = arith.constant 32 : index
        %get3A_197 = tpu.vector_load %arg13[%get3A_195, %get3A_196] {strides = array<i32>} : memref<128x64xf32, #tpu.memory_space<vmem>>, vector<1x16xf32>,
        %get3A_198 = vector.shape_cast %get3A_197 : vector<1x16xf32> to vector<16xf32>
        %mul3A_199 = arith.mulf %get3A_194, %get3A_198 : vector<16xf32>
        %swap3A_200 = arith.index_cast %scan3A_163 : i32 to index
        %swap3A_201 = arith.constant 32 : index
        %swap3A_202 = tpu.vector_load %arg12[%swap3A_200, %swap3A_201] {strides = array<i32>} : memref<128x64xf32, #tpu.memory_space<vmem>>, vector<1x16xf32>,
        %swap3A_203 = vector.shape_cast %swap3A_202 : vector<1x16xf32> to vector<16xf32>
        %swap3A_204 = vector.shape_cast %mul3A_199 : vector<16xf32> to vector<1x16xf32>
        tpu.vector_store %arg12[%swap3A_200, %swap3A_201], %swap3A_204 {strides = array<i32>} : memref<128x64xf32, #tpu.memory_space<vmem>>, vector<1x16xf32>,
        %get3A_205 = arith.index_cast %scan3A_163 : i32 to index
        %get3A_206 = arith.constant 48 : index
        %get3A_207 = tpu.vector_load %arg12[%get3A_205, %get3A_206] {strides = array<i32>} : memref<128x64xf32, #tpu.memory_space<vmem>>, vector<1x16xf32>,
        %get3A_208 = vector.shape_cast %get3A_207 : vector<1x16xf32> to vector<16xf32>
        %get3A_209 = arith.index_cast %scan3A_163 : i32 to index
        %get3A_210 = arith.constant 48 : index
        %get3A_211 = tpu.vector_load %arg13[%get3A_209, %get3A_210] {strides = array<i32>} : memref<128x64xf32, #tpu.memory_space<vmem>>, vector<1x16xf32>,
        %get3A_212 = vector.shape_cast %get3A_211 : vector<1x16xf32> to vector<16xf32>
        %mul3A_213 = arith.mulf %get3A_208, %get3A_212 : vector<16xf32>
        %swap3A_214 = arith.index_cast %scan3A_163 : i32 to index
        %swap3A_215 = arith.constant 48 : index
        %swap3A_216 = tpu.vector_load %arg12[%swap3A_214, %swap3A_215] {strides = array<i32>} : memref<128x64xf32, #tpu.memory_space<vmem>>, vector<1x16xf32>,
        %swap3A_217 = vector.shape_cast %swap3A_216 : vector<1x16xf32> to vector<16xf32>
        %swap3A_218 = vector.shape_cast %mul3A_213 : vector<16xf32> to vector<1x16xf32>
        tpu.vector_store %arg12[%swap3A_214, %swap3A_215], %swap3A_218 {strides = array<i32>} : memref<128x64xf32, #tpu.memory_space<vmem>>, vector<1x16xf32>,
        %scan3A_219 = arith.constant 0 : i32
        scf.yield %scan3A_219 : i32
      }
      %scan3A_157 = arith.constant 128 : i32
      %add3A_158 = arith.addi %mul3A_93, %mul3A_0 : i32
      %mul3A_159 = arith.constant 128 : i32
      %mul3A_160 = arith.muli %scan3A_146, %mul3A_159 : i32
      %add3A_161 = arith.addi %add3A_158, %mul3A_160 : i32
      "tpu.region"() ({
        %run_scoped3A = tpu.sem_alloc : memref<!tpu.dma_semaphore, #tpu.memory_space<semaphore_mem>>
        %dma_start3A_163 = arith.constant 0 : i32
        %dma_start3A_164 = tpu.memref_slice %arg6[%add3A_161, %dma_start3A_163] : memref<40960x64xf32, #tpu.memory_space<hbm>> -> memref<128x64xf32, #tpu.memory_space<hbm>>
        %dma_start3A_165 = arith.constant 0 : i32
        %dma_start3A_166 = tpu.memref_slice %arg6[%add3A_161, %dma_start3A_165] : memref<40960x64xf32, #tpu.memory_space<hbm>> -> memref<128x64xf32, #tpu.memory_space<hbm>>
        tpu.enqueue_dma source(%arg12 : memref<128x64xf32, #tpu.memory_space<vmem>>) target(%dma_start3A_166 : memref<128x64xf32, #tpu.memory_space<hbm>>) target_semaphore(%run_scoped3A : memref<!tpu.dma_semaphore, #tpu.memory_space<semaphore_mem>>)
        %dma_wait3A = arith.constant 0 : i32
        %dma_wait3A_167 = tpu.memref_slice %arg6[%add3A_161, %dma_wait3A] : memref<40960x64xf32, #tpu.memory_space<hbm>> -> memref<128x64xf32, #tpu.memory_space<hbm>>
        %dma_wait3A_168 = arith.constant 0 : i32
        %dma_wait3A_169 = tpu.memref_slice %arg6[%add3A_161, %dma_wait3A_168] : memref<40960x64xf32, #tpu.memory_space<hbm>> -> memref<128x64xf32, #tpu.memory_space<hbm>>
        tpu.wait_dma2 semaphore(%run_scoped3A : memref<!tpu.dma_semaphore, #tpu.memory_space<semaphore_mem>>) src(%arg12 : memref<128x64xf32, #tpu.memory_space<vmem>>) dst(%dma_wait3A_169 : memref<128x64xf32, #tpu.memory_space<hbm>>)
        tpu.yield
      }) : () -> ()
      "tpu.region"() ({
        %run_scoped3A = tpu.sem_alloc : memref<!tpu.dma_semaphore, #tpu.memory_space<semaphore_mem>>
        %dma_start3A_163 = arith.constant 0 : i32
        %dma_start3A_164 = tpu.memref_slice %arg17[%add3A_150, %dma_start3A_163] : memref<10240x64xf32, #tpu.memory_space<vmem_shared>> -> memref<128x64xf32, #tpu.memory_space<vmem_shared>>
        %dma_start3A_165 = arith.constant 0 : i32
        %dma_start3A_166 = tpu.memref_slice %arg17[%add3A_150, %dma_start3A_165] : memref<10240x64xf32, #tpu.memory_space<vmem_shared>> -> memref<128x64xf32, #tpu.memory_space<vmem_shared>>
        tpu.enqueue_dma source(%arg14 : memref<128x64xf32, #tpu.memory_space<vmem>>) target(%dma_start3A_166 : memref<128x64xf32, #tpu.memory_space<vmem_shared>>) target_semaphore(%run_scoped3A : memref<!tpu.dma_semaphore, #tpu.memory_space<semaphore_mem>>)
        %dma_wait3A = arith.constant 0 : i32
        %dma_wait3A_167 = tpu.memref_slice %arg17[%add3A_150, %dma_wait3A] : memref<10240x64xf32, #tpu.memory_space<vmem_shared>> -> memref<128x64xf32, #tpu.memory_space<vmem_shared>>
        %dma_wait3A_168 = arith.constant 0 : i32
        %dma_wait3A_169 = tpu.memref_slice %arg17[%add3A_150, %dma_wait3A_168] : memref<10240x64xf32, #tpu.memory_space<vmem_shared>> -> memref<128x64xf32, #tpu.memory_space<vmem_shared>>
        tpu.wait_dma2 semaphore(%run_scoped3A : memref<!tpu.dma_semaphore, #tpu.memory_space<semaphore_mem>>) src(%arg14 : memref<128x64xf32, #tpu.memory_space<vmem>>) dst(%dma_wait3A_169 : memref<128x64xf32, #tpu.memory_space<vmem_shared>>)
        tpu.yield
      }) : () -> ()
      %scan3A_162 = arith.constant 0 : i32
      scf.yield %scan3A_162 : i32
    }
    %scan3A_115 = arith.constant 5 : i32
    %barrier3A_116 = arith.constant 0 : index
    tpu.barrier barrier_id(%barrier3A_116)
    %mul3A_117 = arith.constant 2 : i32
    %mul3A_118 = arith.muli %mul3A_117, %arg0 : i32
    %add3A_119 = arith.constant 1 : i32
    %add3A_120 = arith.addi %mul3A_118, %add3A_119 : i32
    %mul3A_121 = arith.constant 10240 : i32
    %mul3A_122 = arith.muli %add3A_120, %mul3A_121 : i32
    %dma_start3A_123 = arith.constant 0 : i32
    %dma_start3A_124 = arith.constant 0 : i32
    %dma_start3A_125 = tpu.memref_slice %arg8[%dma_start3A_123, %dma_start3A_124] : memref<128x80xi32, #tpu.memory_space<vmem>> -> memref<1x80xi32, #tpu.memory_space<vmem>>
    %dma_start3A_126 = tpu.memref_squeeze %dma_start3A_125 : memref<1x80xi32, #tpu.memory_space<vmem>> -> memref<80xi32, #tpu.memory_space<vmem>>
    %dma_start3A_127 = arith.constant 0 : i32
    %dma_start3A_128 = arith.constant 0 : i32
    %dma_start3A_129 = tpu.memref_slice %arg6[%dma_start3A_127, %dma_start3A_128] : memref<40960x64xf32, #tpu.memory_space<hbm>> -> memref<40960x64xf32, #tpu.memory_space<hbm>>
    tpu.enqueue_indirect_dma source(%dma_start3A_129 : memref<40960x64xf32, #tpu.memory_space<hbm>>) target(%arg10 : memref<80x64xf32, #tpu.memory_space<vmem>>) offsets(%dma_start3A_126 : memref<80xi32, #tpu.memory_space<vmem>>) semaphore(%arg15 : memref<!tpu.dma_semaphore, #tpu.memory_space<semaphore_mem>>)
    %scan3A_130 = arith.constant 0 : i32
    %scan3A_131 = arith.constant 0 : i32
    %scan3A_132 = arith.constant 64 : i32
    %scan3A_133 = arith.addi %scan3A_131, %scan3A_132 : i32
    %scan3A_134 = arith.constant 1 : i32
    %scan3A_135 = scf.for %scan3A_146 = %scan3A_131 to %scan3A_133 step %scan3A_134 iter_args(%scan3A_147 = %scan3A_130) -> (i32)  : i32 {
      %mul3A_148 = arith.constant 2 : i32
      %mul3A_149 = arith.muli %mul3A_148, %scan3A_146 : i32
      %dma_wait3A = arith.constant 0 : i32
      %dma_wait3A_150 = tpu.memref_slice %arg8[%mul3A_149, %dma_wait3A] : memref<128x80xi32, #tpu.memory_space<vmem>> -> memref<1x80xi32, #tpu.memory_space<vmem>>
      %dma_wait3A_151 = tpu.memref_squeeze %dma_wait3A_150 : memref<1x80xi32, #tpu.memory_space<vmem>> -> memref<80xi32, #tpu.memory_space<vmem>>
      %dma_wait3A_152 = arith.constant 0 : i32
      %dma_wait3A_153 = arith.constant 0 : i32
      %dma_wait3A_154 = tpu.memref_slice %arg6[%dma_wait3A_152, %dma_wait3A_153] : memref<40960x64xf32, #tpu.memory_space<hbm>> -> memref<40960x64xf32, #tpu.memory_space<hbm>>
      tpu.wait_indirect_dma semaphore(%arg15 : memref<!tpu.dma_semaphore, #tpu.memory_space<semaphore_mem>>) src(%dma_wait3A_154 : memref<40960x64xf32, #tpu.memory_space<hbm>>) dst(%arg10 : memref<80x64xf32, #tpu.memory_space<vmem>>)
      %add3A_155 = arith.constant 1 : i32
      %add3A_156 = arith.addi %mul3A_149, %add3A_155 : i32
      %dma_start3A_157 = arith.constant 0 : i32
      %dma_start3A_158 = tpu.memref_slice %arg8[%add3A_156, %dma_start3A_157] : memref<128x80xi32, #tpu.memory_space<vmem>> -> memref<1x80xi32, #tpu.memory_space<vmem>>
      %dma_start3A_159 = tpu.memref_squeeze %dma_start3A_158 : memref<1x80xi32, #tpu.memory_space<vmem>> -> memref<80xi32, #tpu.memory_space<vmem>>
      %dma_start3A_160 = arith.constant 0 : i32
      %dma_start3A_161 = arith.constant 0 : i32
      %dma_start3A_162 = tpu.memref_slice %arg6[%dma_start3A_160, %dma_start3A_161] : memref<40960x64xf32, #tpu.memory_space<hbm>> -> memref<40960x64xf32, #tpu.memory_space<hbm>>
      tpu.enqueue_indirect_dma source(%dma_start3A_162 : memref<40960x64xf32, #tpu.memory_space<hbm>>) target(%arg11 : memref<80x64xf32, #tpu.memory_space<vmem>>) offsets(%dma_start3A_159 : memref<80xi32, #tpu.memory_space<vmem>>) semaphore(%arg16 : memref<!tpu.dma_semaphore, #tpu.memory_space<semaphore_mem>>)
      "tpu.region"() ({
        %run_scoped3A = tpu.sem_alloc : memref<!tpu.dma_semaphore, #tpu.memory_space<semaphore_mem>>
        %dma_start3A_178 = arith.constant 0 : i32
        %dma_start3A_179 = tpu.memref_slice %arg9[%mul3A_149, %dma_start3A_178] : memref<128x80xi32, #tpu.memory_space<vmem>> -> memref<1x80xi32, #tpu.memory_space<vmem>>
        %dma_start3A_180 = tpu.memref_squeeze %dma_start3A_179 : memref<1x80xi32, #tpu.memory_space<vmem>> -> memref<80xi32, #tpu.memory_space<vmem>>
        %dma_start3A_181 = arith.constant 0 : i32
        %dma_start3A_182 = arith.constant 0 : i32
        %dma_start3A_183 = tpu.memref_slice %arg17[%dma_start3A_181, %dma_start3A_182] : memref<10240x64xf32, #tpu.memory_space<vmem_shared>> -> memref<10240x64xf32, #tpu.memory_space<vmem_shared>>
        tpu.enqueue_indirect_dma source(%arg10 : memref<80x64xf32, #tpu.memory_space<vmem>>) target(%dma_start3A_183 : memref<10240x64xf32, #tpu.memory_space<vmem_shared>>) offsets(%dma_start3A_180 : memref<80xi32, #tpu.memory_space<vmem>>) semaphore(%run_scoped3A : memref<!tpu.dma_semaphore, #tpu.memory_space<semaphore_mem>>) {add = true}
        %dma_wait3A_184 = arith.constant 0 : i32
        %dma_wait3A_185 = tpu.memref_slice %arg9[%mul3A_149, %dma_wait3A_184] : memref<128x80xi32, #tpu.memory_space<vmem>> -> memref<1x80xi32, #tpu.memory_space<vmem>>
        %dma_wait3A_186 = tpu.memref_squeeze %dma_wait3A_185 : memref<1x80xi32, #tpu.memory_space<vmem>> -> memref<80xi32, #tpu.memory_space<vmem>>
        %dma_wait3A_187 = arith.constant 0 : i32
        %dma_wait3A_188 = arith.constant 0 : i32
        %dma_wait3A_189 = tpu.memref_slice %arg17[%dma_wait3A_187, %dma_wait3A_188] : memref<10240x64xf32, #tpu.memory_space<vmem_shared>> -> memref<10240x64xf32, #tpu.memory_space<vmem_shared>>
        tpu.wait_indirect_dma semaphore(%run_scoped3A : memref<!tpu.dma_semaphore, #tpu.memory_space<semaphore_mem>>) src(%arg10 : memref<80x64xf32, #tpu.memory_space<vmem>>) dst(%dma_wait3A_189 : memref<10240x64xf32, #tpu.memory_space<vmem_shared>>)
        tpu.yield
      }) : () -> ()
      %add3A_163 = arith.constant 1 : i32
      %add3A_164 = arith.addi %mul3A_149, %add3A_163 : i32
      %dma_wait3A_165 = arith.constant 0 : i32
      %dma_wait3A_166 = tpu.memref_slice %arg8[%add3A_164, %dma_wait3A_165] : memref<128x80xi32, #tpu.memory_space<vmem>> -> memref<1x80xi32, #tpu.memory_space<vmem>>
      %dma_wait3A_167 = tpu.memref_squeeze %dma_wait3A_166 : memref<1x80xi32, #tpu.memory_space<vmem>> -> memref<80xi32, #tpu.memory_space<vmem>>
      %dma_wait3A_168 = arith.constant 0 : i32
      %dma_wait3A_169 = arith.constant 0 : i32
      %dma_wait3A_170 = tpu.memref_slice %arg6[%dma_wait3A_168, %dma_wait3A_169] : memref<40960x64xf32, #tpu.memory_space<hbm>> -> memref<40960x64xf32, #tpu.memory_space<hbm>>
      tpu.wait_indirect_dma semaphore(%arg16 : memref<!tpu.dma_semaphore, #tpu.memory_space<semaphore_mem>>) src(%dma_wait3A_170 : memref<40960x64xf32, #tpu.memory_space<hbm>>) dst(%arg11 : memref<80x64xf32, #tpu.memory_space<vmem>>)
      %add3A_171 = arith.constant 2 : i32
      %add3A_172 = arith.addi %mul3A_149, %add3A_171 : i32
      %lt3A = arith.constant 128 : i32
      %lt3A_173 = arith.cmpi slt, %add3A_172, %lt3A : i32
      %convert_element_type3A = arith.extui %lt3A_173 : i1 to i32
      %cond3A = arith.constant 0 : i32
      %cond3A_174 = arith.cmpi ne, %convert_element_type3A, %cond3A : i32
      scf.if %cond3A_174 {
        %add3A_178 = arith.constant 2 : i32
        %add3A_179 = arith.addi %mul3A_149, %add3A_178 : i32
        %dma_start3A_180 = arith.constant 0 : i32
        %dma_start3A_181 = tpu.memref_slice %arg8[%add3A_179, %dma_start3A_180] : memref<128x80xi32, #tpu.memory_space<vmem>> -> memref<1x80xi32, #tpu.memory_space<vmem>>
        %dma_start3A_182 = tpu.memref_squeeze %dma_start3A_181 : memref<1x80xi32, #tpu.memory_space<vmem>> -> memref<80xi32, #tpu.memory_space<vmem>>
        %dma_start3A_183 = arith.constant 0 : i32
        %dma_start3A_184 = arith.constant 0 : i32
        %dma_start3A_185 = tpu.memref_slice %arg6[%dma_start3A_183, %dma_start3A_184] : memref<40960x64xf32, #tpu.memory_space<hbm>> -> memref<40960x64xf32, #tpu.memory_space<hbm>>
        tpu.enqueue_indirect_dma source(%dma_start3A_185 : memref<40960x64xf32, #tpu.memory_space<hbm>>) target(%arg10 : memref<80x64xf32, #tpu.memory_space<vmem>>) offsets(%dma_start3A_182 : memref<80xi32, #tpu.memory_space<vmem>>) semaphore(%arg15 : memref<!tpu.dma_semaphore, #tpu.memory_space<semaphore_mem>>)
      } else {
      }
      %add3A_175 = arith.constant 1 : i32
      %add3A_176 = arith.addi %mul3A_149, %add3A_175 : i32
      "tpu.region"() ({
        %run_scoped3A = tpu.sem_alloc : memref<!tpu.dma_semaphore, #tpu.memory_space<semaphore_mem>>
        %dma_start3A_178 = arith.constant 0 : i32
        %dma_start3A_179 = tpu.memref_slice %arg9[%add3A_176, %dma_start3A_178] : memref<128x80xi32, #tpu.memory_space<vmem>> -> memref<1x80xi32, #tpu.memory_space<vmem>>
        %dma_start3A_180 = tpu.memref_squeeze %dma_start3A_179 : memref<1x80xi32, #tpu.memory_space<vmem>> -> memref<80xi32, #tpu.memory_space<vmem>>
        %dma_start3A_181 = arith.constant 0 : i32
        %dma_start3A_182 = arith.constant 0 : i32
        %dma_start3A_183 = tpu.memref_slice %arg17[%dma_start3A_181, %dma_start3A_182] : memref<10240x64xf32, #tpu.memory_space<vmem_shared>> -> memref<10240x64xf32, #tpu.memory_space<vmem_shared>>
        tpu.enqueue_indirect_dma source(%arg11 : memref<80x64xf32, #tpu.memory_space<vmem>>) target(%dma_start3A_183 : memref<10240x64xf32, #tpu.memory_space<vmem_shared>>) offsets(%dma_start3A_180 : memref<80xi32, #tpu.memory_space<vmem>>) semaphore(%run_scoped3A : memref<!tpu.dma_semaphore, #tpu.memory_space<semaphore_mem>>) {add = true}
        %dma_wait3A_184 = arith.constant 0 : i32
        %dma_wait3A_185 = tpu.memref_slice %arg9[%add3A_176, %dma_wait3A_184] : memref<128x80xi32, #tpu.memory_space<vmem>> -> memref<1x80xi32, #tpu.memory_space<vmem>>
        %dma_wait3A_186 = tpu.memref_squeeze %dma_wait3A_185 : memref<1x80xi32, #tpu.memory_space<vmem>> -> memref<80xi32, #tpu.memory_space<vmem>>
        %dma_wait3A_187 = arith.constant 0 : i32
        %dma_wait3A_188 = arith.constant 0 : i32
        %dma_wait3A_189 = tpu.memref_slice %arg17[%dma_wait3A_187, %dma_wait3A_188] : memref<10240x64xf32, #tpu.memory_space<vmem_shared>> -> memref<10240x64xf32, #tpu.memory_space<vmem_shared>>
        tpu.wait_indirect_dma semaphore(%run_scoped3A : memref<!tpu.dma_semaphore, #tpu.memory_space<semaphore_mem>>) src(%arg11 : memref<80x64xf32, #tpu.memory_space<vmem>>) dst(%dma_wait3A_189 : memref<10240x64xf32, #tpu.memory_space<vmem_shared>>)
        tpu.yield
      }) : () -> ()
      %scan3A_177 = arith.constant 0 : i32
      scf.yield %scan3A_177 : i32
    }
    %scan3A_136 = arith.constant 64 : i32
    %barrier3A_137 = arith.constant 0 : index
    tpu.barrier barrier_id(%barrier3A_137)
    %scan3A_138 = arith.constant 0 : i32
    %scan3A_139 = arith.constant 0 : i32
    %scan3A_140 = arith.constant 5 : i32
    %scan3A_141 = arith.addi %scan3A_139, %scan3A_140 : i32
    %scan3A_142 = arith.constant 1 : i32
    %scan3A_143 = scf.for %scan3A_146 = %scan3A_139 to %scan3A_141 step %scan3A_142 iter_args(%scan3A_147 = %scan3A_138) -> (i32)  : i32 {
      %mul3A_148 = arith.constant 128 : i32
      %mul3A_149 = arith.muli %scan3A_146, %mul3A_148 : i32
      %add3A_150 = arith.addi %mul3A_0, %mul3A_149 : i32
      "tpu.region"() ({
        %run_scoped3A = tpu.sem_alloc : memref<!tpu.dma_semaphore, #tpu.memory_space<semaphore_mem>>
        %dma_start3A_163 = arith.constant 0 : i32
        %dma_start3A_164 = tpu.memref_slice %arg17[%add3A_150, %dma_start3A_163] : memref<10240x64xf32, #tpu.memory_space<vmem_shared>> -> memref<128x64xf32, #tpu.memory_space<vmem_shared>>
        %dma_start3A_165 = arith.constant 0 : i32
        %dma_start3A_166 = tpu.memref_slice %arg17[%add3A_150, %dma_start3A_165] : memref<10240x64xf32, #tpu.memory_space<vmem_shared>> -> memref<128x64xf32, #tpu.memory_space<vmem_shared>>
        tpu.enqueue_dma source(%dma_start3A_166 : memref<128x64xf32, #tpu.memory_space<vmem_shared>>) target(%arg12 : memref<128x64xf32, #tpu.memory_space<vmem>>) target_semaphore(%run_scoped3A : memref<!tpu.dma_semaphore, #tpu.memory_space<semaphore_mem>>)
        %dma_wait3A = arith.constant 0 : i32
        %dma_wait3A_167 = tpu.memref_slice %arg17[%add3A_150, %dma_wait3A] : memref<10240x64xf32, #tpu.memory_space<vmem_shared>> -> memref<128x64xf32, #tpu.memory_space<vmem_shared>>
        %dma_wait3A_168 = arith.constant 0 : i32
        %dma_wait3A_169 = tpu.memref_slice %arg17[%add3A_150, %dma_wait3A_168] : memref<10240x64xf32, #tpu.memory_space<vmem_shared>> -> memref<128x64xf32, #tpu.memory_space<vmem_shared>>
        tpu.wait_dma2 semaphore(%run_scoped3A : memref<!tpu.dma_semaphore, #tpu.memory_space<semaphore_mem>>) src(%dma_wait3A_169 : memref<128x64xf32, #tpu.memory_space<vmem_shared>>) dst(%arg12 : memref<128x64xf32, #tpu.memory_space<vmem>>)
        tpu.yield
      }) : () -> ()
      "tpu.region"() ({
        %run_scoped3A = tpu.sem_alloc : memref<!tpu.dma_semaphore, #tpu.memory_space<semaphore_mem>>
        %dma_start3A_163 = arith.constant 0 : i32
        %dma_start3A_164 = tpu.memref_slice %arg5[%add3A_150, %dma_start3A_163] : memref<10240x64xf32, #tpu.memory_space<hbm>> -> memref<128x64xf32, #tpu.memory_space<hbm>>
        %dma_start3A_165 = arith.constant 0 : i32
        %dma_start3A_166 = tpu.memref_slice %arg5[%add3A_150, %dma_start3A_165] : memref<10240x64xf32, #tpu.memory_space<hbm>> -> memref<128x64xf32, #tpu.memory_space<hbm>>
        tpu.enqueue_dma source(%dma_start3A_166 : memref<128x64xf32, #tpu.memory_space<hbm>>) target(%arg13 : memref<128x64xf32, #tpu.memory_space<vmem>>) target_semaphore(%run_scoped3A : memref<!tpu.dma_semaphore, #tpu.memory_space<semaphore_mem>>)
        %dma_wait3A = arith.constant 0 : i32
        %dma_wait3A_167 = tpu.memref_slice %arg5[%add3A_150, %dma_wait3A] : memref<10240x64xf32, #tpu.memory_space<hbm>> -> memref<128x64xf32, #tpu.memory_space<hbm>>
        %dma_wait3A_168 = arith.constant 0 : i32
        %dma_wait3A_169 = tpu.memref_slice %arg5[%add3A_150, %dma_wait3A_168] : memref<10240x64xf32, #tpu.memory_space<hbm>> -> memref<128x64xf32, #tpu.memory_space<hbm>>
        tpu.wait_dma2 semaphore(%run_scoped3A : memref<!tpu.dma_semaphore, #tpu.memory_space<semaphore_mem>>) src(%dma_wait3A_169 : memref<128x64xf32, #tpu.memory_space<hbm>>) dst(%arg13 : memref<128x64xf32, #tpu.memory_space<vmem>>)
        tpu.yield
      }) : () -> ()
      %scan3A_151 = arith.constant 0 : i32
      %scan3A_152 = arith.constant 0 : i32
      %scan3A_153 = arith.constant 128 : i32
      %scan3A_154 = arith.addi %scan3A_152, %scan3A_153 : i32
      %scan3A_155 = arith.constant 1 : i32
      %scan3A_156 = scf.for %scan3A_163 = %scan3A_152 to %scan3A_154 step %scan3A_155 iter_args(%scan3A_164 = %scan3A_151) -> (i32)  : i32 {
        %get3A = arith.index_cast %scan3A_163 : i32 to index
        %get3A_165 = arith.constant 0 : index
        %get3A_166 = tpu.vector_load %arg12[%get3A, %get3A_165] {strides = array<i32>} : memref<128x64xf32, #tpu.memory_space<vmem>>, vector<1x16xf32>,
        %get3A_167 = vector.shape_cast %get3A_166 : vector<1x16xf32> to vector<16xf32>
        %get3A_168 = arith.index_cast %scan3A_163 : i32 to index
        %get3A_169 = arith.constant 0 : index
        %get3A_170 = tpu.vector_load %arg13[%get3A_168, %get3A_169] {strides = array<i32>} : memref<128x64xf32, #tpu.memory_space<vmem>>, vector<1x16xf32>,
        %get3A_171 = vector.shape_cast %get3A_170 : vector<1x16xf32> to vector<16xf32>
        %mul3A_172 = arith.mulf %get3A_167, %get3A_171 : vector<16xf32>
        %swap3A = arith.index_cast %scan3A_163 : i32 to index
        %swap3A_173 = arith.constant 0 : index
        %swap3A_174 = tpu.vector_load %arg12[%swap3A, %swap3A_173] {strides = array<i32>} : memref<128x64xf32, #tpu.memory_space<vmem>>, vector<1x16xf32>,
        %swap3A_175 = vector.shape_cast %swap3A_174 : vector<1x16xf32> to vector<16xf32>
        %swap3A_176 = vector.shape_cast %mul3A_172 : vector<16xf32> to vector<1x16xf32>
        tpu.vector_store %arg12[%swap3A, %swap3A_173], %swap3A_176 {strides = array<i32>} : memref<128x64xf32, #tpu.memory_space<vmem>>, vector<1x16xf32>,
        %get3A_177 = arith.index_cast %scan3A_163 : i32 to index
        %get3A_178 = arith.constant 16 : index
        %get3A_179 = tpu.vector_load %arg12[%get3A_177, %get3A_178] {strides = array<i32>} : memref<128x64xf32, #tpu.memory_space<vmem>>, vector<1x16xf32>,
        %get3A_180 = vector.shape_cast %get3A_179 : vector<1x16xf32> to vector<16xf32>
        %get3A_181 = arith.index_cast %scan3A_163 : i32 to index
        %get3A_182 = arith.constant 16 : index
        %get3A_183 = tpu.vector_load %arg13[%get3A_181, %get3A_182] {strides = array<i32>} : memref<128x64xf32, #tpu.memory_space<vmem>>, vector<1x16xf32>,
        %get3A_184 = vector.shape_cast %get3A_183 : vector<1x16xf32> to vector<16xf32>
        %mul3A_185 = arith.mulf %get3A_180, %get3A_184 : vector<16xf32>
        %swap3A_186 = arith.index_cast %scan3A_163 : i32 to index
        %swap3A_187 = arith.constant 16 : index
        %swap3A_188 = tpu.vector_load %arg12[%swap3A_186, %swap3A_187] {strides = array<i32>} : memref<128x64xf32, #tpu.memory_space<vmem>>, vector<1x16xf32>,
        %swap3A_189 = vector.shape_cast %swap3A_188 : vector<1x16xf32> to vector<16xf32>
        %swap3A_190 = vector.shape_cast %mul3A_185 : vector<16xf32> to vector<1x16xf32>
        tpu.vector_store %arg12[%swap3A_186, %swap3A_187], %swap3A_190 {strides = array<i32>} : memref<128x64xf32, #tpu.memory_space<vmem>>, vector<1x16xf32>,
        %get3A_191 = arith.index_cast %scan3A_163 : i32 to index
        %get3A_192 = arith.constant 32 : index
        %get3A_193 = tpu.vector_load %arg12[%get3A_191, %get3A_192] {strides = array<i32>} : memref<128x64xf32, #tpu.memory_space<vmem>>, vector<1x16xf32>,
        %get3A_194 = vector.shape_cast %get3A_193 : vector<1x16xf32> to vector<16xf32>
        %get3A_195 = arith.index_cast %scan3A_163 : i32 to index
        %get3A_196 = arith.constant 32 : index
        %get3A_197 = tpu.vector_load %arg13[%get3A_195, %get3A_196] {strides = array<i32>} : memref<128x64xf32, #tpu.memory_space<vmem>>, vector<1x16xf32>,
        %get3A_198 = vector.shape_cast %get3A_197 : vector<1x16xf32> to vector<16xf32>
        %mul3A_199 = arith.mulf %get3A_194, %get3A_198 : vector<16xf32>
        %swap3A_200 = arith.index_cast %scan3A_163 : i32 to index
        %swap3A_201 = arith.constant 32 : index
        %swap3A_202 = tpu.vector_load %arg12[%swap3A_200, %swap3A_201] {strides = array<i32>} : memref<128x64xf32, #tpu.memory_space<vmem>>, vector<1x16xf32>,
        %swap3A_203 = vector.shape_cast %swap3A_202 : vector<1x16xf32> to vector<16xf32>
        %swap3A_204 = vector.shape_cast %mul3A_199 : vector<16xf32> to vector<1x16xf32>
        tpu.vector_store %arg12[%swap3A_200, %swap3A_201], %swap3A_204 {strides = array<i32>} : memref<128x64xf32, #tpu.memory_space<vmem>>, vector<1x16xf32>,
        %get3A_205 = arith.index_cast %scan3A_163 : i32 to index
        %get3A_206 = arith.constant 48 : index
        %get3A_207 = tpu.vector_load %arg12[%get3A_205, %get3A_206] {strides = array<i32>} : memref<128x64xf32, #tpu.memory_space<vmem>>, vector<1x16xf32>,
        %get3A_208 = vector.shape_cast %get3A_207 : vector<1x16xf32> to vector<16xf32>
        %get3A_209 = arith.index_cast %scan3A_163 : i32 to index
        %get3A_210 = arith.constant 48 : index
        %get3A_211 = tpu.vector_load %arg13[%get3A_209, %get3A_210] {strides = array<i32>} : memref<128x64xf32, #tpu.memory_space<vmem>>, vector<1x16xf32>,
        %get3A_212 = vector.shape_cast %get3A_211 : vector<1x16xf32> to vector<16xf32>
        %mul3A_213 = arith.mulf %get3A_208, %get3A_212 : vector<16xf32>
        %swap3A_214 = arith.index_cast %scan3A_163 : i32 to index
        %swap3A_215 = arith.constant 48 : index
        %swap3A_216 = tpu.vector_load %arg12[%swap3A_214, %swap3A_215] {strides = array<i32>} : memref<128x64xf32, #tpu.memory_space<vmem>>, vector<1x16xf32>,
        %swap3A_217 = vector.shape_cast %swap3A_216 : vector<1x16xf32> to vector<16xf32>
        %swap3A_218 = vector.shape_cast %mul3A_213 : vector<16xf32> to vector<1x16xf32>
        tpu.vector_store %arg12[%swap3A_214, %swap3A_215], %swap3A_218 {strides = array<i32>} : memref<128x64xf32, #tpu.memory_space<vmem>>, vector<1x16xf32>,
        %scan3A_219 = arith.constant 0 : i32
        scf.yield %scan3A_219 : i32
      }
      %scan3A_157 = arith.constant 128 : i32
      %add3A_158 = arith.addi %mul3A_122, %mul3A_0 : i32
      %mul3A_159 = arith.constant 128 : i32
      %mul3A_160 = arith.muli %scan3A_146, %mul3A_159 : i32
      %add3A_161 = arith.addi %add3A_158, %mul3A_160 : i32
      "tpu.region"() ({
        %run_scoped3A = tpu.sem_alloc : memref<!tpu.dma_semaphore, #tpu.memory_space<semaphore_mem>>
        %dma_start3A_163 = arith.constant 0 : i32
        %dma_start3A_164 = tpu.memref_slice %arg7[%add3A_161, %dma_start3A_163] : memref<40960x64xf32, #tpu.memory_space<hbm>> -> memref<128x64xf32, #tpu.memory_space<hbm>>
        %dma_start3A_165 = arith.constant 0 : i32
        %dma_start3A_166 = tpu.memref_slice %arg7[%add3A_161, %dma_start3A_165] : memref<40960x64xf32, #tpu.memory_space<hbm>> -> memref<128x64xf32, #tpu.memory_space<hbm>>
        tpu.enqueue_dma source(%arg12 : memref<128x64xf32, #tpu.memory_space<vmem>>) target(%dma_start3A_166 : memref<128x64xf32, #tpu.memory_space<hbm>>) target_semaphore(%run_scoped3A : memref<!tpu.dma_semaphore, #tpu.memory_space<semaphore_mem>>)
        %dma_wait3A = arith.constant 0 : i32
        %dma_wait3A_167 = tpu.memref_slice %arg7[%add3A_161, %dma_wait3A] : memref<40960x64xf32, #tpu.memory_space<hbm>> -> memref<128x64xf32, #tpu.memory_space<hbm>>
        %dma_wait3A_168 = arith.constant 0 : i32
        %dma_wait3A_169 = tpu.memref_slice %arg7[%add3A_161, %dma_wait3A_168] : memref<40960x64xf32, #tpu.memory_space<hbm>> -> memref<128x64xf32, #tpu.memory_space<hbm>>
        tpu.wait_dma2 semaphore(%run_scoped3A : memref<!tpu.dma_semaphore, #tpu.memory_space<semaphore_mem>>) src(%arg12 : memref<128x64xf32, #tpu.memory_space<vmem>>) dst(%dma_wait3A_169 : memref<128x64xf32, #tpu.memory_space<hbm>>)
        tpu.yield
      }) : () -> ()
      "tpu.region"() ({
        %run_scoped3A = tpu.sem_alloc : memref<!tpu.dma_semaphore, #tpu.memory_space<semaphore_mem>>
        %dma_start3A_163 = arith.constant 0 : i32
        %dma_start3A_164 = tpu.memref_slice %arg17[%add3A_150, %dma_start3A_163] : memref<10240x64xf32, #tpu.memory_space<vmem_shared>> -> memref<128x64xf32, #tpu.memory_space<vmem_shared>>
        %dma_start3A_165 = arith.constant 0 : i32
        %dma_start3A_166 = tpu.memref_slice %arg17[%add3A_150, %dma_start3A_165] : memref<10240x64xf32, #tpu.memory_space<vmem_shared>> -> memref<128x64xf32, #tpu.memory_space<vmem_shared>>
        tpu.enqueue_dma source(%arg14 : memref<128x64xf32, #tpu.memory_space<vmem>>) target(%dma_start3A_166 : memref<128x64xf32, #tpu.memory_space<vmem_shared>>) target_semaphore(%run_scoped3A : memref<!tpu.dma_semaphore, #tpu.memory_space<semaphore_mem>>)
        %dma_wait3A = arith.constant 0 : i32
        %dma_wait3A_167 = tpu.memref_slice %arg17[%add3A_150, %dma_wait3A] : memref<10240x64xf32, #tpu.memory_space<vmem_shared>> -> memref<128x64xf32, #tpu.memory_space<vmem_shared>>
        %dma_wait3A_168 = arith.constant 0 : i32
        %dma_wait3A_169 = tpu.memref_slice %arg17[%add3A_150, %dma_wait3A_168] : memref<10240x64xf32, #tpu.memory_space<vmem_shared>> -> memref<128x64xf32, #tpu.memory_space<vmem_shared>>
        tpu.wait_dma2 semaphore(%run_scoped3A : memref<!tpu.dma_semaphore, #tpu.memory_space<semaphore_mem>>) src(%arg14 : memref<128x64xf32, #tpu.memory_space<vmem>>) dst(%dma_wait3A_169 : memref<128x64xf32, #tpu.memory_space<vmem_shared>>)
        tpu.yield
      }) : () -> ()
      %scan3A_162 = arith.constant 0 : i32
      scf.yield %scan3A_162 : i32
    }
    %scan3A_144 = arith.constant 5 : i32
    %barrier3A_145 = arith.constant 0 : index
    tpu.barrier barrier_id(%barrier3A_145)
    return
  }
}

module attributes {stable_mosaic.version = 14 : i64} {
  func.func @_tc1_body(%arg0: i32, %arg1: memref<2048x128xf32, #tpu.memory_space<vmem>>, %arg2: memref<2048x64xf32, #tpu.memory_space<vmem>>, %arg3: memref<128x64xf32, #tpu.memory_space<vmem>>, %arg4: memref<64x64xf32, #tpu.memory_space<vmem>>, %arg5: memref<2048x64xf32, #tpu.memory_space<vmem>>, %arg6: memref<2048x64xf32, #tpu.memory_space<vmem>>) attributes {dimension_semantics = [#tpu.dimension_semantics<arbitrary>], iteration_bounds = array<i64: 20>, scalar_prefetch = 0 : i64, scratch_operands = 0 : i64, tpu.core_type = #tpu.core_type<tc>, window_params = [{transform_indices = @transform_0, window_bounds = array<i64: 2048, 128>}, {transform_indices = @transform_1, window_bounds = array<i64: 2048, 64>}, {pipeline_mode = #tpu.pipeline_mode<synchronous>, transform_indices = @transform_2, window_bounds = array<i64: 128, 64>}, {pipeline_mode = #tpu.pipeline_mode<synchronous>, transform_indices = @transform_3, window_bounds = array<i64: 64, 64>}, {transform_indices = @transform_4, window_bounds = array<i64: 2048, 64>}, {transform_indices = @transform_5, window_bounds = array<i64: 2048, 64>}]} {
    %get3A = arith.constant 0 : index
    %get3A_0 = arith.constant 0 : index
    %get3A_1 = vector.load %arg1[%get3A, %get3A_0] : memref<2048x128xf32, #tpu.memory_space<vmem>>, vector<2048x128xf32>
    %get3A_2 = arith.constant 0 : index
    %get3A_3 = arith.constant 0 : index
    %get3A_4 = vector.load %arg3[%get3A_2, %get3A_3] : memref<128x64xf32, #tpu.memory_space<vmem>>, vector<128x64xf32>
    %dot_general3A = arith.constant dense<0.000000e+00> : vector<2048x64xf32>
    %dot_general3A_5 = tpu.matmul %get3A_1, %get3A_4, %dot_general3A {dimension_numbers = #tpu.dot_dimension_numbers<[1], [0], [0], [1], [0, 0, 1, 1], [], []>, transpose_lhs_hint = false} : vector<2048x128xf32>, vector<128x64xf32>, vector<2048x64xf32> -> vector<2048x64xf32>
    %get3A_6 = arith.constant 0 : index
    %get3A_7 = arith.constant 0 : index
    %get3A_8 = vector.load %arg2[%get3A_6, %get3A_7] : memref<2048x64xf32, #tpu.memory_space<vmem>>, vector<2048x64xf32>
    %get3A_9 = arith.constant 0 : index
    %get3A_10 = arith.constant 0 : index
    %get3A_11 = vector.load %arg4[%get3A_9, %get3A_10] : memref<64x64xf32, #tpu.memory_space<vmem>>, vector<64x64xf32>
    %dot_general3A_12 = arith.constant dense<0.000000e+00> : vector<2048x64xf32>
    %dot_general3A_13 = tpu.matmul %get3A_8, %get3A_11, %dot_general3A_12 {dimension_numbers = #tpu.dot_dimension_numbers<[1], [0], [0], [1], [0, 0, 1, 1], [], []>, transpose_lhs_hint = false} : vector<2048x64xf32>, vector<64x64xf32>, vector<2048x64xf32> -> vector<2048x64xf32>
    %add3A = arith.addf %dot_general3A_5, %dot_general3A_13 : vector<2048x64xf32>
    %swap3A = arith.constant 0 : index
    %swap3A_14 = arith.constant 0 : index
    %swap3A_15 = vector.load %arg6[%swap3A, %swap3A_14] : memref<2048x64xf32, #tpu.memory_space<vmem>>, vector<2048x64xf32>
    tpu.vector_store %arg6[%swap3A, %swap3A_14], %dot_general3A_5 {strides = array<i32>} : memref<2048x64xf32, #tpu.memory_space<vmem>>, vector<2048x64xf32>,
    %swap3A_16 = arith.constant 0 : index
    %swap3A_17 = arith.constant 0 : index
    %swap3A_18 = vector.load %arg5[%swap3A_16, %swap3A_17] : memref<2048x64xf32, #tpu.memory_space<vmem>>, vector<2048x64xf32>
    tpu.vector_store %arg5[%swap3A_16, %swap3A_17], %add3A {strides = array<i32>} : memref<2048x64xf32, #tpu.memory_space<vmem>>, vector<2048x64xf32>,
    return
  }
  func.func @transform_0(%arg0: i32) -> (i32, i32) {
    %c0_i32 = arith.constant 0 : i32
    %c0_i32_0 = arith.constant 0 : i32
    return %arg0, %c0_i32 : i32, i32
  }
  func.func @transform_1(%arg0: i32) -> (i32, i32) {
    %c0_i32 = arith.constant 0 : i32
    %c0_i32_0 = arith.constant 0 : i32
    return %arg0, %c0_i32 : i32, i32
  }
  func.func @transform_2(%arg0: i32) -> (i32, i32) {
    %c0_i32 = arith.constant 0 : i32
    %c0_i32_0 = arith.constant 0 : i32
    %c0_i32_1 = arith.constant 0 : i32
    return %c0_i32, %c0_i32_0 : i32, i32
  }
  func.func @transform_3(%arg0: i32) -> (i32, i32) {
    %c0_i32 = arith.constant 0 : i32
    %c0_i32_0 = arith.constant 0 : i32
    %c0_i32_1 = arith.constant 0 : i32
    return %c0_i32, %c0_i32_0 : i32, i32
  }
  func.func @transform_4(%arg0: i32) -> (i32, i32) {
    %c0_i32 = arith.constant 0 : i32
    %c0_i32_0 = arith.constant 0 : i32
    return %arg0, %c0_i32 : i32, i32
  }
  func.func @transform_5(%arg0: i32) -> (i32, i32) {
    %c0_i32 = arith.constant 0 : i32
    %c0_i32_0 = arith.constant 0 : i32
    return %arg0, %c0_i32 : i32, i32
  }
}

module attributes {stable_mosaic.version = 14 : i64} {
  func.func @_tc2_body(%arg0: i32, %arg1: memref<2048x64xf32, #tpu.memory_space<vmem>>, %arg2: memref<2048x64xf32, #tpu.memory_space<vmem>>, %arg3: memref<2048x64xf32, #tpu.memory_space<vmem>>, %arg4: memref<2048x64xf32, #tpu.memory_space<vmem>>, %arg5: memref<2048x64xf32, #tpu.memory_space<vmem>>, %arg6: memref<192x128xf32, #tpu.memory_space<vmem>>, %arg7: memref<8x128xf32, #tpu.memory_space<vmem>>, %arg8: memref<64x64xf32, #tpu.memory_space<vmem>>, %arg9: memref<2048x64xf32, #tpu.memory_space<vmem>>, %arg10: memref<2048x64xf32, #tpu.memory_space<vmem>>) attributes {dimension_semantics = [#tpu.dimension_semantics<arbitrary>], iteration_bounds = array<i64: 20>, scalar_prefetch = 0 : i64, scratch_operands = 0 : i64, tpu.core_type = #tpu.core_type<tc>, window_params = [{transform_indices = @transform_0, window_bounds = array<i64: 2048, 64>}, {transform_indices = @transform_1, window_bounds = array<i64: 2048, 64>}, {transform_indices = @transform_2, window_bounds = array<i64: 2048, 64>}, {transform_indices = @transform_3, window_bounds = array<i64: 2048, 64>}, {transform_indices = @transform_4, window_bounds = array<i64: 2048, 64>}, {pipeline_mode = #tpu.pipeline_mode<synchronous>, transform_indices = @transform_5, window_bounds = array<i64: 192, 128>}, {pipeline_mode = #tpu.pipeline_mode<synchronous>, transform_indices = @transform_6, window_bounds = array<i64: 8, 128>}, {pipeline_mode = #tpu.pipeline_mode<synchronous>, transform_indices = @transform_7, window_bounds = array<i64: 64, 64>}, {transform_indices = @transform_8, window_bounds = array<i64: 2048, 64>}, {transform_indices = @transform_9, window_bounds = array<i64: 2048, 64>}]} {
    %get3A = arith.constant 0 : index
    %get3A_0 = arith.constant 0 : index
    %get3A_1 = vector.load %arg1[%get3A, %get3A_0] : memref<2048x64xf32, #tpu.memory_space<vmem>>, vector<2048x64xf32>
    %get3A_2 = arith.constant 0 : index
    %get3A_3 = arith.constant 0 : index
    %get3A_4 = vector.load %arg2[%get3A_2, %get3A_3] : memref<2048x64xf32, #tpu.memory_space<vmem>>, vector<2048x64xf32>
    %get3A_5 = arith.constant 0 : index
    %get3A_6 = arith.constant 0 : index
    %get3A_7 = vector.load %arg3[%get3A_5, %get3A_6] : memref<2048x64xf32, #tpu.memory_space<vmem>>, vector<2048x64xf32>
    %get3A_8 = arith.constant 0 : index
    %get3A_9 = arith.constant 0 : index
    %get3A_10 = vector.load %arg6[%get3A_8, %get3A_9] : memref<192x128xf32, #tpu.memory_space<vmem>>, vector<64x128xf32>
    %dot_general3A = arith.constant dense<0.000000e+00> : vector<2048x128xf32>
    %dot_general3A_11 = tpu.matmul %get3A_1, %get3A_10, %dot_general3A {dimension_numbers = #tpu.dot_dimension_numbers<[1], [0], [0], [1], [0, 0, 1, 1], [], []>, transpose_lhs_hint = false} : vector<2048x64xf32>, vector<64x128xf32>, vector<2048x128xf32> -> vector<2048x128xf32>
    %get3A_12 = arith.constant 64 : index
    %get3A_13 = arith.constant 0 : index
    %get3A_14 = vector.load %arg6[%get3A_12, %get3A_13] : memref<192x128xf32, #tpu.memory_space<vmem>>, vector<64x128xf32>
    %dot_general3A_15 = arith.constant dense<0.000000e+00> : vector<2048x128xf32>
    %dot_general3A_16 = tpu.matmul %get3A_4, %get3A_14, %dot_general3A_15 {dimension_numbers = #tpu.dot_dimension_numbers<[1], [0], [0], [1], [0, 0, 1, 1], [], []>, transpose_lhs_hint = false} : vector<2048x64xf32>, vector<64x128xf32>, vector<2048x128xf32> -> vector<2048x128xf32>
    %add3A = arith.addf %dot_general3A_11, %dot_general3A_16 : vector<2048x128xf32>
    %get3A_17 = arith.constant 128 : index
    %get3A_18 = arith.constant 0 : index
    %get3A_19 = vector.load %arg6[%get3A_17, %get3A_18] : memref<192x128xf32, #tpu.memory_space<vmem>>, vector<64x128xf32>
    %dot_general3A_20 = arith.constant dense<0.000000e+00> : vector<2048x128xf32>
    %dot_general3A_21 = tpu.matmul %get3A_7, %get3A_19, %dot_general3A_20 {dimension_numbers = #tpu.dot_dimension_numbers<[1], [0], [0], [1], [0, 0, 1, 1], [], []>, transpose_lhs_hint = false} : vector<2048x64xf32>, vector<64x128xf32>, vector<2048x128xf32> -> vector<2048x128xf32>
    %add3A_22 = arith.addf %add3A, %dot_general3A_21 : vector<2048x128xf32>
    %get3A_23 = arith.constant 0 : index
    %get3A_24 = arith.constant 0 : index
    %get3A_25 = vector.load %arg7[%get3A_23, %get3A_24] : memref<8x128xf32, #tpu.memory_space<vmem>>, vector<1x128xf32>
    %add3A_26 = vector.broadcast %get3A_25 : vector<1x128xf32> to vector<2048x128xf32>
    %add3A_27 = arith.addf %add3A_22, %add3A_26 : vector<2048x128xf32>
    %logistic3A = arith.negf %add3A_27 : vector<2048x128xf32>
    %logistic3A_28 = math.exp %logistic3A : vector<2048x128xf32>
    %logistic3A_29 = arith.constant 1.000000e+00 : f32
    %logistic3A_30 = vector.broadcast %logistic3A_29 : f32 to vector<2048x128xf32>
    %logistic3A_31 = arith.addf %logistic3A_30, %logistic3A_28 : vector<2048x128xf32>
    %logistic3A_32 = arith.divf %logistic3A_30, %logistic3A_31 : vector<2048x128xf32>
    %slice3A = vector.extract_strided_slice %logistic3A_32 {offsets = [0, 0], sizes = [2048, 64], strides = [1, 1]} : vector<2048x128xf32> to vector<2048x64xf32>
    %get3A_33 = arith.constant 0 : index
    %get3A_34 = arith.constant 0 : index
    %get3A_35 = vector.load %arg4[%get3A_33, %get3A_34] : memref<2048x64xf32, #tpu.memory_space<vmem>>, vector<2048x64xf32>
    %mul3A = arith.mulf %slice3A, %get3A_35 : vector<2048x64xf32>
    %get3A_36 = arith.constant 0 : index
    %get3A_37 = arith.constant 0 : index
    %get3A_38 = vector.load %arg5[%get3A_36, %get3A_37] : memref<2048x64xf32, #tpu.memory_space<vmem>>, vector<2048x64xf32>
    %get3A_39 = arith.constant 0 : index
    %get3A_40 = arith.constant 0 : index
    %get3A_41 = vector.load %arg8[%get3A_39, %get3A_40] : memref<64x64xf32, #tpu.memory_space<vmem>>, vector<64x64xf32>
    %dot_general3A_42 = arith.constant dense<0.000000e+00> : vector<2048x64xf32>
    %dot_general3A_43 = tpu.matmul %mul3A, %get3A_41, %dot_general3A_42 {dimension_numbers = #tpu.dot_dimension_numbers<[1], [0], [0], [1], [0, 0, 1, 1], [], []>, transpose_lhs_hint = false} : vector<2048x64xf32>, vector<64x64xf32>, vector<2048x64xf32> -> vector<2048x64xf32>
    %add3A_44 = arith.addf %get3A_38, %dot_general3A_43 : vector<2048x64xf32>
    %swap3A = arith.constant 0 : index
    %swap3A_45 = arith.constant 0 : index
    %swap3A_46 = vector.load %arg9[%swap3A, %swap3A_45] : memref<2048x64xf32, #tpu.memory_space<vmem>>, vector<2048x64xf32>
    tpu.vector_store %arg9[%swap3A, %swap3A_45], %add3A_44 {strides = array<i32>} : memref<2048x64xf32, #tpu.memory_space<vmem>>, vector<2048x64xf32>,
    %slice3A_47 = vector.extract_strided_slice %logistic3A_32 {offsets = [0, 64], sizes = [2048, 64], strides = [1, 1]} : vector<2048x128xf32> to vector<2048x64xf32>
    %swap3A_48 = arith.constant 0 : index
    %swap3A_49 = arith.constant 0 : index
    %swap3A_50 = vector.load %arg10[%swap3A_48, %swap3A_49] : memref<2048x64xf32, #tpu.memory_space<vmem>>, vector<2048x64xf32>
    tpu.vector_store %arg10[%swap3A_48, %swap3A_49], %slice3A_47 {strides = array<i32>} : memref<2048x64xf32, #tpu.memory_space<vmem>>, vector<2048x64xf32>,
    return
  }
  func.func @transform_0(%arg0: i32) -> (i32, i32) {
    %c0_i32 = arith.constant 0 : i32
    %c0_i32_0 = arith.constant 0 : i32
    return %arg0, %c0_i32 : i32, i32
  }
  func.func @transform_1(%arg0: i32) -> (i32, i32) {
    %c0_i32 = arith.constant 0 : i32
    %c0_i32_0 = arith.constant 0 : i32
    return %arg0, %c0_i32 : i32, i32
  }
  func.func @transform_2(%arg0: i32) -> (i32, i32) {
    %c0_i32 = arith.constant 0 : i32
    %c0_i32_0 = arith.constant 0 : i32
    return %arg0, %c0_i32 : i32, i32
  }
  func.func @transform_3(%arg0: i32) -> (i32, i32) {
    %c0_i32 = arith.constant 0 : i32
    %c0_i32_0 = arith.constant 0 : i32
    return %arg0, %c0_i32 : i32, i32
  }
  func.func @transform_4(%arg0: i32) -> (i32, i32) {
    %c0_i32 = arith.constant 0 : i32
    %c0_i32_0 = arith.constant 0 : i32
    return %arg0, %c0_i32 : i32, i32
  }
  func.func @transform_5(%arg0: i32) -> (i32, i32) {
    %c0_i32 = arith.constant 0 : i32
    %c0_i32_0 = arith.constant 0 : i32
    %c0_i32_1 = arith.constant 0 : i32
    return %c0_i32, %c0_i32_0 : i32, i32
  }
  func.func @transform_6(%arg0: i32) -> (i32, i32) {
    %c0_i32 = arith.constant 0 : i32
    %c0_i32_0 = arith.constant 0 : i32
    %c0_i32_1 = arith.constant 0 : i32
    return %c0_i32, %c0_i32_0 : i32, i32
  }
  func.func @transform_7(%arg0: i32) -> (i32, i32) {
    %c0_i32 = arith.constant 0 : i32
    %c0_i32_0 = arith.constant 0 : i32
    %c0_i32_1 = arith.constant 0 : i32
    return %c0_i32, %c0_i32_0 : i32, i32
  }
  func.func @transform_8(%arg0: i32) -> (i32, i32) {
    %c0_i32 = arith.constant 0 : i32
    %c0_i32_0 = arith.constant 0 : i32
    return %arg0, %c0_i32 : i32, i32
  }
  func.func @transform_9(%arg0: i32) -> (i32, i32) {
    %c0_i32 = arith.constant 0 : i32
    %c0_i32_0 = arith.constant 0 : i32
    return %arg0, %c0_i32 : i32, i32
  }
}

module attributes {stable_mosaic.version = 14 : i64} {
  func.func @_tc3_body(%arg0: i32, %arg1: memref<2048x64xf32, #tpu.memory_space<vmem>>, %arg2: memref<2048x64xf32, #tpu.memory_space<vmem>>, %arg3: memref<2048x64xf32, #tpu.memory_space<vmem>>, %arg4: memref<2048x64xf32, #tpu.memory_space<vmem>>, %arg5: memref<2048x64xf32, #tpu.memory_space<vmem>>, %arg6: memref<192x64xf32, #tpu.memory_space<vmem>>, %arg7: memref<8x64xf32, #tpu.memory_space<vmem>>, %arg8: memref<2048x64xf32, #tpu.memory_space<vmem>>) attributes {dimension_semantics = [#tpu.dimension_semantics<arbitrary>], iteration_bounds = array<i64: 20>, scalar_prefetch = 0 : i64, scratch_operands = 0 : i64, tpu.core_type = #tpu.core_type<tc>, window_params = [{transform_indices = @transform_0, window_bounds = array<i64: 2048, 64>}, {transform_indices = @transform_1, window_bounds = array<i64: 2048, 64>}, {transform_indices = @transform_2, window_bounds = array<i64: 2048, 64>}, {transform_indices = @transform_3, window_bounds = array<i64: 2048, 64>}, {transform_indices = @transform_4, window_bounds = array<i64: 2048, 64>}, {pipeline_mode = #tpu.pipeline_mode<synchronous>, transform_indices = @transform_5, window_bounds = array<i64: 192, 64>}, {pipeline_mode = #tpu.pipeline_mode<synchronous>, transform_indices = @transform_6, window_bounds = array<i64: 8, 64>}, {transform_indices = @transform_7, window_bounds = array<i64: 2048, 64>}]} {
    %get3A = arith.constant 0 : index
    %get3A_0 = arith.constant 0 : index
    %get3A_1 = vector.load %arg1[%get3A, %get3A_0] : memref<2048x64xf32, #tpu.memory_space<vmem>>, vector<2048x64xf32>
    %get3A_2 = arith.constant 0 : index
    %get3A_3 = arith.constant 0 : index
    %get3A_4 = vector.load %arg2[%get3A_2, %get3A_3] : memref<2048x64xf32, #tpu.memory_space<vmem>>, vector<2048x64xf32>
    %get3A_5 = arith.constant 0 : index
    %get3A_6 = arith.constant 0 : index
    %get3A_7 = vector.load %arg3[%get3A_5, %get3A_6] : memref<2048x64xf32, #tpu.memory_space<vmem>>, vector<2048x64xf32>
    %get3A_8 = arith.constant 0 : index
    %get3A_9 = arith.constant 0 : index
    %get3A_10 = vector.load %arg6[%get3A_8, %get3A_9] : memref<192x64xf32, #tpu.memory_space<vmem>>, vector<64x64xf32>
    %dot_general3A = arith.constant dense<0.000000e+00> : vector<2048x64xf32>
    %dot_general3A_11 = tpu.matmul %get3A_1, %get3A_10, %dot_general3A {dimension_numbers = #tpu.dot_dimension_numbers<[1], [0], [0], [1], [0, 0, 1, 1], [], []>, transpose_lhs_hint = false} : vector<2048x64xf32>, vector<64x64xf32>, vector<2048x64xf32> -> vector<2048x64xf32>
    %get3A_12 = arith.constant 64 : index
    %get3A_13 = arith.constant 0 : index
    %get3A_14 = vector.load %arg6[%get3A_12, %get3A_13] : memref<192x64xf32, #tpu.memory_space<vmem>>, vector<64x64xf32>
    %dot_general3A_15 = arith.constant dense<0.000000e+00> : vector<2048x64xf32>
    %dot_general3A_16 = tpu.matmul %get3A_4, %get3A_14, %dot_general3A_15 {dimension_numbers = #tpu.dot_dimension_numbers<[1], [0], [0], [1], [0, 0, 1, 1], [], []>, transpose_lhs_hint = false} : vector<2048x64xf32>, vector<64x64xf32>, vector<2048x64xf32> -> vector<2048x64xf32>
    %add3A = arith.addf %dot_general3A_11, %dot_general3A_16 : vector<2048x64xf32>
    %get3A_17 = arith.constant 128 : index
    %get3A_18 = arith.constant 0 : index
    %get3A_19 = vector.load %arg6[%get3A_17, %get3A_18] : memref<192x64xf32, #tpu.memory_space<vmem>>, vector<64x64xf32>
    %dot_general3A_20 = arith.constant dense<0.000000e+00> : vector<2048x64xf32>
    %dot_general3A_21 = tpu.matmul %get3A_7, %get3A_19, %dot_general3A_20 {dimension_numbers = #tpu.dot_dimension_numbers<[1], [0], [0], [1], [0, 0, 1, 1], [], []>, transpose_lhs_hint = false} : vector<2048x64xf32>, vector<64x64xf32>, vector<2048x64xf32> -> vector<2048x64xf32>
    %add3A_22 = arith.addf %add3A, %dot_general3A_21 : vector<2048x64xf32>
    %get3A_23 = arith.constant 0 : index
    %get3A_24 = arith.constant 0 : index
    %get3A_25 = vector.load %arg7[%get3A_23, %get3A_24] : memref<8x64xf32, #tpu.memory_space<vmem>>, vector<1x64xf32>
    %add3A_26 = vector.broadcast %get3A_25 : vector<1x64xf32> to vector<2048x64xf32>
    %add3A_27 = arith.addf %add3A_22, %add3A_26 : vector<2048x64xf32>
    %tanh3A = math.tanh %add3A_27 : vector<2048x64xf32>
    %get3A_28 = arith.constant 0 : index
    %get3A_29 = arith.constant 0 : index
    %get3A_30 = vector.load %arg5[%get3A_28, %get3A_29] : memref<2048x64xf32, #tpu.memory_space<vmem>>, vector<2048x64xf32>
    %get3A_31 = arith.constant 0 : index
    %get3A_32 = arith.constant 0 : index
    %get3A_33 = vector.load %arg4[%get3A_31, %get3A_32] : memref<2048x64xf32, #tpu.memory_space<vmem>>, vector<2048x64xf32>
    %mul3A = arith.mulf %get3A_30, %get3A_33 : vector<2048x64xf32>
    %sub3A = arith.constant 1.000000e+00 : f32
    %sub3A_34 = vector.broadcast %sub3A : f32 to vector<2048x64xf32>
    %sub3A_35 = arith.subf %sub3A_34, %get3A_30 : vector<2048x64xf32>
    %mul3A_36 = arith.mulf %sub3A_35, %tanh3A : vector<2048x64xf32>
    %add3A_37 = arith.addf %mul3A, %mul3A_36 : vector<2048x64xf32>
    %swap3A = arith.constant 0 : index
    %swap3A_38 = arith.constant 0 : index
    %swap3A_39 = vector.load %arg8[%swap3A, %swap3A_38] : memref<2048x64xf32, #tpu.memory_space<vmem>>, vector<2048x64xf32>
    tpu.vector_store %arg8[%swap3A, %swap3A_38], %add3A_37 {strides = array<i32>} : memref<2048x64xf32, #tpu.memory_space<vmem>>, vector<2048x64xf32>,
    return
  }
  func.func @transform_0(%arg0: i32) -> (i32, i32) {
    %c0_i32 = arith.constant 0 : i32
    %c0_i32_0 = arith.constant 0 : i32
    return %arg0, %c0_i32 : i32, i32
  }
  func.func @transform_1(%arg0: i32) -> (i32, i32) {
    %c0_i32 = arith.constant 0 : i32
    %c0_i32_0 = arith.constant 0 : i32
    return %arg0, %c0_i32 : i32, i32
  }
  func.func @transform_2(%arg0: i32) -> (i32, i32) {
    %c0_i32 = arith.constant 0 : i32
    %c0_i32_0 = arith.constant 0 : i32
    return %arg0, %c0_i32 : i32, i32
  }
  func.func @transform_3(%arg0: i32) -> (i32, i32) {
    %c0_i32 = arith.constant 0 : i32
    %c0_i32_0 = arith.constant 0 : i32
    return %arg0, %c0_i32 : i32, i32
  }
  func.func @transform_4(%arg0: i32) -> (i32, i32) {
    %c0_i32 = arith.constant 0 : i32
    %c0_i32_0 = arith.constant 0 : i32
    return %arg0, %c0_i32 : i32, i32
  }
  func.func @transform_5(%arg0: i32) -> (i32, i32) {
    %c0_i32 = arith.constant 0 : i32
    %c0_i32_0 = arith.constant 0 : i32
    %c0_i32_1 = arith.constant 0 : i32
    return %c0_i32, %c0_i32_0 : i32, i32
  }
  func.func @transform_6(%arg0: i32) -> (i32, i32) {
    %c0_i32 = arith.constant 0 : i32
    %c0_i32_0 = arith.constant 0 : i32
    %c0_i32_1 = arith.constant 0 : i32
    return %c0_i32, %c0_i32_0 : i32, i32
  }
  func.func @transform_7(%arg0: i32) -> (i32, i32) {
    %c0_i32 = arith.constant 0 : i32
    %c0_i32_0 = arith.constant 0 : i32
    return %arg0, %c0_i32 : i32, i32
  }
}

</mosaic_0001>

<sc_bundles>
// kernel: kernel.10.cloned.1.call-start
scs
__scs_entry_jumppad:
0x0: {  	(pc) =	sbr.rel $0x88, $3  }
0x1: {  	(tag) =	ssettag $0x0;
	lr =	simm.s32 $0x1  }
0x2: {  	[smem:$0x3F99] =	sst lr;
	_ =	strace $0xD0000000  }
0x3: {  	_ = 	snop  }
0x4: {  	_ = 	snop  }
0x5: {  	_ = 	snop  }
0x6: {  	_ = 	snop  }
0x7: {  	_ = 	snop  }
__scs_overlays_trampoline_lowered:
0x8: {  	[smem:$0x3FA8] =	sst s0  }
0x9: {  	[smem:$0x3FA9] =	sst s1  }
0xa: {  	[smem:$0x3FAA] =	sst s2  }
0xb: {  	[smem:$0x3FAB] =	sst s3  }
0xc: {  	[smem:$0x3FAC] =	sst s4  }
0xd: {  	[smem:$0x3FAD] =	sst s5  }
0xe: {  	[smem:$0x3FAE] =	sst s6  }
0xf: {  	[smem:$0x3FAF] =	sst s7  }
0x10: {  	[smem:$0x3FB0] =	sst s8  }
0x11: {  	[smem:$0x3FB1] =	sst s9;
	s0 =	simm.s32 @!p0 $0x0  }
0x12: {  	s1 =	sld [smem:$0x3F97];
	s0 =	simm.s32 @p0 $0x1  }
0x13: {  	[smem:$0x3FB2] =	sst s0;
	s0 =	simm.s32 @!p1 $0x0  }
0x14: {  	s2 =	sld [smem:$0x3F96];
	s0 =	simm.s32 @p1 $0x1  }
0x15: {  	[smem:$0x3FB3] =	sst s0;
	s0 =	simm.s32 @!p2 $0x0  }
0x16: {  	s3 =	sld [smem:$0x3FDB];
	s0 =	simm.s32 @p2 $0x1  }
0x17: {  	s4 =	simm.s32 $0x1BF5;
	[smem:$0x3FB5] =	sst s0  }
0x18: {  	s0 =	sld [smem:$0x3F98];
	_ =	swait.ge [sflag:s4], $0x0  }
0x19: {  	s7 =	sld [smem:$0x3F99]  }
0x1a: {  	s8 =	sadd.s32 $0xFFFFE003, lr  }
0x1b: {  	s9 =	sadd.s32 $0xFFFFFEF7, lr;
	s5 =	simm.s32 $0xFFFFFFFF;
	p2 =	slt.u32 s8, $0xFFFFF086  }
0x1c: {  	p1 =	slt.u32 s9, $0xF7A;
	s5 =	simm.s32 @!p2 $0x0  }
0x1d: {  	s5 =	simm.s32 @p1 $0x1;
	p0 =	seq.s32 s7, s2  }
0x1e: {  	s7 =	smul.u32 @!p0 $0xF7A, s2;
	p2 =	seq.s32 @!p0 s5, $0x0  }
0x1f: {  	s9 =	smul.u32 $0xF7A, s1;
	s8 =	simm.s32 @!p0 $0x1BF5;
	p2 =	por !p2, p0  }
0x20: {  	[sflag:s8] =	ssyncset.s32 @!p0 $0xFFFFF086;
	s6 =	sadd.s32 @!p0 s3, s7;
	s7 =	simm.s32 @!p0 $0x108  }
0x21: {  	s3 =	sadd.s32 s3, s9;
	s6 =	sadd.s32 @!p0 $0x88, s6;
	s7 =	simm.s32 @p2 $0x1082  }
0x22: {  	[simem:s7], [sflag:s8] =	dma.local @!p0 [hbm:s6], $0xF7A  }
0x23: {  	s9 =	sor.u32 $0xD0000000, s2;
	s6 =	simm.s32 $0x108;
	_ =	swait.ge @!p0 [sflag:s8], $0x0  }
0x24: {  	s3 =	sadd.s32 $0x88, s3;
	s6 =	simm.s32 @!p1 $0x1082;
	[sflag:s4] =	ssyncset.s32 $0xFFFFF086  }
0x25: {  	[simem:s6], [sflag:s4] =	dma.local [hbm:s3], $0xF7A  }
0x26: {  	[smem:$0x3F99] =	sst s1;
	(tag) =	ssettag s2;
	_ =	strace s9  }
0x27: {  	s1 =	sld [smem:$0x3FA9]  }
0x28: {  	s2 =	sld [smem:$0x3FAA]  }
0x29: {  	s4 =	sld [smem:$0x3FAC]  }
0x2a: {  	p0 =	seq.s32 s5, $0x0;
	s5 =	sld [smem:$0x3FAD]  }
0x2b: {  	s6 =	sld [smem:$0x3FAE]  }
0x2c: {  	s7 =	sld [smem:$0x3FAF]  }
0x2d: {  	s3 =	simm.s32 $0x108;
	s8 =	sld [smem:$0x3FB0]  }
0x2e: {  	s3 =	simm.s32 @!p0 $0x1082;
	s9 =	sld [smem:$0x3FB1]  }
0x2f: {  	lr =	sadd.s32 s0, s3;
	s0 =	sld [smem:$0x3FA8]  }
0x30: {  	s3 =	sld [smem:$0x3FAB]  }
0x31: {  	[smem:$0x3FB4] =	sst s10  }
0x32: {  	s10 =	sld [smem:$0x3FB2];
	_ =	sdelay $0x3  }
0x33: {  	p0 =	seq.s32 s10, $0x1;
	s10 =	sld [smem:$0x3FB4];
	_ =	sdelay $0x3  }
0x34: {  	[smem:$0x3FB4] =	sst s10  }
0x35: {  	s10 =	sld [smem:$0x3FB3];
	_ =	sdelay $0x3  }
0x36: {  	p1 =	seq.s32 s10, $0x1;
	s10 =	sld [smem:$0x3FB4];
	_ =	sdelay $0x3  }
0x37: {  	[smem:$0x3FB4] =	sst s10  }
0x38: {  	s10 =	sld [smem:$0x3FB5]  }
0x39: {  	_ = 	snop;
	(pc) =	sbr.ind lr, $3  }
0x3a: {  	_ = 	snop  }
0x3b: {  	_ = 	snop  }
0x3c: {  	p2 =	seq.s32 s10, $0x1;
	s10 =	sld [smem:$0x3FB4]  }
0x3d: {  	_ =	shalt  }
0x3e: {  	_ =	shalt  }
0x3f: {  	_ =	shalt  }
0x40: {  	_ =	shalt  }
0x41: {  	_ =	shalt  }
0x42: {  	_ =	shalt  }
0x43: {  	_ =	shalt  }
0x44: {  	_ =	shalt  }
0x45: {  	_ =	shalt  }
0x46: {  	_ =	shalt  }
0x47: {  	_ =	shalt  }
0x48: {  	_ =	shalt  }
0x49: {  	_ =	shalt  }
0x4a: {  	_ =	shalt  }
0x4b: {  	_ =	shalt  }
0x4c: {  	_ =	shalt  }
0x4d: {  	_ =	shalt  }
0x4e: {  	_ =	shalt  }
0x4f: {  	_ =	shalt  }
0x50: {  	_ =	shalt  }
0x51: {  	_ =	shalt  }
0x52: {  	_ =	shalt  }
0x53: {  	_ =	shalt  }
0x54: {  	_ =	shalt  }
0x55: {  	_ =	shalt  }
0x56: {  	_ =	shalt  }
0x57: {  	_ =	shalt  }
0x58: {  	_ =	shalt  }
0x59: {  	_ =	shalt  }
0x5a: {  	_ =	shalt  }
0x5b: {  	_ =	shalt  }
0x5c: {  	_ =	shalt  }
0x5d: {  	_ =	shalt  }
0x5e: {  	_ =	shalt  }
0x5f: {  	_ =	shalt  }
0x60: {  	_ =	shalt  }
0x61: {  	_ =	shalt  }
0x62: {  	_ =	shalt  }
0x63: {  	_ =	shalt  }
0x64: {  	_ =	shalt  }
0x65: {  	_ =	shalt  }
0x66: {  	_ =	shalt  }
0x67: {  	_ =	shalt  }
0x68: {  	_ =	shalt  }
0x69: {  	_ =	shalt  }
0x6a: {  	_ =	shalt  }
0x6b: {  	_ =	shalt  }
0x6c: {  	_ =	shalt  }
0x6d: {  	_ =	shalt  }
0x6e: {  	_ =	shalt  }
0x6f: {  	_ =	shalt  }
0x70: {  	_ =	shalt  }
0x71: {  	_ =	shalt  }
0x72: {  	_ =	shalt  }
0x73: {  	_ =	shalt  }
0x74: {  	_ =	shalt  }
0x75: {  	_ =	shalt  }
0x76: {  	_ =	shalt  }
0x77: {  	_ =	shalt  }
0x78: {  	_ =	shalt  }
0x79: {  	_ =	shalt  }
0x7a: {  	_ =	shalt  }
0x7b: {  	_ =	shalt  }
0x7c: {  	_ =	shalt  }
0x7d: {  	_ =	shalt  }
0x7e: {  	_ =	shalt  }
0x7f: {  	_ =	shalt  }
0x80: {  	_ =	shalt  }
0x81: {  	_ =	shalt  }
0x82: {  	_ =	shalt  }
0x83: {  	_ =	shalt  }
0x84: {  	_ =	shalt  }
0x85: {  	_ =	shalt  }
0x86: {  	_ =	shalt  }
0x87: {  	_ =	shalt  }
.Lfunc_end0:
.L_simem_size_0:
called_computation.1_lowered:
.L_overlay_start_0:
0x88: {  	s2 =	sld [smem:$0x3FD9]  }
0x89: {  	s3 =	sld [smem:$0x3FFE];
	_ =	sdelay $0x1  }
0x8a: {  	s1 =	srdreg.scid  }
0x8b: {  	s0 =	sand.u32 $0x1, s1  }
0x8c: {  	s17 =	sshll.u32 s0, $0xA;
	s2 =	sadd.s32 s3, s2  }
0x8d: {  	s2 =	sadd.s32 s2, s17  }
0x8e: {  	[smem:$0x3FC0] =	sst s2  }
0x8f: {  	_ = 	snop  }
0x90: {  	s2 =	sld [smem:$0x3FD0];
	(tm) =	ssettm $0x1  }
0x91: {  	s18 =	sld [smem:$0x3FFB];
	_ =	sdelay $0x3  }
0x92: {  	_ =	strace s18  }
0x93: {  	s3 =	sld [smem:$0x3FFC];
	_ =	sdelay $0x3  }
0x94: {  	_ =	strace s3  }
0x95: {  	s3 =	sld [smem:$0x3FFD];
	_ =	sdelay $0x3  }
0x96: {  	_ =	strace s3  }
0x97: {  	_ =	strace $0x8FFFFFFF  }
0x98: {  	s19 =	sld [smem:$0x3FDB];
	_ =	sdelay $0x1  }
0x99: {  	s4 =	simm.s32 $_scs_section_size  }
0x9a: {  	s5 =	simm.s32 $_size__tile_overlayer_lowered;
	s6 =	simm.s32 $_tile_overlayer_lowered  }
0x9b: {  	s22 =	simm.s32 $0x1BFF;
	s21 =	sshll.u32 s6, $0x1;
	s3 =	sadd.s32 s4, s19  }
0x9c: {  	s7 =	simm.s32 $0x0;
	s20 =	sshll.u32 s5, $0x1;
	s5 =	sadd.s32 s21, s3  }
0x9d: {  	[timem:s7], [sflag:s22] =	dma.local [hbm:s5], s20  }
0x9e: {  	_ =	swait.ge [sflag:s22], s20  }
0x9f: {  	s4 =	ssub.s32 $0x0, s20;
	[sflag:s22] =	ssyncset.done $0x0  }
0xa0: {  	[sflag:s22] =	ssyncadd.s32 s4;
	_ =	sdelay $0x1  }
0xa1: {  	s23 =	simm.s32 $0x1B8B  }
0xa2: {  	_ =	swait.ge [sflag:s23], $0x1  }
0xa3: {  	[sflag:s23] =	ssyncset.done $0x0  }
0xa4: {  	s25 =	simm.s32 $0x1B8E;
	s24 =	sld [smem:$0x3FFE];
	[sflag:s23] =	ssyncadd.s32 $0xFFFFFFFF  }
0xa5: {  	s26 =	simm.s32 $execute0_lowered;
	[smem:$0x3FD2] =	sst s25  }
0xa6: {  	s5 =	sshll.u32 s26, $0x1;
	_ =	strace $0x80000049;
	[dreg:$0x1] =	wrdreg $0xFFFFFFFF  }
0xa7: {  	s28 =	simm.s32 $_size_execute0_lowered;
	s3 =	sadd.s32 s3, s5;
	[dreg:$0x0] =	wrdreg $0x0  }
0xa8: {  	s5 =	sshll.u32 s28, $0x1;
	[dreg:$0x2] =	wrdreg s3  }
0xa9: {  	[dreg:$0x3] =	wrdreg s5  }
0xaa: {  	[dreg:$0x4] =	wrdreg $0xC0  }
0xab: {  	_ =	task [dreg:s7], $0x5FFFF  }
0xac: {  	[dreg:$0x1] =	wrdreg $0xFFFFFFFF  }
0xad: {  	[dreg:$0x0] =	wrdreg $0x60  }
0xae: {  	[dreg:$0x2] =	wrdreg s24  }
0xaf: {  	[dreg:$0x3] =	wrdreg s2  }
0xb0: {  	[dreg:$0x4] =	wrdreg $0xD8000  }
0xb1: {  	[dreg:$0x5] =	wrdreg $0x9  }
0xb2: {  	_ =	task.clear_ibuf [dreg:s7], $0x6FFFF;
	_ =	strace $0x90000049  }
0xb3: {  	s29 =	simm.s32 $0x9;
	_ =	strace $0x8000004B  }
0xb4: {  	_ =	swait.ge [sflag:s29], $0x1  }
0xb5: {  	[sflag:s29] =	ssyncadd.s32 $0xFFFFFFFF  }
0xb6: {  	_ =	strace $0x9000004B  }
0xb7: {  	_ =	sfence  }
0xb8: {  	s30 =	sld [smem:$0x0];
	_ =	sdelay $0x2  }
0xb9: {  	s31 =	sshll.u32 s1, $0xD;
	s1 =	sshrl.u32 s1, $0x2  }
0xba: {  	s3 =	sand.u32 $0x4000, s31;
	s1 =	sadd.s32 s1, s30  }
0xbb: {  	s0 =	sor.u32 s3, s0;
	s1 =	sshll.u32 s1, $0x11  }
0xbc: {  	s0 =	sor.u32 s1, s0  }
0xbd: {  	s0 =	sadd.s32 $0x8F2B, s0  }
0xbe: {  	[sflag:s0] =	ssyncadd.remote.s32 $0x1  }
0xbf: {  	_ =	sfence.sel $0xFFFF  }
0xc0: {  	[dreg:$0x0] =	wrdreg $0xFFFFFFFF;
	(pc) =	sbr.abs _section_cstart, $3  }
0xc1: {  	[dreg:$0x1] =	wrdreg $0xFFFFFFFF  }
0xc2: {  	_ =	task.clear_ibuf [dreg:s7], $0x2FFFF;
	_ =	strace $0x9FFFFFFF  }
0xc3: {  	(tm) =	ssettm $0x7FFFFFFF  }
tec
execute0_lowered:
.L_overlay_start_1:
0x0: {  	(tag) =	ssettag $0x1  }
0x1: {  	s0 =	rddreg [dreg:$0x0]  }
0x2: {  	s1 =	rddreg [dreg:$0x1]  }
0x3: {  	s3 =	rddreg [dreg:$0x2];
	s4 =	simm.s32 $0x0;
	s7 =	stileid.u32  }
0x4: {  	s6 =	srdreg.scid;
	s19 =	simm.s32 $0x3;
	s28 =	simm.s32 $0x27B0  }
0x5: {  	s29 =	simm.s32 $0x4F60;
	s30 =	simm.s32 $0x4FB0;
	s2 =	smul.u32 $0x500, s7  }
0x6: {  	s31 =	simm.s32 $0x7800;
	s8 =	sand.u32 $0x1, s6;
	s6 =	smul.u32 $0x280, s7  }
0x7: {  	[smem:$0x7FF] =	sst s4;
	s5 =	sadd.s32 $0x2DC600, s0;
	s10 =	smul.u32 $0x28000, s7  }
0x8: {  	s7 =	sadd.s32 $0xA2600, s0;
	_ =	strace $0x8000004A;
	s9 =	ssub.s32 $0x2, s8  }
0x9: {  	s14 =	smul.u32 $0x5000, s8;
	s8 =	sadd.s32 $0x32C600, s0;
	s11 =	sshrl.u32 s9, $0x1  }
0xa: {  	s2 =	sadd.s32 s2, s0;
	s23 =	sshrl.u32 s10, $0x2;
	s21 =	ssub.s32 s9, s11  }
0xb: {  	s22 =	sadd.s32 $0x237600, s2;
	s2 =	sadd.s32 $0x232600, s2;
	s11 =	sadd.s32 s6, s14  }
0xc: {  	s12 =	sadd.s32 s23, s3;
	s23 =	simm.s32 $0x5000;
	[dreg:$0x4] =	wrdreg s22  }
0xd: {  	[dreg:$0x5] =	wrdreg s2;
	s13 =	sadd.s32 $0x2800, s11;
	s0 =	smax.u32 s21, $0x1  }
0xe: {  	s24 =	sadd.s32 $0x2000, s12;
	s25 =	sadd.s32 $0x4000, s12;
	[dreg:$0x6] =	wrdreg s0  }
0xf: {  	s26 =	sadd.s32 $0x6000, s12;
	s18 =	sadd.s32 $0x8000, s12;
	[dreg:$0x7] =	wrdreg s24  }
0x10: {  	s21 =	simm.s32 $0xB800;
	s22 =	simm.s32 $0x50;
	[dreg:$0x8] =	wrdreg s25  }
0x11: {  	s2 =	simm.s32 $0x0;
	[dreg:$0x9] =	wrdreg s26;
	s24 =	simm.s32 $0x1  }
0x12: {  	v1 =	vimm.f32 $0.0e+00;
	v0 =	vmov s14;
	s25 =	simm.s32 $0x6400;
	s26 =	simm.s32 $0x2;
	s0 =	simm.s32 $0x9800  }
.LBB2_1:
0x13: {  	s9 =	rddreg [dreg:$0x4]  }
0x14: {  	[tilespmem:s4], [sflag:$0x3] =	stream.linear.gather [hbm4b:s9+s4], $0x2800, $0x38;
	[tilespmem:$0x17800] =	vst v63  }
0x15: {  	_ =	swait.ge [sflag:s19], $0x2800  }
0x16: {  	[sflag:s19] =	ssyncset.done $0x0  }
0x17: {  	s10 =	simm.s32 $0x2800;
	s20 =	rddreg [dreg:$0x5];
	[sflag:s19] =	ssyncadd.s32 $0xFFFFD800  }
0x18: {  	[tilespmem:s10], [sflag:$0x3] =	stream.linear.gather [hbm4b:s20+s4], $0x2800, $0x38;
	[tilespmem:$0x17800] =	vst v63  }
0x19: {  	_ =	swait.ge [sflag:s19], $0x2800  }
0x1a: {  	[sflag:s19] =	ssyncset.done $0x0  }
0x1b: {  	s9 =	simm.s32 $0x0;
	s10 =	simm.s32 $0x100;
	[sflag:s19] =	ssyncadd.s32 $0xFFFFD800  }
.LBB2_2:
0x1c: {  	p0 =	sne.s32 s10, $0x7F00;
	[tilespmem:s9+$0xB830] =	vst v1;
	s14 =	smov.u32 s10;
	s10 =	sadd.s32 $0x100, s10  }
.Ltmp0:
0x1d: {  	[tilespmem:s9+$0xB820] =	vst v1;
	(pc) =	sbr.rel @p0 .LBB2_2-.Ltmp0, $3  }
0x1e: {  	[tilespmem:s9+$0xB800] =	vst v1  }
0x1f: {  	[tilespmem:s9+$0xB810] =	vst v1;
	_ =	sdelay $0x1  }
0x20: {  	s9 =	sshra.s32 s14, $0x2  }
0x21: {  	[tilespmem:s9+$0xB830] =	vst v1  }
0x22: {  	[tilespmem:s9+$0xB820] =	vst v1  }
0x23: {  	[tilespmem:s9+$0xB800] =	vst v1  }
0x24: {  	[tilespmem:s9+$0xB810] =	vst v1  }
0x25: {  	[spmem:s12] =	stream.linear.scatter [tilespmem:s21], [sflag:$0x3], $0x2000, $0x38;
	[tilespmem:$0x17800] =	vst v63  }
0x26: {  	_ =	swait.ge [sflag:s19], $0x2000  }
0x27: {  	[sflag:s19] =	ssyncset.done $0x0  }
0x28: {  	s16 =	rddreg [dreg:$0x7];
	[sflag:s19] =	ssyncadd.s32 $0xFFFFE000  }
0x29: {  	[spmem:s16] =	stream.linear.scatter [tilespmem:s21], [sflag:$0x3], $0x2000, $0x38;
	[tilespmem:$0x17800] =	vst v63  }
0x2a: {  	_ =	swait.ge [sflag:s19], $0x2000  }
0x2b: {  	[sflag:s19] =	ssyncset.done $0x0  }
0x2c: {  	s17 =	rddreg [dreg:$0x8];
	[sflag:s19] =	ssyncadd.s32 $0xFFFFE000  }
0x2d: {  	[spmem:s17] =	stream.linear.scatter [tilespmem:s21], [sflag:$0x3], $0x2000, $0x38;
	[tilespmem:$0x17800] =	vst v63  }
0x2e: {  	_ =	swait.ge [sflag:s19], $0x2000  }
0x2f: {  	[sflag:s19] =	ssyncset.done $0x0  }
0x30: {  	s20 =	rddreg [dreg:$0x9];
	[sflag:s19] =	ssyncadd.s32 $0xFFFFE000  }
0x31: {  	[spmem:s20] =	stream.linear.scatter [tilespmem:s21], [sflag:$0x3], $0x2000, $0x38;
	[tilespmem:$0x17800] =	vst v63  }
0x32: {  	_ =	swait.ge [sflag:s19], $0x2000  }
0x33: {  	[sflag:s19] =	ssyncset.done $0x0  }
0x34: {  	[sflag:s19] =	ssyncadd.s32 $0xFFFFE000  }
0x35: {  	[spmem:s18] =	stream.linear.scatter [tilespmem:s21], [sflag:$0x3], $0x2000, $0x38;
	[tilespmem:$0x17800] =	vst v63  }
0x36: {  	_ =	swait.ge [sflag:s19], $0x2000  }
0x37: {  	[sflag:s19] =	ssyncset.done $0x0  }
0x38: {  	[sflag:s19] =	ssyncadd.s32 $0xFFFFE000  }
0x39: {  	s9 =	simm.s32 $0x0;
	[bflag:$0x0] =	sbarrier.arrive $0xFFFF  }
0x3a: {  	v5 =	vld [tilespmem:s9+$0x0]  }
0x3b: {  	v4 =	vld [tilespmem:s9+$0x10]  }
0x3c: {  	v3 =	vld [tilespmem:s9+$0x20]  }
0x3d: {  	s10 =	simm.s32 $0x140;
	v2 =	vld [tilespmem:s9+$0x30]  }
.LBB2_4:
0x3e: {  	p0 =	sne.s32 s10, $0x9EC0;
	v6 =	vld [tilespmem:s9+$0x40]  }
0x3f: {  	v5 =	vadd.s32 v0, v5  }
.Ltmp1:
0x40: {  	s14 =	sshra.s32 s10, $0x2;
	[tilespmem:s9+$0x0] =	vst v5;
	v4 =	vadd.s32 v0, v4;
	(pc) =	sbr.rel @p0 .LBB2_4-.Ltmp1, $4  }
0x41: {  	v5 =	vld [tilespmem:s14+$0x0];
	[tilespmem:s9+$0x10] =	vst v4;
	v3 =	vadd.s32 v0, v3  }
0x42: {  	v4 =	vld [tilespmem:s14+$0x10];
	[tilespmem:s9+$0x20] =	vst v3;
	v2 =	vadd.s32 v0, v2  }
0x43: {  	v3 =	vld [tilespmem:s14+$0x20];
	[tilespmem:s9+$0x30] =	vst v2;
	v6 =	vadd.s32 v0, v6  }
0x44: {  	s10 =	sadd.s32 $0x140, s10;
	v2 =	vld [tilespmem:s14+$0x30];
	[tilespmem:s9+$0x40] =	vst v6;
	s9 =	smov.u32 s14  }
0x45: {  	v6 =	vld [tilespmem:s9+$0x40]  }
0x46: {  	v5 =	vadd.s32 v0, v5  }
0x47: {  	[tilespmem:s9+$0x0] =	vst v5;
	v4 =	vadd.s32 v0, v4  }
0x48: {  	[tilespmem:s9+$0x10] =	vst v4;
	v3 =	vadd.s32 v0, v3  }
0x49: {  	[tilespmem:s9+$0x20] =	vst v3;
	v2 =	vadd.s32 v0, v2  }
0x4a: {  	[tilespmem:s9+$0x30] =	vst v2;
	v2 =	vadd.s32 v0, v6  }
0x4b: {  	s14 =	simm.s32 $0x0;
	[tilespmem:s9+$0x40] =	vst v2  }
0x4c: {  	[tilespmem:s23], [sflag:$0x1] =	stream.indirect.gather [hbm4b:s5+s22], $0x40, s14, s22, $0xb8;
	[tilespmem:$0x17800] =	vst v63  }
0x4d: {  	_ =	swait.ge [sflag:s24], $0x1400  }
0x4e: {  	[sflag:s24] =	ssyncset.done $0x0  }
0x4f: {  	s15 =	simm.s32 $0x50;
	[sflag:s24] =	ssyncadd.s32 $0xFFFFEC00  }
0x50: {  	[tilespmem:s25], [sflag:$0x2] =	stream.indirect.gather [hbm4b:s5+s22], $0x40, s15, s22, $0xb8;
	[tilespmem:$0x17800] =	vst v63  }
0x51: {  	s16 =	simm.s32 $0x2800  }
0x52: {  	[spmem:s3] =	stream.indirect.scatter.add.f32 [tilespmem:s23], [sflag:$0x3], $0x40, s16, s22, $0xb8;
	[tilespmem:$0x17800] =	vst v63  }
0x53: {  	_ =	swait.ge [sflag:s19], $0x1400  }
0x54: {  	[sflag:s19] =	ssyncset.done $0x0  }
0x55: {  	[sflag:s19] =	ssyncadd.s32 $0xFFFFEC00  }
0x56: {  	_ =	swait.ge [sflag:s26], $0x1400  }
0x57: {  	[sflag:s26] =	ssyncset.done $0x0  }
0x58: {  	s17 =	simm.s32 $0xA0;
	[sflag:s26] =	ssyncadd.s32 $0xFFFFEC00  }
0x59: {  	[tilespmem:s23], [sflag:$0x1] =	stream.indirect.gather [hbm4b:s5+s22], $0x40, s17, s22, $0xb8;
	[tilespmem:$0x17800] =	vst v63  }
0x5a: {  	s20 =	simm.s32 $0x2850  }
0x5b: {  	[spmem:s3] =	stream.indirect.scatter.add.f32 [tilespmem:s25], [sflag:$0x3], $0x40, s20, s22, $0xb8;
	[tilespmem:$0x17800] =	vst v63  }
0x5c: {  	_ =	swait.ge [sflag:s19], $0x1400  }
0x5d: {  	s9 =	simm.s32 $0x280;
	[sflag:s19] =	ssyncset.done $0x0  }
.LBB2_6:
0x5e: {  	p0 =	sne.s32 s9, $0x9B00  }
0x5f: {  	[sflag:s19] =	ssyncadd.s32 $0xFFFFEC00;
	s10 =	smov.u32 s9;
	s9 =	sadd.s32 $0x280, s9  }
0x60: {  	_ = 	snop  }
0x61: {  	_ =	swait.ge [sflag:s24], $0x1400  }
0x62: {  	s10 =	sshra.s32 s10, $0x2;
	[sflag:s24] =	ssyncset.done $0x0  }
0x63: {  	s14 =	sadd.s32 $0x50, s10;
	[sflag:s24] =	ssyncadd.s32 $0xFFFFEC00  }
0x64: {  	[tilespmem:s25], [sflag:$0x2] =	stream.indirect.gather [hbm4b:s5+s22], $0x40, s14, s22, $0xb8;
	[tilespmem:$0x17800] =	vst v63  }
0x65: {  	s14 =	sadd.s32 $0x2800, s10  }
0x66: {  	[spmem:s3] =	stream.indirect.scatter.add.f32 [tilespmem:s23], [sflag:$0x3], $0x40, s14, s22, $0xb8;
	[tilespmem:$0x17800] =	vst v63  }
0x67: {  	_ =	swait.ge [sflag:s19], $0x1400  }
0x68: {  	[sflag:s19] =	ssyncset.done $0x0  }
0x69: {  	[sflag:s19] =	ssyncadd.s32 $0xFFFFEC00  }
0x6a: {  	_ =	swait.ge [sflag:s26], $0x1400  }
0x6b: {  	[sflag:s26] =	ssyncset.done $0x0  }
0x6c: {  	s14 =	sadd.s32 $0xA0, s10;
	[sflag:s26] =	ssyncadd.s32 $0xFFFFEC00  }
0x6d: {  	[tilespmem:s23], [sflag:$0x1] =	stream.indirect.gather [hbm4b:s5+s22], $0x40, s14, s22, $0xb8;
	[tilespmem:$0x17800] =	vst v63  }
.Ltmp2:
0x6e: {  	_ = 	snop;
	(pc) =	sbr.rel @p0 .LBB2_6-.Ltmp2, $4  }
0x6f: {  	s10 =	sadd.s32 $0x2850, s10  }
0x70: {  	[spmem:s3] =	stream.indirect.scatter.add.f32 [tilespmem:s25], [sflag:$0x3], $0x40, s10, s22, $0xb8;
	[tilespmem:$0x17800] =	vst v63  }
0x71: {  	_ =	swait.ge [sflag:s19], $0x1400  }
0x72: {  	[sflag:s19] =	ssyncset.done $0x0  }
0x73: {  	[sflag:s19] =	ssyncadd.s32 $0xFFFFEC00  }
0x74: {  	_ =	swait.ge [sflag:s24], $0x1400  }
0x75: {  	[sflag:s24] =	ssyncset.done $0x0  }
0x76: {  	[sflag:s24] =	ssyncadd.s32 $0xFFFFEC00  }
0x77: {  	[tilespmem:s25], [sflag:$0x2] =	stream.indirect.gather [hbm4b:s5+s22], $0x40, s28, s22, $0xb8;
	[tilespmem:$0x17800] =	vst v63  }
0x78: {  	_ = 	snop  }
0x79: {  	[spmem:s3] =	stream.indirect.scatter.add.f32 [tilespmem:s23], [sflag:$0x3], $0x40, s29, s22, $0xb8;
	[tilespmem:$0x17800] =	vst v63  }
0x7a: {  	_ =	swait.ge [sflag:s19], $0x1400  }
0x7b: {  	[sflag:s19] =	ssyncset.done $0x0  }
0x7c: {  	[sflag:s19] =	ssyncadd.s32 $0xFFFFEC00  }
0x7d: {  	_ =	swait.ge [sflag:s26], $0x1400  }
0x7e: {  	[sflag:s26] =	ssyncset.done $0x0  }
0x7f: {  	[sflag:s26] =	ssyncadd.s32 $0xFFFFEC00  }
0x80: {  	[spmem:s3] =	stream.indirect.scatter.add.f32 [tilespmem:s25], [sflag:$0x3], $0x40, s30, s22, $0xb8;
	[tilespmem:$0x17800] =	vst v63  }
0x81: {  	_ =	swait.ge [sflag:s19], $0x1400  }
0x82: {  	[sflag:s19] =	ssyncset.done $0x0  }
0x83: {  	[sflag:s19] =	ssyncadd.s32 $0xFFFFEC00  }
0x84: {  	s20 =	simm.s32 $0x0;
	s9 =	simm.s32 $0x0;
	[bflag:$0x0] =	sbarrier.arrive $0xFFFF  }
.LBB2_8:
0x85: {  	s14 =	sshll.u32 s9, $0x7  }
0x86: {  	s15 =	sadd.s32 s6, s14  }
0x87: {  	s10 =	sshll.u32 s15, $0x6  }
0x88: {  	s10 =	sand.u32 $0x3FFFFFC0, s10  }
0x89: {  	s10 =	sadd.s32 s10, s3  }
0x8a: {  	[tilespmem:s31], [sflag:$0x3] =	stream.linear.gather [spmem:s10], $0x2000, $0x38;
	[tilespmem:$0x17800] =	vst v63  }
0x8b: {  	_ =	swait.ge [sflag:s19], $0x2000  }
0x8c: {  	s15 =	sshll.u32 s15, $0x3;
	[sflag:s19] =	ssyncset.done $0x0  }
0x8d: {  	s15 =	sadd.s32 s1, s15;
	[sflag:s19] =	ssyncadd.s32 $0xFFFFE000  }
0x8e: {  	[tilespmem:s0], [sflag:$0x3] =	stream.linear.gather [hbm4b:s15+s20], $0x2000, $0x38;
	[tilespmem:$0x17800] =	vst v63  }
0x8f: {  	_ =	swait.ge [sflag:s19], $0x2000  }
0x90: {  	[sflag:s19] =	ssyncset.done $0x0  }
0x91: {  	s15 =	simm.s32 $0x0;
	[sflag:s19] =	ssyncadd.s32 $0xFFFFE000  }
0x92: {  	v7 =	vld [tilespmem:s15+$0x9800]  }
0x93: {  	v8 =	vld [tilespmem:s15+$0x9810]  }
0x94: {  	v3 =	vld [tilespmem:s15+$0x9820]  }
0x95: {  	v2 =	vld [tilespmem:s15+$0x9830]  }
0x96: {  	v4 =	vld [tilespmem:s15+$0x7800]  }
0x97: {  	v6 =	vld [tilespmem:s15+$0x7810]  }
0x98: {  	s16 =	simm.s32 $0x100;
	v5 =	vld [tilespmem:s15+$0x7820]  }
.LBB2_9:
0x99: {  	s17 =	sshra.s32 s16, $0x2;
	p0 =	sne.s32 s16, $0x7F00;
	v9 =	vld [tilespmem:s15+$0x7830];
	v10 =	vmov v3  }
0x9a: {  	v11 =	vld [tilespmem:s17+$0x9800];
	v12 =	vmov v2  }
0x9b: {  	v13 =	vld [tilespmem:s17+$0x9810];
	v4 =	vmul.f32 v7, v4  }
.Ltmp3:
0x9c: {  	v3 =	vld [tilespmem:s17+$0x9820];
	v6 =	vmul.f32 v8, v6;
	(pc) =	sbr.rel @p0 .LBB2_9-.Ltmp3, $4  }
0x9d: {  	v2 =	vld [tilespmem:s17+$0x9830];
	[tilespmem:s15+$0x7800] =	vst v4;
	v5 =	vmul.f32 v10, v5  }
0x9e: {  	v4 =	vld [tilespmem:s17+$0x7800];
	[tilespmem:s15+$0x7810] =	vst v6;
	v9 =	vmul.f32 v12, v9  }
0x9f: {  	v6 =	vld [tilespmem:s17+$0x7810];
	[tilespmem:s15+$0x7820] =	vst v5;
	v7 =	vmov v11  }
0xa0: {  	s16 =	sadd.s32 $0x100, s16;
	v5 =	vld [tilespmem:s17+$0x7820];
	[tilespmem:s15+$0x7830] =	vst v9;
	v8 =	vmov v13;
	s15 =	smov.u32 s17  }
0xa1: {  	v9 =	vld [tilespmem:s15+$0x7830];
	_ =	sdelay $0x1  }
0xa2: {  	v4 =	vmul.f32 v7, v4  }
0xa3: {  	v6 =	vmul.f32 v8, v6  }
0xa4: {  	[tilespmem:s15+$0x7800] =	vst v4;
	v3 =	vmul.f32 v3, v5  }
0xa5: {  	s14 =	sadd.s32 s14, s11;
	[tilespmem:s15+$0x7810] =	vst v6;
	v2 =	vmul.f32 v2, v9  }
0xa6: {  	s14 =	sshll.u32 s14, $0x3;
	[tilespmem:s15+$0x7820] =	vst v3  }
0xa7: {  	s14 =	sadd.s32 s7, s14;
	[tilespmem:s15+$0x7830] =	vst v2  }
0xa8: {  	[hbm4b:s14+s4] =	stream.linear.scatter [tilespmem:s31], [sflag:$0x3], $0x2000, $0x38;
	[tilespmem:$0x17800] =	vst v63  }
0xa9: {  	s9 =	sadd.s32 $0x1, s9;
	_ =	swait.ge [sflag:s19], $0x2000  }
0xaa: {  	p0 =	sne.s32 s9, $0x5;
	[sflag:s19] =	ssyncset.done $0x0  }
.Ltmp4:
0xab: {  	[sflag:s19] =	ssyncadd.s32 $0xFFFFE000;
	(pc) =	sbr.rel @p0 .LBB2_8-.Ltmp4, $4  }
0xac: {  	[spmem:s10] =	stream.linear.scatter [tilespmem:s21], [sflag:$0x3], $0x2000, $0x38;
	[tilespmem:$0x17800] =	vst v63  }
0xad: {  	_ =	swait.ge [sflag:s19], $0x2000  }
0xae: {  	[sflag:s19] =	ssyncset.done $0x0  }
0xaf: {  	[sflag:s19] =	ssyncadd.s32 $0xFFFFE000  }
0xb0: {  	[bflag:$0x0] =	sbarrier.arrive $0xFFFF;
	s9 =	simm.s32 $0x0  }
0xb1: {  	[tilespmem:s23], [sflag:$0x1] =	stream.indirect.gather [hbm4b:s7+s22], $0x40, s9, s22, $0xb8;
	[tilespmem:$0x17800] =	vst v63  }
0xb2: {  	_ =	swait.ge [sflag:s24], $0x1400  }
0xb3: {  	[sflag:s24] =	ssyncset.done $0x0  }
0xb4: {  	s15 =	simm.s32 $0x50;
	[sflag:s24] =	ssyncadd.s32 $0xFFFFEC00  }
0xb5: {  	[tilespmem:s25], [sflag:$0x2] =	stream.indirect.gather [hbm4b:s7+s22], $0x40, s15, s22, $0xb8;
	[tilespmem:$0x17800] =	vst v63  }
0xb6: {  	s16 =	simm.s32 $0x2800  }
0xb7: {  	[spmem:s3] =	stream.indirect.scatter.add.f32 [tilespmem:s23], [sflag:$0x3], $0x40, s16, s22, $0xb8;
	[tilespmem:$0x17800] =	vst v63  }
0xb8: {  	_ =	swait.ge [sflag:s19], $0x1400  }
0xb9: {  	[sflag:s19] =	ssyncset.done $0x0  }
0xba: {  	[sflag:s19] =	ssyncadd.s32 $0xFFFFEC00  }
0xbb: {  	_ =	swait.ge [sflag:s26], $0x1400  }
0xbc: {  	[sflag:s26] =	ssyncset.done $0x0  }
0xbd: {  	s17 =	simm.s32 $0xA0;
	[sflag:s26] =	ssyncadd.s32 $0xFFFFEC00  }
0xbe: {  	[tilespmem:s23], [sflag:$0x1] =	stream.indirect.gather [hbm4b:s7+s22], $0x40, s17, s22, $0xb8;
	[tilespmem:$0x17800] =	vst v63  }
0xbf: {  	s20 =	simm.s32 $0x2850  }
0xc0: {  	[spmem:s3] =	stream.indirect.scatter.add.f32 [tilespmem:s25], [sflag:$0x3], $0x40, s20, s22, $0xb8;
	[tilespmem:$0x17800] =	vst v63  }
0xc1: {  	_ =	swait.ge [sflag:s19], $0x1400  }
0xc2: {  	s9 =	simm.s32 $0x280;
	[sflag:s19] =	ssyncset.done $0x0  }
.LBB2_12:
0xc3: {  	p0 =	sne.s32 s9, $0x9B00  }
0xc4: {  	[sflag:s19] =	ssyncadd.s32 $0xFFFFEC00;
	s10 =	smov.u32 s9;
	s9 =	sadd.s32 $0x280, s9  }
0xc5: {  	_ = 	snop  }
0xc6: {  	_ =	swait.ge [sflag:s24], $0x1400  }
0xc7: {  	s10 =	sshra.s32 s10, $0x2;
	[sflag:s24] =	ssyncset.done $0x0  }
0xc8: {  	s14 =	sadd.s32 $0x50, s10;
	[sflag:s24] =	ssyncadd.s32 $0xFFFFEC00  }
0xc9: {  	[tilespmem:s25], [sflag:$0x2] =	stream.indirect.gather [hbm4b:s7+s22], $0x40, s14, s22, $0xb8;
	[tilespmem:$0x17800] =	vst v63  }
0xca: {  	s14 =	sadd.s32 $0x2800, s10  }
0xcb: {  	[spmem:s3] =	stream.indirect.scatter.add.f32 [tilespmem:s23], [sflag:$0x3], $0x40, s14, s22, $0xb8;
	[tilespmem:$0x17800] =	vst v63  }
0xcc: {  	_ =	swait.ge [sflag:s19], $0x1400  }
0xcd: {  	[sflag:s19] =	ssyncset.done $0x0  }
0xce: {  	[sflag:s19] =	ssyncadd.s32 $0xFFFFEC00  }
0xcf: {  	_ =	swait.ge [sflag:s26], $0x1400  }
0xd0: {  	[sflag:s26] =	ssyncset.done $0x0  }
0xd1: {  	s14 =	sadd.s32 $0xA0, s10;
	[sflag:s26] =	ssyncadd.s32 $0xFFFFEC00  }
0xd2: {  	[tilespmem:s23], [sflag:$0x1] =	stream.indirect.gather [hbm4b:s7+s22], $0x40, s14, s22, $0xb8;
	[tilespmem:$0x17800] =	vst v63  }
.Ltmp5:
0xd3: {  	_ = 	snop;
	(pc) =	sbr.rel @p0 .LBB2_12-.Ltmp5, $4  }
0xd4: {  	s10 =	sadd.s32 $0x2850, s10  }
0xd5: {  	[spmem:s3] =	stream.indirect.scatter.add.f32 [tilespmem:s25], [sflag:$0x3], $0x40, s10, s22, $0xb8;
	[tilespmem:$0x17800] =	vst v63  }
0xd6: {  	_ =	swait.ge [sflag:s19], $0x1400  }
0xd7: {  	[sflag:s19] =	ssyncset.done $0x0  }
0xd8: {  	[sflag:s19] =	ssyncadd.s32 $0xFFFFEC00  }
0xd9: {  	_ =	swait.ge [sflag:s24], $0x1400  }
0xda: {  	[sflag:s24] =	ssyncset.done $0x0  }
0xdb: {  	[sflag:s24] =	ssyncadd.s32 $0xFFFFEC00  }
0xdc: {  	[tilespmem:s25], [sflag:$0x2] =	stream.indirect.gather [hbm4b:s7+s22], $0x40, s28, s22, $0xb8;
	[tilespmem:$0x17800] =	vst v63  }
0xdd: {  	_ = 	snop  }
0xde: {  	[spmem:s3] =	stream.indirect.scatter.add.f32 [tilespmem:s23], [sflag:$0x3], $0x40, s29, s22, $0xb8;
	[tilespmem:$0x17800] =	vst v63  }
0xdf: {  	_ =	swait.ge [sflag:s19], $0x1400  }
0xe0: {  	[sflag:s19] =	ssyncset.done $0x0  }
0xe1: {  	[sflag:s19] =	ssyncadd.s32 $0xFFFFEC00  }
0xe2: {  	_ =	swait.ge [sflag:s26], $0x1400  }
0xe3: {  	[sflag:s26] =	ssyncset.done $0x0  }
0xe4: {  	[sflag:s26] =	ssyncadd.s32 $0xFFFFEC00  }
0xe5: {  	[spmem:s3] =	stream.indirect.scatter.add.f32 [tilespmem:s25], [sflag:$0x3], $0x40, s30, s22, $0xb8;
	[tilespmem:$0x17800] =	vst v63  }
0xe6: {  	_ =	swait.ge [sflag:s19], $0x1400  }
0xe7: {  	[sflag:s19] =	ssyncset.done $0x0  }
0xe8: {  	[sflag:s19] =	ssyncadd.s32 $0xFFFFEC00  }
0xe9: {  	s20 =	simm.s32 $0x0;
	s9 =	simm.s32 $0x0;
	[bflag:$0x0] =	sbarrier.arrive $0xFFFF  }
.LBB2_14:
0xea: {  	s14 =	sshll.u32 s9, $0x7  }
0xeb: {  	s15 =	sadd.s32 s6, s14  }
0xec: {  	s10 =	sshll.u32 s15, $0x6  }
0xed: {  	s10 =	sand.u32 $0x3FFFFFC0, s10  }
0xee: {  	s10 =	sadd.s32 s10, s3  }
0xef: {  	[tilespmem:s31], [sflag:$0x3] =	stream.linear.gather [spmem:s10], $0x2000, $0x38;
	[tilespmem:$0x17800] =	vst v63  }
0xf0: {  	_ =	swait.ge [sflag:s19], $0x2000  }
0xf1: {  	s15 =	sshll.u32 s15, $0x3;
	[sflag:s19] =	ssyncset.done $0x0  }
0xf2: {  	s15 =	sadd.s32 s1, s15;
	[sflag:s19] =	ssyncadd.s32 $0xFFFFE000  }
0xf3: {  	[tilespmem:s0], [sflag:$0x3] =	stream.linear.gather [hbm4b:s15+s20], $0x2000, $0x38;
	[tilespmem:$0x17800] =	vst v63  }
0xf4: {  	_ =	swait.ge [sflag:s19], $0x2000  }
0xf5: {  	[sflag:s19] =	ssyncset.done $0x0  }
0xf6: {  	s15 =	simm.s32 $0x0;
	[sflag:s19] =	ssyncadd.s32 $0xFFFFE000  }
0xf7: {  	v7 =	vld [tilespmem:s15+$0x9800]  }
0xf8: {  	v8 =	vld [tilespmem:s15+$0x9810]  }
0xf9: {  	v3 =	vld [tilespmem:s15+$0x9820]  }
0xfa: {  	v2 =	vld [tilespmem:s15+$0x9830]  }
0xfb: {  	v4 =	vld [tilespmem:s15+$0x7800]  }
0xfc: {  	v6 =	vld [tilespmem:s15+$0x7810]  }
0xfd: {  	s16 =	simm.s32 $0x100;
	v5 =	vld [tilespmem:s15+$0x7820]  }
.LBB2_15:
0xfe: {  	s17 =	sshra.s32 s16, $0x2;
	p0 =	sne.s32 s16, $0x7F00;
	v9 =	vld [tilespmem:s15+$0x7830];
	v10 =	vmov v3  }
0xff: {  	v11 =	vld [tilespmem:s17+$0x9800];
	v12 =	vmov v2  }
0x100: {  	v13 =	vld [tilespmem:s17+$0x9810];
	v4 =	vmul.f32 v7, v4  }
.Ltmp6:
0x101: {  	v3 =	vld [tilespmem:s17+$0x9820];
	v6 =	vmul.f32 v8, v6;
	(pc) =	sbr.rel @p0 .LBB2_15-.Ltmp6, $4  }
0x102: {  	v2 =	vld [tilespmem:s17+$0x9830];
	[tilespmem:s15+$0x7800] =	vst v4;
	v5 =	vmul.f32 v10, v5  }
0x103: {  	v4 =	vld [tilespmem:s17+$0x7800];
	[tilespmem:s15+$0x7810] =	vst v6;
	v9 =	vmul.f32 v12, v9  }
0x104: {  	v6 =	vld [tilespmem:s17+$0x7810];
	[tilespmem:s15+$0x7820] =	vst v5;
	v7 =	vmov v11  }
0x105: {  	s16 =	sadd.s32 $0x100, s16;
	v5 =	vld [tilespmem:s17+$0x7820];
	[tilespmem:s15+$0x7830] =	vst v9;
	v8 =	vmov v13;
	s15 =	smov.u32 s17  }
0x106: {  	v9 =	vld [tilespmem:s15+$0x7830];
	_ =	sdelay $0x1  }
0x107: {  	v4 =	vmul.f32 v7, v4  }
0x108: {  	v6 =	vmul.f32 v8, v6  }
0x109: {  	[tilespmem:s15+$0x7800] =	vst v4;
	v3 =	vmul.f32 v3, v5  }
0x10a: {  	s14 =	sadd.s32 s14, s11;
	[tilespmem:s15+$0x7810] =	vst v6;
	v2 =	vmul.f32 v2, v9  }
0x10b: {  	s14 =	sshll.u32 s14, $0x3;
	[tilespmem:s15+$0x7820] =	vst v3  }
0x10c: {  	s14 =	sadd.s32 s8, s14;
	[tilespmem:s15+$0x7830] =	vst v2  }
0x10d: {  	[hbm4b:s14+s4] =	stream.linear.scatter [tilespmem:s31], [sflag:$0x3], $0x2000, $0x38;
	[tilespmem:$0x17800] =	vst v63  }
0x10e: {  	s9 =	sadd.s32 $0x1, s9;
	_ =	swait.ge [sflag:s19], $0x2000  }
0x10f: {  	p0 =	sne.s32 s9, $0x5;
	[sflag:s19] =	ssyncset.done $0x0  }
.Ltmp7:
0x110: {  	[sflag:s19] =	ssyncadd.s32 $0xFFFFE000;
	(pc) =	sbr.rel @p0 .LBB2_14-.Ltmp7, $4  }
0x111: {  	[spmem:s10] =	stream.linear.scatter [tilespmem:s21], [sflag:$0x3], $0x2000, $0x38;
	[tilespmem:$0x17800] =	vst v63  }
0x112: {  	_ =	swait.ge [sflag:s19], $0x2000  }
0x113: {  	[sflag:s19] =	ssyncset.done $0x0  }
0x114: {  	[sflag:s19] =	ssyncadd.s32 $0xFFFFE000  }
0x115: {  	[bflag:$0x0] =	sbarrier.arrive $0xFFFF;
	s9 =	simm.s32 $0x0  }
0x116: {  	v5 =	vld [tilespmem:s9+$0x0]  }
0x117: {  	v4 =	vld [tilespmem:s9+$0x10]  }
0x118: {  	v3 =	vld [tilespmem:s9+$0x20]  }
0x119: {  	s10 =	simm.s32 $0x140;
	v2 =	vld [tilespmem:s9+$0x30]  }
.LBB2_18:
0x11a: {  	p0 =	sne.s32 s10, $0x9EC0;
	v6 =	vld [tilespmem:s9+$0x40]  }
0x11b: {  	v5 =	vadd.s32 $0x2800, v5  }
.Ltmp8:
0x11c: {  	s14 =	sshra.s32 s10, $0x2;
	[tilespmem:s9+$0x0] =	vst v5;
	v4 =	vadd.s32 $0x2800, v4;
	(pc) =	sbr.rel @p0 .LBB2_18-.Ltmp8, $4  }
0x11d: {  	v5 =	vld [tilespmem:s14+$0x0];
	[tilespmem:s9+$0x10] =	vst v4;
	v3 =	vadd.s32 $0x2800, v3  }
0x11e: {  	v4 =	vld [tilespmem:s14+$0x10];
	[tilespmem:s9+$0x20] =	vst v3;
	v2 =	vadd.s32 $0x2800, v2  }
0x11f: {  	v3 =	vld [tilespmem:s14+$0x20];
	[tilespmem:s9+$0x30] =	vst v2;
	v6 =	vadd.s32 $0x2800, v6  }
0x120: {  	s10 =	sadd.s32 $0x140, s10;
	v2 =	vld [tilespmem:s14+$0x30];
	[tilespmem:s9+$0x40] =	vst v6;
	s9 =	smov.u32 s14  }
0x121: {  	v6 =	vld [tilespmem:s9+$0x40]  }
0x122: {  	v5 =	vadd.s32 $0x2800, v5  }
0x123: {  	[tilespmem:s9+$0x0] =	vst v5;
	v4 =	vadd.s32 $0x2800, v4  }
0x124: {  	[tilespmem:s9+$0x10] =	vst v4;
	v3 =	vadd.s32 $0x2800, v3  }
0x125: {  	[tilespmem:s9+$0x20] =	vst v3;
	v2 =	vadd.s32 $0x2800, v2  }
0x126: {  	[tilespmem:s9+$0x30] =	vst v2;
	v2 =	vadd.s32 $0x2800, v6  }
0x127: {  	s14 =	simm.s32 $0x0;
	[tilespmem:s9+$0x40] =	vst v2  }
0x128: {  	[tilespmem:s23], [sflag:$0x1] =	stream.indirect.gather [hbm4b:s5+s22], $0x40, s14, s22, $0xb8;
	[tilespmem:$0x17800] =	vst v63  }
0x129: {  	_ =	swait.ge [sflag:s24], $0x1400  }
0x12a: {  	[sflag:s24] =	ssyncset.done $0x0  }
0x12b: {  	s15 =	simm.s32 $0x50;
	[sflag:s24] =	ssyncadd.s32 $0xFFFFEC00  }
0x12c: {  	[tilespmem:s25], [sflag:$0x2] =	stream.indirect.gather [hbm4b:s5+s22], $0x40, s15, s22, $0xb8;
	[tilespmem:$0x17800] =	vst v63  }
0x12d: {  	s16 =	simm.s32 $0x2800  }
0x12e: {  	[spmem:s3] =	stream.indirect.scatter.add.f32 [tilespmem:s23], [sflag:$0x3], $0x40, s16, s22, $0xb8;
	[tilespmem:$0x17800] =	vst v63  }
0x12f: {  	_ =	swait.ge [sflag:s19], $0x1400  }
0x130: {  	[sflag:s19] =	ssyncset.done $0x0  }
0x131: {  	[sflag:s19] =	ssyncadd.s32 $0xFFFFEC00  }
0x132: {  	_ =	swait.ge [sflag:s26], $0x1400  }
0x133: {  	[sflag:s26] =	ssyncset.done $0x0  }
0x134: {  	s17 =	simm.s32 $0xA0;
	[sflag:s26] =	ssyncadd.s32 $0xFFFFEC00  }
0x135: {  	[tilespmem:s23], [sflag:$0x1] =	stream.indirect.gather [hbm4b:s5+s22], $0x40, s17, s22, $0xb8;
	[tilespmem:$0x17800] =	vst v63  }
0x136: {  	s20 =	simm.s32 $0x2850  }
0x137: {  	[spmem:s3] =	stream.indirect.scatter.add.f32 [tilespmem:s25], [sflag:$0x3], $0x40, s20, s22, $0xb8;
	[tilespmem:$0x17800] =	vst v63  }
0x138: {  	_ =	swait.ge [sflag:s19], $0x1400  }
0x139: {  	s9 =	simm.s32 $0x280;
	[sflag:s19] =	ssyncset.done $0x0  }
.LBB2_20:
0x13a: {  	p0 =	sne.s32 s9, $0x9B00  }
0x13b: {  	[sflag:s19] =	ssyncadd.s32 $0xFFFFEC00;
	s10 =	smov.u32 s9;
	s9 =	sadd.s32 $0x280, s9  }
0x13c: {  	_ = 	snop  }
0x13d: {  	_ =	swait.ge [sflag:s24], $0x1400  }
0x13e: {  	s10 =	sshra.s32 s10, $0x2;
	[sflag:s24] =	ssyncset.done $0x0  }
0x13f: {  	s14 =	sadd.s32 $0x50, s10;
	[sflag:s24] =	ssyncadd.s32 $0xFFFFEC00  }
0x140: {  	[tilespmem:s25], [sflag:$0x2] =	stream.indirect.gather [hbm4b:s5+s22], $0x40, s14, s22, $0xb8;
	[tilespmem:$0x17800] =	vst v63  }
0x141: {  	s14 =	sadd.s32 $0x2800, s10  }
0x142: {  	[spmem:s3] =	stream.indirect.scatter.add.f32 [tilespmem:s23], [sflag:$0x3], $0x40, s14, s22, $0xb8;
	[tilespmem:$0x17800] =	vst v63  }
0x143: {  	_ =	swait.ge [sflag:s19], $0x1400  }
0x144: {  	[sflag:s19] =	ssyncset.done $0x0  }
0x145: {  	[sflag:s19] =	ssyncadd.s32 $0xFFFFEC00  }
0x146: {  	_ =	swait.ge [sflag:s26], $0x1400  }
0x147: {  	[sflag:s26] =	ssyncset.done $0x0  }
0x148: {  	s14 =	sadd.s32 $0xA0, s10;
	[sflag:s26] =	ssyncadd.s32 $0xFFFFEC00  }
0x149: {  	[tilespmem:s23], [sflag:$0x1] =	stream.indirect.gather [hbm4b:s5+s22], $0x40, s14, s22, $0xb8;
	[tilespmem:$0x17800] =	vst v63  }
.Ltmp9:
0x14a: {  	_ = 	snop;
	(pc) =	sbr.rel @p0 .LBB2_20-.Ltmp9, $4  }
0x14b: {  	s10 =	sadd.s32 $0x2850, s10  }
0x14c: {  	[spmem:s3] =	stream.indirect.scatter.add.f32 [tilespmem:s25], [sflag:$0x3], $0x40, s10, s22, $0xb8;
	[tilespmem:$0x17800] =	vst v63  }
0x14d: {  	_ =	swait.ge [sflag:s19], $0x1400  }
0x14e: {  	[sflag:s19] =	ssyncset.done $0x0  }
0x14f: {  	[sflag:s19] =	ssyncadd.s32 $0xFFFFEC00  }
0x150: {  	_ =	swait.ge [sflag:s24], $0x1400  }
0x151: {  	[sflag:s24] =	ssyncset.done $0x0  }
0x152: {  	[sflag:s24] =	ssyncadd.s32 $0xFFFFEC00  }
0x153: {  	[tilespmem:s25], [sflag:$0x2] =	stream.indirect.gather [hbm4b:s5+s22], $0x40, s28, s22, $0xb8;
	[tilespmem:$0x17800] =	vst v63  }
0x154: {  	_ = 	snop  }
0x155: {  	[spmem:s3] =	stream.indirect.scatter.add.f32 [tilespmem:s23], [sflag:$0x3], $0x40, s29, s22, $0xb8;
	[tilespmem:$0x17800] =	vst v63  }
0x156: {  	_ =	swait.ge [sflag:s19], $0x1400  }
0x157: {  	[sflag:s19] =	ssyncset.done $0x0  }
0x158: {  	[sflag:s19] =	ssyncadd.s32 $0xFFFFEC00  }
0x159: {  	_ =	swait.ge [sflag:s26], $0x1400  }
0x15a: {  	[sflag:s26] =	ssyncset.done $0x0  }
0x15b: {  	[sflag:s26] =	ssyncadd.s32 $0xFFFFEC00  }
0x15c: {  	[spmem:s3] =	stream.indirect.scatter.add.f32 [tilespmem:s25], [sflag:$0x3], $0x40, s30, s22, $0xb8;
	[tilespmem:$0x17800] =	vst v63  }
0x15d: {  	_ =	swait.ge [sflag:s19], $0x1400  }
0x15e: {  	[sflag:s19] =	ssyncset.done $0x0  }
0x15f: {  	[sflag:s19] =	ssyncadd.s32 $0xFFFFEC00  }
0x160: {  	s20 =	simm.s32 $0x0;
	s9 =	simm.s32 $0x0;
	[bflag:$0x0] =	sbarrier.arrive $0xFFFF  }
.LBB2_22:
0x161: {  	s14 =	sshll.u32 s9, $0x7  }
0x162: {  	s15 =	sadd.s32 s6, s14  }
0x163: {  	s10 =	sshll.u32 s15, $0x6  }
0x164: {  	s10 =	sand.u32 $0x3FFFFFC0, s10  }
0x165: {  	s10 =	sadd.s32 s10, s3  }
0x166: {  	[tilespmem:s31], [sflag:$0x3] =	stream.linear.gather [spmem:s10], $0x2000, $0x38;
	[tilespmem:$0x17800] =	vst v63  }
0x167: {  	_ =	swait.ge [sflag:s19], $0x2000  }
0x168: {  	s15 =	sshll.u32 s15, $0x3;
	[sflag:s19] =	ssyncset.done $0x0  }
0x169: {  	s15 =	sadd.s32 s1, s15;
	[sflag:s19] =	ssyncadd.s32 $0xFFFFE000  }
0x16a: {  	[tilespmem:s0], [sflag:$0x3] =	stream.linear.gather [hbm4b:s15+s20], $0x2000, $0x38;
	[tilespmem:$0x17800] =	vst v63  }
0x16b: {  	_ =	swait.ge [sflag:s19], $0x2000  }
0x16c: {  	[sflag:s19] =	ssyncset.done $0x0  }
0x16d: {  	s15 =	simm.s32 $0x0;
	[sflag:s19] =	ssyncadd.s32 $0xFFFFE000  }
0x16e: {  	v7 =	vld [tilespmem:s15+$0x9800]  }
0x16f: {  	v8 =	vld [tilespmem:s15+$0x9810]  }
0x170: {  	v3 =	vld [tilespmem:s15+$0x9820]  }
0x171: {  	v2 =	vld [tilespmem:s15+$0x9830]  }
0x172: {  	v4 =	vld [tilespmem:s15+$0x7800]  }
0x173: {  	v6 =	vld [tilespmem:s15+$0x7810]  }
0x174: {  	s16 =	simm.s32 $0x100;
	v5 =	vld [tilespmem:s15+$0x7820]  }
.LBB2_23:
0x175: {  	s17 =	sshra.s32 s16, $0x2;
	p0 =	sne.s32 s16, $0x7F00;
	v9 =	vld [tilespmem:s15+$0x7830];
	v10 =	vmov v3  }
0x176: {  	v11 =	vld [tilespmem:s17+$0x9800];
	v12 =	vmov v2  }
0x177: {  	v13 =	vld [tilespmem:s17+$0x9810];
	v4 =	vmul.f32 v7, v4  }
.Ltmp10:
0x178: {  	v3 =	vld [tilespmem:s17+$0x9820];
	v6 =	vmul.f32 v8, v6;
	(pc) =	sbr.rel @p0 .LBB2_23-.Ltmp10, $4  }
0x179: {  	v2 =	vld [tilespmem:s17+$0x9830];
	[tilespmem:s15+$0x7800] =	vst v4;
	v5 =	vmul.f32 v10, v5  }
0x17a: {  	v4 =	vld [tilespmem:s17+$0x7800];
	[tilespmem:s15+$0x7810] =	vst v6;
	v9 =	vmul.f32 v12, v9  }
0x17b: {  	v6 =	vld [tilespmem:s17+$0x7810];
	[tilespmem:s15+$0x7820] =	vst v5;
	v7 =	vmov v11  }
0x17c: {  	s16 =	sadd.s32 $0x100, s16;
	v5 =	vld [tilespmem:s17+$0x7820];
	[tilespmem:s15+$0x7830] =	vst v9;
	v8 =	vmov v13;
	s15 =	smov.u32 s17  }
0x17d: {  	v9 =	vld [tilespmem:s15+$0x7830];
	_ =	sdelay $0x1  }
0x17e: {  	v4 =	vmul.f32 v7, v4  }
0x17f: {  	v6 =	vmul.f32 v8, v6  }
0x180: {  	s14 =	sadd.s32 s14, s13;
	[tilespmem:s15+$0x7800] =	vst v4;
	v3 =	vmul.f32 v3, v5  }
0x181: {  	s14 =	sshll.u32 s14, $0x3;
	[tilespmem:s15+$0x7810] =	vst v6;
	v2 =	vmul.f32 v2, v9  }
0x182: {  	s14 =	sand.u32 $0x1FFFFC00, s14;
	[tilespmem:s15+$0x7820] =	vst v3  }
0x183: {  	s14 =	sadd.s32 s7, s14;
	[tilespmem:s15+$0x7830] =	vst v2  }
0x184: {  	[hbm4b:s14+s4] =	stream.linear.scatter [tilespmem:s31], [sflag:$0x3], $0x2000, $0x38;
	[tilespmem:$0x17800] =	vst v63  }
0x185: {  	s9 =	sadd.s32 $0x1, s9;
	_ =	swait.ge [sflag:s19], $0x2000  }
0x186: {  	p0 =	sne.s32 s9, $0x5;
	[sflag:s19] =	ssyncset.done $0x0  }
.Ltmp11:
0x187: {  	[sflag:s19] =	ssyncadd.s32 $0xFFFFE000;
	(pc) =	sbr.rel @p0 .LBB2_22-.Ltmp11, $4  }
0x188: {  	[spmem:s10] =	stream.linear.scatter [tilespmem:s21], [sflag:$0x3], $0x2000, $0x38;
	[tilespmem:$0x17800] =	vst v63  }
0x189: {  	_ =	swait.ge [sflag:s19], $0x2000  }
0x18a: {  	[sflag:s19] =	ssyncset.done $0x0  }
0x18b: {  	[sflag:s19] =	ssyncadd.s32 $0xFFFFE000  }
0x18c: {  	[bflag:$0x0] =	sbarrier.arrive $0xFFFF;
	s9 =	simm.s32 $0x0  }
0x18d: {  	[tilespmem:s23], [sflag:$0x1] =	stream.indirect.gather [hbm4b:s7+s22], $0x40, s9, s22, $0xb8;
	[tilespmem:$0x17800] =	vst v63  }
0x18e: {  	_ =	swait.ge [sflag:s24], $0x1400  }
0x18f: {  	[sflag:s24] =	ssyncset.done $0x0  }
0x190: {  	s15 =	simm.s32 $0x50;
	[sflag:s24] =	ssyncadd.s32 $0xFFFFEC00  }
0x191: {  	[tilespmem:s25], [sflag:$0x2] =	stream.indirect.gather [hbm4b:s7+s22], $0x40, s15, s22, $0xb8;
	[tilespmem:$0x17800] =	vst v63  }
0x192: {  	s16 =	simm.s32 $0x2800  }
0x193: {  	[spmem:s3] =	stream.indirect.scatter.add.f32 [tilespmem:s23], [sflag:$0x3], $0x40, s16, s22, $0xb8;
	[tilespmem:$0x17800] =	vst v63  }
0x194: {  	_ =	swait.ge [sflag:s19], $0x1400  }
0x195: {  	[sflag:s19] =	ssyncset.done $0x0  }
0x196: {  	[sflag:s19] =	ssyncadd.s32 $0xFFFFEC00  }
0x197: {  	_ =	swait.ge [sflag:s26], $0x1400  }
0x198: {  	[sflag:s26] =	ssyncset.done $0x0  }
0x199: {  	s17 =	simm.s32 $0xA0;
	[sflag:s26] =	ssyncadd.s32 $0xFFFFEC00  }
0x19a: {  	[tilespmem:s23], [sflag:$0x1] =	stream.indirect.gather [hbm4b:s7+s22], $0x40, s17, s22, $0xb8;
	[tilespmem:$0x17800] =	vst v63  }
0x19b: {  	s20 =	simm.s32 $0x2850  }
0x19c: {  	[spmem:s3] =	stream.indirect.scatter.add.f32 [tilespmem:s25], [sflag:$0x3], $0x40, s20, s22, $0xb8;
	[tilespmem:$0x17800] =	vst v63  }
0x19d: {  	_ =	swait.ge [sflag:s19], $0x1400  }
0x19e: {  	s9 =	simm.s32 $0x280;
	[sflag:s19] =	ssyncset.done $0x0  }
.LBB2_26:
0x19f: {  	p0 =	sne.s32 s9, $0x9B00  }
0x1a0: {  	[sflag:s19] =	ssyncadd.s32 $0xFFFFEC00;
	s10 =	smov.u32 s9;
	s9 =	sadd.s32 $0x280, s9  }
0x1a1: {  	_ = 	snop  }
0x1a2: {  	_ =	swait.ge [sflag:s24], $0x1400  }
0x1a3: {  	s10 =	sshra.s32 s10, $0x2;
	[sflag:s24] =	ssyncset.done $0x0  }
0x1a4: {  	s14 =	sadd.s32 $0x50, s10;
	[sflag:s24] =	ssyncadd.s32 $0xFFFFEC00  }
0x1a5: {  	[tilespmem:s25], [sflag:$0x2] =	stream.indirect.gather [hbm4b:s7+s22], $0x40, s14, s22, $0xb8;
	[tilespmem:$0x17800] =	vst v63  }
0x1a6: {  	s14 =	sadd.s32 $0x2800, s10  }
0x1a7: {  	[spmem:s3] =	stream.indirect.scatter.add.f32 [tilespmem:s23], [sflag:$0x3], $0x40, s14, s22, $0xb8;
	[tilespmem:$0x17800] =	vst v63  }
0x1a8: {  	_ =	swait.ge [sflag:s19], $0x1400  }
0x1a9: {  	[sflag:s19] =	ssyncset.done $0x0  }
0x1aa: {  	[sflag:s19] =	ssyncadd.s32 $0xFFFFEC00  }
0x1ab: {  	_ =	swait.ge [sflag:s26], $0x1400  }
0x1ac: {  	[sflag:s26] =	ssyncset.done $0x0  }
0x1ad: {  	s14 =	sadd.s32 $0xA0, s10;
	[sflag:s26] =	ssyncadd.s32 $0xFFFFEC00  }
0x1ae: {  	[tilespmem:s23], [sflag:$0x1] =	stream.indirect.gather [hbm4b:s7+s22], $0x40, s14, s22, $0xb8;
	[tilespmem:$0x17800] =	vst v63  }
.Ltmp12:
0x1af: {  	_ = 	snop;
	(pc) =	sbr.rel @p0 .LBB2_26-.Ltmp12, $4  }
0x1b0: {  	s10 =	sadd.s32 $0x2850, s10  }
0x1b1: {  	[spmem:s3] =	stream.indirect.scatter.add.f32 [tilespmem:s25], [sflag:$0x3], $0x40, s10, s22, $0xb8;
	[tilespmem:$0x17800] =	vst v63  }
0x1b2: {  	_ =	swait.ge [sflag:s19], $0x1400  }
0x1b3: {  	[sflag:s19] =	ssyncset.done $0x0  }
0x1b4: {  	[sflag:s19] =	ssyncadd.s32 $0xFFFFEC00  }
0x1b5: {  	_ =	swait.ge [sflag:s24], $0x1400  }
0x1b6: {  	[sflag:s24] =	ssyncset.done $0x0  }
0x1b7: {  	[sflag:s24] =	ssyncadd.s32 $0xFFFFEC00  }
0x1b8: {  	[tilespmem:s25], [sflag:$0x2] =	stream.indirect.gather [hbm4b:s7+s22], $0x40, s28, s22, $0xb8;
	[tilespmem:$0x17800] =	vst v63  }
0x1b9: {  	_ = 	snop  }
0x1ba: {  	[spmem:s3] =	stream.indirect.scatter.add.f32 [tilespmem:s23], [sflag:$0x3], $0x40, s29, s22, $0xb8;
	[tilespmem:$0x17800] =	vst v63  }
0x1bb: {  	_ =	swait.ge [sflag:s19], $0x1400  }
0x1bc: {  	[sflag:s19] =	ssyncset.done $0x0  }
0x1bd: {  	[sflag:s19] =	ssyncadd.s32 $0xFFFFEC00  }
0x1be: {  	_ =	swait.ge [sflag:s26], $0x1400  }
0x1bf: {  	[sflag:s26] =	ssyncset.done $0x0  }
0x1c0: {  	[sflag:s26] =	ssyncadd.s32 $0xFFFFEC00  }
0x1c1: {  	[spmem:s3] =	stream.indirect.scatter.add.f32 [tilespmem:s25], [sflag:$0x3], $0x40, s30, s22, $0xb8;
	[tilespmem:$0x17800] =	vst v63  }
0x1c2: {  	_ =	swait.ge [sflag:s19], $0x1400  }
0x1c3: {  	[sflag:s19] =	ssyncset.done $0x0  }
0x1c4: {  	[sflag:s19] =	ssyncadd.s32 $0xFFFFEC00  }
0x1c5: {  	s20 =	simm.s32 $0x0;
	s9 =	simm.s32 $0x0;
	[bflag:$0x0] =	sbarrier.arrive $0xFFFF  }
.LBB2_28:
0x1c6: {  	s14 =	sshll.u32 s9, $0x7  }
0x1c7: {  	s15 =	sadd.s32 s6, s14  }
0x1c8: {  	s10 =	sshll.u32 s15, $0x6  }
0x1c9: {  	s10 =	sand.u32 $0x3FFFFFC0, s10  }
0x1ca: {  	s10 =	sadd.s32 s10, s3  }
0x1cb: {  	[tilespmem:s31], [sflag:$0x3] =	stream.linear.gather [spmem:s10], $0x2000, $0x38;
	[tilespmem:$0x17800] =	vst v63  }
0x1cc: {  	_ =	swait.ge [sflag:s19], $0x2000  }
0x1cd: {  	s15 =	sshll.u32 s15, $0x3;
	[sflag:s19] =	ssyncset.done $0x0  }
0x1ce: {  	s15 =	sadd.s32 s1, s15;
	[sflag:s19] =	ssyncadd.s32 $0xFFFFE000  }
0x1cf: {  	[tilespmem:s0], [sflag:$0x3] =	stream.linear.gather [hbm4b:s15+s20], $0x2000, $0x38;
	[tilespmem:$0x17800] =	vst v63  }
0x1d0: {  	_ =	swait.ge [sflag:s19], $0x2000  }
0x1d1: {  	[sflag:s19] =	ssyncset.done $0x0  }
0x1d2: {  	s15 =	simm.s32 $0x0;
	[sflag:s19] =	ssyncadd.s32 $0xFFFFE000  }
0x1d3: {  	v7 =	vld [tilespmem:s15+$0x9800]  }
0x1d4: {  	v8 =	vld [tilespmem:s15+$0x9810]  }
0x1d5: {  	v3 =	vld [tilespmem:s15+$0x9820]  }
0x1d6: {  	v2 =	vld [tilespmem:s15+$0x9830]  }
0x1d7: {  	v4 =	vld [tilespmem:s15+$0x7800]  }
0x1d8: {  	v6 =	vld [tilespmem:s15+$0x7810]  }
0x1d9: {  	s16 =	simm.s32 $0x100;
	v5 =	vld [tilespmem:s15+$0x7820]  }
.LBB2_29:
0x1da: {  	s17 =	sshra.s32 s16, $0x2;
	p0 =	sne.s32 s16, $0x7F00;
	v9 =	vld [tilespmem:s15+$0x7830];
	v10 =	vmov v3  }
0x1db: {  	v11 =	vld [tilespmem:s17+$0x9800];
	v12 =	vmov v2  }
0x1dc: {  	v13 =	vld [tilespmem:s17+$0x9810];
	v4 =	vmul.f32 v7, v4  }
.Ltmp13:
0x1dd: {  	v3 =	vld [tilespmem:s17+$0x9820];
	v6 =	vmul.f32 v8, v6;
	(pc) =	sbr.rel @p0 .LBB2_29-.Ltmp13, $4  }
0x1de: {  	v2 =	vld [tilespmem:s17+$0x9830];
	[tilespmem:s15+$0x7800] =	vst v4;
	v5 =	vmul.f32 v10, v5  }
0x1df: {  	v4 =	vld [tilespmem:s17+$0x7800];
	[tilespmem:s15+$0x7810] =	vst v6;
	v9 =	vmul.f32 v12, v9  }
0x1e0: {  	v6 =	vld [tilespmem:s17+$0x7810];
	[tilespmem:s15+$0x7820] =	vst v5;
	v7 =	vmov v11  }
0x1e1: {  	s16 =	sadd.s32 $0x100, s16;
	v5 =	vld [tilespmem:s17+$0x7820];
	[tilespmem:s15+$0x7830] =	vst v9;
	v8 =	vmov v13;
	s15 =	smov.u32 s17  }
0x1e2: {  	v9 =	vld [tilespmem:s15+$0x7830];
	_ =	sdelay $0x1  }
0x1e3: {  	v4 =	vmul.f32 v7, v4  }
0x1e4: {  	v6 =	vmul.f32 v8, v6  }
0x1e5: {  	s14 =	sadd.s32 s14, s13;
	[tilespmem:s15+$0x7800] =	vst v4;
	v3 =	vmul.f32 v3, v5  }
0x1e6: {  	s14 =	sshll.u32 s14, $0x3;
	[tilespmem:s15+$0x7810] =	vst v6;
	v2 =	vmul.f32 v2, v9  }
0x1e7: {  	s14 =	sand.u32 $0x1FFFFC00, s14;
	[tilespmem:s15+$0x7820] =	vst v3  }
0x1e8: {  	s14 =	sadd.s32 s8, s14;
	[tilespmem:s15+$0x7830] =	vst v2  }
0x1e9: {  	[hbm4b:s14+s4] =	stream.linear.scatter [tilespmem:s31], [sflag:$0x3], $0x2000, $0x38;
	[tilespmem:$0x17800] =	vst v63  }
0x1ea: {  	s9 =	sadd.s32 $0x1, s9;
	_ =	swait.ge [sflag:s19], $0x2000  }
0x1eb: {  	p0 =	sne.s32 s9, $0x5;
	[sflag:s19] =	ssyncset.done $0x0  }
.Ltmp14:
0x1ec: {  	[sflag:s19] =	ssyncadd.s32 $0xFFFFE000;
	(pc) =	sbr.rel @p0 .LBB2_28-.Ltmp14, $4  }
0x1ed: {  	[spmem:s10] =	stream.linear.scatter [tilespmem:s21], [sflag:$0x3], $0x2000, $0x38;
	[tilespmem:$0x17800] =	vst v63  }
0x1ee: {  	_ =	swait.ge [sflag:s19], $0x2000  }
0x1ef: {  	[sflag:s19] =	ssyncset.done $0x0  }
0x1f0: {  	[sflag:s19] =	ssyncadd.s32 $0xFFFFE000  }
0x1f1: {  	s2 =	sadd.s32 $0x1, s2;
	s9 =	rddreg [dreg:$0x6]  }
0x1f2: {  	p0 =	sne.s32 s2, s9  }
.Ltmp15:
0x1f3: {  	_ = 	snop;
	(pc) =	sbr.rel @p0 .LBB2_1-.Ltmp15, $2  }
0x1f4: {  	_ =	sdelay $0x1  }
0x1f5: {  	[bflag:$0x0] =	sbarrier.arrive $0xFFFF;
	_ =	sdelay $0x1  }
0x1f6: {  	_ =	sfence.sel $0x180000  }
0x1f7: {  	[bflag:$0x0] =	sbarrier.arrive $0xFFFF  }
0x1f8: {  	_ =	strace $0x9000004A  }
0x1f9: {  	s0 =	stileid.u32;
	[bflag:$0x2] =	sbarrier.arrive $0xFFFF  }
0x1fa: {  	p0 =	sne.s32 s0, $0x0;
	s0 =	rddreg [dreg:$0x3]  }
0x1fb: {  	s0 =	sadd.s32 @!p0 $0x100000, s0  }
0x1fc: {  	[sflag:s0] =	ssyncadd.tile.s32 @!p0 $0x1;
	_ =	shalt  }
.Lfunc_end2:
_tile_overlayer_lowered:
.L_overlay_start_2:
0x1fd: {  	(tag) =	ssettag $0x2  }
0x1fe: {  	s0 =	rddreg [dreg:$0x0];
	s2 =	stileid.u32  }
0x1ff: {  	s1 =	rddreg [dreg:$0x1];
	p0 =	sne.s32 s2, $0x0  }
0x200: {  	s3 =	rddreg [dreg:$0x2];
	[bflag:$0x3] =	sbarrier.arrive $0xFFFF;
	s2 =	simm.s32 @!p0 $0x1C03  }
0x201: {  	[timem:s3], [sflag:s2] =	dma.local @!p0 [hbm:s0], s1  }
0x202: {  	s0 =	simm.s32 @!p0 $0x3  }
0x203: {  	_ =	swait.ge @!p0 [sflag:s0], s1  }
0x204: {  	s1 =	ssub.s32 @!p0 $0x0, s1;
	[sflag:s0] =	ssyncset.done @!p0 $0x0  }
0x205: {  	[sflag:s0] =	ssyncadd.s32 @!p0 s1  }
0x206: {  	[bflag:$0x3] =	sbarrier.arrive $0xFFFF  }
0x207: {  	_ =	shalt  }

// kernel: kernel.7.cloned.1.call-start
scs
__scs_entry_jumppad:
0x0: {  	(pc) =	sbr.rel $0x88, $3  }
0x1: {  	(tag) =	ssettag $0x0;
	lr =	simm.s32 $0x1  }
0x2: {  	[smem:$0x3F99] =	sst lr;
	_ =	strace $0xD0000000  }
0x3: {  	_ = 	snop  }
0x4: {  	_ = 	snop  }
0x5: {  	_ = 	snop  }
0x6: {  	_ = 	snop  }
0x7: {  	_ = 	snop  }
__scs_overlays_trampoline_lowered:
0x8: {  	[smem:$0x3FA8] =	sst s0  }
0x9: {  	[smem:$0x3FA9] =	sst s1  }
0xa: {  	[smem:$0x3FAA] =	sst s2  }
0xb: {  	[smem:$0x3FAB] =	sst s3  }
0xc: {  	[smem:$0x3FAC] =	sst s4  }
0xd: {  	[smem:$0x3FAD] =	sst s5  }
0xe: {  	[smem:$0x3FAE] =	sst s6  }
0xf: {  	[smem:$0x3FAF] =	sst s7  }
0x10: {  	[smem:$0x3FB0] =	sst s8  }
0x11: {  	[smem:$0x3FB1] =	sst s9;
	s0 =	simm.s32 @!p0 $0x0  }
0x12: {  	s1 =	sld [smem:$0x3F97];
	s0 =	simm.s32 @p0 $0x1  }
0x13: {  	[smem:$0x3FB2] =	sst s0;
	s0 =	simm.s32 @!p1 $0x0  }
0x14: {  	s2 =	sld [smem:$0x3F96];
	s0 =	simm.s32 @p1 $0x1  }
0x15: {  	[smem:$0x3FB3] =	sst s0;
	s0 =	simm.s32 @!p2 $0x0  }
0x16: {  	s3 =	sld [smem:$0x3FDB];
	s0 =	simm.s32 @p2 $0x1  }
0x17: {  	s4 =	simm.s32 $0x1BF5;
	[smem:$0x3FB5] =	sst s0  }
0x18: {  	s0 =	sld [smem:$0x3F98];
	_ =	swait.ge [sflag:s4], $0x0  }
0x19: {  	s7 =	sld [smem:$0x3F99]  }
0x1a: {  	s8 =	sadd.s32 $0xFFFFE003, lr  }
0x1b: {  	s9 =	sadd.s32 $0xFFFFFEF7, lr;
	s5 =	simm.s32 $0xFFFFFFFF;
	p2 =	slt.u32 s8, $0xFFFFF086  }
0x1c: {  	p1 =	slt.u32 s9, $0xF7A;
	s5 =	simm.s32 @!p2 $0x0  }
0x1d: {  	s5 =	simm.s32 @p1 $0x1;
	p0 =	seq.s32 s7, s2  }
0x1e: {  	s7 =	smul.u32 @!p0 $0xF7A, s2;
	p2 =	seq.s32 @!p0 s5, $0x0  }
0x1f: {  	s9 =	smul.u32 $0xF7A, s1;
	s8 =	simm.s32 @!p0 $0x1BF5;
	p2 =	por !p2, p0  }
0x20: {  	[sflag:s8] =	ssyncset.s32 @!p0 $0xFFFFF086;
	s6 =	sadd.s32 @!p0 s3, s7;
	s7 =	simm.s32 @!p0 $0x108  }
0x21: {  	s3 =	sadd.s32 s3, s9;
	s6 =	sadd.s32 @!p0 $0x88, s6;
	s7 =	simm.s32 @p2 $0x1082  }
0x22: {  	[simem:s7], [sflag:s8] =	dma.local @!p0 [hbm:s6], $0xF7A  }
0x23: {  	s9 =	sor.u32 $0xD0000000, s2;
	s6 =	simm.s32 $0x108;
	_ =	swait.ge @!p0 [sflag:s8], $0x0  }
0x24: {  	s3 =	sadd.s32 $0x88, s3;
	s6 =	simm.s32 @!p1 $0x1082;
	[sflag:s4] =	ssyncset.s32 $0xFFFFF086  }
0x25: {  	[simem:s6], [sflag:s4] =	dma.local [hbm:s3], $0xF7A  }
0x26: {  	[smem:$0x3F99] =	sst s1;
	(tag) =	ssettag s2;
	_ =	strace s9  }
0x27: {  	s1 =	sld [smem:$0x3FA9]  }
0x28: {  	s2 =	sld [smem:$0x3FAA]  }
0x29: {  	s4 =	sld [smem:$0x3FAC]  }
0x2a: {  	p0 =	seq.s32 s5, $0x0;
	s5 =	sld [smem:$0x3FAD]  }
0x2b: {  	s6 =	sld [smem:$0x3FAE]  }
0x2c: {  	s7 =	sld [smem:$0x3FAF]  }
0x2d: {  	s3 =	simm.s32 $0x108;
	s8 =	sld [smem:$0x3FB0]  }
0x2e: {  	s3 =	simm.s32 @!p0 $0x1082;
	s9 =	sld [smem:$0x3FB1]  }
0x2f: {  	lr =	sadd.s32 s0, s3;
	s0 =	sld [smem:$0x3FA8]  }
0x30: {  	s3 =	sld [smem:$0x3FAB]  }
0x31: {  	[smem:$0x3FB4] =	sst s10  }
0x32: {  	s10 =	sld [smem:$0x3FB2];
	_ =	sdelay $0x3  }
0x33: {  	p0 =	seq.s32 s10, $0x1;
	s10 =	sld [smem:$0x3FB4];
	_ =	sdelay $0x3  }
0x34: {  	[smem:$0x3FB4] =	sst s10  }
0x35: {  	s10 =	sld [smem:$0x3FB3];
	_ =	sdelay $0x3  }
0x36: {  	p1 =	seq.s32 s10, $0x1;
	s10 =	sld [smem:$0x3FB4];
	_ =	sdelay $0x3  }
0x37: {  	[smem:$0x3FB4] =	sst s10  }
0x38: {  	s10 =	sld [smem:$0x3FB5]  }
0x39: {  	_ = 	snop;
	(pc) =	sbr.ind lr, $3  }
0x3a: {  	_ = 	snop  }
0x3b: {  	_ = 	snop  }
0x3c: {  	p2 =	seq.s32 s10, $0x1;
	s10 =	sld [smem:$0x3FB4]  }
0x3d: {  	_ =	shalt  }
0x3e: {  	_ =	shalt  }
0x3f: {  	_ =	shalt  }
0x40: {  	_ =	shalt  }
0x41: {  	_ =	shalt  }
0x42: {  	_ =	shalt  }
0x43: {  	_ =	shalt  }
0x44: {  	_ =	shalt  }
0x45: {  	_ =	shalt  }
0x46: {  	_ =	shalt  }
0x47: {  	_ =	shalt  }
0x48: {  	_ =	shalt  }
0x49: {  	_ =	shalt  }
0x4a: {  	_ =	shalt  }
0x4b: {  	_ =	shalt  }
0x4c: {  	_ =	shalt  }
0x4d: {  	_ =	shalt  }
0x4e: {  	_ =	shalt  }
0x4f: {  	_ =	shalt  }
0x50: {  	_ =	shalt  }
0x51: {  	_ =	shalt  }
0x52: {  	_ =	shalt  }
0x53: {  	_ =	shalt  }
0x54: {  	_ =	shalt  }
0x55: {  	_ =	shalt  }
0x56: {  	_ =	shalt  }
0x57: {  	_ =	shalt  }
0x58: {  	_ =	shalt  }
0x59: {  	_ =	shalt  }
0x5a: {  	_ =	shalt  }
0x5b: {  	_ =	shalt  }
0x5c: {  	_ =	shalt  }
0x5d: {  	_ =	shalt  }
0x5e: {  	_ =	shalt  }
0x5f: {  	_ =	shalt  }
0x60: {  	_ =	shalt  }
0x61: {  	_ =	shalt  }
0x62: {  	_ =	shalt  }
0x63: {  	_ =	shalt  }
0x64: {  	_ =	shalt  }
0x65: {  	_ =	shalt  }
0x66: {  	_ =	shalt  }
0x67: {  	_ =	shalt  }
0x68: {  	_ =	shalt  }
0x69: {  	_ =	shalt  }
0x6a: {  	_ =	shalt  }
0x6b: {  	_ =	shalt  }
0x6c: {  	_ =	shalt  }
0x6d: {  	_ =	shalt  }
0x6e: {  	_ =	shalt  }
0x6f: {  	_ =	shalt  }
0x70: {  	_ =	shalt  }
0x71: {  	_ =	shalt  }
0x72: {  	_ =	shalt  }
0x73: {  	_ =	shalt  }
0x74: {  	_ =	shalt  }
0x75: {  	_ =	shalt  }
0x76: {  	_ =	shalt  }
0x77: {  	_ =	shalt  }
0x78: {  	_ =	shalt  }
0x79: {  	_ =	shalt  }
0x7a: {  	_ =	shalt  }
0x7b: {  	_ =	shalt  }
0x7c: {  	_ =	shalt  }
0x7d: {  	_ =	shalt  }
0x7e: {  	_ =	shalt  }
0x7f: {  	_ =	shalt  }
0x80: {  	_ =	shalt  }
0x81: {  	_ =	shalt  }
0x82: {  	_ =	shalt  }
0x83: {  	_ =	shalt  }
0x84: {  	_ =	shalt  }
0x85: {  	_ =	shalt  }
0x86: {  	_ =	shalt  }
0x87: {  	_ =	shalt  }
.Lfunc_end0:
.L_simem_size_0:
called_computation_lowered:
.L_overlay_start_0:
0x88: {  	s2 =	sld [smem:$0x3FD9]  }
0x89: {  	s3 =	sld [smem:$0x3FFE];
	_ =	sdelay $0x1  }
0x8a: {  	s1 =	srdreg.scid  }
0x8b: {  	s0 =	sand.u32 $0x1, s1  }
0x8c: {  	s17 =	sshll.u32 s0, $0xA;
	s2 =	sadd.s32 s3, s2  }
0x8d: {  	s2 =	sadd.s32 s2, s17  }
0x8e: {  	[smem:$0x3FC0] =	sst s2  }
0x8f: {  	_ = 	snop  }
0x90: {  	s2 =	sld [smem:$0x3FD0];
	(tm) =	ssettm $0x1  }
0x91: {  	s18 =	sld [smem:$0x3FFB];
	_ =	sdelay $0x3  }
0x92: {  	_ =	strace s18  }
0x93: {  	s3 =	sld [smem:$0x3FFC];
	_ =	sdelay $0x3  }
0x94: {  	_ =	strace s3  }
0x95: {  	s3 =	sld [smem:$0x3FFD];
	_ =	sdelay $0x3  }
0x96: {  	_ =	strace s3  }
0x97: {  	_ =	strace $0x8FFFFFFF  }
0x98: {  	s19 =	sld [smem:$0x3FDB];
	_ =	sdelay $0x1  }
0x99: {  	s4 =	simm.s32 $_scs_section_size  }
0x9a: {  	s5 =	simm.s32 $_size__tile_overlayer_lowered;
	s6 =	simm.s32 $_tile_overlayer_lowered  }
0x9b: {  	s22 =	simm.s32 $0x1BFF;
	s21 =	sshll.u32 s6, $0x1;
	s3 =	sadd.s32 s4, s19  }
0x9c: {  	s7 =	simm.s32 $0x0;
	s20 =	sshll.u32 s5, $0x1;
	s5 =	sadd.s32 s21, s3  }
0x9d: {  	[timem:s7], [sflag:s22] =	dma.local [hbm:s5], s20  }
0x9e: {  	_ =	swait.ge [sflag:s22], s20  }
0x9f: {  	s4 =	ssub.s32 $0x0, s20;
	[sflag:s22] =	ssyncset.done $0x0  }
0xa0: {  	[sflag:s22] =	ssyncadd.s32 s4;
	_ =	sdelay $0x1  }
0xa1: {  	s23 =	simm.s32 $0x1B8B  }
0xa2: {  	_ =	swait.ge [sflag:s23], $0x1  }
0xa3: {  	[sflag:s23] =	ssyncset.done $0x0  }
0xa4: {  	s25 =	simm.s32 $0x1B8E;
	s24 =	sld [smem:$0x3FFE];
	[sflag:s23] =	ssyncadd.s32 $0xFFFFFFFF  }
0xa5: {  	s26 =	simm.s32 $execute0_lowered;
	[smem:$0x3FD2] =	sst s25  }
0xa6: {  	s5 =	sshll.u32 s26, $0x1;
	_ =	strace $0x80000046;
	[dreg:$0x1] =	wrdreg $0xFFFFFFFF  }
0xa7: {  	s28 =	simm.s32 $_size_execute0_lowered;
	s3 =	sadd.s32 s3, s5;
	[dreg:$0x0] =	wrdreg $0x0  }
0xa8: {  	s5 =	sshll.u32 s28, $0x1;
	[dreg:$0x2] =	wrdreg s3  }
0xa9: {  	[dreg:$0x3] =	wrdreg s5  }
0xaa: {  	[dreg:$0x4] =	wrdreg $0xC0  }
0xab: {  	_ =	task [dreg:s7], $0x5FFFF  }
0xac: {  	[dreg:$0x1] =	wrdreg $0xFFFFFFFF  }
0xad: {  	[dreg:$0x0] =	wrdreg $0x60  }
0xae: {  	[dreg:$0x2] =	wrdreg s24  }
0xaf: {  	[dreg:$0x3] =	wrdreg s2  }
0xb0: {  	[dreg:$0x4] =	wrdreg $0xD8000  }
0xb1: {  	[dreg:$0x5] =	wrdreg $0x9  }
0xb2: {  	_ =	task.clear_ibuf [dreg:s7], $0x6FFFF;
	_ =	strace $0x90000046  }
0xb3: {  	s29 =	simm.s32 $0x9;
	_ =	strace $0x80000048  }
0xb4: {  	_ =	swait.ge [sflag:s29], $0x1  }
0xb5: {  	[sflag:s29] =	ssyncadd.s32 $0xFFFFFFFF  }
0xb6: {  	_ =	strace $0x90000048  }
0xb7: {  	_ =	sfence  }
0xb8: {  	s30 =	sld [smem:$0x0];
	_ =	sdelay $0x2  }
0xb9: {  	s31 =	sshll.u32 s1, $0xD;
	s1 =	sshrl.u32 s1, $0x2  }
0xba: {  	s3 =	sand.u32 $0x4000, s31;
	s1 =	sadd.s32 s1, s30  }
0xbb: {  	s0 =	sor.u32 s3, s0;
	s1 =	sshll.u32 s1, $0x11  }
0xbc: {  	s0 =	sor.u32 s1, s0  }
0xbd: {  	s0 =	sadd.s32 $0x8F2B, s0  }
0xbe: {  	[sflag:s0] =	ssyncadd.remote.s32 $0x1  }
0xbf: {  	_ =	sfence.sel $0xFFFF  }
0xc0: {  	[dreg:$0x0] =	wrdreg $0xFFFFFFFF;
	(pc) =	sbr.abs _section_cstart, $3  }
0xc1: {  	[dreg:$0x1] =	wrdreg $0xFFFFFFFF  }
0xc2: {  	_ =	task.clear_ibuf [dreg:s7], $0x2FFFF;
	_ =	strace $0x9FFFFFFF  }
0xc3: {  	(tm) =	ssettm $0x7FFFFFFF  }
tec
execute0_lowered:
.L_overlay_start_1:
0x0: {  	(tag) =	ssettag $0x1  }
0x1: {  	s0 =	rddreg [dreg:$0x0]  }
0x2: {  	s2 =	rddreg [dreg:$0x1]  }
0x3: {  	s3 =	rddreg [dreg:$0x2];
	s4 =	simm.s32 $0x0  }
0x4: {  	s13 =	stileid.u32;
	s6 =	srdreg.scid;
	s28 =	simm.s32 $0x6400  }
0x5: {  	s29 =	simm.s32 $0x2;
	s30 =	simm.s32 $0x27B0;
	s1 =	smul.u32 $0x500, s13  }
0x6: {  	s5 =	sadd.s32 $0x1E2600, s0;
	s9 =	sand.u32 $0x1, s6;
	s6 =	smul.u32 $0x280, s13  }
0x7: {  	s31 =	simm.s32 $0x4F60;
	s7 =	sadd.s32 $0x28C600, s0;
	s11 =	smul.u32 $0x28000, s13  }
0x8: {  	[smem:$0x7FF] =	sst s4;
	s8 =	sadd.s32 $0x23C600, s0;
	s13 =	smul.u32 $0xA000, s13  }
0x9: {  	_ =	strace $0x80000047;
	s10 =	ssub.s32 $0x2, s9;
	s9 =	smul.u32 $0x5000, s9  }
0xa: {  	s1 =	sadd.s32 s1, s0;
	s20 =	sshrl.u32 s10, $0x1;
	s22 =	sshrl.u32 s11, $0x2  }
0xb: {  	s0 =	ssub.s32 s10, s20;
	s21 =	sadd.s32 $0x237600, s1;
	s1 =	sadd.s32 $0x232600, s1  }
0xc: {  	s11 =	sadd.s32 s22, s3;
	s12 =	sadd.s32 s6, s9;
	[dreg:$0x4] =	wrdreg s21  }
0xd: {  	s20 =	simm.s32 $0x3;
	[dreg:$0x5] =	wrdreg s1;
	s0 =	smax.u32 s0, $0x1  }
0xe: {  	s22 =	simm.s32 $0xB800;
	s23 =	sadd.s32 $0x2000, s11;
	[dreg:$0x6] =	wrdreg s0  }
0xf: {  	s14 =	sadd.s32 $0x2800, s12;
	s24 =	sadd.s32 $0x4000, s11;
	[dreg:$0x7] =	wrdreg s23  }
0x10: {  	s25 =	sadd.s32 $0x6000, s11;
	s26 =	sadd.s32 $0x8000, s11;
	[dreg:$0x8] =	wrdreg s24  }
0x11: {  	s1 =	simm.s32 $0x9800;
	s21 =	simm.s32 $0x0;
	[dreg:$0x9] =	wrdreg s25  }
0x12: {  	[dreg:$0xa] =	wrdreg s26;
	s23 =	simm.s32 $0x50;
	s24 =	simm.s32 $0x5000  }
0x13: {  	v1 =	vimm.f32 $0.0e+00;
	v2 =	vimm.f32 $1.000000000e+00;
	v0 =	vmov s9;
	s25 =	simm.s32 $0x7800;
	s26 =	simm.s32 $0x1;
	s0 =	simm.s32 $0x4FB0  }
.LBB2_1:
0x14: {  	s9 =	rddreg [dreg:$0x4]  }
0x15: {  	[tilespmem:s4], [sflag:$0x3] =	stream.linear.gather [hbm4b:s9+s4], $0x2800, $0x38;
	[tilespmem:$0x17800] =	vst v63  }
0x16: {  	_ =	swait.ge [sflag:s20], $0x2800  }
0x17: {  	[sflag:s20] =	ssyncset.done $0x0  }
0x18: {  	s10 =	simm.s32 $0x2800;
	s19 =	rddreg [dreg:$0x5];
	[sflag:s20] =	ssyncadd.s32 $0xFFFFD800  }
0x19: {  	[tilespmem:s10], [sflag:$0x3] =	stream.linear.gather [hbm4b:s19+s4], $0x2800, $0x38;
	[tilespmem:$0x17800] =	vst v63  }
0x1a: {  	_ =	swait.ge [sflag:s20], $0x2800  }
0x1b: {  	[sflag:s20] =	ssyncset.done $0x0  }
0x1c: {  	s9 =	simm.s32 $0x0;
	s10 =	simm.s32 $0x100;
	[sflag:s20] =	ssyncadd.s32 $0xFFFFD800  }
.LBB2_2:
0x1d: {  	p0 =	sne.s32 s10, $0x7F00;
	[tilespmem:s9+$0xB830] =	vst v1;
	s15 =	smov.u32 s10;
	s10 =	sadd.s32 $0x100, s10  }
.Ltmp0:
0x1e: {  	[tilespmem:s9+$0xB820] =	vst v1;
	(pc) =	sbr.rel @p0 .LBB2_2-.Ltmp0, $3  }
0x1f: {  	[tilespmem:s9+$0xB800] =	vst v1  }
0x20: {  	[tilespmem:s9+$0xB810] =	vst v1;
	_ =	sdelay $0x1  }
0x21: {  	s9 =	sshra.s32 s15, $0x2  }
0x22: {  	[tilespmem:s9+$0xB830] =	vst v1  }
0x23: {  	[tilespmem:s9+$0xB820] =	vst v1  }
0x24: {  	[tilespmem:s9+$0xB800] =	vst v1  }
0x25: {  	[tilespmem:s9+$0xB810] =	vst v1  }
0x26: {  	[spmem:s11] =	stream.linear.scatter [tilespmem:s22], [sflag:$0x3], $0x2000, $0x38;
	[tilespmem:$0x17800] =	vst v63  }
0x27: {  	_ =	swait.ge [sflag:s20], $0x2000  }
0x28: {  	[sflag:s20] =	ssyncset.done $0x0  }
0x29: {  	s16 =	rddreg [dreg:$0x7];
	[sflag:s20] =	ssyncadd.s32 $0xFFFFE000  }
0x2a: {  	[spmem:s16] =	stream.linear.scatter [tilespmem:s22], [sflag:$0x3], $0x2000, $0x38;
	[tilespmem:$0x17800] =	vst v63  }
0x2b: {  	_ =	swait.ge [sflag:s20], $0x2000  }
0x2c: {  	[sflag:s20] =	ssyncset.done $0x0  }
0x2d: {  	s17 =	rddreg [dreg:$0x8];
	[sflag:s20] =	ssyncadd.s32 $0xFFFFE000  }
0x2e: {  	[spmem:s17] =	stream.linear.scatter [tilespmem:s22], [sflag:$0x3], $0x2000, $0x38;
	[tilespmem:$0x17800] =	vst v63  }
0x2f: {  	_ =	swait.ge [sflag:s20], $0x2000  }
0x30: {  	[sflag:s20] =	ssyncset.done $0x0  }
0x31: {  	s18 =	rddreg [dreg:$0x9];
	[sflag:s20] =	ssyncadd.s32 $0xFFFFE000  }
0x32: {  	[spmem:s18] =	stream.linear.scatter [tilespmem:s22], [sflag:$0x3], $0x2000, $0x38;
	[tilespmem:$0x17800] =	vst v63  }
0x33: {  	_ =	swait.ge [sflag:s20], $0x2000  }
0x34: {  	[sflag:s20] =	ssyncset.done $0x0  }
0x35: {  	s19 =	rddreg [dreg:$0xa];
	[sflag:s20] =	ssyncadd.s32 $0xFFFFE000  }
0x36: {  	[spmem:s19] =	stream.linear.scatter [tilespmem:s22], [sflag:$0x3], $0x2000, $0x38;
	[tilespmem:$0x17800] =	vst v63  }
0x37: {  	_ =	swait.ge [sflag:s20], $0x2000  }
0x38: {  	[sflag:s20] =	ssyncset.done $0x0  }
0x39: {  	[sflag:s20] =	ssyncadd.s32 $0xFFFFE000  }
0x3a: {  	s10 =	simm.s32 $0x100;
	s9 =	simm.s32 $0x0;
	[bflag:$0x0] =	sbarrier.arrive $0xFFFF  }
.LBB2_4:
0x3b: {  	p0 =	sne.s32 s10, $0x4F00;
	[tilespmem:s9+$0x5030] =	vst v2;
	s15 =	smov.u32 s10;
	s10 =	sadd.s32 $0x100, s10  }
.Ltmp1:
0x3c: {  	[tilespmem:s9+$0x5020] =	vst v2;
	(pc) =	sbr.rel @p0 .LBB2_4-.Ltmp1, $3  }
0x3d: {  	[tilespmem:s9+$0x5000] =	vst v2  }
0x3e: {  	[tilespmem:s9+$0x5010] =	vst v2;
	_ =	sdelay $0x1  }
0x3f: {  	s9 =	sshra.s32 s15, $0x2  }
0x40: {  	[tilespmem:s9+$0x5030] =	vst v2  }
0x41: {  	[tilespmem:s9+$0x5020] =	vst v2  }
0x42: {  	[tilespmem:s9+$0x5000] =	vst v2  }
0x43: {  	[tilespmem:s9+$0x5010] =	vst v2;
	s19 =	simm.s32 $0x2800  }
0x44: {  	[spmem:s3] =	stream.indirect.scatter.add.f32 [tilespmem:s24], [sflag:$0x3], $0x40, s19, s23, $0xb8;
	[tilespmem:$0x17800] =	vst v63  }
0x45: {  	s9 =	simm.s32 $0x140;
	_ =	swait.ge [sflag:s20], $0x1400  }
.LBB2_6:
0x46: {  	s10 =	sshra.s32 s9, $0x2;
	[sflag:s20] =	ssyncset.done $0x0;
	p0 =	sne.s32 s9, $0x9EC0  }
.Ltmp2:
0x47: {  	s10 =	sadd.s32 $0x2800, s10;
	[sflag:s20] =	ssyncadd.s32 $0xFFFFEC00;
	(pc) =	sbr.rel @p0 .LBB2_6-.Ltmp2, $3  }
0x48: {  	[spmem:s3] =	stream.indirect.scatter.add.f32 [tilespmem:s24], [sflag:$0x3], $0x40, s10, s23, $0xb8;
	[tilespmem:$0x17800] =	vst v63  }
0x49: {  	s9 =	sadd.s32 $0x140, s9;
	_ =	sdelay $0x1  }
0x4a: {  	_ =	swait.ge [sflag:s20], $0x1400  }
0x4b: {  	[sflag:s20] =	ssyncset.done $0x0  }
0x4c: {  	[sflag:s20] =	ssyncadd.s32 $0xFFFFEC00  }
0x4d: {  	s9 =	simm.s32 $0x0;
	[bflag:$0x0] =	sbarrier.arrive $0xFFFF  }
.LBB2_8:
0x4e: {  	s10 =	sshll.u32 s9, $0xD  }
0x4f: {  	s15 =	sadd.s32 s13, s10  }
0x50: {  	s10 =	sadd.s32 s15, s3  }
0x51: {  	[tilespmem:s25], [sflag:$0x3] =	stream.linear.gather [spmem:s10], $0x2000, $0x38;
	[tilespmem:$0x17800] =	vst v63  }
0x52: {  	_ =	swait.ge [sflag:s20], $0x2000  }
0x53: {  	[sflag:s20] =	ssyncset.done $0x0  }
0x54: {  	s16 =	simm.s32 $0x0;
	[sflag:s20] =	ssyncadd.s32 $0xFFFFE000  }
0x55: {  	v3 =	vld [tilespmem:s16+$0x7800]  }
0x56: {  	v4 =	vld [tilespmem:s16+$0x7810]  }
0x57: {  	s17 =	simm.s32 $0x100;
	v5 =	vld [tilespmem:s16+$0x7820]  }
.LBB2_9:
0x58: {  	p0 =	sne.s32 s17, $0x7F00;
	v6 =	vld [tilespmem:s16+$0x7830];
	_ =	sdelay $0x1  }
0x59: {  	v3 =	vmax.f32 v3, $1.000000000e+00  }
0x5a: {  	v4 =	vmax.f32 v4, $1.000000000e+00;
	(erf) = vrcp.f32 v3  }
0x5b: {  	v3 =	vmax.f32 v5, $1.000000000e+00;
	(erf) = vrcp.f32 v4  }
0x5c: {  	v4 =	vmax.f32 v6, $1.000000000e+00;
	(erf) = vrcp.f32 v3  }
0x5d: {  	(erf) = vrcp.f32 v4;
	_ =	sdelay $0x5  }
.Ltmp3:
0x5e: {  	v3 =	vpop (erf);
	(pc) =	sbr.rel @p0 .LBB2_9-.Ltmp3, $4  }
0x5f: {  	s18 =	sshra.s32 s17, $0x2;
	[tilespmem:s16+$0x7800] =	vst v3;
	v4 =	vpop (erf)  }
0x60: {  	v3 =	vld [tilespmem:s18+$0x7800];
	[tilespmem:s16+$0x7810] =	vst v4;
	v5 =	vpop (erf)  }
0x61: {  	v4 =	vld [tilespmem:s18+$0x7810];
	[tilespmem:s16+$0x7820] =	vst v5;
	v6 =	vpop (erf)  }
0x62: {  	s17 =	sadd.s32 $0x100, s17;
	v5 =	vld [tilespmem:s18+$0x7820];
	[tilespmem:s16+$0x7830] =	vst v6;
	s16 =	smov.u32 s18  }
0x63: {  	v6 =	vld [tilespmem:s16+$0x7830];
	_ =	sdelay $0x1  }
0x64: {  	v3 =	vmax.f32 v3, $1.000000000e+00  }
0x65: {  	v4 =	vmax.f32 v4, $1.000000000e+00;
	(erf) = vrcp.f32 v3  }
0x66: {  	v3 =	vmax.f32 v5, $1.000000000e+00;
	(erf) = vrcp.f32 v4  }
0x67: {  	v63 =	vmax.f32 v6, $1.000000000e+00;
	(erf) = vrcp.f32 v3  }
0x68: {  	(erf) = vrcp.f32 v63;
	_ =	sdelay $0x5  }
0x69: {  	v3 =	vpop (erf)  }
0x6a: {  	[tilespmem:s16+$0x7800] =	vst v3;
	v3 =	vpop (erf)  }
0x6b: {  	[tilespmem:s16+$0x7810] =	vst v3;
	v3 =	vpop (erf)  }
0x6c: {  	s15 =	sshrl.u32 s15, $0x3;
	[tilespmem:s16+$0x7820] =	vst v3;
	v3 =	vpop (erf)  }
0x6d: {  	s15 =	sadd.s32 s2, s15;
	[tilespmem:s16+$0x7830] =	vst v3  }
0x6e: {  	[hbm4b:s15+s4] =	stream.linear.scatter [tilespmem:s25], [sflag:$0x3], $0x2000, $0x38;
	[tilespmem:$0x17800] =	vst v63  }
0x6f: {  	s9 =	sadd.s32 $0x1, s9;
	_ =	swait.ge [sflag:s20], $0x2000  }
0x70: {  	p0 =	sne.s32 s9, $0x5;
	[sflag:s20] =	ssyncset.done $0x0  }
.Ltmp4:
0x71: {  	[sflag:s20] =	ssyncadd.s32 $0xFFFFE000;
	(pc) =	sbr.rel @p0 .LBB2_8-.Ltmp4, $4  }
0x72: {  	[spmem:s10] =	stream.linear.scatter [tilespmem:s22], [sflag:$0x3], $0x2000, $0x38;
	[tilespmem:$0x17800] =	vst v63  }
0x73: {  	_ =	swait.ge [sflag:s20], $0x2000  }
0x74: {  	[sflag:s20] =	ssyncset.done $0x0  }
0x75: {  	[sflag:s20] =	ssyncadd.s32 $0xFFFFE000  }
0x76: {  	[bflag:$0x0] =	sbarrier.arrive $0xFFFF;
	s9 =	simm.s32 $0x0  }
0x77: {  	v6 =	vld [tilespmem:s9+$0x0]  }
0x78: {  	v5 =	vld [tilespmem:s9+$0x10]  }
0x79: {  	v4 =	vld [tilespmem:s9+$0x20]  }
0x7a: {  	s10 =	simm.s32 $0x140;
	v3 =	vld [tilespmem:s9+$0x30]  }
.LBB2_12:
0x7b: {  	p0 =	sne.s32 s10, $0x9EC0;
	v7 =	vld [tilespmem:s9+$0x40]  }
0x7c: {  	v6 =	vadd.s32 v0, v6  }
.Ltmp5:
0x7d: {  	s15 =	sshra.s32 s10, $0x2;
	[tilespmem:s9+$0x0] =	vst v6;
	v5 =	vadd.s32 v0, v5;
	(pc) =	sbr.rel @p0 .LBB2_12-.Ltmp5, $4  }
0x7e: {  	v6 =	vld [tilespmem:s15+$0x0];
	[tilespmem:s9+$0x10] =	vst v5;
	v4 =	vadd.s32 v0, v4  }
0x7f: {  	v5 =	vld [tilespmem:s15+$0x10];
	[tilespmem:s9+$0x20] =	vst v4;
	v3 =	vadd.s32 v0, v3  }
0x80: {  	v4 =	vld [tilespmem:s15+$0x20];
	[tilespmem:s9+$0x30] =	vst v3;
	v7 =	vadd.s32 v0, v7  }
0x81: {  	s10 =	sadd.s32 $0x140, s10;
	v3 =	vld [tilespmem:s15+$0x30];
	[tilespmem:s9+$0x40] =	vst v7;
	s9 =	smov.u32 s15  }
0x82: {  	v7 =	vld [tilespmem:s9+$0x40]  }
0x83: {  	v6 =	vadd.s32 v0, v6  }
0x84: {  	[tilespmem:s9+$0x0] =	vst v6;
	v5 =	vadd.s32 v0, v5  }
0x85: {  	[tilespmem:s9+$0x10] =	vst v5;
	v4 =	vadd.s32 v0, v4  }
0x86: {  	[tilespmem:s9+$0x20] =	vst v4;
	v3 =	vadd.s32 v0, v3  }
0x87: {  	[tilespmem:s9+$0x30] =	vst v3;
	v3 =	vadd.s32 v0, v7  }
0x88: {  	s15 =	simm.s32 $0x0;
	[tilespmem:s9+$0x40] =	vst v3  }
0x89: {  	[tilespmem:s24], [sflag:$0x1] =	stream.indirect.gather [hbm4b:s5+s23], $0x40, s15, s23, $0xb8;
	[tilespmem:$0x17800] =	vst v63  }
0x8a: {  	_ =	swait.ge [sflag:s26], $0x1400  }
0x8b: {  	[sflag:s26] =	ssyncset.done $0x0  }
0x8c: {  	s16 =	simm.s32 $0x50;
	[sflag:s26] =	ssyncadd.s32 $0xFFFFEC00  }
0x8d: {  	[tilespmem:s28], [sflag:$0x2] =	stream.indirect.gather [hbm4b:s5+s23], $0x40, s16, s23, $0xb8;
	[tilespmem:$0x17800] =	vst v63  }
0x8e: {  	s17 =	simm.s32 $0x2800  }
0x8f: {  	[spmem:s3] =	stream.indirect.scatter.add.f32 [tilespmem:s24], [sflag:$0x3], $0x40, s17, s23, $0xb8;
	[tilespmem:$0x17800] =	vst v63  }
0x90: {  	_ =	swait.ge [sflag:s20], $0x1400  }
0x91: {  	[sflag:s20] =	ssyncset.done $0x0  }
0x92: {  	[sflag:s20] =	ssyncadd.s32 $0xFFFFEC00  }
0x93: {  	_ =	swait.ge [sflag:s29], $0x1400  }
0x94: {  	[sflag:s29] =	ssyncset.done $0x0  }
0x95: {  	s18 =	simm.s32 $0xA0;
	[sflag:s29] =	ssyncadd.s32 $0xFFFFEC00  }
0x96: {  	[tilespmem:s24], [sflag:$0x1] =	stream.indirect.gather [hbm4b:s5+s23], $0x40, s18, s23, $0xb8;
	[tilespmem:$0x17800] =	vst v63  }
0x97: {  	s19 =	simm.s32 $0x2850  }
0x98: {  	[spmem:s3] =	stream.indirect.scatter.add.f32 [tilespmem:s28], [sflag:$0x3], $0x40, s19, s23, $0xb8;
	[tilespmem:$0x17800] =	vst v63  }
0x99: {  	_ =	swait.ge [sflag:s20], $0x1400  }
0x9a: {  	s9 =	simm.s32 $0x280;
	[sflag:s20] =	ssyncset.done $0x0  }
.LBB2_14:
0x9b: {  	p0 =	sne.s32 s9, $0x9B00  }
0x9c: {  	[sflag:s20] =	ssyncadd.s32 $0xFFFFEC00;
	s10 =	smov.u32 s9;
	s9 =	sadd.s32 $0x280, s9  }
0x9d: {  	_ = 	snop  }
0x9e: {  	_ =	swait.ge [sflag:s26], $0x1400  }
0x9f: {  	s10 =	sshra.s32 s10, $0x2;
	[sflag:s26] =	ssyncset.done $0x0  }
0xa0: {  	s15 =	sadd.s32 $0x50, s10;
	[sflag:s26] =	ssyncadd.s32 $0xFFFFEC00  }
0xa1: {  	[tilespmem:s28], [sflag:$0x2] =	stream.indirect.gather [hbm4b:s5+s23], $0x40, s15, s23, $0xb8;
	[tilespmem:$0x17800] =	vst v63  }
0xa2: {  	s15 =	sadd.s32 $0x2800, s10  }
0xa3: {  	[spmem:s3] =	stream.indirect.scatter.add.f32 [tilespmem:s24], [sflag:$0x3], $0x40, s15, s23, $0xb8;
	[tilespmem:$0x17800] =	vst v63  }
0xa4: {  	_ =	swait.ge [sflag:s20], $0x1400  }
0xa5: {  	[sflag:s20] =	ssyncset.done $0x0  }
0xa6: {  	[sflag:s20] =	ssyncadd.s32 $0xFFFFEC00  }
0xa7: {  	_ =	swait.ge [sflag:s29], $0x1400  }
0xa8: {  	[sflag:s29] =	ssyncset.done $0x0  }
0xa9: {  	s15 =	sadd.s32 $0xA0, s10;
	[sflag:s29] =	ssyncadd.s32 $0xFFFFEC00  }
0xaa: {  	[tilespmem:s24], [sflag:$0x1] =	stream.indirect.gather [hbm4b:s5+s23], $0x40, s15, s23, $0xb8;
	[tilespmem:$0x17800] =	vst v63  }
.Ltmp6:
0xab: {  	_ = 	snop;
	(pc) =	sbr.rel @p0 .LBB2_14-.Ltmp6, $4  }
0xac: {  	s10 =	sadd.s32 $0x2850, s10  }
0xad: {  	[spmem:s3] =	stream.indirect.scatter.add.f32 [tilespmem:s28], [sflag:$0x3], $0x40, s10, s23, $0xb8;
	[tilespmem:$0x17800] =	vst v63  }
0xae: {  	_ =	swait.ge [sflag:s20], $0x1400  }
0xaf: {  	[sflag:s20] =	ssyncset.done $0x0  }
0xb0: {  	[sflag:s20] =	ssyncadd.s32 $0xFFFFEC00  }
0xb1: {  	_ =	swait.ge [sflag:s26], $0x1400  }
0xb2: {  	[sflag:s26] =	ssyncset.done $0x0  }
0xb3: {  	[sflag:s26] =	ssyncadd.s32 $0xFFFFEC00  }
0xb4: {  	[tilespmem:s28], [sflag:$0x2] =	stream.indirect.gather [hbm4b:s5+s23], $0x40, s30, s23, $0xb8;
	[tilespmem:$0x17800] =	vst v63  }
0xb5: {  	_ = 	snop  }
0xb6: {  	[spmem:s3] =	stream.indirect.scatter.add.f32 [tilespmem:s24], [sflag:$0x3], $0x40, s31, s23, $0xb8;
	[tilespmem:$0x17800] =	vst v63  }
0xb7: {  	_ =	swait.ge [sflag:s20], $0x1400  }
0xb8: {  	[sflag:s20] =	ssyncset.done $0x0  }
0xb9: {  	[sflag:s20] =	ssyncadd.s32 $0xFFFFEC00  }
0xba: {  	_ =	swait.ge [sflag:s29], $0x1400  }
0xbb: {  	[sflag:s29] =	ssyncset.done $0x0  }
0xbc: {  	[sflag:s29] =	ssyncadd.s32 $0xFFFFEC00  }
0xbd: {  	[spmem:s3] =	stream.indirect.scatter.add.f32 [tilespmem:s28], [sflag:$0x3], $0x40, s0, s23, $0xb8;
	[tilespmem:$0x17800] =	vst v63  }
0xbe: {  	_ =	swait.ge [sflag:s20], $0x1400  }
0xbf: {  	[sflag:s20] =	ssyncset.done $0x0  }
0xc0: {  	[sflag:s20] =	ssyncadd.s32 $0xFFFFEC00  }
0xc1: {  	s9 =	simm.s32 $0x0;
	s10 =	simm.s32 $0x0;
	[bflag:$0x0] =	sbarrier.arrive $0xFFFF  }
.LBB2_16:
0xc2: {  	s16 =	sshll.u32 s10, $0x7  }
0xc3: {  	s17 =	sadd.s32 s6, s16  }
0xc4: {  	s15 =	sshll.u32 s17, $0x6  }
0xc5: {  	s15 =	sand.u32 $0x3FFFFFC0, s15  }
0xc6: {  	s15 =	sadd.s32 s15, s3  }
0xc7: {  	[tilespmem:s25], [sflag:$0x3] =	stream.linear.gather [spmem:s15], $0x2000, $0x38;
	[tilespmem:$0x17800] =	vst v63  }
0xc8: {  	_ =	swait.ge [sflag:s20], $0x2000  }
0xc9: {  	s17 =	sshll.u32 s17, $0x3;
	[sflag:s20] =	ssyncset.done $0x0  }
0xca: {  	s17 =	sadd.s32 s2, s17;
	[sflag:s20] =	ssyncadd.s32 $0xFFFFE000  }
0xcb: {  	[tilespmem:s1], [sflag:$0x3] =	stream.linear.gather [hbm4b:s17+s9], $0x2000, $0x38;
	[tilespmem:$0x17800] =	vst v63  }
0xcc: {  	_ =	swait.ge [sflag:s20], $0x2000  }
0xcd: {  	[sflag:s20] =	ssyncset.done $0x0  }
0xce: {  	s17 =	simm.s32 $0x0;
	[sflag:s20] =	ssyncadd.s32 $0xFFFFE000  }
0xcf: {  	v8 =	vld [tilespmem:s17+$0x9800]  }
0xd0: {  	v9 =	vld [tilespmem:s17+$0x9810]  }
0xd1: {  	v4 =	vld [tilespmem:s17+$0x9820]  }
0xd2: {  	v3 =	vld [tilespmem:s17+$0x9830]  }
0xd3: {  	v5 =	vld [tilespmem:s17+$0x7800]  }
0xd4: {  	v7 =	vld [tilespmem:s17+$0x7810]  }
0xd5: {  	s18 =	simm.s32 $0x100;
	v6 =	vld [tilespmem:s17+$0x7820]  }
.LBB2_17:
0xd6: {  	s19 =	sshra.s32 s18, $0x2;
	p0 =	sne.s32 s18, $0x7F00;
	v10 =	vld [tilespmem:s17+$0x7830];
	v11 =	vmov v4  }
0xd7: {  	v12 =	vld [tilespmem:s19+$0x9800];
	v13 =	vmov v3  }
0xd8: {  	v14 =	vld [tilespmem:s19+$0x9810];
	v5 =	vmul.f32 v8, v5  }
.Ltmp7:
0xd9: {  	v4 =	vld [tilespmem:s19+$0x9820];
	v7 =	vmul.f32 v9, v7;
	(pc) =	sbr.rel @p0 .LBB2_17-.Ltmp7, $4  }
0xda: {  	v3 =	vld [tilespmem:s19+$0x9830];
	[tilespmem:s17+$0x7800] =	vst v5;
	v6 =	vmul.f32 v11, v6  }
0xdb: {  	v5 =	vld [tilespmem:s19+$0x7800];
	[tilespmem:s17+$0x7810] =	vst v7;
	v10 =	vmul.f32 v13, v10  }
0xdc: {  	v7 =	vld [tilespmem:s19+$0x7810];
	[tilespmem:s17+$0x7820] =	vst v6;
	v8 =	vmov v12  }
0xdd: {  	s18 =	sadd.s32 $0x100, s18;
	v6 =	vld [tilespmem:s19+$0x7820];
	[tilespmem:s17+$0x7830] =	vst v10;
	v9 =	vmov v14;
	s17 =	smov.u32 s19  }
0xde: {  	v10 =	vld [tilespmem:s17+$0x7830];
	_ =	sdelay $0x1  }
0xdf: {  	v5 =	vmul.f32 v8, v5  }
0xe0: {  	v7 =	vmul.f32 v9, v7  }
0xe1: {  	[tilespmem:s17+$0x7800] =	vst v5;
	v4 =	vmul.f32 v4, v6  }
0xe2: {  	s16 =	sadd.s32 s16, s12;
	[tilespmem:s17+$0x7810] =	vst v7;
	v3 =	vmul.f32 v3, v10  }
0xe3: {  	s16 =	sshll.u32 s16, $0x3;
	[tilespmem:s17+$0x7820] =	vst v4  }
0xe4: {  	s16 =	sadd.s32 s7, s16;
	[tilespmem:s17+$0x7830] =	vst v3  }
0xe5: {  	[hbm4b:s16+s4] =	stream.linear.scatter [tilespmem:s25], [sflag:$0x3], $0x2000, $0x38;
	[tilespmem:$0x17800] =	vst v63  }
0xe6: {  	s10 =	sadd.s32 $0x1, s10;
	_ =	swait.ge [sflag:s20], $0x2000  }
0xe7: {  	p0 =	sne.s32 s10, $0x5;
	[sflag:s20] =	ssyncset.done $0x0  }
.Ltmp8:
0xe8: {  	[sflag:s20] =	ssyncadd.s32 $0xFFFFE000;
	(pc) =	sbr.rel @p0 .LBB2_16-.Ltmp8, $4  }
0xe9: {  	[spmem:s15] =	stream.linear.scatter [tilespmem:s22], [sflag:$0x3], $0x2000, $0x38;
	[tilespmem:$0x17800] =	vst v63  }
0xea: {  	_ =	swait.ge [sflag:s20], $0x2000  }
0xeb: {  	[sflag:s20] =	ssyncset.done $0x0  }
0xec: {  	[sflag:s20] =	ssyncadd.s32 $0xFFFFE000  }
0xed: {  	[bflag:$0x0] =	sbarrier.arrive $0xFFFF;
	s9 =	simm.s32 $0x0  }
0xee: {  	[tilespmem:s24], [sflag:$0x1] =	stream.indirect.gather [hbm4b:s7+s23], $0x40, s9, s23, $0xb8;
	[tilespmem:$0x17800] =	vst v63  }
0xef: {  	_ =	swait.ge [sflag:s26], $0x1400  }
0xf0: {  	[sflag:s26] =	ssyncset.done $0x0  }
0xf1: {  	s16 =	simm.s32 $0x50;
	[sflag:s26] =	ssyncadd.s32 $0xFFFFEC00  }
0xf2: {  	[tilespmem:s28], [sflag:$0x2] =	stream.indirect.gather [hbm4b:s7+s23], $0x40, s16, s23, $0xb8;
	[tilespmem:$0x17800] =	vst v63  }
0xf3: {  	s17 =	simm.s32 $0x2800  }
0xf4: {  	[spmem:s3] =	stream.indirect.scatter.add.f32 [tilespmem:s24], [sflag:$0x3], $0x40, s17, s23, $0xb8;
	[tilespmem:$0x17800] =	vst v63  }
0xf5: {  	_ =	swait.ge [sflag:s20], $0x1400  }
0xf6: {  	[sflag:s20] =	ssyncset.done $0x0  }
0xf7: {  	[sflag:s20] =	ssyncadd.s32 $0xFFFFEC00  }
0xf8: {  	_ =	swait.ge [sflag:s29], $0x1400  }
0xf9: {  	[sflag:s29] =	ssyncset.done $0x0  }
0xfa: {  	s18 =	simm.s32 $0xA0;
	[sflag:s29] =	ssyncadd.s32 $0xFFFFEC00  }
0xfb: {  	[tilespmem:s24], [sflag:$0x1] =	stream.indirect.gather [hbm4b:s7+s23], $0x40, s18, s23, $0xb8;
	[tilespmem:$0x17800] =	vst v63  }
0xfc: {  	s19 =	simm.s32 $0x2850  }
0xfd: {  	[spmem:s3] =	stream.indirect.scatter.add.f32 [tilespmem:s28], [sflag:$0x3], $0x40, s19, s23, $0xb8;
	[tilespmem:$0x17800] =	vst v63  }
0xfe: {  	_ =	swait.ge [sflag:s20], $0x1400  }
0xff: {  	s9 =	simm.s32 $0x280;
	[sflag:s20] =	ssyncset.done $0x0  }
.LBB2_20:
0x100: {  	p0 =	sne.s32 s9, $0x9B00  }
0x101: {  	[sflag:s20] =	ssyncadd.s32 $0xFFFFEC00;
	s10 =	smov.u32 s9;
	s9 =	sadd.s32 $0x280, s9  }
0x102: {  	_ = 	snop  }
0x103: {  	_ =	swait.ge [sflag:s26], $0x1400  }
0x104: {  	s10 =	sshra.s32 s10, $0x2;
	[sflag:s26] =	ssyncset.done $0x0  }
0x105: {  	s15 =	sadd.s32 $0x50, s10;
	[sflag:s26] =	ssyncadd.s32 $0xFFFFEC00  }
0x106: {  	[tilespmem:s28], [sflag:$0x2] =	stream.indirect.gather [hbm4b:s7+s23], $0x40, s15, s23, $0xb8;
	[tilespmem:$0x17800] =	vst v63  }
0x107: {  	s15 =	sadd.s32 $0x2800, s10  }
0x108: {  	[spmem:s3] =	stream.indirect.scatter.add.f32 [tilespmem:s24], [sflag:$0x3], $0x40, s15, s23, $0xb8;
	[tilespmem:$0x17800] =	vst v63  }
0x109: {  	_ =	swait.ge [sflag:s20], $0x1400  }
0x10a: {  	[sflag:s20] =	ssyncset.done $0x0  }
0x10b: {  	[sflag:s20] =	ssyncadd.s32 $0xFFFFEC00  }
0x10c: {  	_ =	swait.ge [sflag:s29], $0x1400  }
0x10d: {  	[sflag:s29] =	ssyncset.done $0x0  }
0x10e: {  	s15 =	sadd.s32 $0xA0, s10;
	[sflag:s29] =	ssyncadd.s32 $0xFFFFEC00  }
0x10f: {  	[tilespmem:s24], [sflag:$0x1] =	stream.indirect.gather [hbm4b:s7+s23], $0x40, s15, s23, $0xb8;
	[tilespmem:$0x17800] =	vst v63  }
.Ltmp9:
0x110: {  	_ = 	snop;
	(pc) =	sbr.rel @p0 .LBB2_20-.Ltmp9, $4  }
0x111: {  	s10 =	sadd.s32 $0x2850, s10  }
0x112: {  	[spmem:s3] =	stream.indirect.scatter.add.f32 [tilespmem:s28], [sflag:$0x3], $0x40, s10, s23, $0xb8;
	[tilespmem:$0x17800] =	vst v63  }
0x113: {  	_ =	swait.ge [sflag:s20], $0x1400  }
0x114: {  	[sflag:s20] =	ssyncset.done $0x0  }
0x115: {  	[sflag:s20] =	ssyncadd.s32 $0xFFFFEC00  }
0x116: {  	_ =	swait.ge [sflag:s26], $0x1400  }
0x117: {  	[sflag:s26] =	ssyncset.done $0x0  }
0x118: {  	[sflag:s26] =	ssyncadd.s32 $0xFFFFEC00  }
0x119: {  	[tilespmem:s28], [sflag:$0x2] =	stream.indirect.gather [hbm4b:s7+s23], $0x40, s30, s23, $0xb8;
	[tilespmem:$0x17800] =	vst v63  }
0x11a: {  	_ = 	snop  }
0x11b: {  	[spmem:s3] =	stream.indirect.scatter.add.f32 [tilespmem:s24], [sflag:$0x3], $0x40, s31, s23, $0xb8;
	[tilespmem:$0x17800] =	vst v63  }
0x11c: {  	_ =	swait.ge [sflag:s20], $0x1400  }
0x11d: {  	[sflag:s20] =	ssyncset.done $0x0  }
0x11e: {  	[sflag:s20] =	ssyncadd.s32 $0xFFFFEC00  }
0x11f: {  	_ =	swait.ge [sflag:s29], $0x1400  }
0x120: {  	[sflag:s29] =	ssyncset.done $0x0  }
0x121: {  	[sflag:s29] =	ssyncadd.s32 $0xFFFFEC00  }
0x122: {  	[spmem:s3] =	stream.indirect.scatter.add.f32 [tilespmem:s28], [sflag:$0x3], $0x40, s0, s23, $0xb8;
	[tilespmem:$0x17800] =	vst v63  }
0x123: {  	_ =	swait.ge [sflag:s20], $0x1400  }
0x124: {  	[sflag:s20] =	ssyncset.done $0x0  }
0x125: {  	[sflag:s20] =	ssyncadd.s32 $0xFFFFEC00  }
0x126: {  	s9 =	simm.s32 $0x0;
	s10 =	simm.s32 $0x0;
	[bflag:$0x0] =	sbarrier.arrive $0xFFFF  }
.LBB2_22:
0x127: {  	s16 =	sshll.u32 s10, $0x7  }
0x128: {  	s17 =	sadd.s32 s6, s16  }
0x129: {  	s15 =	sshll.u32 s17, $0x6  }
0x12a: {  	s15 =	sand.u32 $0x3FFFFFC0, s15  }
0x12b: {  	s15 =	sadd.s32 s15, s3  }
0x12c: {  	[tilespmem:s25], [sflag:$0x3] =	stream.linear.gather [spmem:s15], $0x2000, $0x38;
	[tilespmem:$0x17800] =	vst v63  }
0x12d: {  	_ =	swait.ge [sflag:s20], $0x2000  }
0x12e: {  	s17 =	sshll.u32 s17, $0x3;
	[sflag:s20] =	ssyncset.done $0x0  }
0x12f: {  	s17 =	sadd.s32 s2, s17;
	[sflag:s20] =	ssyncadd.s32 $0xFFFFE000  }
0x130: {  	[tilespmem:s1], [sflag:$0x3] =	stream.linear.gather [hbm4b:s17+s9], $0x2000, $0x38;
	[tilespmem:$0x17800] =	vst v63  }
0x131: {  	_ =	swait.ge [sflag:s20], $0x2000  }
0x132: {  	[sflag:s20] =	ssyncset.done $0x0  }
0x133: {  	s17 =	simm.s32 $0x0;
	[sflag:s20] =	ssyncadd.s32 $0xFFFFE000  }
0x134: {  	v8 =	vld [tilespmem:s17+$0x9800]  }
0x135: {  	v9 =	vld [tilespmem:s17+$0x9810]  }
0x136: {  	v4 =	vld [tilespmem:s17+$0x9820]  }
0x137: {  	v3 =	vld [tilespmem:s17+$0x9830]  }
0x138: {  	v5 =	vld [tilespmem:s17+$0x7800]  }
0x139: {  	v7 =	vld [tilespmem:s17+$0x7810]  }
0x13a: {  	s18 =	simm.s32 $0x100;
	v6 =	vld [tilespmem:s17+$0x7820]  }
.LBB2_23:
0x13b: {  	s19 =	sshra.s32 s18, $0x2;
	p0 =	sne.s32 s18, $0x7F00;
	v10 =	vld [tilespmem:s17+$0x7830];
	v11 =	vmov v4  }
0x13c: {  	v12 =	vld [tilespmem:s19+$0x9800];
	v13 =	vmov v3  }
0x13d: {  	v14 =	vld [tilespmem:s19+$0x9810];
	v5 =	vmul.f32 v8, v5  }
.Ltmp10:
0x13e: {  	v4 =	vld [tilespmem:s19+$0x9820];
	v7 =	vmul.f32 v9, v7;
	(pc) =	sbr.rel @p0 .LBB2_23-.Ltmp10, $4  }
0x13f: {  	v3 =	vld [tilespmem:s19+$0x9830];
	[tilespmem:s17+$0x7800] =	vst v5;
	v6 =	vmul.f32 v11, v6  }
0x140: {  	v5 =	vld [tilespmem:s19+$0x7800];
	[tilespmem:s17+$0x7810] =	vst v7;
	v10 =	vmul.f32 v13, v10  }
0x141: {  	v7 =	vld [tilespmem:s19+$0x7810];
	[tilespmem:s17+$0x7820] =	vst v6;
	v8 =	vmov v12  }
0x142: {  	s18 =	sadd.s32 $0x100, s18;
	v6 =	vld [tilespmem:s19+$0x7820];
	[tilespmem:s17+$0x7830] =	vst v10;
	v9 =	vmov v14;
	s17 =	smov.u32 s19  }
0x143: {  	v10 =	vld [tilespmem:s17+$0x7830];
	_ =	sdelay $0x1  }
0x144: {  	v5 =	vmul.f32 v8, v5  }
0x145: {  	v7 =	vmul.f32 v9, v7  }
0x146: {  	[tilespmem:s17+$0x7800] =	vst v5;
	v4 =	vmul.f32 v4, v6  }
0x147: {  	s16 =	sadd.s32 s16, s12;
	[tilespmem:s17+$0x7810] =	vst v7;
	v3 =	vmul.f32 v3, v10  }
0x148: {  	s16 =	sshll.u32 s16, $0x3;
	[tilespmem:s17+$0x7820] =	vst v4  }
0x149: {  	s16 =	sadd.s32 s8, s16;
	[tilespmem:s17+$0x7830] =	vst v3  }
0x14a: {  	[hbm4b:s16+s4] =	stream.linear.scatter [tilespmem:s25], [sflag:$0x3], $0x2000, $0x38;
	[tilespmem:$0x17800] =	vst v63  }
0x14b: {  	s10 =	sadd.s32 $0x1, s10;
	_ =	swait.ge [sflag:s20], $0x2000  }
0x14c: {  	p0 =	sne.s32 s10, $0x5;
	[sflag:s20] =	ssyncset.done $0x0  }
.Ltmp11:
0x14d: {  	[sflag:s20] =	ssyncadd.s32 $0xFFFFE000;
	(pc) =	sbr.rel @p0 .LBB2_22-.Ltmp11, $4  }
0x14e: {  	[spmem:s15] =	stream.linear.scatter [tilespmem:s22], [sflag:$0x3], $0x2000, $0x38;
	[tilespmem:$0x17800] =	vst v63  }
0x14f: {  	_ =	swait.ge [sflag:s20], $0x2000  }
0x150: {  	[sflag:s20] =	ssyncset.done $0x0  }
0x151: {  	[sflag:s20] =	ssyncadd.s32 $0xFFFFE000  }
0x152: {  	[bflag:$0x0] =	sbarrier.arrive $0xFFFF;
	s9 =	simm.s32 $0x0  }
0x153: {  	v6 =	vld [tilespmem:s9+$0x0]  }
0x154: {  	v5 =	vld [tilespmem:s9+$0x10]  }
0x155: {  	v4 =	vld [tilespmem:s9+$0x20]  }
0x156: {  	s10 =	simm.s32 $0x140;
	v3 =	vld [tilespmem:s9+$0x30]  }
.LBB2_26:
0x157: {  	p0 =	sne.s32 s10, $0x9EC0;
	v7 =	vld [tilespmem:s9+$0x40]  }
0x158: {  	v6 =	vadd.s32 $0x2800, v6  }
.Ltmp12:
0x159: {  	s15 =	sshra.s32 s10, $0x2;
	[tilespmem:s9+$0x0] =	vst v6;
	v5 =	vadd.s32 $0x2800, v5;
	(pc) =	sbr.rel @p0 .LBB2_26-.Ltmp12, $4  }
0x15a: {  	v6 =	vld [tilespmem:s15+$0x0];
	[tilespmem:s9+$0x10] =	vst v5;
	v4 =	vadd.s32 $0x2800, v4  }
0x15b: {  	v5 =	vld [tilespmem:s15+$0x10];
	[tilespmem:s9+$0x20] =	vst v4;
	v3 =	vadd.s32 $0x2800, v3  }
0x15c: {  	v4 =	vld [tilespmem:s15+$0x20];
	[tilespmem:s9+$0x30] =	vst v3;
	v7 =	vadd.s32 $0x2800, v7  }
0x15d: {  	s10 =	sadd.s32 $0x140, s10;
	v3 =	vld [tilespmem:s15+$0x30];
	[tilespmem:s9+$0x40] =	vst v7;
	s9 =	smov.u32 s15  }
0x15e: {  	v7 =	vld [tilespmem:s9+$0x40]  }
0x15f: {  	v6 =	vadd.s32 $0x2800, v6  }
0x160: {  	[tilespmem:s9+$0x0] =	vst v6;
	v5 =	vadd.s32 $0x2800, v5  }
0x161: {  	[tilespmem:s9+$0x10] =	vst v5;
	v4 =	vadd.s32 $0x2800, v4  }
0x162: {  	[tilespmem:s9+$0x20] =	vst v4;
	v3 =	vadd.s32 $0x2800, v3  }
0x163: {  	[tilespmem:s9+$0x30] =	vst v3;
	v3 =	vadd.s32 $0x2800, v7  }
0x164: {  	s15 =	simm.s32 $0x0;
	[tilespmem:s9+$0x40] =	vst v3  }
0x165: {  	[tilespmem:s24], [sflag:$0x1] =	stream.indirect.gather [hbm4b:s5+s23], $0x40, s15, s23, $0xb8;
	[tilespmem:$0x17800] =	vst v63  }
0x166: {  	_ =	swait.ge [sflag:s26], $0x1400  }
0x167: {  	[sflag:s26] =	ssyncset.done $0x0  }
0x168: {  	s16 =	simm.s32 $0x50;
	[sflag:s26] =	ssyncadd.s32 $0xFFFFEC00  }
0x169: {  	[tilespmem:s28], [sflag:$0x2] =	stream.indirect.gather [hbm4b:s5+s23], $0x40, s16, s23, $0xb8;
	[tilespmem:$0x17800] =	vst v63  }
0x16a: {  	s17 =	simm.s32 $0x2800  }
0x16b: {  	[spmem:s3] =	stream.indirect.scatter.add.f32 [tilespmem:s24], [sflag:$0x3], $0x40, s17, s23, $0xb8;
	[tilespmem:$0x17800] =	vst v63  }
0x16c: {  	_ =	swait.ge [sflag:s20], $0x1400  }
0x16d: {  	[sflag:s20] =	ssyncset.done $0x0  }
0x16e: {  	[sflag:s20] =	ssyncadd.s32 $0xFFFFEC00  }
0x16f: {  	_ =	swait.ge [sflag:s29], $0x1400  }
0x170: {  	[sflag:s29] =	ssyncset.done $0x0  }
0x171: {  	s18 =	simm.s32 $0xA0;
	[sflag:s29] =	ssyncadd.s32 $0xFFFFEC00  }
0x172: {  	[tilespmem:s24], [sflag:$0x1] =	stream.indirect.gather [hbm4b:s5+s23], $0x40, s18, s23, $0xb8;
	[tilespmem:$0x17800] =	vst v63  }
0x173: {  	s19 =	simm.s32 $0x2850  }
0x174: {  	[spmem:s3] =	stream.indirect.scatter.add.f32 [tilespmem:s28], [sflag:$0x3], $0x40, s19, s23, $0xb8;
	[tilespmem:$0x17800] =	vst v63  }
0x175: {  	_ =	swait.ge [sflag:s20], $0x1400  }
0x176: {  	s9 =	simm.s32 $0x280;
	[sflag:s20] =	ssyncset.done $0x0  }
.LBB2_28:
0x177: {  	p0 =	sne.s32 s9, $0x9B00  }
0x178: {  	[sflag:s20] =	ssyncadd.s32 $0xFFFFEC00;
	s10 =	smov.u32 s9;
	s9 =	sadd.s32 $0x280, s9  }
0x179: {  	_ = 	snop  }
0x17a: {  	_ =	swait.ge [sflag:s26], $0x1400  }
0x17b: {  	s10 =	sshra.s32 s10, $0x2;
	[sflag:s26] =	ssyncset.done $0x0  }
0x17c: {  	s15 =	sadd.s32 $0x50, s10;
	[sflag:s26] =	ssyncadd.s32 $0xFFFFEC00  }
0x17d: {  	[tilespmem:s28], [sflag:$0x2] =	stream.indirect.gather [hbm4b:s5+s23], $0x40, s15, s23, $0xb8;
	[tilespmem:$0x17800] =	vst v63  }
0x17e: {  	s15 =	sadd.s32 $0x2800, s10  }
0x17f: {  	[spmem:s3] =	stream.indirect.scatter.add.f32 [tilespmem:s24], [sflag:$0x3], $0x40, s15, s23, $0xb8;
	[tilespmem:$0x17800] =	vst v63  }
0x180: {  	_ =	swait.ge [sflag:s20], $0x1400  }
0x181: {  	[sflag:s20] =	ssyncset.done $0x0  }
0x182: {  	[sflag:s20] =	ssyncadd.s32 $0xFFFFEC00  }
0x183: {  	_ =	swait.ge [sflag:s29], $0x1400  }
0x184: {  	[sflag:s29] =	ssyncset.done $0x0  }
0x185: {  	s15 =	sadd.s32 $0xA0, s10;
	[sflag:s29] =	ssyncadd.s32 $0xFFFFEC00  }
0x186: {  	[tilespmem:s24], [sflag:$0x1] =	stream.indirect.gather [hbm4b:s5+s23], $0x40, s15, s23, $0xb8;
	[tilespmem:$0x17800] =	vst v63  }
.Ltmp13:
0x187: {  	_ = 	snop;
	(pc) =	sbr.rel @p0 .LBB2_28-.Ltmp13, $4  }
0x188: {  	s10 =	sadd.s32 $0x2850, s10  }
0x189: {  	[spmem:s3] =	stream.indirect.scatter.add.f32 [tilespmem:s28], [sflag:$0x3], $0x40, s10, s23, $0xb8;
	[tilespmem:$0x17800] =	vst v63  }
0x18a: {  	_ =	swait.ge [sflag:s20], $0x1400  }
0x18b: {  	[sflag:s20] =	ssyncset.done $0x0  }
0x18c: {  	[sflag:s20] =	ssyncadd.s32 $0xFFFFEC00  }
0x18d: {  	_ =	swait.ge [sflag:s26], $0x1400  }
0x18e: {  	[sflag:s26] =	ssyncset.done $0x0  }
0x18f: {  	[sflag:s26] =	ssyncadd.s32 $0xFFFFEC00  }
0x190: {  	[tilespmem:s28], [sflag:$0x2] =	stream.indirect.gather [hbm4b:s5+s23], $0x40, s30, s23, $0xb8;
	[tilespmem:$0x17800] =	vst v63  }
0x191: {  	_ = 	snop  }
0x192: {  	[spmem:s3] =	stream.indirect.scatter.add.f32 [tilespmem:s24], [sflag:$0x3], $0x40, s31, s23, $0xb8;
	[tilespmem:$0x17800] =	vst v63  }
0x193: {  	_ =	swait.ge [sflag:s20], $0x1400  }
0x194: {  	[sflag:s20] =	ssyncset.done $0x0  }
0x195: {  	[sflag:s20] =	ssyncadd.s32 $0xFFFFEC00  }
0x196: {  	_ =	swait.ge [sflag:s29], $0x1400  }
0x197: {  	[sflag:s29] =	ssyncset.done $0x0  }
0x198: {  	[sflag:s29] =	ssyncadd.s32 $0xFFFFEC00  }
0x199: {  	[spmem:s3] =	stream.indirect.scatter.add.f32 [tilespmem:s28], [sflag:$0x3], $0x40, s0, s23, $0xb8;
	[tilespmem:$0x17800] =	vst v63  }
0x19a: {  	_ =	swait.ge [sflag:s20], $0x1400  }
0x19b: {  	[sflag:s20] =	ssyncset.done $0x0  }
0x19c: {  	[sflag:s20] =	ssyncadd.s32 $0xFFFFEC00  }
0x19d: {  	s9 =	simm.s32 $0x0;
	s10 =	simm.s32 $0x0;
	[bflag:$0x0] =	sbarrier.arrive $0xFFFF  }
.LBB2_30:
0x19e: {  	s16 =	sshll.u32 s10, $0x7  }
0x19f: {  	s17 =	sadd.s32 s6, s16  }
0x1a0: {  	s15 =	sshll.u32 s17, $0x6  }
0x1a1: {  	s15 =	sand.u32 $0x3FFFFFC0, s15  }
0x1a2: {  	s15 =	sadd.s32 s15, s3  }
0x1a3: {  	[tilespmem:s25], [sflag:$0x3] =	stream.linear.gather [spmem:s15], $0x2000, $0x38;
	[tilespmem:$0x17800] =	vst v63  }
0x1a4: {  	_ =	swait.ge [sflag:s20], $0x2000  }
0x1a5: {  	s17 =	sshll.u32 s17, $0x3;
	[sflag:s20] =	ssyncset.done $0x0  }
0x1a6: {  	s17 =	sadd.s32 s2, s17;
	[sflag:s20] =	ssyncadd.s32 $0xFFFFE000  }
0x1a7: {  	[tilespmem:s1], [sflag:$0x3] =	stream.linear.gather [hbm4b:s17+s9], $0x2000, $0x38;
	[tilespmem:$0x17800] =	vst v63  }
0x1a8: {  	_ =	swait.ge [sflag:s20], $0x2000  }
0x1a9: {  	[sflag:s20] =	ssyncset.done $0x0  }
0x1aa: {  	s17 =	simm.s32 $0x0;
	[sflag:s20] =	ssyncadd.s32 $0xFFFFE000  }
0x1ab: {  	v8 =	vld [tilespmem:s17+$0x9800]  }
0x1ac: {  	v9 =	vld [tilespmem:s17+$0x9810]  }
0x1ad: {  	v4 =	vld [tilespmem:s17+$0x9820]  }
0x1ae: {  	v3 =	vld [tilespmem:s17+$0x9830]  }
0x1af: {  	v5 =	vld [tilespmem:s17+$0x7800]  }
0x1b0: {  	v7 =	vld [tilespmem:s17+$0x7810]  }
0x1b1: {  	s18 =	simm.s32 $0x100;
	v6 =	vld [tilespmem:s17+$0x7820]  }
.LBB2_31:
0x1b2: {  	s19 =	sshra.s32 s18, $0x2;
	p0 =	sne.s32 s18, $0x7F00;
	v10 =	vld [tilespmem:s17+$0x7830];
	v11 =	vmov v4  }
0x1b3: {  	v12 =	vld [tilespmem:s19+$0x9800];
	v13 =	vmov v3  }
0x1b4: {  	v14 =	vld [tilespmem:s19+$0x9810];
	v5 =	vmul.f32 v8, v5  }
.Ltmp14:
0x1b5: {  	v4 =	vld [tilespmem:s19+$0x9820];
	v7 =	vmul.f32 v9, v7;
	(pc) =	sbr.rel @p0 .LBB2_31-.Ltmp14, $4  }
0x1b6: {  	v3 =	vld [tilespmem:s19+$0x9830];
	[tilespmem:s17+$0x7800] =	vst v5;
	v6 =	vmul.f32 v11, v6  }
0x1b7: {  	v5 =	vld [tilespmem:s19+$0x7800];
	[tilespmem:s17+$0x7810] =	vst v7;
	v10 =	vmul.f32 v13, v10  }
0x1b8: {  	v7 =	vld [tilespmem:s19+$0x7810];
	[tilespmem:s17+$0x7820] =	vst v6;
	v8 =	vmov v12  }
0x1b9: {  	s18 =	sadd.s32 $0x100, s18;
	v6 =	vld [tilespmem:s19+$0x7820];
	[tilespmem:s17+$0x7830] =	vst v10;
	v9 =	vmov v14;
	s17 =	smov.u32 s19  }
0x1ba: {  	v10 =	vld [tilespmem:s17+$0x7830];
	_ =	sdelay $0x1  }
0x1bb: {  	v5 =	vmul.f32 v8, v5  }
0x1bc: {  	v7 =	vmul.f32 v9, v7  }
0x1bd: {  	s16 =	sadd.s32 s16, s14;
	[tilespmem:s17+$0x7800] =	vst v5;
	v4 =	vmul.f32 v4, v6  }
0x1be: {  	s16 =	sshll.u32 s16, $0x3;
	[tilespmem:s17+$0x7810] =	vst v7;
	v3 =	vmul.f32 v3, v10  }
0x1bf: {  	s16 =	sand.u32 $0x1FFFFC00, s16;
	[tilespmem:s17+$0x7820] =	vst v4  }
0x1c0: {  	s16 =	sadd.s32 s7, s16;
	[tilespmem:s17+$0x7830] =	vst v3  }
0x1c1: {  	[hbm4b:s16+s4] =	stream.linear.scatter [tilespmem:s25], [sflag:$0x3], $0x2000, $0x38;
	[tilespmem:$0x17800] =	vst v63  }
0x1c2: {  	s10 =	sadd.s32 $0x1, s10;
	_ =	swait.ge [sflag:s20], $0x2000  }
0x1c3: {  	p0 =	sne.s32 s10, $0x5;
	[sflag:s20] =	ssyncset.done $0x0  }
.Ltmp15:
0x1c4: {  	[sflag:s20] =	ssyncadd.s32 $0xFFFFE000;
	(pc) =	sbr.rel @p0 .LBB2_30-.Ltmp15, $4  }
0x1c5: {  	[spmem:s15] =	stream.linear.scatter [tilespmem:s22], [sflag:$0x3], $0x2000, $0x38;
	[tilespmem:$0x17800] =	vst v63  }
0x1c6: {  	_ =	swait.ge [sflag:s20], $0x2000  }
0x1c7: {  	[sflag:s20] =	ssyncset.done $0x0  }
0x1c8: {  	[sflag:s20] =	ssyncadd.s32 $0xFFFFE000  }
0x1c9: {  	[bflag:$0x0] =	sbarrier.arrive $0xFFFF;
	s9 =	simm.s32 $0x0  }
0x1ca: {  	[tilespmem:s24], [sflag:$0x1] =	stream.indirect.gather [hbm4b:s7+s23], $0x40, s9, s23, $0xb8;
	[tilespmem:$0x17800] =	vst v63  }
0x1cb: {  	_ =	swait.ge [sflag:s26], $0x1400  }
0x1cc: {  	[sflag:s26] =	ssyncset.done $0x0  }
0x1cd: {  	s16 =	simm.s32 $0x50;
	[sflag:s26] =	ssyncadd.s32 $0xFFFFEC00  }
0x1ce: {  	[tilespmem:s28], [sflag:$0x2] =	stream.indirect.gather [hbm4b:s7+s23], $0x40, s16, s23, $0xb8;
	[tilespmem:$0x17800] =	vst v63  }
0x1cf: {  	s17 =	simm.s32 $0x2800  }
0x1d0: {  	[spmem:s3] =	stream.indirect.scatter.add.f32 [tilespmem:s24], [sflag:$0x3], $0x40, s17, s23, $0xb8;
	[tilespmem:$0x17800] =	vst v63  }
0x1d1: {  	_ =	swait.ge [sflag:s20], $0x1400  }
0x1d2: {  	[sflag:s20] =	ssyncset.done $0x0  }
0x1d3: {  	[sflag:s20] =	ssyncadd.s32 $0xFFFFEC00  }
0x1d4: {  	_ =	swait.ge [sflag:s29], $0x1400  }
0x1d5: {  	[sflag:s29] =	ssyncset.done $0x0  }
0x1d6: {  	s18 =	simm.s32 $0xA0;
	[sflag:s29] =	ssyncadd.s32 $0xFFFFEC00  }
0x1d7: {  	[tilespmem:s24], [sflag:$0x1] =	stream.indirect.gather [hbm4b:s7+s23], $0x40, s18, s23, $0xb8;
	[tilespmem:$0x17800] =	vst v63  }
0x1d8: {  	s19 =	simm.s32 $0x2850  }
0x1d9: {  	[spmem:s3] =	stream.indirect.scatter.add.f32 [tilespmem:s28], [sflag:$0x3], $0x40, s19, s23, $0xb8;
	[tilespmem:$0x17800] =	vst v63  }
0x1da: {  	_ =	swait.ge [sflag:s20], $0x1400  }
0x1db: {  	s9 =	simm.s32 $0x280;
	[sflag:s20] =	ssyncset.done $0x0  }
.LBB2_34:
0x1dc: {  	p0 =	sne.s32 s9, $0x9B00  }
0x1dd: {  	[sflag:s20] =	ssyncadd.s32 $0xFFFFEC00;
	s10 =	smov.u32 s9;
	s9 =	sadd.s32 $0x280, s9  }
0x1de: {  	_ = 	snop  }
0x1df: {  	_ =	swait.ge [sflag:s26], $0x1400  }
0x1e0: {  	s10 =	sshra.s32 s10, $0x2;
	[sflag:s26] =	ssyncset.done $0x0  }
0x1e1: {  	s15 =	sadd.s32 $0x50, s10;
	[sflag:s26] =	ssyncadd.s32 $0xFFFFEC00  }
0x1e2: {  	[tilespmem:s28], [sflag:$0x2] =	stream.indirect.gather [hbm4b:s7+s23], $0x40, s15, s23, $0xb8;
	[tilespmem:$0x17800] =	vst v63  }
0x1e3: {  	s15 =	sadd.s32 $0x2800, s10  }
0x1e4: {  	[spmem:s3] =	stream.indirect.scatter.add.f32 [tilespmem:s24], [sflag:$0x3], $0x40, s15, s23, $0xb8;
	[tilespmem:$0x17800] =	vst v63  }
0x1e5: {  	_ =	swait.ge [sflag:s20], $0x1400  }
0x1e6: {  	[sflag:s20] =	ssyncset.done $0x0  }
0x1e7: {  	[sflag:s20] =	ssyncadd.s32 $0xFFFFEC00  }
0x1e8: {  	_ =	swait.ge [sflag:s29], $0x1400  }
0x1e9: {  	[sflag:s29] =	ssyncset.done $0x0  }
0x1ea: {  	s15 =	sadd.s32 $0xA0, s10;
	[sflag:s29] =	ssyncadd.s32 $0xFFFFEC00  }
0x1eb: {  	[tilespmem:s24], [sflag:$0x1] =	stream.indirect.gather [hbm4b:s7+s23], $0x40, s15, s23, $0xb8;
	[tilespmem:$0x17800] =	vst v63  }
.Ltmp16:
0x1ec: {  	_ = 	snop;
	(pc) =	sbr.rel @p0 .LBB2_34-.Ltmp16, $4  }
0x1ed: {  	s10 =	sadd.s32 $0x2850, s10  }
0x1ee: {  	[spmem:s3] =	stream.indirect.scatter.add.f32 [tilespmem:s28], [sflag:$0x3], $0x40, s10, s23, $0xb8;
	[tilespmem:$0x17800] =	vst v63  }
0x1ef: {  	_ =	swait.ge [sflag:s20], $0x1400  }
0x1f0: {  	[sflag:s20] =	ssyncset.done $0x0  }
0x1f1: {  	[sflag:s20] =	ssyncadd.s32 $0xFFFFEC00  }
0x1f2: {  	_ =	swait.ge [sflag:s26], $0x1400  }
0x1f3: {  	[sflag:s26] =	ssyncset.done $0x0  }
0x1f4: {  	[sflag:s26] =	ssyncadd.s32 $0xFFFFEC00  }
0x1f5: {  	[tilespmem:s28], [sflag:$0x2] =	stream.indirect.gather [hbm4b:s7+s23], $0x40, s30, s23, $0xb8;
	[tilespmem:$0x17800] =	vst v63  }
0x1f6: {  	_ = 	snop  }
0x1f7: {  	[spmem:s3] =	stream.indirect.scatter.add.f32 [tilespmem:s24], [sflag:$0x3], $0x40, s31, s23, $0xb8;
	[tilespmem:$0x17800] =	vst v63  }
0x1f8: {  	_ =	swait.ge [sflag:s20], $0x1400  }
0x1f9: {  	[sflag:s20] =	ssyncset.done $0x0  }
0x1fa: {  	[sflag:s20] =	ssyncadd.s32 $0xFFFFEC00  }
0x1fb: {  	_ =	swait.ge [sflag:s29], $0x1400  }
0x1fc: {  	[sflag:s29] =	ssyncset.done $0x0  }
0x1fd: {  	[sflag:s29] =	ssyncadd.s32 $0xFFFFEC00  }
0x1fe: {  	[spmem:s3] =	stream.indirect.scatter.add.f32 [tilespmem:s28], [sflag:$0x3], $0x40, s0, s23, $0xb8;
	[tilespmem:$0x17800] =	vst v63  }
0x1ff: {  	_ =	swait.ge [sflag:s20], $0x1400  }
0x200: {  	[sflag:s20] =	ssyncset.done $0x0  }
0x201: {  	[sflag:s20] =	ssyncadd.s32 $0xFFFFEC00  }
0x202: {  	s9 =	simm.s32 $0x0;
	s10 =	simm.s32 $0x0;
	[bflag:$0x0] =	sbarrier.arrive $0xFFFF  }
.LBB2_36:
0x203: {  	s16 =	sshll.u32 s10, $0x7  }
0x204: {  	s17 =	sadd.s32 s6, s16  }
0x205: {  	s15 =	sshll.u32 s17, $0x6  }
0x206: {  	s15 =	sand.u32 $0x3FFFFFC0, s15  }
0x207: {  	s15 =	sadd.s32 s15, s3  }
0x208: {  	[tilespmem:s25], [sflag:$0x3] =	stream.linear.gather [spmem:s15], $0x2000, $0x38;
	[tilespmem:$0x17800] =	vst v63  }
0x209: {  	_ =	swait.ge [sflag:s20], $0x2000  }
0x20a: {  	s17 =	sshll.u32 s17, $0x3;
	[sflag:s20] =	ssyncset.done $0x0  }
0x20b: {  	s17 =	sadd.s32 s2, s17;
	[sflag:s20] =	ssyncadd.s32 $0xFFFFE000  }
0x20c: {  	[tilespmem:s1], [sflag:$0x3] =	stream.linear.gather [hbm4b:s17+s9], $0x2000, $0x38;
	[tilespmem:$0x17800] =	vst v63  }
0x20d: {  	_ =	swait.ge [sflag:s20], $0x2000  }
0x20e: {  	[sflag:s20] =	ssyncset.done $0x0  }
0x20f: {  	s17 =	simm.s32 $0x0;
	[sflag:s20] =	ssyncadd.s32 $0xFFFFE000  }
0x210: {  	v8 =	vld [tilespmem:s17+$0x9800]  }
0x211: {  	v9 =	vld [tilespmem:s17+$0x9810]  }
0x212: {  	v4 =	vld [tilespmem:s17+$0x9820]  }
0x213: {  	v3 =	vld [tilespmem:s17+$0x9830]  }
0x214: {  	v5 =	vld [tilespmem:s17+$0x7800]  }
0x215: {  	v7 =	vld [tilespmem:s17+$0x7810]  }
0x216: {  	s18 =	simm.s32 $0x100;
	v6 =	vld [tilespmem:s17+$0x7820]  }
.LBB2_37:
0x217: {  	s19 =	sshra.s32 s18, $0x2;
	p0 =	sne.s32 s18, $0x7F00;
	v10 =	vld [tilespmem:s17+$0x7830];
	v11 =	vmov v4  }
0x218: {  	v12 =	vld [tilespmem:s19+$0x9800];
	v13 =	vmov v3  }
0x219: {  	v14 =	vld [tilespmem:s19+$0x9810];
	v5 =	vmul.f32 v8, v5  }
.Ltmp17:
0x21a: {  	v4 =	vld [tilespmem:s19+$0x9820];
	v7 =	vmul.f32 v9, v7;
	(pc) =	sbr.rel @p0 .LBB2_37-.Ltmp17, $4  }
0x21b: {  	v3 =	vld [tilespmem:s19+$0x9830];
	[tilespmem:s17+$0x7800] =	vst v5;
	v6 =	vmul.f32 v11, v6  }
0x21c: {  	v5 =	vld [tilespmem:s19+$0x7800];
	[tilespmem:s17+$0x7810] =	vst v7;
	v10 =	vmul.f32 v13, v10  }
0x21d: {  	v7 =	vld [tilespmem:s19+$0x7810];
	[tilespmem:s17+$0x7820] =	vst v6;
	v8 =	vmov v12  }
0x21e: {  	s18 =	sadd.s32 $0x100, s18;
	v6 =	vld [tilespmem:s19+$0x7820];
	[tilespmem:s17+$0x7830] =	vst v10;
	v9 =	vmov v14;
	s17 =	smov.u32 s19  }
0x21f: {  	v10 =	vld [tilespmem:s17+$0x7830];
	_ =	sdelay $0x1  }
0x220: {  	v5 =	vmul.f32 v8, v5  }
0x221: {  	v7 =	vmul.f32 v9, v7  }
0x222: {  	s16 =	sadd.s32 s16, s14;
	[tilespmem:s17+$0x7800] =	vst v5;
	v4 =	vmul.f32 v4, v6  }
0x223: {  	s16 =	sshll.u32 s16, $0x3;
	[tilespmem:s17+$0x7810] =	vst v7;
	v3 =	vmul.f32 v3, v10  }
0x224: {  	s16 =	sand.u32 $0x1FFFFC00, s16;
	[tilespmem:s17+$0x7820] =	vst v4  }
0x225: {  	s16 =	sadd.s32 s8, s16;
	[tilespmem:s17+$0x7830] =	vst v3  }
0x226: {  	[hbm4b:s16+s4] =	stream.linear.scatter [tilespmem:s25], [sflag:$0x3], $0x2000, $0x38;
	[tilespmem:$0x17800] =	vst v63  }
0x227: {  	s10 =	sadd.s32 $0x1, s10;
	_ =	swait.ge [sflag:s20], $0x2000  }
0x228: {  	p0 =	sne.s32 s10, $0x5;
	[sflag:s20] =	ssyncset.done $0x0  }
.Ltmp18:
0x229: {  	[sflag:s20] =	ssyncadd.s32 $0xFFFFE000;
	(pc) =	sbr.rel @p0 .LBB2_36-.Ltmp18, $4  }
0x22a: {  	[spmem:s15] =	stream.linear.scatter [tilespmem:s22], [sflag:$0x3], $0x2000, $0x38;
	[tilespmem:$0x17800] =	vst v63  }
0x22b: {  	_ =	swait.ge [sflag:s20], $0x2000  }
0x22c: {  	[sflag:s20] =	ssyncset.done $0x0  }
0x22d: {  	[sflag:s20] =	ssyncadd.s32 $0xFFFFE000  }
0x22e: {  	s21 =	sadd.s32 $0x1, s21;
	s9 =	rddreg [dreg:$0x6]  }
0x22f: {  	p0 =	sne.s32 s21, s9  }
.Ltmp19:
0x230: {  	_ = 	snop;
	(pc) =	sbr.rel @p0 .LBB2_1-.Ltmp19, $2  }
0x231: {  	_ =	sdelay $0x1  }
0x232: {  	[bflag:$0x0] =	sbarrier.arrive $0xFFFF;
	_ =	sdelay $0x1  }
0x233: {  	_ =	sfence.sel $0x180000  }
0x234: {  	[bflag:$0x0] =	sbarrier.arrive $0xFFFF  }
0x235: {  	_ =	strace $0x90000047  }
0x236: {  	s0 =	stileid.u32;
	[bflag:$0x2] =	sbarrier.arrive $0xFFFF  }
0x237: {  	p0 =	sne.s32 s0, $0x0;
	s0 =	rddreg [dreg:$0x3]  }
0x238: {  	s0 =	sadd.s32 @!p0 $0x100000, s0  }
0x239: {  	[sflag:s0] =	ssyncadd.tile.s32 @!p0 $0x1;
	_ =	shalt  }
.Lfunc_end2:
_tile_overlayer_lowered:
.L_overlay_start_2:
0x23a: {  	(tag) =	ssettag $0x2  }
0x23b: {  	s0 =	rddreg [dreg:$0x0];
	s2 =	stileid.u32  }
0x23c: {  	s1 =	rddreg [dreg:$0x1];
	p0 =	sne.s32 s2, $0x0  }
0x23d: {  	s3 =	rddreg [dreg:$0x2];
	[bflag:$0x3] =	sbarrier.arrive $0xFFFF;
	s2 =	simm.s32 @!p0 $0x1C03  }
0x23e: {  	[timem:s3], [sflag:s2] =	dma.local @!p0 [hbm:s0], s1  }
0x23f: {  	s0 =	simm.s32 @!p0 $0x3  }
0x240: {  	_ =	swait.ge @!p0 [sflag:s0], s1  }
0x241: {  	s1 =	ssub.s32 @!p0 $0x0, s1;
	[sflag:s0] =	ssyncset.done @!p0 $0x0  }
0x242: {  	[sflag:s0] =	ssyncadd.s32 @!p0 s1  }
0x243: {  	[bflag:$0x3] =	sbarrier.arrive $0xFFFF  }
0x244: {  	_ =	shalt  }

</sc_bundles>
